<compile_context>
chip_gen: v7x
topology: tpu7x:2x2x1
jax: 0.10.2.dev20260603
libtpu: 0.0.44.dev20260713+nightly
codegen_flags: <defaults>
</compile_context>

<pallas_src>
import jax
import jax.numpy as jnp
from jax import lax
from jax.experimental import pallas as pl
from jax.experimental.pallas import tpu as pltpu
from jax.experimental.pallas import tpu_sc as plsc

N_NODES = 10000
N_EDGES = 160000
N_COMM = 64
D_IN = 256
D_EMB = 64
N_CLS = 16

NC, NS = 2, 16
NP = 10240
ROWS_PER_TILE = NP // NS
CH = 128
EC0 = 54
EC1 = 26
ECT = EC0 + EC1
NPW = NP // (NC * NS)
PCH = 64
PK = NPW // PCH
DW = 128
EB = 4096
EHG = 40

_mesh = plsc.VectorSubcoreMesh(core_axis_name="c", subcore_axis_name="s")
_SC_PARAMS = pltpu.CompilerParams(needs_layout_passes=False)


def _f32(*shape):
    return jax.ShapeDtypeStruct(shape, jnp.float32)



def _sc_perm(permh, zb, zp, permv, gbuf, sem):
    c = lax.axis_index("c")
    s = lax.axis_index("s")
    wid = s * NC + c
    pltpu.sync_copy(permh.at[wid], permv)
    for k in range(PK):
        pltpu.async_copy(zb.at[permv.at[k]], gbuf, sem).wait()
        pltpu.sync_copy(gbuf, zp.at[pl.ds(wid * NPW + PCH * k, PCH)])


def _sc_prop(rowh0, colh0, rowh1, colh1, u, zeros_h, sp,
             rowv, colv, gbuf0, gbuf1, acc, semg0, semg1, sems0, sems1):
    c = lax.axis_index("c")
    s = lax.axis_index("s")
    for k in range(ROWS_PER_TILE // CH):
        pltpu.sync_copy(zeros_h, acc.at[pl.ds(s * ROWS_PER_TILE + CH * k, CH)])

    def edge_loop(rowh, colh, n):
        pltpu.sync_copy(rowh.at[s], rowv.at[pl.ds(0, n)])
        pltpu.sync_copy(colh.at[s], colv.at[pl.ds(0, n)])
        pltpu.async_copy(u.at[rowv.at[0]], gbuf0, semg0)
        pltpu.async_copy(u.at[rowv.at[1]], gbuf1, semg1)

        def step(jj, carry):
            j = 2 * jj
            nj = jnp.minimum(j + 2, n - 2)
            pltpu.make_async_copy(u.at[rowv.at[j]], gbuf0, semg0).wait()
            pltpu.async_copy(gbuf0, acc.at[colv.at[j]], sems0, add=True)
            pltpu.make_async_copy(u.at[rowv.at[j + 1]], gbuf1, semg1).wait()
            pltpu.async_copy(gbuf1, acc.at[colv.at[j + 1]], sems1, add=True)
            pltpu.make_async_copy(gbuf0, acc.at[colv.at[j]], sems0).wait()
            pltpu.async_copy(u.at[rowv.at[nj]], gbuf0, semg0)
            pltpu.make_async_copy(gbuf1, acc.at[colv.at[j + 1]], sems1).wait()
            pltpu.async_copy(u.at[rowv.at[nj + 1]], gbuf1, semg1)
            return carry

        lax.fori_loop(0, n // 2, step, 0)
        pltpu.make_async_copy(u.at[rowv.at[n - 2]], gbuf0, semg0).wait()
        pltpu.make_async_copy(u.at[rowv.at[n - 1]], gbuf1, semg1).wait()

    plsc.subcore_barrier()

    @pl.when(c == 0)
    def _():
        edge_loop(rowh0, colh0, EC0)

    @pl.when(c == 1)
    def _():
        edge_loop(rowh1, colh1, EC1)

    plsc.subcore_barrier()
    sl = pl.ds(s * ROWS_PER_TILE, ROWS_PER_TILE)
    pltpu.sync_copy(acc.at[sl], sp.at[c].at[sl])


def _sc_pool(emb2, lblh, zeros_h, gsum, lblv, embv, accg, sem):
    c = lax.axis_index("c")
    s = lax.axis_index("s")
    wid = s * NC + c
    pltpu.sync_copy(zeros_h.at[pl.ds(0, 8)], accg.at[pl.ds(8 * s, 8)])
    pltpu.sync_copy(lblh.at[wid], lblv)
    plsc.subcore_barrier()
    for k in range(PK):
        pltpu.sync_copy(emb2.at[pl.ds(wid * NPW + PCH * k, PCH)], embv)
        pltpu.sync_copy(embv, accg.at[lblv.at[k]], add=True)
    plsc.subcore_barrier()
    pltpu.sync_copy(accg.at[pl.ds(8 * s, 8)], gsum.at[c].at[pl.ds(8 * s, 8)])


_perm_call = pl.kernel(
    _sc_perm,
    out_type=_f32(NP, DW),
    mesh=_mesh,
    compiler_params=_SC_PARAMS,
    scratch_types=[
        pltpu.VMEM((PK, PCH), jnp.int32),
        pltpu.VMEM((PCH, DW), jnp.float32),
        pltpu.SemaphoreType.DMA,
    ],
)

_prop_call = pl.kernel(
    _sc_prop,
    out_type=_f32(NC, NP, DW),
    mesh=_mesh,
    compiler_params=_SC_PARAMS,
    scratch_types=[
        pltpu.VMEM((EC0, CH), jnp.int32),
        pltpu.VMEM((EC0, CH), jnp.int32),
        pltpu.VMEM((CH, DW), jnp.float32),
        pltpu.VMEM((CH, DW), jnp.float32),
        pltpu.VMEM_SHARED((NP, DW), jnp.float32),
        pltpu.SemaphoreType.DMA,
        pltpu.SemaphoreType.DMA,
        pltpu.SemaphoreType.DMA,
        pltpu.SemaphoreType.DMA,
    ],
)

_pool_call = pl.kernel(
    _sc_pool,
    out_type=_f32(NC, 128, DW),
    mesh=_mesh,
    compiler_params=_SC_PARAMS,
    scratch_types=[
        pltpu.VMEM((PK, PCH), jnp.int32),
        pltpu.VMEM((PCH, DW), jnp.float32),
        pltpu.VMEM_SHARED((128, DW), jnp.float32),
        pltpu.SemaphoreType.DMA,
    ],
)


_BLK = 1024
_GRID = NP // _BLK


def _lane_iota(shape):
    return lax.broadcasted_iota(jnp.int32, shape, 1)


def _tc_mm(xr, wr, outr):
    outr[...] = jnp.dot(xr[...], wr[...], preferred_element_type=jnp.float32)


def _tc_deghist(colr, outr):
    i = pl.program_id(0)

    @pl.when(i == 0)
    def _():
        outr[...] = jnp.zeros((128, 128), jnp.float32)

    c = colr[0, 0]
    il = _lane_iota((EB, 128))
    ohlo = ((c & 127)[:, None] == il).astype(jnp.float32)
    ohhiT = ((c >> 7)[None, :] == lax.broadcasted_iota(
        jnp.int32, (128, EB), 0)).astype(jnp.float32)
    outr[...] += jnp.dot(ohhiT, ohlo, preferred_element_type=jnp.float32)


def _tc_degexpand(dgr, d1r, d2r):
    ri = lax.broadcasted_iota(jnp.int32, (_BLK, 8), 0)
    sel = ((ri >> 7) == lax.broadcasted_iota(jnp.int32, (_BLK, 8), 1))
    t1 = jnp.dot(sel.astype(jnp.float32), dgr[...],
                 preferred_element_type=jnp.float32)
    m = _lane_iota((_BLK, 128)) == (
        lax.broadcasted_iota(jnp.int32, (_BLK, 128), 0) & 127)
    deg = jnp.sum(jnp.where(m, t1, 0.0), axis=1)
    d1r[...] = jnp.broadcast_to(lax.rsqrt(deg + 1.0)[:, None], (_BLK, DW))
    d2r[...] = jnp.broadcast_to(lax.rsqrt(deg + 2.0)[:, None], (_BLK, DW))


def _tc_u0(d1r, zbr, zpr, u0r):
    lane = _lane_iota((_BLK, DW)) < D_EMB
    h0 = jnp.where(lane, zbr[...], zpr[...])
    u0r[...] = h0 * d1r[...]


def _tc_u1(d1r, s1r, u0r, u1r):
    d1 = d1r[...]
    s1 = s1r[...]
    u1r[...] = (s1[0] + s1[1] + u0r[...]) * (d1 * d1)


def _tc_u2(d1r, d2r, s2r, u1r, b1r, w2r, u2r):
    s2 = s2r[...]
    h2 = (s2[0] + s2[1] + u1r[...]) * d1r[...] + b1r[...]
    m = jnp.dot(h2, w2r[...], preferred_element_type=jnp.float32)
    u2r[...] = m * d2r[...]


def _tc_h4(d2r, s3r, u2r, b2r, wcr, h4r, embr, logr):
    s3 = s3r[...]
    h4 = (s3[0] + s3[1] + 2.0 * u2r[...]) * d2r[...] + b2r[...]
    h4r[...] = h4
    ci = _lane_iota((_BLK, DW))
    embr[...] = jnp.where(ci < D_EMB, jnp.maximum(h4, 0.0),
                          jnp.where(ci == D_EMB, 1.0, 0.0))
    logr[...] = jnp.dot(h4, wcr[...], preferred_element_type=jnp.float32)


def _tc_readout(gsr, wrr, brr, h4r, posr, negr):
    gs = gsr[...]
    g128 = gs[0] + gs[1]
    ci = _lane_iota((128, DW))
    cnt = jnp.sum(jnp.where(ci == D_EMB, g128, 0.0), axis=1)
    gnorm = g128 / jnp.maximum(cnt, 1.0)[:, None]
    ri = lax.broadcasted_iota(jnp.int32, (128, DW), 0)
    gbar = jnp.sum(jnp.where(ri < N_COMM, gnorm, 0.0), axis=0) / N_COMM
    v = gbar[:D_EMB] * wrr[...][0]
    b = brr[0, 0]
    h4 = h4r[...]
    p = jnp.sum(jnp.maximum(h4[:, :D_EMB], 0.0) * v[None, :], axis=1) + b
    q = jnp.sum(h4[:, D_EMB:] * v[None, :], axis=1) + b
    posr[...] = jnp.broadcast_to(jax.nn.sigmoid(p)[:, None], (_BLK, 8))
    negr[...] = jnp.broadcast_to(jax.nn.sigmoid(q)[:, None], (_BLK, 8))


def _row_spec(width):
    return pl.BlockSpec((_BLK, width), lambda i: (i, 0))


def _s_spec():
    return pl.BlockSpec((NC, _BLK, DW), lambda i: (0, i, 0))


def _full_spec(shape):
    nd = len(shape)
    return pl.BlockSpec(shape, lambda i, _nd=nd: (0,) * _nd)




def kernel(x, edge_index, community_labels, W1, b1, W2, b2, Wc, Wr, br):
    row = edge_index[0].astype(jnp.int32)
    col = edge_index[1].astype(jnp.int32)

    x_pad = jnp.pad(x, ((0, NP - N_NODES), (0, 0)))

    e_pad = NS * ECT * CH - N_EDGES
    rowf = jnp.pad(row, (0, e_pad), constant_values=0)
    pad_cols = N_NODES + (jnp.arange(e_pad, dtype=jnp.int32)
                          % (NP - N_NODES))
    colf = jnp.concatenate([col, pad_cols])
    n0 = NS * EC0 * CH
    rowp0 = rowf[:n0].reshape(NS, EC0, CH)
    colp0 = colf[:n0].reshape(NS, EC0, CH)
    rowp1 = rowf[n0:].reshape(NS, EC1, CH)
    colp1 = colf[n0:].reshape(NS, EC1, CH)
    colh = jnp.pad(col, (0, EHG * EB - N_EDGES),
                   constant_values=N_NODES + 100).reshape(EHG, 1, EB)
    perm = jax.random.permutation(jax.random.key(1), N_NODES).astype(jnp.int32)
    permp = jnp.pad(perm, (0, NP - N_NODES)).reshape(NC * NS, PK, PCH)
    lblp = jnp.pad(community_labels.astype(jnp.int32), (0, NP - N_NODES),
                   constant_values=N_COMM).reshape(NC * NS, PK, PCH)
    zeros_h = jnp.zeros((CH, DW), jnp.float32)
    b1_2 = jnp.tile(b1, 2).reshape(1, DW)
    b2_2 = jnp.tile(b2, 2).reshape(1, DW)
    wr_2 = Wr.reshape(1, D_EMB)
    br_2 = br.reshape(1, 1)
    w1d = jnp.concatenate([W1, W1], axis=1)
    w2d = jnp.zeros((DW, DW), jnp.float32)
    w2d = w2d.at[:D_EMB, :D_EMB].set(W2).at[D_EMB:, D_EMB:].set(W2)
    wcf = jnp.zeros((DW, 128), jnp.float32).at[:D_EMB, :N_CLS].set(Wc)

    zb = pl.pallas_call(
        _tc_mm,
        grid=(_GRID,),
        in_specs=[_row_spec(D_IN), _full_spec((D_IN, DW))],
        out_specs=_row_spec(DW),
        out_shape=_f32(NP, DW),
    )(x_pad, w1d)

    deg2d = pl.pallas_call(
        _tc_deghist,
        grid=(EHG,),
        in_specs=[pl.BlockSpec((1, 1, EB), lambda i: (i, 0, 0))],
        out_specs=_full_spec((128, 128)),
        out_shape=_f32(128, 128),
    )(colh)

    d1b, d2b = pl.pallas_call(
        _tc_degexpand,
        grid=(_GRID,),
        in_specs=[pl.BlockSpec((8, 128), lambda i: (i, 0))],
        out_specs=[_row_spec(DW), _row_spec(DW)],
        out_shape=[_f32(NP, DW), _f32(NP, DW)],
    )(deg2d)

    zp = _perm_call(permp, zb)

    u0 = pl.pallas_call(
        _tc_u0,
        grid=(_GRID,),
        in_specs=[_row_spec(DW), _row_spec(DW), _row_spec(DW)],
        out_specs=_row_spec(DW),
        out_shape=_f32(NP, DW),
    )(d1b, zb, zp)

    s1 = _prop_call(rowp0, colp0, rowp1, colp1, u0, zeros_h)

    u1 = pl.pallas_call(
        _tc_u1,
        grid=(_GRID,),
        in_specs=[_row_spec(DW), _s_spec(), _row_spec(DW)],
        out_specs=_row_spec(DW),
        out_shape=_f32(NP, DW),
    )(d1b, s1, u0)

    s2 = _prop_call(rowp0, colp0, rowp1, colp1, u1, zeros_h)

    u2 = pl.pallas_call(
        _tc_u2,
        grid=(_GRID,),
        in_specs=[_row_spec(DW), _row_spec(DW), _s_spec(), _row_spec(DW),
                  _full_spec((1, DW)), _full_spec((DW, DW))],
        out_specs=_row_spec(DW),
        out_shape=_f32(NP, DW),
    )(d1b, d2b, s2, u1, b1_2, w2d)

    s3 = _prop_call(rowp0, colp0, rowp1, colp1, u2, zeros_h)

    h4, emb2, logits_p = pl.pallas_call(
        _tc_h4,
        grid=(_GRID,),
        in_specs=[_row_spec(DW), _s_spec(), _row_spec(DW),
                  _full_spec((1, DW)), _full_spec((DW, 128))],
        out_specs=[_row_spec(DW), _row_spec(DW), _row_spec(128)],
        out_shape=[_f32(NP, DW), _f32(NP, DW), _f32(NP, 128)],
    )(d2b, s3, u2, b2_2, wcf)

    gsum = _pool_call(emb2, lblp, zeros_h)

    posb, negb = pl.pallas_call(
        _tc_readout,
        grid=(_GRID,),
        in_specs=[_full_spec((NC, 128, DW)),
                  _full_spec((1, D_EMB)), _full_spec((1, 1)),
                  _row_spec(DW)],
        out_specs=[_row_spec(8), _row_spec(8)],
        out_shape=[_f32(NP, 8), _f32(NP, 8)],
    )(gsum, wr_2, br_2, h4)

    logits = logits_p[:N_NODES, :N_CLS]
    pos = posb[:N_NODES, :1]
    neg = negb[:N_NODES, :1]
    return logits, pos, neg

# --- scband reference (transcript-rebuilt; emitter-appended) ---
"""Pipeline reference for scband-wsgclnet-73538430042441 (READ-ONLY COPY).

The authoritative reference and input builder live on the scoring server;
editing this copy changes nothing except your own understanding.
"""

import jax, jax.numpy as jnp
import numpy as np

N_NODES = 10000
N_EDGES = 160000
N_COMM = 64
D_IN = 256
D_EMB = 64
N_CLS = 16


def _norm_adj(edge_index, num_nodes, fill_value):
    # GCN normalization D^{-1/2} (A + fill_value*I) D^{-1/2}
    row, col = edge_index[0], edge_index[1]
    loop = jnp.arange(num_nodes, dtype=row.dtype)
    row = jnp.concatenate([row, loop])
    col = jnp.concatenate([col, loop])
    ew = jnp.concatenate([
        jnp.ones((edge_index.shape[1],), dtype=jnp.float32),
        jnp.full((num_nodes,), fill_value, dtype=jnp.float32),
    ])
    deg = jax.ops.segment_sum(ew, col, num_segments=num_nodes)
    dis = jnp.where(deg > 0, 1.0 / jnp.sqrt(deg), 0.0)
    norm = dis[row] * ew * dis[col]
    return row, col, norm


def _prop(x, row, col, norm, num_nodes):
    # message: norm * x[src]; aggregate sum at dst
    return jax.ops.segment_sum(norm[:, None] * x[row], col, num_segments=num_nodes)


def setup_inputs(seed: int = 0) -> dict:
    key = jax.random.key(seed)
    ks = jax.random.split(key, 10)
    x = jax.random.normal(ks[0], (N_NODES, D_IN), dtype=jnp.float32)
    edge_index = jax.random.randint(ks[1], (2, N_EDGES), 0, N_NODES)
    community_labels = jax.random.randint(ks[2], (N_NODES,), 0, N_COMM)
    s1 = 1.0 / np.sqrt(D_IN)
    s2 = 1.0 / np.sqrt(D_EMB)
    W1 = jax.random.uniform(ks[3], (D_IN, D_EMB), minval=-s1, maxval=s1, dtype=jnp.float32)
    b1 = jnp.zeros((D_EMB,), dtype=jnp.float32)
    W2 = jax.random.uniform(ks[4], (D_EMB, D_EMB), minval=-s2, maxval=s2, dtype=jnp.float32)
    b2 = jnp.zeros((D_EMB,), dtype=jnp.float32)
    Wc = jax.random.uniform(ks[5], (D_EMB, N_CLS), minval=-s2, maxval=s2, dtype=jnp.float32)
    Wr = jax.random.uniform(ks[6], (D_EMB, 1), minval=-s2, maxval=s2, dtype=jnp.float32)
    br = jnp.zeros((1,), dtype=jnp.float32)
    return {
        "x": x,
        "edge_index": edge_index,
        "community_labels": community_labels,
        "W1": W1, "b1": b1,
        "W2": W2, "b2": b2,
        "Wc": Wc,
        "Wr": Wr, "br": br,
    }


def reference(x, edge_index, community_labels, W1, b1, W2, b2, Wc, Wr, br):
    N = x.shape[0]
    # SGConv (K=2) uses standard gcn_norm with fill_value=1
    r1, c1, n1 = _norm_adj(edge_index, N, 1.0)
    # GCNConv with improved=True uses fill_value=2
    r2, c2, n2 = _norm_adj(edge_index, N, 2.0)

    def encode(feat):
        # SGConv: propagate K=2 times, then linear
        h = _prop(feat, r1, c1, n1, N)
        h = _prop(h, r1, c1, n1, N)
        h = h @ W1 + b1
        # GCNConv: linear first, then propagate, then bias
        h = _prop(h @ W2, r2, c2, n2, N) + b2
        return h

    h2 = encode(x)
    logits = h2 @ Wc
    emb = jax.nn.relu(h2)

    # scatter_mean over community labels
    counts = jax.ops.segment_sum(jnp.ones((N,), dtype=jnp.float32), community_labels, num_segments=N_COMM)
    g = jax.ops.segment_sum(emb, community_labels, num_segments=N_COMM) / jnp.clip(counts, 1.0)[:, None]

    # corrupt: random permutation of node features (fixed key for reproducibility)
    perm = jax.random.permutation(jax.random.key(1), N)
    hc = encode(x[perm])

    pos = jax.nn.sigmoid(((g[:, None, :] * emb[None, :, :]) @ Wr + br).mean(axis=0))
    neg = jax.nn.sigmoid(((g[:, None, :] * hc[None, :, :]) @ Wr + br).mean(axis=0))
    return logits, pos, neg

if __name__ == "__main__":
    import jax
    _d = setup_inputs()
    print(jax.jit(kernel)(*tuple(_d.values())))

</pallas_src>

<mosaic_0001>
#map = affine_map<(d0, d1) -> (0, 0, 0)>
#map1 = affine_map<(d0, d1) -> (0, 0)>
module attributes {stable_mosaic.version = 14 : i64} {
  func.func @_sc_prop(%arg0: i32, %arg1: i32, %arg2: memref<16x54x128xi32, #tpu.memory_space<hbm>>, %arg3: memref<16x54x128xi32, #tpu.memory_space<hbm>>, %arg4: memref<16x26x128xi32, #tpu.memory_space<hbm>>, %arg5: memref<16x26x128xi32, #tpu.memory_space<hbm>>, %arg6: memref<10240x128xf32, #tpu.memory_space<hbm>>, %arg7: memref<128x128xf32, #tpu.memory_space<hbm>>, %arg8: memref<2x10240x128xf32, #tpu.memory_space<hbm>>, %arg9: memref<54x128xi32, #tpu.memory_space<vmem>>, %arg10: memref<54x128xi32, #tpu.memory_space<vmem>>, %arg11: memref<128x128xf32, #tpu.memory_space<vmem>>, %arg12: memref<128x128xf32, #tpu.memory_space<vmem>>, %arg13: memref<10240x128xf32, #tpu.memory_space<vmem_shared>>, %arg14: memref<!tpu.dma_semaphore, #tpu.memory_space<semaphore_mem>>, %arg15: memref<!tpu.dma_semaphore, #tpu.memory_space<semaphore_mem>>, %arg16: memref<!tpu.dma_semaphore, #tpu.memory_space<semaphore_mem>>, %arg17: memref<!tpu.dma_semaphore, #tpu.memory_space<semaphore_mem>>) attributes {dimension_semantics = [#tpu.dimension_semantics<core_parallel>, #tpu.dimension_semantics<subcore_parallel>], iteration_bounds = array<i64: 2, 16>, scalar_prefetch = 0 : i64, scratch_operands = 9 : i64, tpu.core_type = #tpu.core_type<sc_vector_subcore>, window_params = [{transform_indices = #map}, {transform_indices = #map}, {transform_indices = #map}, {transform_indices = #map}, {transform_indices = #map1}, {transform_indices = #map1}, {transform_indices = #map}]} {
    %mul3A = arith.constant 640 : i32
    %mul3A_0 = arith.muli %arg1, %mul3A : i32
    %add3A = arith.constant 0 : i32
    %add3A_1 = arith.addi %mul3A_0, %add3A : i32
    "tpu.region"() ({
      %run_scoped3A = tpu.sem_alloc : memref<!tpu.dma_semaphore, #tpu.memory_space<semaphore_mem>>
      %dma_start3A = arith.constant 0 : i32
      %dma_start3A_28 = tpu.memref_slice %arg13[%add3A_1, %dma_start3A] : memref<10240x128xf32, #tpu.memory_space<vmem_shared>> -> memref<128x128xf32, #tpu.memory_space<vmem_shared>>
      tpu.enqueue_dma source(%arg7 : memref<128x128xf32, #tpu.memory_space<hbm>>) target(%dma_start3A_28 : memref<128x128xf32, #tpu.memory_space<vmem_shared>>) target_semaphore(%run_scoped3A : memref<!tpu.dma_semaphore, #tpu.memory_space<semaphore_mem>>)
      %dma_wait3A = arith.constant 0 : i32
      %dma_wait3A_29 = tpu.memref_slice %arg13[%add3A_1, %dma_wait3A] : memref<10240x128xf32, #tpu.memory_space<vmem_shared>> -> memref<128x128xf32, #tpu.memory_space<vmem_shared>>
      tpu.wait_dma2 semaphore(%run_scoped3A : memref<!tpu.dma_semaphore, #tpu.memory_space<semaphore_mem>>) src(%arg7 : memref<128x128xf32, #tpu.memory_space<hbm>>) dst(%dma_wait3A_29 : memref<128x128xf32, #tpu.memory_space<vmem_shared>>)
      tpu.yield
    }) : () -> ()
    %mul3A_2 = arith.constant 640 : i32
    %mul3A_3 = arith.muli %arg1, %mul3A_2 : i32
    %add3A_4 = arith.constant 128 : i32
    %add3A_5 = arith.addi %mul3A_3, %add3A_4 : i32
    "tpu.region"() ({
      %run_scoped3A = tpu.sem_alloc : memref<!tpu.dma_semaphore, #tpu.memory_space<semaphore_mem>>
      %dma_start3A = arith.constant 0 : i32
      %dma_start3A_28 = tpu.memref_slice %arg13[%add3A_5, %dma_start3A] : memref<10240x128xf32, #tpu.memory_space<vmem_shared>> -> memref<128x128xf32, #tpu.memory_space<vmem_shared>>
      tpu.enqueue_dma source(%arg7 : memref<128x128xf32, #tpu.memory_space<hbm>>) target(%dma_start3A_28 : memref<128x128xf32, #tpu.memory_space<vmem_shared>>) target_semaphore(%run_scoped3A : memref<!tpu.dma_semaphore, #tpu.memory_space<semaphore_mem>>)
      %dma_wait3A = arith.constant 0 : i32
      %dma_wait3A_29 = tpu.memref_slice %arg13[%add3A_5, %dma_wait3A] : memref<10240x128xf32, #tpu.memory_space<vmem_shared>> -> memref<128x128xf32, #tpu.memory_space<vmem_shared>>
      tpu.wait_dma2 semaphore(%run_scoped3A : memref<!tpu.dma_semaphore, #tpu.memory_space<semaphore_mem>>) src(%arg7 : memref<128x128xf32, #tpu.memory_space<hbm>>) dst(%dma_wait3A_29 : memref<128x128xf32, #tpu.memory_space<vmem_shared>>)
      tpu.yield
    }) : () -> ()
    %mul3A_6 = arith.constant 640 : i32
    %mul3A_7 = arith.muli %arg1, %mul3A_6 : i32
    %add3A_8 = arith.constant 256 : i32
    %add3A_9 = arith.addi %mul3A_7, %add3A_8 : i32
    "tpu.region"() ({
      %run_scoped3A = tpu.sem_alloc : memref<!tpu.dma_semaphore, #tpu.memory_space<semaphore_mem>>
      %dma_start3A = arith.constant 0 : i32
      %dma_start3A_28 = tpu.memref_slice %arg13[%add3A_9, %dma_start3A] : memref<10240x128xf32, #tpu.memory_space<vmem_shared>> -> memref<128x128xf32, #tpu.memory_space<vmem_shared>>
      tpu.enqueue_dma source(%arg7 : memref<128x128xf32, #tpu.memory_space<hbm>>) target(%dma_start3A_28 : memref<128x128xf32, #tpu.memory_space<vmem_shared>>) target_semaphore(%run_scoped3A : memref<!tpu.dma_semaphore, #tpu.memory_space<semaphore_mem>>)
      %dma_wait3A = arith.constant 0 : i32
      %dma_wait3A_29 = tpu.memref_slice %arg13[%add3A_9, %dma_wait3A] : memref<10240x128xf32, #tpu.memory_space<vmem_shared>> -> memref<128x128xf32, #tpu.memory_space<vmem_shared>>
      tpu.wait_dma2 semaphore(%run_scoped3A : memref<!tpu.dma_semaphore, #tpu.memory_space<semaphore_mem>>) src(%arg7 : memref<128x128xf32, #tpu.memory_space<hbm>>) dst(%dma_wait3A_29 : memref<128x128xf32, #tpu.memory_space<vmem_shared>>)
      tpu.yield
    }) : () -> ()
    %mul3A_10 = arith.constant 640 : i32
    %mul3A_11 = arith.muli %arg1, %mul3A_10 : i32
    %add3A_12 = arith.constant 384 : i32
    %add3A_13 = arith.addi %mul3A_11, %add3A_12 : i32
    "tpu.region"() ({
      %run_scoped3A = tpu.sem_alloc : memref<!tpu.dma_semaphore, #tpu.memory_space<semaphore_mem>>
      %dma_start3A = arith.constant 0 : i32
      %dma_start3A_28 = tpu.memref_slice %arg13[%add3A_13, %dma_start3A] : memref<10240x128xf32, #tpu.memory_space<vmem_shared>> -> memref<128x128xf32, #tpu.memory_space<vmem_shared>>
      tpu.enqueue_dma source(%arg7 : memref<128x128xf32, #tpu.memory_space<hbm>>) target(%dma_start3A_28 : memref<128x128xf32, #tpu.memory_space<vmem_shared>>) target_semaphore(%run_scoped3A : memref<!tpu.dma_semaphore, #tpu.memory_space<semaphore_mem>>)
      %dma_wait3A = arith.constant 0 : i32
      %dma_wait3A_29 = tpu.memref_slice %arg13[%add3A_13, %dma_wait3A] : memref<10240x128xf32, #tpu.memory_space<vmem_shared>> -> memref<128x128xf32, #tpu.memory_space<vmem_shared>>
      tpu.wait_dma2 semaphore(%run_scoped3A : memref<!tpu.dma_semaphore, #tpu.memory_space<semaphore_mem>>) src(%arg7 : memref<128x128xf32, #tpu.memory_space<hbm>>) dst(%dma_wait3A_29 : memref<128x128xf32, #tpu.memory_space<vmem_shared>>)
      tpu.yield
    }) : () -> ()
    %mul3A_14 = arith.constant 640 : i32
    %mul3A_15 = arith.muli %arg1, %mul3A_14 : i32
    %add3A_16 = arith.constant 512 : i32
    %add3A_17 = arith.addi %mul3A_15, %add3A_16 : i32
    "tpu.region"() ({
      %run_scoped3A = tpu.sem_alloc : memref<!tpu.dma_semaphore, #tpu.memory_space<semaphore_mem>>
      %dma_start3A = arith.constant 0 : i32
      %dma_start3A_28 = tpu.memref_slice %arg13[%add3A_17, %dma_start3A] : memref<10240x128xf32, #tpu.memory_space<vmem_shared>> -> memref<128x128xf32, #tpu.memory_space<vmem_shared>>
      tpu.enqueue_dma source(%arg7 : memref<128x128xf32, #tpu.memory_space<hbm>>) target(%dma_start3A_28 : memref<128x128xf32, #tpu.memory_space<vmem_shared>>) target_semaphore(%run_scoped3A : memref<!tpu.dma_semaphore, #tpu.memory_space<semaphore_mem>>)
      %dma_wait3A = arith.constant 0 : i32
      %dma_wait3A_29 = tpu.memref_slice %arg13[%add3A_17, %dma_wait3A] : memref<10240x128xf32, #tpu.memory_space<vmem_shared>> -> memref<128x128xf32, #tpu.memory_space<vmem_shared>>
      tpu.wait_dma2 semaphore(%run_scoped3A : memref<!tpu.dma_semaphore, #tpu.memory_space<semaphore_mem>>) src(%arg7 : memref<128x128xf32, #tpu.memory_space<hbm>>) dst(%dma_wait3A_29 : memref<128x128xf32, #tpu.memory_space<vmem_shared>>)
      tpu.yield
    }) : () -> ()
    %barrier3A = arith.constant 0 : index
    tpu.barrier barrier_id(%barrier3A)
    %eq3A = arith.constant 0 : i32
    %eq3A_18 = arith.cmpi eq, %arg0, %eq3A : i32
    %convert_element_type3A = arith.extui %eq3A_18 : i1 to i32
    %cond3A = arith.constant 0 : i32
    %cond3A_19 = arith.cmpi ne, %convert_element_type3A, %cond3A : i32
    scf.if %cond3A_19 {
      "tpu.region"() ({
        %run_scoped3A = tpu.sem_alloc : memref<!tpu.dma_semaphore, #tpu.memory_space<semaphore_mem>>
        %dma_start3A_59 = arith.constant 0 : i32
        %dma_start3A_60 = arith.constant 0 : i32
        %dma_start3A_61 = tpu.memref_slice %arg9[%dma_start3A_59, %dma_start3A_60] : memref<54x128xi32, #tpu.memory_space<vmem>> -> memref<54x128xi32, #tpu.memory_space<vmem>>
        %dma_start3A_62 = arith.constant 0 : i32
        %dma_start3A_63 = arith.constant 0 : i32
        %dma_start3A_64 = tpu.memref_slice %arg2[%arg1, %dma_start3A_62, %dma_start3A_63] : memref<16x54x128xi32, #tpu.memory_space<hbm>> -> memref<1x54x128xi32, #tpu.memory_space<hbm>>
        %dma_start3A_65 = tpu.memref_squeeze %dma_start3A_64 : memref<1x54x128xi32, #tpu.memory_space<hbm>> -> memref<54x128xi32, #tpu.memory_space<hbm>>
        %dma_start3A_66 = arith.constant 0 : i32
        %dma_start3A_67 = arith.constant 0 : i32
        %dma_start3A_68 = tpu.memref_slice %arg9[%dma_start3A_66, %dma_start3A_67] : memref<54x128xi32, #tpu.memory_space<vmem>> -> memref<54x128xi32, #tpu.memory_space<vmem>>
        %dma_start3A_69 = arith.constant 0 : i32
        %dma_start3A_70 = arith.constant 0 : i32
        %dma_start3A_71 = tpu.memref_slice %arg2[%arg1, %dma_start3A_69, %dma_start3A_70] : memref<16x54x128xi32, #tpu.memory_space<hbm>> -> memref<1x54x128xi32, #tpu.memory_space<hbm>>
        %dma_start3A_72 = tpu.memref_squeeze %dma_start3A_71 : memref<1x54x128xi32, #tpu.memory_space<hbm>> -> memref<54x128xi32, #tpu.memory_space<hbm>>
        tpu.enqueue_dma source(%dma_start3A_72 : memref<54x128xi32, #tpu.memory_space<hbm>>) target(%dma_start3A_68 : memref<54x128xi32, #tpu.memory_space<vmem>>) target_semaphore(%run_scoped3A : memref<!tpu.dma_semaphore, #tpu.memory_space<semaphore_mem>>)
        %dma_wait3A_73 = arith.constant 0 : i32
        %dma_wait3A_74 = arith.constant 0 : i32
        %dma_wait3A_75 = tpu.memref_slice %arg9[%dma_wait3A_73, %dma_wait3A_74] : memref<54x128xi32, #tpu.memory_space<vmem>> -> memref<54x128xi32, #tpu.memory_space<vmem>>
        %dma_wait3A_76 = arith.constant 0 : i32
        %dma_wait3A_77 = arith.constant 0 : i32
        %dma_wait3A_78 = tpu.memref_slice %arg2[%arg1, %dma_wait3A_76, %dma_wait3A_77] : memref<16x54x128xi32, #tpu.memory_space<hbm>> -> memref<1x54x128xi32, #tpu.memory_space<hbm>>
        %dma_wait3A_79 = tpu.memref_squeeze %dma_wait3A_78 : memref<1x54x128xi32, #tpu.memory_space<hbm>> -> memref<54x128xi32, #tpu.memory_space<hbm>>
        %dma_wait3A_80 = arith.constant 0 : i32
        %dma_wait3A_81 = arith.constant 0 : i32
        %dma_wait3A_82 = tpu.memref_slice %arg9[%dma_wait3A_80, %dma_wait3A_81] : memref<54x128xi32, #tpu.memory_space<vmem>> -> memref<54x128xi32, #tpu.memory_space<vmem>>
        %dma_wait3A_83 = arith.constant 0 : i32
        %dma_wait3A_84 = arith.constant 0 : i32
        %dma_wait3A_85 = tpu.memref_slice %arg2[%arg1, %dma_wait3A_83, %dma_wait3A_84] : memref<16x54x128xi32, #tpu.memory_space<hbm>> -> memref<1x54x128xi32, #tpu.memory_space<hbm>>
        %dma_wait3A_86 = tpu.memref_squeeze %dma_wait3A_85 : memref<1x54x128xi32, #tpu.memory_space<hbm>> -> memref<54x128xi32, #tpu.memory_space<hbm>>
        tpu.wait_dma2 semaphore(%run_scoped3A : memref<!tpu.dma_semaphore, #tpu.memory_space<semaphore_mem>>) src(%dma_wait3A_86 : memref<54x128xi32, #tpu.memory_space<hbm>>) dst(%dma_wait3A_82 : memref<54x128xi32, #tpu.memory_space<vmem>>)
        tpu.yield
      }) : () -> ()
      "tpu.region"() ({
        %run_scoped3A = tpu.sem_alloc : memref<!tpu.dma_semaphore, #tpu.memory_space<semaphore_mem>>
        %dma_start3A_59 = arith.constant 0 : i32
        %dma_start3A_60 = arith.constant 0 : i32
        %dma_start3A_61 = tpu.memref_slice %arg10[%dma_start3A_59, %dma_start3A_60] : memref<54x128xi32, #tpu.memory_space<vmem>> -> memref<54x128xi32, #tpu.memory_space<vmem>>
        %dma_start3A_62 = arith.constant 0 : i32
        %dma_start3A_63 = arith.constant 0 : i32
        %dma_start3A_64 = tpu.memref_slice %arg3[%arg1, %dma_start3A_62, %dma_start3A_63] : memref<16x54x128xi32, #tpu.memory_space<hbm>> -> memref<1x54x128xi32, #tpu.memory_space<hbm>>
        %dma_start3A_65 = tpu.memref_squeeze %dma_start3A_64 : memref<1x54x128xi32, #tpu.memory_space<hbm>> -> memref<54x128xi32, #tpu.memory_space<hbm>>
        %dma_start3A_66 = arith.constant 0 : i32
        %dma_start3A_67 = arith.constant 0 : i32
        %dma_start3A_68 = tpu.memref_slice %arg10[%dma_start3A_66, %dma_start3A_67] : memref<54x128xi32, #tpu.memory_space<vmem>> -> memref<54x128xi32, #tpu.memory_space<vmem>>
        %dma_start3A_69 = arith.constant 0 : i32
        %dma_start3A_70 = arith.constant 0 : i32
        %dma_start3A_71 = tpu.memref_slice %arg3[%arg1, %dma_start3A_69, %dma_start3A_70] : memref<16x54x128xi32, #tpu.memory_space<hbm>> -> memref<1x54x128xi32, #tpu.memory_space<hbm>>
        %dma_start3A_72 = tpu.memref_squeeze %dma_start3A_71 : memref<1x54x128xi32, #tpu.memory_space<hbm>> -> memref<54x128xi32, #tpu.memory_space<hbm>>
        tpu.enqueue_dma source(%dma_start3A_72 : memref<54x128xi32, #tpu.memory_space<hbm>>) target(%dma_start3A_68 : memref<54x128xi32, #tpu.memory_space<vmem>>) target_semaphore(%run_scoped3A : memref<!tpu.dma_semaphore, #tpu.memory_space<semaphore_mem>>)
        %dma_wait3A_73 = arith.constant 0 : i32
        %dma_wait3A_74 = arith.constant 0 : i32
        %dma_wait3A_75 = tpu.memref_slice %arg10[%dma_wait3A_73, %dma_wait3A_74] : memref<54x128xi32, #tpu.memory_space<vmem>> -> memref<54x128xi32, #tpu.memory_space<vmem>>
        %dma_wait3A_76 = arith.constant 0 : i32
        %dma_wait3A_77 = arith.constant 0 : i32
        %dma_wait3A_78 = tpu.memref_slice %arg3[%arg1, %dma_wait3A_76, %dma_wait3A_77] : memref<16x54x128xi32, #tpu.memory_space<hbm>> -> memref<1x54x128xi32, #tpu.memory_space<hbm>>
        %dma_wait3A_79 = tpu.memref_squeeze %dma_wait3A_78 : memref<1x54x128xi32, #tpu.memory_space<hbm>> -> memref<54x128xi32, #tpu.memory_space<hbm>>
        %dma_wait3A_80 = arith.constant 0 : i32
        %dma_wait3A_81 = arith.constant 0 : i32
        %dma_wait3A_82 = tpu.memref_slice %arg10[%dma_wait3A_80, %dma_wait3A_81] : memref<54x128xi32, #tpu.memory_space<vmem>> -> memref<54x128xi32, #tpu.memory_space<vmem>>
        %dma_wait3A_83 = arith.constant 0 : i32
        %dma_wait3A_84 = arith.constant 0 : i32
        %dma_wait3A_85 = tpu.memref_slice %arg3[%arg1, %dma_wait3A_83, %dma_wait3A_84] : memref<16x54x128xi32, #tpu.memory_space<hbm>> -> memref<1x54x128xi32, #tpu.memory_space<hbm>>
        %dma_wait3A_86 = tpu.memref_squeeze %dma_wait3A_85 : memref<1x54x128xi32, #tpu.memory_space<hbm>> -> memref<54x128xi32, #tpu.memory_space<hbm>>
        tpu.wait_dma2 semaphore(%run_scoped3A : memref<!tpu.dma_semaphore, #tpu.memory_space<semaphore_mem>>) src(%dma_wait3A_86 : memref<54x128xi32, #tpu.memory_space<hbm>>) dst(%dma_wait3A_82 : memref<54x128xi32, #tpu.memory_space<vmem>>)
        tpu.yield
      }) : () -> ()
      %dma_start3A = arith.constant 0 : i32
      %dma_start3A_28 = arith.constant 0 : i32
      %dma_start3A_29 = tpu.memref_slice %arg9[%dma_start3A, %dma_start3A_28] : memref<54x128xi32, #tpu.memory_space<vmem>> -> memref<1x128xi32, #tpu.memory_space<vmem>>
      %dma_start3A_30 = tpu.memref_squeeze %dma_start3A_29 : memref<1x128xi32, #tpu.memory_space<vmem>> -> memref<128xi32, #tpu.memory_space<vmem>>
      %dma_start3A_31 = arith.constant 0 : i32
      %dma_start3A_32 = arith.constant 0 : i32
      %dma_start3A_33 = tpu.memref_slice %arg6[%dma_start3A_31, %dma_start3A_32] : memref<10240x128xf32, #tpu.memory_space<hbm>> -> memref<10240x128xf32, #tpu.memory_space<hbm>>
      tpu.enqueue_indirect_dma source(%dma_start3A_33 : memref<10240x128xf32, #tpu.memory_space<hbm>>) target(%arg11 : memref<128x128xf32, #tpu.memory_space<vmem>>) offsets(%dma_start3A_30 : memref<128xi32, #tpu.memory_space<vmem>>) semaphore(%arg14 : memref<!tpu.dma_semaphore, #tpu.memory_space<semaphore_mem>>)
      %dma_start3A_34 = arith.constant 1 : i32
      %dma_start3A_35 = arith.constant 0 : i32
      %dma_start3A_36 = tpu.memref_slice %arg9[%dma_start3A_34, %dma_start3A_35] : memref<54x128xi32, #tpu.memory_space<vmem>> -> memref<1x128xi32, #tpu.memory_space<vmem>>
      %dma_start3A_37 = tpu.memref_squeeze %dma_start3A_36 : memref<1x128xi32, #tpu.memory_space<vmem>> -> memref<128xi32, #tpu.memory_space<vmem>>
      %dma_start3A_38 = arith.constant 0 : i32
      %dma_start3A_39 = arith.constant 0 : i32
      %dma_start3A_40 = tpu.memref_slice %arg6[%dma_start3A_38, %dma_start3A_39] : memref<10240x128xf32, #tpu.memory_space<hbm>> -> memref<10240x128xf32, #tpu.memory_space<hbm>>
      tpu.enqueue_indirect_dma source(%dma_start3A_40 : memref<10240x128xf32, #tpu.memory_space<hbm>>) target(%arg12 : memref<128x128xf32, #tpu.memory_space<vmem>>) offsets(%dma_start3A_37 : memref<128xi32, #tpu.memory_space<vmem>>) semaphore(%arg15 : memref<!tpu.dma_semaphore, #tpu.memory_space<semaphore_mem>>)
      %scan3A = arith.constant 0 : i32
      %scan3A_41 = arith.constant 0 : i32
      %scan3A_42 = arith.constant 27 : i32
      %scan3A_43 = arith.addi %scan3A_41, %scan3A_42 : i32
      %scan3A_44 = arith.constant 1 : i32
      scf.for %scan3A_59 = %scan3A_41 to %scan3A_43 step %scan3A_44  : i32 {
        %mul3A_60 = arith.constant 2 : i32
        %mul3A_61 = arith.muli %mul3A_60, %scan3A_59 : i32
        %add3A_62 = arith.constant 2 : i32
        %add3A_63 = arith.addi %mul3A_61, %add3A_62 : i32
        %min3A = arith.constant 52 : i32
        %min3A_64 = arith.minsi %add3A_63, %min3A : i32
        %dma_wait3A_65 = arith.constant 0 : i32
        %dma_wait3A_66 = tpu.memref_slice %arg9[%mul3A_61, %dma_wait3A_65] : memref<54x128xi32, #tpu.memory_space<vmem>> -> memref<1x128xi32, #tpu.memory_space<vmem>>
        %dma_wait3A_67 = tpu.memref_squeeze %dma_wait3A_66 : memref<1x128xi32, #tpu.memory_space<vmem>> -> memref<128xi32, #tpu.memory_space<vmem>>
        %dma_wait3A_68 = arith.constant 0 : i32
        %dma_wait3A_69 = arith.constant 0 : i32
        %dma_wait3A_70 = tpu.memref_slice %arg6[%dma_wait3A_68, %dma_wait3A_69] : memref<10240x128xf32, #tpu.memory_space<hbm>> -> memref<10240x128xf32, #tpu.memory_space<hbm>>
        tpu.wait_indirect_dma semaphore(%arg14 : memref<!tpu.dma_semaphore, #tpu.memory_space<semaphore_mem>>) src(%dma_wait3A_70 : memref<10240x128xf32, #tpu.memory_space<hbm>>) dst(%arg11 : memref<128x128xf32, #tpu.memory_space<vmem>>)
        %dma_start3A_71 = arith.constant 0 : i32
        %dma_start3A_72 = tpu.memref_slice %arg10[%mul3A_61, %dma_start3A_71] : memref<54x128xi32, #tpu.memory_space<vmem>> -> memref<1x128xi32, #tpu.memory_space<vmem>>
        %dma_start3A_73 = tpu.memref_squeeze %dma_start3A_72 : memref<1x128xi32, #tpu.memory_space<vmem>> -> memref<128xi32, #tpu.memory_space<vmem>>
        %dma_start3A_74 = arith.constant 0 : i32
        %dma_start3A_75 = arith.constant 0 : i32
        %dma_start3A_76 = tpu.memref_slice %arg13[%dma_start3A_74, %dma_start3A_75] : memref<10240x128xf32, #tpu.memory_space<vmem_shared>> -> memref<10240x128xf32, #tpu.memory_space<vmem_shared>>
        tpu.enqueue_indirect_dma source(%arg11 : memref<128x128xf32, #tpu.memory_space<vmem>>) target(%dma_start3A_76 : memref<10240x128xf32, #tpu.memory_space<vmem_shared>>) offsets(%dma_start3A_73 : memref<128xi32, #tpu.memory_space<vmem>>) semaphore(%arg16 : memref<!tpu.dma_semaphore, #tpu.memory_space<semaphore_mem>>) {add = true}
        %add3A_77 = arith.constant 1 : i32
        %add3A_78 = arith.addi %mul3A_61, %add3A_77 : i32
        %dma_wait3A_79 = arith.constant 0 : i32
        %dma_wait3A_80 = tpu.memref_slice %arg9[%add3A_78, %dma_wait3A_79] : memref<54x128xi32, #tpu.memory_space<vmem>> -> memref<1x128xi32, #tpu.memory_space<vmem>>
        %dma_wait3A_81 = tpu.memref_squeeze %dma_wait3A_80 : memref<1x128xi32, #tpu.memory_space<vmem>> -> memref<128xi32, #tpu.memory_space<vmem>>
        %dma_wait3A_82 = arith.constant 0 : i32
        %dma_wait3A_83 = arith.constant 0 : i32
        %dma_wait3A_84 = tpu.memref_slice %arg6[%dma_wait3A_82, %dma_wait3A_83] : memref<10240x128xf32, #tpu.memory_space<hbm>> -> memref<10240x128xf32, #tpu.memory_space<hbm>>
        tpu.wait_indirect_dma semaphore(%arg15 : memref<!tpu.dma_semaphore, #tpu.memory_space<semaphore_mem>>) src(%dma_wait3A_84 : memref<10240x128xf32, #tpu.memory_space<hbm>>) dst(%arg12 : memref<128x128xf32, #tpu.memory_space<vmem>>)
        %add3A_85 = arith.constant 1 : i32
        %add3A_86 = arith.addi %mul3A_61, %add3A_85 : i32
        %dma_start3A_87 = arith.constant 0 : i32
        %dma_start3A_88 = tpu.memref_slice %arg10[%add3A_86, %dma_start3A_87] : memref<54x128xi32, #tpu.memory_space<vmem>> -> memref<1x128xi32, #tpu.memory_space<vmem>>
        %dma_start3A_89 = tpu.memref_squeeze %dma_start3A_88 : memref<1x128xi32, #tpu.memory_space<vmem>> -> memref<128xi32, #tpu.memory_space<vmem>>
        %dma_start3A_90 = arith.constant 0 : i32
        %dma_start3A_91 = arith.constant 0 : i32
        %dma_start3A_92 = tpu.memref_slice %arg13[%dma_start3A_90, %dma_start3A_91] : memref<10240x128xf32, #tpu.memory_space<vmem_shared>> -> memref<10240x128xf32, #tpu.memory_space<vmem_shared>>
        tpu.enqueue_indirect_dma source(%arg12 : memref<128x128xf32, #tpu.memory_space<vmem>>) target(%dma_start3A_92 : memref<10240x128xf32, #tpu.memory_space<vmem_shared>>) offsets(%dma_start3A_89 : memref<128xi32, #tpu.memory_space<vmem>>) semaphore(%arg17 : memref<!tpu.dma_semaphore, #tpu.memory_space<semaphore_mem>>) {add = true}
        %dma_wait3A_93 = arith.constant 0 : i32
        %dma_wait3A_94 = tpu.memref_slice %arg10[%mul3A_61, %dma_wait3A_93] : memref<54x128xi32, #tpu.memory_space<vmem>> -> memref<1x128xi32, #tpu.memory_space<vmem>>
        %dma_wait3A_95 = tpu.memref_squeeze %dma_wait3A_94 : memref<1x128xi32, #tpu.memory_space<vmem>> -> memref<128xi32, #tpu.memory_space<vmem>>
        %dma_wait3A_96 = arith.constant 0 : i32
        %dma_wait3A_97 = arith.constant 0 : i32
        %dma_wait3A_98 = tpu.memref_slice %arg13[%dma_wait3A_96, %dma_wait3A_97] : memref<10240x128xf32, #tpu.memory_space<vmem_shared>> -> memref<10240x128xf32, #tpu.memory_space<vmem_shared>>
        tpu.wait_indirect_dma semaphore(%arg16 : memref<!tpu.dma_semaphore, #tpu.memory_space<semaphore_mem>>) src(%arg11 : memref<128x128xf32, #tpu.memory_space<vmem>>) dst(%dma_wait3A_98 : memref<10240x128xf32, #tpu.memory_space<vmem_shared>>)
        %dma_start3A_99 = arith.constant 0 : i32
        %dma_start3A_100 = tpu.memref_slice %arg9[%min3A_64, %dma_start3A_99] : memref<54x128xi32, #tpu.memory_space<vmem>> -> memref<1x128xi32, #tpu.memory_space<vmem>>
        %dma_start3A_101 = tpu.memref_squeeze %dma_start3A_100 : memref<1x128xi32, #tpu.memory_space<vmem>> -> memref<128xi32, #tpu.memory_space<vmem>>
        %dma_start3A_102 = arith.constant 0 : i32
        %dma_start3A_103 = arith.constant 0 : i32
        %dma_start3A_104 = tpu.memref_slice %arg6[%dma_start3A_102, %dma_start3A_103] : memref<10240x128xf32, #tpu.memory_space<hbm>> -> memref<10240x128xf32, #tpu.memory_space<hbm>>
        tpu.enqueue_indirect_dma source(%dma_start3A_104 : memref<10240x128xf32, #tpu.memory_space<hbm>>) target(%arg11 : memref<128x128xf32, #tpu.memory_space<vmem>>) offsets(%dma_start3A_101 : memref<128xi32, #tpu.memory_space<vmem>>) semaphore(%arg14 : memref<!tpu.dma_semaphore, #tpu.memory_space<semaphore_mem>>)
        %add3A_105 = arith.constant 1 : i32
        %add3A_106 = arith.addi %mul3A_61, %add3A_105 : i32
        %dma_wait3A_107 = arith.constant 0 : i32
        %dma_wait3A_108 = tpu.memref_slice %arg10[%add3A_106, %dma_wait3A_107] : memref<54x128xi32, #tpu.memory_space<vmem>> -> memref<1x128xi32, #tpu.memory_space<vmem>>
        %dma_wait3A_109 = tpu.memref_squeeze %dma_wait3A_108 : memref<1x128xi32, #tpu.memory_space<vmem>> -> memref<128xi32, #tpu.memory_space<vmem>>
        %dma_wait3A_110 = arith.constant 0 : i32
        %dma_wait3A_111 = arith.constant 0 : i32
        %dma_wait3A_112 = tpu.memref_slice %arg13[%dma_wait3A_110, %dma_wait3A_111] : memref<10240x128xf32, #tpu.memory_space<vmem_shared>> -> memref<10240x128xf32, #tpu.memory_space<vmem_shared>>
        tpu.wait_indirect_dma semaphore(%arg17 : memref<!tpu.dma_semaphore, #tpu.memory_space<semaphore_mem>>) src(%arg12 : memref<128x128xf32, #tpu.memory_space<vmem>>) dst(%dma_wait3A_112 : memref<10240x128xf32, #tpu.memory_space<vmem_shared>>)
        %add3A_113 = arith.constant 1 : i32
        %add3A_114 = arith.addi %min3A_64, %add3A_113 : i32
        %dma_start3A_115 = arith.constant 0 : i32
        %dma_start3A_116 = tpu.memref_slice %arg9[%add3A_114, %dma_start3A_115] : memref<54x128xi32, #tpu.memory_space<vmem>> -> memref<1x128xi32, #tpu.memory_space<vmem>>
        %dma_start3A_117 = tpu.memref_squeeze %dma_start3A_116 : memref<1x128xi32, #tpu.memory_space<vmem>> -> memref<128xi32, #tpu.memory_space<vmem>>
        %dma_start3A_118 = arith.constant 0 : i32
        %dma_start3A_119 = arith.constant 0 : i32
        %dma_start3A_120 = tpu.memref_slice %arg6[%dma_start3A_118, %dma_start3A_119] : memref<10240x128xf32, #tpu.memory_space<hbm>> -> memref<10240x128xf32, #tpu.memory_space<hbm>>
        tpu.enqueue_indirect_dma source(%dma_start3A_120 : memref<10240x128xf32, #tpu.memory_space<hbm>>) target(%arg12 : memref<128x128xf32, #tpu.memory_space<vmem>>) offsets(%dma_start3A_117 : memref<128xi32, #tpu.memory_space<vmem>>) semaphore(%arg15 : memref<!tpu.dma_semaphore, #tpu.memory_space<semaphore_mem>>)
      }
      %scan3A_45 = arith.constant 27 : i32
      %dma_wait3A = arith.constant 52 : i32
      %dma_wait3A_46 = arith.constant 0 : i32
      %dma_wait3A_47 = tpu.memref_slice %arg9[%dma_wait3A, %dma_wait3A_46] : memref<54x128xi32, #tpu.memory_space<vmem>> -> memref<1x128xi32, #tpu.memory_space<vmem>>
      %dma_wait3A_48 = tpu.memref_squeeze %dma_wait3A_47 : memref<1x128xi32, #tpu.memory_space<vmem>> -> memref<128xi32, #tpu.memory_space<vmem>>
      %dma_wait3A_49 = arith.constant 0 : i32
      %dma_wait3A_50 = arith.constant 0 : i32
      %dma_wait3A_51 = tpu.memref_slice %arg6[%dma_wait3A_49, %dma_wait3A_50] : memref<10240x128xf32, #tpu.memory_space<hbm>> -> memref<10240x128xf32, #tpu.memory_space<hbm>>
      tpu.wait_indirect_dma semaphore(%arg14 : memref<!tpu.dma_semaphore, #tpu.memory_space<semaphore_mem>>) src(%dma_wait3A_51 : memref<10240x128xf32, #tpu.memory_space<hbm>>) dst(%arg11 : memref<128x128xf32, #tpu.memory_space<vmem>>)
      %dma_wait3A_52 = arith.constant 53 : i32
      %dma_wait3A_53 = arith.constant 0 : i32
      %dma_wait3A_54 = tpu.memref_slice %arg9[%dma_wait3A_52, %dma_wait3A_53] : memref<54x128xi32, #tpu.memory_space<vmem>> -> memref<1x128xi32, #tpu.memory_space<vmem>>
      %dma_wait3A_55 = tpu.memref_squeeze %dma_wait3A_54 : memref<1x128xi32, #tpu.memory_space<vmem>> -> memref<128xi32, #tpu.memory_space<vmem>>
      %dma_wait3A_56 = arith.constant 0 : i32
      %dma_wait3A_57 = arith.constant 0 : i32
      %dma_wait3A_58 = tpu.memref_slice %arg6[%dma_wait3A_56, %dma_wait3A_57] : memref<10240x128xf32, #tpu.memory_space<hbm>> -> memref<10240x128xf32, #tpu.memory_space<hbm>>
      tpu.wait_indirect_dma semaphore(%arg15 : memref<!tpu.dma_semaphore, #tpu.memory_space<semaphore_mem>>) src(%dma_wait3A_58 : memref<10240x128xf32, #tpu.memory_space<hbm>>) dst(%arg12 : memref<128x128xf32, #tpu.memory_space<vmem>>)
    } else {
    }
    %eq3A_20 = arith.constant 1 : i32
    %eq3A_21 = arith.cmpi eq, %arg0, %eq3A_20 : i32
    %convert_element_type3A_22 = arith.extui %eq3A_21 : i1 to i32
    %cond3A_23 = arith.constant 0 : i32
    %cond3A_24 = arith.cmpi ne, %convert_element_type3A_22, %cond3A_23 : i32
    scf.if %cond3A_24 {
      "tpu.region"() ({
        %run_scoped3A = tpu.sem_alloc : memref<!tpu.dma_semaphore, #tpu.memory_space<semaphore_mem>>
        %dma_start3A_59 = arith.constant 0 : i32
        %dma_start3A_60 = arith.constant 0 : i32
        %dma_start3A_61 = tpu.memref_slice %arg9[%dma_start3A_59, %dma_start3A_60] : memref<54x128xi32, #tpu.memory_space<vmem>> -> memref<26x128xi32, #tpu.memory_space<vmem>>
        %dma_start3A_62 = arith.constant 0 : i32
        %dma_start3A_63 = arith.constant 0 : i32
        %dma_start3A_64 = tpu.memref_slice %arg4[%arg1, %dma_start3A_62, %dma_start3A_63] : memref<16x26x128xi32, #tpu.memory_space<hbm>> -> memref<1x26x128xi32, #tpu.memory_space<hbm>>
        %dma_start3A_65 = tpu.memref_squeeze %dma_start3A_64 : memref<1x26x128xi32, #tpu.memory_space<hbm>> -> memref<26x128xi32, #tpu.memory_space<hbm>>
        %dma_start3A_66 = arith.constant 0 : i32
        %dma_start3A_67 = arith.constant 0 : i32
        %dma_start3A_68 = tpu.memref_slice %arg9[%dma_start3A_66, %dma_start3A_67] : memref<54x128xi32, #tpu.memory_space<vmem>> -> memref<26x128xi32, #tpu.memory_space<vmem>>
        %dma_start3A_69 = arith.constant 0 : i32
        %dma_start3A_70 = arith.constant 0 : i32
        %dma_start3A_71 = tpu.memref_slice %arg4[%arg1, %dma_start3A_69, %dma_start3A_70] : memref<16x26x128xi32, #tpu.memory_space<hbm>> -> memref<1x26x128xi32, #tpu.memory_space<hbm>>
        %dma_start3A_72 = tpu.memref_squeeze %dma_start3A_71 : memref<1x26x128xi32, #tpu.memory_space<hbm>> -> memref<26x128xi32, #tpu.memory_space<hbm>>
        tpu.enqueue_dma source(%dma_start3A_72 : memref<26x128xi32, #tpu.memory_space<hbm>>) target(%dma_start3A_68 : memref<26x128xi32, #tpu.memory_space<vmem>>) target_semaphore(%run_scoped3A : memref<!tpu.dma_semaphore, #tpu.memory_space<semaphore_mem>>)
        %dma_wait3A_73 = arith.constant 0 : i32
        %dma_wait3A_74 = arith.constant 0 : i32
        %dma_wait3A_75 = tpu.memref_slice %arg9[%dma_wait3A_73, %dma_wait3A_74] : memref<54x128xi32, #tpu.memory_space<vmem>> -> memref<26x128xi32, #tpu.memory_space<vmem>>
        %dma_wait3A_76 = arith.constant 0 : i32
        %dma_wait3A_77 = arith.constant 0 : i32
        %dma_wait3A_78 = tpu.memref_slice %arg4[%arg1, %dma_wait3A_76, %dma_wait3A_77] : memref<16x26x128xi32, #tpu.memory_space<hbm>> -> memref<1x26x128xi32, #tpu.memory_space<hbm>>
        %dma_wait3A_79 = tpu.memref_squeeze %dma_wait3A_78 : memref<1x26x128xi32, #tpu.memory_space<hbm>> -> memref<26x128xi32, #tpu.memory_space<hbm>>
        %dma_wait3A_80 = arith.constant 0 : i32
        %dma_wait3A_81 = arith.constant 0 : i32
        %dma_wait3A_82 = tpu.memref_slice %arg9[%dma_wait3A_80, %dma_wait3A_81] : memref<54x128xi32, #tpu.memory_space<vmem>> -> memref<26x128xi32, #tpu.memory_space<vmem>>
        %dma_wait3A_83 = arith.constant 0 : i32
        %dma_wait3A_84 = arith.constant 0 : i32
        %dma_wait3A_85 = tpu.memref_slice %arg4[%arg1, %dma_wait3A_83, %dma_wait3A_84] : memref<16x26x128xi32, #tpu.memory_space<hbm>> -> memref<1x26x128xi32, #tpu.memory_space<hbm>>
        %dma_wait3A_86 = tpu.memref_squeeze %dma_wait3A_85 : memref<1x26x128xi32, #tpu.memory_space<hbm>> -> memref<26x128xi32, #tpu.memory_space<hbm>>
        tpu.wait_dma2 semaphore(%run_scoped3A : memref<!tpu.dma_semaphore, #tpu.memory_space<semaphore_mem>>) src(%dma_wait3A_86 : memref<26x128xi32, #tpu.memory_space<hbm>>) dst(%dma_wait3A_82 : memref<26x128xi32, #tpu.memory_space<vmem>>)
        tpu.yield
      }) : () -> ()
      "tpu.region"() ({
        %run_scoped3A = tpu.sem_alloc : memref<!tpu.dma_semaphore, #tpu.memory_space<semaphore_mem>>
        %dma_start3A_59 = arith.constant 0 : i32
        %dma_start3A_60 = arith.constant 0 : i32
        %dma_start3A_61 = tpu.memref_slice %arg10[%dma_start3A_59, %dma_start3A_60] : memref<54x128xi32, #tpu.memory_space<vmem>> -> memref<26x128xi32, #tpu.memory_space<vmem>>
        %dma_start3A_62 = arith.constant 0 : i32
        %dma_start3A_63 = arith.constant 0 : i32
        %dma_start3A_64 = tpu.memref_slice %arg5[%arg1, %dma_start3A_62, %dma_start3A_63] : memref<16x26x128xi32, #tpu.memory_space<hbm>> -> memref<1x26x128xi32, #tpu.memory_space<hbm>>
        %dma_start3A_65 = tpu.memref_squeeze %dma_start3A_64 : memref<1x26x128xi32, #tpu.memory_space<hbm>> -> memref<26x128xi32, #tpu.memory_space<hbm>>
        %dma_start3A_66 = arith.constant 0 : i32
        %dma_start3A_67 = arith.constant 0 : i32
        %dma_start3A_68 = tpu.memref_slice %arg10[%dma_start3A_66, %dma_start3A_67] : memref<54x128xi32, #tpu.memory_space<vmem>> -> memref<26x128xi32, #tpu.memory_space<vmem>>
        %dma_start3A_69 = arith.constant 0 : i32
        %dma_start3A_70 = arith.constant 0 : i32
        %dma_start3A_71 = tpu.memref_slice %arg5[%arg1, %dma_start3A_69, %dma_start3A_70] : memref<16x26x128xi32, #tpu.memory_space<hbm>> -> memref<1x26x128xi32, #tpu.memory_space<hbm>>
        %dma_start3A_72 = tpu.memref_squeeze %dma_start3A_71 : memref<1x26x128xi32, #tpu.memory_space<hbm>> -> memref<26x128xi32, #tpu.memory_space<hbm>>
        tpu.enqueue_dma source(%dma_start3A_72 : memref<26x128xi32, #tpu.memory_space<hbm>>) target(%dma_start3A_68 : memref<26x128xi32, #tpu.memory_space<vmem>>) target_semaphore(%run_scoped3A : memref<!tpu.dma_semaphore, #tpu.memory_space<semaphore_mem>>)
        %dma_wait3A_73 = arith.constant 0 : i32
        %dma_wait3A_74 = arith.constant 0 : i32
        %dma_wait3A_75 = tpu.memref_slice %arg10[%dma_wait3A_73, %dma_wait3A_74] : memref<54x128xi32, #tpu.memory_space<vmem>> -> memref<26x128xi32, #tpu.memory_space<vmem>>
        %dma_wait3A_76 = arith.constant 0 : i32
        %dma_wait3A_77 = arith.constant 0 : i32
        %dma_wait3A_78 = tpu.memref_slice %arg5[%arg1, %dma_wait3A_76, %dma_wait3A_77] : memref<16x26x128xi32, #tpu.memory_space<hbm>> -> memref<1x26x128xi32, #tpu.memory_space<hbm>>
        %dma_wait3A_79 = tpu.memref_squeeze %dma_wait3A_78 : memref<1x26x128xi32, #tpu.memory_space<hbm>> -> memref<26x128xi32, #tpu.memory_space<hbm>>
        %dma_wait3A_80 = arith.constant 0 : i32
        %dma_wait3A_81 = arith.constant 0 : i32
        %dma_wait3A_82 = tpu.memref_slice %arg10[%dma_wait3A_80, %dma_wait3A_81] : memref<54x128xi32, #tpu.memory_space<vmem>> -> memref<26x128xi32, #tpu.memory_space<vmem>>
        %dma_wait3A_83 = arith.constant 0 : i32
        %dma_wait3A_84 = arith.constant 0 : i32
        %dma_wait3A_85 = tpu.memref_slice %arg5[%arg1, %dma_wait3A_83, %dma_wait3A_84] : memref<16x26x128xi32, #tpu.memory_space<hbm>> -> memref<1x26x128xi32, #tpu.memory_space<hbm>>
        %dma_wait3A_86 = tpu.memref_squeeze %dma_wait3A_85 : memref<1x26x128xi32, #tpu.memory_space<hbm>> -> memref<26x128xi32, #tpu.memory_space<hbm>>
        tpu.wait_dma2 semaphore(%run_scoped3A : memref<!tpu.dma_semaphore, #tpu.memory_space<semaphore_mem>>) src(%dma_wait3A_86 : memref<26x128xi32, #tpu.memory_space<hbm>>) dst(%dma_wait3A_82 : memref<26x128xi32, #tpu.memory_space<vmem>>)
        tpu.yield
      }) : () -> ()
      %dma_start3A = arith.constant 0 : i32
      %dma_start3A_28 = arith.constant 0 : i32
      %dma_start3A_29 = tpu.memref_slice %arg9[%dma_start3A, %dma_start3A_28] : memref<54x128xi32, #tpu.memory_space<vmem>> -> memref<1x128xi32, #tpu.memory_space<vmem>>
      %dma_start3A_30 = tpu.memref_squeeze %dma_start3A_29 : memref<1x128xi32, #tpu.memory_space<vmem>> -> memref<128xi32, #tpu.memory_space<vmem>>
      %dma_start3A_31 = arith.constant 0 : i32
      %dma_start3A_32 = arith.constant 0 : i32
      %dma_start3A_33 = tpu.memref_slice %arg6[%dma_start3A_31, %dma_start3A_32] : memref<10240x128xf32, #tpu.memory_space<hbm>> -> memref<10240x128xf32, #tpu.memory_space<hbm>>
      tpu.enqueue_indirect_dma source(%dma_start3A_33 : memref<10240x128xf32, #tpu.memory_space<hbm>>) target(%arg11 : memref<128x128xf32, #tpu.memory_space<vmem>>) offsets(%dma_start3A_30 : memref<128xi32, #tpu.memory_space<vmem>>) semaphore(%arg14 : memref<!tpu.dma_semaphore, #tpu.memory_space<semaphore_mem>>)
      %dma_start3A_34 = arith.constant 1 : i32
      %dma_start3A_35 = arith.constant 0 : i32
      %dma_start3A_36 = tpu.memref_slice %arg9[%dma_start3A_34, %dma_start3A_35] : memref<54x128xi32, #tpu.memory_space<vmem>> -> memref<1x128xi32, #tpu.memory_space<vmem>>
      %dma_start3A_37 = tpu.memref_squeeze %dma_start3A_36 : memref<1x128xi32, #tpu.memory_space<vmem>> -> memref<128xi32, #tpu.memory_space<vmem>>
      %dma_start3A_38 = arith.constant 0 : i32
      %dma_start3A_39 = arith.constant 0 : i32
      %dma_start3A_40 = tpu.memref_slice %arg6[%dma_start3A_38, %dma_start3A_39] : memref<10240x128xf32, #tpu.memory_space<hbm>> -> memref<10240x128xf32, #tpu.memory_space<hbm>>
      tpu.enqueue_indirect_dma source(%dma_start3A_40 : memref<10240x128xf32, #tpu.memory_space<hbm>>) target(%arg12 : memref<128x128xf32, #tpu.memory_space<vmem>>) offsets(%dma_start3A_37 : memref<128xi32, #tpu.memory_space<vmem>>) semaphore(%arg15 : memref<!tpu.dma_semaphore, #tpu.memory_space<semaphore_mem>>)
      %scan3A = arith.constant 0 : i32
      %scan3A_41 = arith.constant 0 : i32
      %scan3A_42 = arith.constant 13 : i32
      %scan3A_43 = arith.addi %scan3A_41, %scan3A_42 : i32
      %scan3A_44 = arith.constant 1 : i32
      scf.for %scan3A_59 = %scan3A_41 to %scan3A_43 step %scan3A_44  : i32 {
        %mul3A_60 = arith.constant 2 : i32
        %mul3A_61 = arith.muli %mul3A_60, %scan3A_59 : i32
        %add3A_62 = arith.constant 2 : i32
        %add3A_63 = arith.addi %mul3A_61, %add3A_62 : i32
        %min3A = arith.constant 24 : i32
        %min3A_64 = arith.minsi %add3A_63, %min3A : i32
        %dma_wait3A_65 = arith.constant 0 : i32
        %dma_wait3A_66 = tpu.memref_slice %arg9[%mul3A_61, %dma_wait3A_65] : memref<54x128xi32, #tpu.memory_space<vmem>> -> memref<1x128xi32, #tpu.memory_space<vmem>>
        %dma_wait3A_67 = tpu.memref_squeeze %dma_wait3A_66 : memref<1x128xi32, #tpu.memory_space<vmem>> -> memref<128xi32, #tpu.memory_space<vmem>>
        %dma_wait3A_68 = arith.constant 0 : i32
        %dma_wait3A_69 = arith.constant 0 : i32
        %dma_wait3A_70 = tpu.memref_slice %arg6[%dma_wait3A_68, %dma_wait3A_69] : memref<10240x128xf32, #tpu.memory_space<hbm>> -> memref<10240x128xf32, #tpu.memory_space<hbm>>
        tpu.wait_indirect_dma semaphore(%arg14 : memref<!tpu.dma_semaphore, #tpu.memory_space<semaphore_mem>>) src(%dma_wait3A_70 : memref<10240x128xf32, #tpu.memory_space<hbm>>) dst(%arg11 : memref<128x128xf32, #tpu.memory_space<vmem>>)
        %dma_start3A_71 = arith.constant 0 : i32
        %dma_start3A_72 = tpu.memref_slice %arg10[%mul3A_61, %dma_start3A_71] : memref<54x128xi32, #tpu.memory_space<vmem>> -> memref<1x128xi32, #tpu.memory_space<vmem>>
        %dma_start3A_73 = tpu.memref_squeeze %dma_start3A_72 : memref<1x128xi32, #tpu.memory_space<vmem>> -> memref<128xi32, #tpu.memory_space<vmem>>
        %dma_start3A_74 = arith.constant 0 : i32
        %dma_start3A_75 = arith.constant 0 : i32
        %dma_start3A_76 = tpu.memref_slice %arg13[%dma_start3A_74, %dma_start3A_75] : memref<10240x128xf32, #tpu.memory_space<vmem_shared>> -> memref<10240x128xf32, #tpu.memory_space<vmem_shared>>
        tpu.enqueue_indirect_dma source(%arg11 : memref<128x128xf32, #tpu.memory_space<vmem>>) target(%dma_start3A_76 : memref<10240x128xf32, #tpu.memory_space<vmem_shared>>) offsets(%dma_start3A_73 : memref<128xi32, #tpu.memory_space<vmem>>) semaphore(%arg16 : memref<!tpu.dma_semaphore, #tpu.memory_space<semaphore_mem>>) {add = true}
        %add3A_77 = arith.constant 1 : i32
        %add3A_78 = arith.addi %mul3A_61, %add3A_77 : i32
        %dma_wait3A_79 = arith.constant 0 : i32
        %dma_wait3A_80 = tpu.memref_slice %arg9[%add3A_78, %dma_wait3A_79] : memref<54x128xi32, #tpu.memory_space<vmem>> -> memref<1x128xi32, #tpu.memory_space<vmem>>
        %dma_wait3A_81 = tpu.memref_squeeze %dma_wait3A_80 : memref<1x128xi32, #tpu.memory_space<vmem>> -> memref<128xi32, #tpu.memory_space<vmem>>
        %dma_wait3A_82 = arith.constant 0 : i32
        %dma_wait3A_83 = arith.constant 0 : i32
        %dma_wait3A_84 = tpu.memref_slice %arg6[%dma_wait3A_82, %dma_wait3A_83] : memref<10240x128xf32, #tpu.memory_space<hbm>> -> memref<10240x128xf32, #tpu.memory_space<hbm>>
        tpu.wait_indirect_dma semaphore(%arg15 : memref<!tpu.dma_semaphore, #tpu.memory_space<semaphore_mem>>) src(%dma_wait3A_84 : memref<10240x128xf32, #tpu.memory_space<hbm>>) dst(%arg12 : memref<128x128xf32, #tpu.memory_space<vmem>>)
        %add3A_85 = arith.constant 1 : i32
        %add3A_86 = arith.addi %mul3A_61, %add3A_85 : i32
        %dma_start3A_87 = arith.constant 0 : i32
        %dma_start3A_88 = tpu.memref_slice %arg10[%add3A_86, %dma_start3A_87] : memref<54x128xi32, #tpu.memory_space<vmem>> -> memref<1x128xi32, #tpu.memory_space<vmem>>
        %dma_start3A_89 = tpu.memref_squeeze %dma_start3A_88 : memref<1x128xi32, #tpu.memory_space<vmem>> -> memref<128xi32, #tpu.memory_space<vmem>>
        %dma_start3A_90 = arith.constant 0 : i32
        %dma_start3A_91 = arith.constant 0 : i32
        %dma_start3A_92 = tpu.memref_slice %arg13[%dma_start3A_90, %dma_start3A_91] : memref<10240x128xf32, #tpu.memory_space<vmem_shared>> -> memref<10240x128xf32, #tpu.memory_space<vmem_shared>>
        tpu.enqueue_indirect_dma source(%arg12 : memref<128x128xf32, #tpu.memory_space<vmem>>) target(%dma_start3A_92 : memref<10240x128xf32, #tpu.memory_space<vmem_shared>>) offsets(%dma_start3A_89 : memref<128xi32, #tpu.memory_space<vmem>>) semaphore(%arg17 : memref<!tpu.dma_semaphore, #tpu.memory_space<semaphore_mem>>) {add = true}
        %dma_wait3A_93 = arith.constant 0 : i32
        %dma_wait3A_94 = tpu.memref_slice %arg10[%mul3A_61, %dma_wait3A_93] : memref<54x128xi32, #tpu.memory_space<vmem>> -> memref<1x128xi32, #tpu.memory_space<vmem>>
        %dma_wait3A_95 = tpu.memref_squeeze %dma_wait3A_94 : memref<1x128xi32, #tpu.memory_space<vmem>> -> memref<128xi32, #tpu.memory_space<vmem>>
        %dma_wait3A_96 = arith.constant 0 : i32
        %dma_wait3A_97 = arith.constant 0 : i32
        %dma_wait3A_98 = tpu.memref_slice %arg13[%dma_wait3A_96, %dma_wait3A_97] : memref<10240x128xf32, #tpu.memory_space<vmem_shared>> -> memref<10240x128xf32, #tpu.memory_space<vmem_shared>>
        tpu.wait_indirect_dma semaphore(%arg16 : memref<!tpu.dma_semaphore, #tpu.memory_space<semaphore_mem>>) src(%arg11 : memref<128x128xf32, #tpu.memory_space<vmem>>) dst(%dma_wait3A_98 : memref<10240x128xf32, #tpu.memory_space<vmem_shared>>)
        %dma_start3A_99 = arith.constant 0 : i32
        %dma_start3A_100 = tpu.memref_slice %arg9[%min3A_64, %dma_start3A_99] : memref<54x128xi32, #tpu.memory_space<vmem>> -> memref<1x128xi32, #tpu.memory_space<vmem>>
        %dma_start3A_101 = tpu.memref_squeeze %dma_start3A_100 : memref<1x128xi32, #tpu.memory_space<vmem>> -> memref<128xi32, #tpu.memory_space<vmem>>
        %dma_start3A_102 = arith.constant 0 : i32
        %dma_start3A_103 = arith.constant 0 : i32
        %dma_start3A_104 = tpu.memref_slice %arg6[%dma_start3A_102, %dma_start3A_103] : memref<10240x128xf32, #tpu.memory_space<hbm>> -> memref<10240x128xf32, #tpu.memory_space<hbm>>
        tpu.enqueue_indirect_dma source(%dma_start3A_104 : memref<10240x128xf32, #tpu.memory_space<hbm>>) target(%arg11 : memref<128x128xf32, #tpu.memory_space<vmem>>) offsets(%dma_start3A_101 : memref<128xi32, #tpu.memory_space<vmem>>) semaphore(%arg14 : memref<!tpu.dma_semaphore, #tpu.memory_space<semaphore_mem>>)
        %add3A_105 = arith.constant 1 : i32
        %add3A_106 = arith.addi %mul3A_61, %add3A_105 : i32
        %dma_wait3A_107 = arith.constant 0 : i32
        %dma_wait3A_108 = tpu.memref_slice %arg10[%add3A_106, %dma_wait3A_107] : memref<54x128xi32, #tpu.memory_space<vmem>> -> memref<1x128xi32, #tpu.memory_space<vmem>>
        %dma_wait3A_109 = tpu.memref_squeeze %dma_wait3A_108 : memref<1x128xi32, #tpu.memory_space<vmem>> -> memref<128xi32, #tpu.memory_space<vmem>>
        %dma_wait3A_110 = arith.constant 0 : i32
        %dma_wait3A_111 = arith.constant 0 : i32
        %dma_wait3A_112 = tpu.memref_slice %arg13[%dma_wait3A_110, %dma_wait3A_111] : memref<10240x128xf32, #tpu.memory_space<vmem_shared>> -> memref<10240x128xf32, #tpu.memory_space<vmem_shared>>
        tpu.wait_indirect_dma semaphore(%arg17 : memref<!tpu.dma_semaphore, #tpu.memory_space<semaphore_mem>>) src(%arg12 : memref<128x128xf32, #tpu.memory_space<vmem>>) dst(%dma_wait3A_112 : memref<10240x128xf32, #tpu.memory_space<vmem_shared>>)
        %add3A_113 = arith.constant 1 : i32
        %add3A_114 = arith.addi %min3A_64, %add3A_113 : i32
        %dma_start3A_115 = arith.constant 0 : i32
        %dma_start3A_116 = tpu.memref_slice %arg9[%add3A_114, %dma_start3A_115] : memref<54x128xi32, #tpu.memory_space<vmem>> -> memref<1x128xi32, #tpu.memory_space<vmem>>
        %dma_start3A_117 = tpu.memref_squeeze %dma_start3A_116 : memref<1x128xi32, #tpu.memory_space<vmem>> -> memref<128xi32, #tpu.memory_space<vmem>>
        %dma_start3A_118 = arith.constant 0 : i32
        %dma_start3A_119 = arith.constant 0 : i32
        %dma_start3A_120 = tpu.memref_slice %arg6[%dma_start3A_118, %dma_start3A_119] : memref<10240x128xf32, #tpu.memory_space<hbm>> -> memref<10240x128xf32, #tpu.memory_space<hbm>>
        tpu.enqueue_indirect_dma source(%dma_start3A_120 : memref<10240x128xf32, #tpu.memory_space<hbm>>) target(%arg12 : memref<128x128xf32, #tpu.memory_space<vmem>>) offsets(%dma_start3A_117 : memref<128xi32, #tpu.memory_space<vmem>>) semaphore(%arg15 : memref<!tpu.dma_semaphore, #tpu.memory_space<semaphore_mem>>)
      }
      %scan3A_45 = arith.constant 13 : i32
      %dma_wait3A = arith.constant 24 : i32
      %dma_wait3A_46 = arith.constant 0 : i32
      %dma_wait3A_47 = tpu.memref_slice %arg9[%dma_wait3A, %dma_wait3A_46] : memref<54x128xi32, #tpu.memory_space<vmem>> -> memref<1x128xi32, #tpu.memory_space<vmem>>
      %dma_wait3A_48 = tpu.memref_squeeze %dma_wait3A_47 : memref<1x128xi32, #tpu.memory_space<vmem>> -> memref<128xi32, #tpu.memory_space<vmem>>
      %dma_wait3A_49 = arith.constant 0 : i32
      %dma_wait3A_50 = arith.constant 0 : i32
      %dma_wait3A_51 = tpu.memref_slice %arg6[%dma_wait3A_49, %dma_wait3A_50] : memref<10240x128xf32, #tpu.memory_space<hbm>> -> memref<10240x128xf32, #tpu.memory_space<hbm>>
      tpu.wait_indirect_dma semaphore(%arg14 : memref<!tpu.dma_semaphore, #tpu.memory_space<semaphore_mem>>) src(%dma_wait3A_51 : memref<10240x128xf32, #tpu.memory_space<hbm>>) dst(%arg11 : memref<128x128xf32, #tpu.memory_space<vmem>>)
      %dma_wait3A_52 = arith.constant 25 : i32
      %dma_wait3A_53 = arith.constant 0 : i32
      %dma_wait3A_54 = tpu.memref_slice %arg9[%dma_wait3A_52, %dma_wait3A_53] : memref<54x128xi32, #tpu.memory_space<vmem>> -> memref<1x128xi32, #tpu.memory_space<vmem>>
      %dma_wait3A_55 = tpu.memref_squeeze %dma_wait3A_54 : memref<1x128xi32, #tpu.memory_space<vmem>> -> memref<128xi32, #tpu.memory_space<vmem>>
      %dma_wait3A_56 = arith.constant 0 : i32
      %dma_wait3A_57 = arith.constant 0 : i32
      %dma_wait3A_58 = tpu.memref_slice %arg6[%dma_wait3A_56, %dma_wait3A_57] : memref<10240x128xf32, #tpu.memory_space<hbm>> -> memref<10240x128xf32, #tpu.memory_space<hbm>>
      tpu.wait_indirect_dma semaphore(%arg15 : memref<!tpu.dma_semaphore, #tpu.memory_space<semaphore_mem>>) src(%dma_wait3A_58 : memref<10240x128xf32, #tpu.memory_space<hbm>>) dst(%arg12 : memref<128x128xf32, #tpu.memory_space<vmem>>)
    } else {
    }
    %barrier3A_25 = arith.constant 0 : index
    tpu.barrier barrier_id(%barrier3A_25)
    %mul3A_26 = arith.constant 640 : i32
    %mul3A_27 = arith.muli %arg1, %mul3A_26 : i32
    "tpu.region"() ({
      %run_scoped3A = tpu.sem_alloc : memref<!tpu.dma_semaphore, #tpu.memory_space<semaphore_mem>>
      %dma_start3A = arith.constant 0 : i32
      %dma_start3A_28 = arith.constant 0 : i32
      %dma_start3A_29 = tpu.memref_slice %arg8[%arg0, %dma_start3A, %dma_start3A_28] : memref<2x10240x128xf32, #tpu.memory_space<hbm>> -> memref<1x10240x128xf32, #tpu.memory_space<hbm>>
      %dma_start3A_30 = tpu.memref_squeeze %dma_start3A_29 : memref<1x10240x128xf32, #tpu.memory_space<hbm>> -> memref<10240x128xf32, #tpu.memory_space<hbm>>
      %dma_start3A_31 = arith.constant 0 : i32
      %dma_start3A_32 = tpu.memref_slice %dma_start3A_30[%mul3A_27, %dma_start3A_31] : memref<10240x128xf32, #tpu.memory_space<hbm>> -> memref<640x128xf32, #tpu.memory_space<hbm>>
      %dma_start3A_33 = arith.constant 0 : i32
      %dma_start3A_34 = tpu.memref_slice %arg13[%mul3A_27, %dma_start3A_33] : memref<10240x128xf32, #tpu.memory_space<vmem_shared>> -> memref<640x128xf32, #tpu.memory_space<vmem_shared>>
      tpu.enqueue_dma source(%dma_start3A_34 : memref<640x128xf32, #tpu.memory_space<vmem_shared>>) target(%dma_start3A_32 : memref<640x128xf32, #tpu.memory_space<hbm>>) target_semaphore(%run_scoped3A : memref<!tpu.dma_semaphore, #tpu.memory_space<semaphore_mem>>)
      %dma_wait3A = arith.constant 0 : i32
      %dma_wait3A_35 = arith.constant 0 : i32
      %dma_wait3A_36 = tpu.memref_slice %arg8[%arg0, %dma_wait3A, %dma_wait3A_35] : memref<2x10240x128xf32, #tpu.memory_space<hbm>> -> memref<1x10240x128xf32, #tpu.memory_space<hbm>>
      %dma_wait3A_37 = tpu.memref_squeeze %dma_wait3A_36 : memref<1x10240x128xf32, #tpu.memory_space<hbm>> -> memref<10240x128xf32, #tpu.memory_space<hbm>>
      %dma_wait3A_38 = arith.constant 0 : i32
      %dma_wait3A_39 = tpu.memref_slice %dma_wait3A_37[%mul3A_27, %dma_wait3A_38] : memref<10240x128xf32, #tpu.memory_space<hbm>> -> memref<640x128xf32, #tpu.memory_space<hbm>>
      %dma_wait3A_40 = arith.constant 0 : i32
      %dma_wait3A_41 = tpu.memref_slice %arg13[%mul3A_27, %dma_wait3A_40] : memref<10240x128xf32, #tpu.memory_space<vmem_shared>> -> memref<640x128xf32, #tpu.memory_space<vmem_shared>>
      tpu.wait_dma2 semaphore(%run_scoped3A : memref<!tpu.dma_semaphore, #tpu.memory_space<semaphore_mem>>) src(%dma_wait3A_41 : memref<640x128xf32, #tpu.memory_space<vmem_shared>>) dst(%dma_wait3A_39 : memref<640x128xf32, #tpu.memory_space<hbm>>)
      tpu.yield
    }) : () -> ()
    return
  }
}

#map = affine_map<(d0, d1) -> (0, 0, 0)>
#map1 = affine_map<(d0, d1) -> (0, 0)>
module attributes {stable_mosaic.version = 14 : i64} {
  func.func @_sc_prop(%arg0: i32, %arg1: i32, %arg2: memref<16x54x128xi32, #tpu.memory_space<hbm>>, %arg3: memref<16x54x128xi32, #tpu.memory_space<hbm>>, %arg4: memref<16x26x128xi32, #tpu.memory_space<hbm>>, %arg5: memref<16x26x128xi32, #tpu.memory_space<hbm>>, %arg6: memref<10240x128xf32, #tpu.memory_space<hbm>>, %arg7: memref<128x128xf32, #tpu.memory_space<hbm>>, %arg8: memref<2x10240x128xf32, #tpu.memory_space<hbm>>, %arg9: memref<54x128xi32, #tpu.memory_space<vmem>>, %arg10: memref<54x128xi32, #tpu.memory_space<vmem>>, %arg11: memref<128x128xf32, #tpu.memory_space<vmem>>, %arg12: memref<128x128xf32, #tpu.memory_space<vmem>>, %arg13: memref<10240x128xf32, #tpu.memory_space<vmem_shared>>, %arg14: memref<!tpu.dma_semaphore, #tpu.memory_space<semaphore_mem>>, %arg15: memref<!tpu.dma_semaphore, #tpu.memory_space<semaphore_mem>>, %arg16: memref<!tpu.dma_semaphore, #tpu.memory_space<semaphore_mem>>, %arg17: memref<!tpu.dma_semaphore, #tpu.memory_space<semaphore_mem>>) attributes {dimension_semantics = [#tpu.dimension_semantics<core_parallel>, #tpu.dimension_semantics<subcore_parallel>], iteration_bounds = array<i64: 2, 16>, scalar_prefetch = 0 : i64, scratch_operands = 9 : i64, tpu.core_type = #tpu.core_type<sc_vector_subcore>, window_params = [{transform_indices = #map}, {transform_indices = #map}, {transform_indices = #map}, {transform_indices = #map}, {transform_indices = #map1}, {transform_indices = #map1}, {transform_indices = #map}]} {
    %mul3A = arith.constant 640 : i32
    %mul3A_0 = arith.muli %arg1, %mul3A : i32
    %add3A = arith.constant 0 : i32
    %add3A_1 = arith.addi %mul3A_0, %add3A : i32
    "tpu.region"() ({
      %run_scoped3A = tpu.sem_alloc : memref<!tpu.dma_semaphore, #tpu.memory_space<semaphore_mem>>
      %dma_start3A = arith.constant 0 : i32
      %dma_start3A_28 = tpu.memref_slice %arg13[%add3A_1, %dma_start3A] : memref<10240x128xf32, #tpu.memory_space<vmem_shared>> -> memref<128x128xf32, #tpu.memory_space<vmem_shared>>
      tpu.enqueue_dma source(%arg7 : memref<128x128xf32, #tpu.memory_space<hbm>>) target(%dma_start3A_28 : memref<128x128xf32, #tpu.memory_space<vmem_shared>>) target_semaphore(%run_scoped3A : memref<!tpu.dma_semaphore, #tpu.memory_space<semaphore_mem>>)
      %dma_wait3A = arith.constant 0 : i32
      %dma_wait3A_29 = tpu.memref_slice %arg13[%add3A_1, %dma_wait3A] : memref<10240x128xf32, #tpu.memory_space<vmem_shared>> -> memref<128x128xf32, #tpu.memory_space<vmem_shared>>
      tpu.wait_dma2 semaphore(%run_scoped3A : memref<!tpu.dma_semaphore, #tpu.memory_space<semaphore_mem>>) src(%arg7 : memref<128x128xf32, #tpu.memory_space<hbm>>) dst(%dma_wait3A_29 : memref<128x128xf32, #tpu.memory_space<vmem_shared>>)
      tpu.yield
    }) : () -> ()
    %mul3A_2 = arith.constant 640 : i32
    %mul3A_3 = arith.muli %arg1, %mul3A_2 : i32
    %add3A_4 = arith.constant 128 : i32
    %add3A_5 = arith.addi %mul3A_3, %add3A_4 : i32
    "tpu.region"() ({
      %run_scoped3A = tpu.sem_alloc : memref<!tpu.dma_semaphore, #tpu.memory_space<semaphore_mem>>
      %dma_start3A = arith.constant 0 : i32
      %dma_start3A_28 = tpu.memref_slice %arg13[%add3A_5, %dma_start3A] : memref<10240x128xf32, #tpu.memory_space<vmem_shared>> -> memref<128x128xf32, #tpu.memory_space<vmem_shared>>
      tpu.enqueue_dma source(%arg7 : memref<128x128xf32, #tpu.memory_space<hbm>>) target(%dma_start3A_28 : memref<128x128xf32, #tpu.memory_space<vmem_shared>>) target_semaphore(%run_scoped3A : memref<!tpu.dma_semaphore, #tpu.memory_space<semaphore_mem>>)
      %dma_wait3A = arith.constant 0 : i32
      %dma_wait3A_29 = tpu.memref_slice %arg13[%add3A_5, %dma_wait3A] : memref<10240x128xf32, #tpu.memory_space<vmem_shared>> -> memref<128x128xf32, #tpu.memory_space<vmem_shared>>
      tpu.wait_dma2 semaphore(%run_scoped3A : memref<!tpu.dma_semaphore, #tpu.memory_space<semaphore_mem>>) src(%arg7 : memref<128x128xf32, #tpu.memory_space<hbm>>) dst(%dma_wait3A_29 : memref<128x128xf32, #tpu.memory_space<vmem_shared>>)
      tpu.yield
    }) : () -> ()
    %mul3A_6 = arith.constant 640 : i32
    %mul3A_7 = arith.muli %arg1, %mul3A_6 : i32
    %add3A_8 = arith.constant 256 : i32
    %add3A_9 = arith.addi %mul3A_7, %add3A_8 : i32
    "tpu.region"() ({
      %run_scoped3A = tpu.sem_alloc : memref<!tpu.dma_semaphore, #tpu.memory_space<semaphore_mem>>
      %dma_start3A = arith.constant 0 : i32
      %dma_start3A_28 = tpu.memref_slice %arg13[%add3A_9, %dma_start3A] : memref<10240x128xf32, #tpu.memory_space<vmem_shared>> -> memref<128x128xf32, #tpu.memory_space<vmem_shared>>
      tpu.enqueue_dma source(%arg7 : memref<128x128xf32, #tpu.memory_space<hbm>>) target(%dma_start3A_28 : memref<128x128xf32, #tpu.memory_space<vmem_shared>>) target_semaphore(%run_scoped3A : memref<!tpu.dma_semaphore, #tpu.memory_space<semaphore_mem>>)
      %dma_wait3A = arith.constant 0 : i32
      %dma_wait3A_29 = tpu.memref_slice %arg13[%add3A_9, %dma_wait3A] : memref<10240x128xf32, #tpu.memory_space<vmem_shared>> -> memref<128x128xf32, #tpu.memory_space<vmem_shared>>
      tpu.wait_dma2 semaphore(%run_scoped3A : memref<!tpu.dma_semaphore, #tpu.memory_space<semaphore_mem>>) src(%arg7 : memref<128x128xf32, #tpu.memory_space<hbm>>) dst(%dma_wait3A_29 : memref<128x128xf32, #tpu.memory_space<vmem_shared>>)
      tpu.yield
    }) : () -> ()
    %mul3A_10 = arith.constant 640 : i32
    %mul3A_11 = arith.muli %arg1, %mul3A_10 : i32
    %add3A_12 = arith.constant 384 : i32
    %add3A_13 = arith.addi %mul3A_11, %add3A_12 : i32
    "tpu.region"() ({
      %run_scoped3A = tpu.sem_alloc : memref<!tpu.dma_semaphore, #tpu.memory_space<semaphore_mem>>
      %dma_start3A = arith.constant 0 : i32
      %dma_start3A_28 = tpu.memref_slice %arg13[%add3A_13, %dma_start3A] : memref<10240x128xf32, #tpu.memory_space<vmem_shared>> -> memref<128x128xf32, #tpu.memory_space<vmem_shared>>
      tpu.enqueue_dma source(%arg7 : memref<128x128xf32, #tpu.memory_space<hbm>>) target(%dma_start3A_28 : memref<128x128xf32, #tpu.memory_space<vmem_shared>>) target_semaphore(%run_scoped3A : memref<!tpu.dma_semaphore, #tpu.memory_space<semaphore_mem>>)
      %dma_wait3A = arith.constant 0 : i32
      %dma_wait3A_29 = tpu.memref_slice %arg13[%add3A_13, %dma_wait3A] : memref<10240x128xf32, #tpu.memory_space<vmem_shared>> -> memref<128x128xf32, #tpu.memory_space<vmem_shared>>
      tpu.wait_dma2 semaphore(%run_scoped3A : memref<!tpu.dma_semaphore, #tpu.memory_space<semaphore_mem>>) src(%arg7 : memref<128x128xf32, #tpu.memory_space<hbm>>) dst(%dma_wait3A_29 : memref<128x128xf32, #tpu.memory_space<vmem_shared>>)
      tpu.yield
    }) : () -> ()
    %mul3A_14 = arith.constant 640 : i32
    %mul3A_15 = arith.muli %arg1, %mul3A_14 : i32
    %add3A_16 = arith.constant 512 : i32
    %add3A_17 = arith.addi %mul3A_15, %add3A_16 : i32
    "tpu.region"() ({
      %run_scoped3A = tpu.sem_alloc : memref<!tpu.dma_semaphore, #tpu.memory_space<semaphore_mem>>
      %dma_start3A = arith.constant 0 : i32
      %dma_start3A_28 = tpu.memref_slice %arg13[%add3A_17, %dma_start3A] : memref<10240x128xf32, #tpu.memory_space<vmem_shared>> -> memref<128x128xf32, #tpu.memory_space<vmem_shared>>
      tpu.enqueue_dma source(%arg7 : memref<128x128xf32, #tpu.memory_space<hbm>>) target(%dma_start3A_28 : memref<128x128xf32, #tpu.memory_space<vmem_shared>>) target_semaphore(%run_scoped3A : memref<!tpu.dma_semaphore, #tpu.memory_space<semaphore_mem>>)
      %dma_wait3A = arith.constant 0 : i32
      %dma_wait3A_29 = tpu.memref_slice %arg13[%add3A_17, %dma_wait3A] : memref<10240x128xf32, #tpu.memory_space<vmem_shared>> -> memref<128x128xf32, #tpu.memory_space<vmem_shared>>
      tpu.wait_dma2 semaphore(%run_scoped3A : memref<!tpu.dma_semaphore, #tpu.memory_space<semaphore_mem>>) src(%arg7 : memref<128x128xf32, #tpu.memory_space<hbm>>) dst(%dma_wait3A_29 : memref<128x128xf32, #tpu.memory_space<vmem_shared>>)
      tpu.yield
    }) : () -> ()
    %barrier3A = arith.constant 0 : index
    tpu.barrier barrier_id(%barrier3A)
    %eq3A = arith.constant 0 : i32
    %eq3A_18 = arith.cmpi eq, %arg0, %eq3A : i32
    %convert_element_type3A = arith.extui %eq3A_18 : i1 to i32
    %cond3A = arith.constant 0 : i32
    %cond3A_19 = arith.cmpi ne, %convert_element_type3A, %cond3A : i32
    scf.if %cond3A_19 {
      "tpu.region"() ({
        %run_scoped3A = tpu.sem_alloc : memref<!tpu.dma_semaphore, #tpu.memory_space<semaphore_mem>>
        %dma_start3A_59 = arith.constant 0 : i32
        %dma_start3A_60 = arith.constant 0 : i32
        %dma_start3A_61 = tpu.memref_slice %arg9[%dma_start3A_59, %dma_start3A_60] : memref<54x128xi32, #tpu.memory_space<vmem>> -> memref<54x128xi32, #tpu.memory_space<vmem>>
        %dma_start3A_62 = arith.constant 0 : i32
        %dma_start3A_63 = arith.constant 0 : i32
        %dma_start3A_64 = tpu.memref_slice %arg2[%arg1, %dma_start3A_62, %dma_start3A_63] : memref<16x54x128xi32, #tpu.memory_space<hbm>> -> memref<1x54x128xi32, #tpu.memory_space<hbm>>
        %dma_start3A_65 = tpu.memref_squeeze %dma_start3A_64 : memref<1x54x128xi32, #tpu.memory_space<hbm>> -> memref<54x128xi32, #tpu.memory_space<hbm>>
        %dma_start3A_66 = arith.constant 0 : i32
        %dma_start3A_67 = arith.constant 0 : i32
        %dma_start3A_68 = tpu.memref_slice %arg9[%dma_start3A_66, %dma_start3A_67] : memref<54x128xi32, #tpu.memory_space<vmem>> -> memref<54x128xi32, #tpu.memory_space<vmem>>
        %dma_start3A_69 = arith.constant 0 : i32
        %dma_start3A_70 = arith.constant 0 : i32
        %dma_start3A_71 = tpu.memref_slice %arg2[%arg1, %dma_start3A_69, %dma_start3A_70] : memref<16x54x128xi32, #tpu.memory_space<hbm>> -> memref<1x54x128xi32, #tpu.memory_space<hbm>>
        %dma_start3A_72 = tpu.memref_squeeze %dma_start3A_71 : memref<1x54x128xi32, #tpu.memory_space<hbm>> -> memref<54x128xi32, #tpu.memory_space<hbm>>
        tpu.enqueue_dma source(%dma_start3A_72 : memref<54x128xi32, #tpu.memory_space<hbm>>) target(%dma_start3A_68 : memref<54x128xi32, #tpu.memory_space<vmem>>) target_semaphore(%run_scoped3A : memref<!tpu.dma_semaphore, #tpu.memory_space<semaphore_mem>>)
        %dma_wait3A_73 = arith.constant 0 : i32
        %dma_wait3A_74 = arith.constant 0 : i32
        %dma_wait3A_75 = tpu.memref_slice %arg9[%dma_wait3A_73, %dma_wait3A_74] : memref<54x128xi32, #tpu.memory_space<vmem>> -> memref<54x128xi32, #tpu.memory_space<vmem>>
        %dma_wait3A_76 = arith.constant 0 : i32
        %dma_wait3A_77 = arith.constant 0 : i32
        %dma_wait3A_78 = tpu.memref_slice %arg2[%arg1, %dma_wait3A_76, %dma_wait3A_77] : memref<16x54x128xi32, #tpu.memory_space<hbm>> -> memref<1x54x128xi32, #tpu.memory_space<hbm>>
        %dma_wait3A_79 = tpu.memref_squeeze %dma_wait3A_78 : memref<1x54x128xi32, #tpu.memory_space<hbm>> -> memref<54x128xi32, #tpu.memory_space<hbm>>
        %dma_wait3A_80 = arith.constant 0 : i32
        %dma_wait3A_81 = arith.constant 0 : i32
        %dma_wait3A_82 = tpu.memref_slice %arg9[%dma_wait3A_80, %dma_wait3A_81] : memref<54x128xi32, #tpu.memory_space<vmem>> -> memref<54x128xi32, #tpu.memory_space<vmem>>
        %dma_wait3A_83 = arith.constant 0 : i32
        %dma_wait3A_84 = arith.constant 0 : i32
        %dma_wait3A_85 = tpu.memref_slice %arg2[%arg1, %dma_wait3A_83, %dma_wait3A_84] : memref<16x54x128xi32, #tpu.memory_space<hbm>> -> memref<1x54x128xi32, #tpu.memory_space<hbm>>
        %dma_wait3A_86 = tpu.memref_squeeze %dma_wait3A_85 : memref<1x54x128xi32, #tpu.memory_space<hbm>> -> memref<54x128xi32, #tpu.memory_space<hbm>>
        tpu.wait_dma2 semaphore(%run_scoped3A : memref<!tpu.dma_semaphore, #tpu.memory_space<semaphore_mem>>) src(%dma_wait3A_86 : memref<54x128xi32, #tpu.memory_space<hbm>>) dst(%dma_wait3A_82 : memref<54x128xi32, #tpu.memory_space<vmem>>)
        tpu.yield
      }) : () -> ()
      "tpu.region"() ({
        %run_scoped3A = tpu.sem_alloc : memref<!tpu.dma_semaphore, #tpu.memory_space<semaphore_mem>>
        %dma_start3A_59 = arith.constant 0 : i32
        %dma_start3A_60 = arith.constant 0 : i32
        %dma_start3A_61 = tpu.memref_slice %arg10[%dma_start3A_59, %dma_start3A_60] : memref<54x128xi32, #tpu.memory_space<vmem>> -> memref<54x128xi32, #tpu.memory_space<vmem>>
        %dma_start3A_62 = arith.constant 0 : i32
        %dma_start3A_63 = arith.constant 0 : i32
        %dma_start3A_64 = tpu.memref_slice %arg3[%arg1, %dma_start3A_62, %dma_start3A_63] : memref<16x54x128xi32, #tpu.memory_space<hbm>> -> memref<1x54x128xi32, #tpu.memory_space<hbm>>
        %dma_start3A_65 = tpu.memref_squeeze %dma_start3A_64 : memref<1x54x128xi32, #tpu.memory_space<hbm>> -> memref<54x128xi32, #tpu.memory_space<hbm>>
        %dma_start3A_66 = arith.constant 0 : i32
        %dma_start3A_67 = arith.constant 0 : i32
        %dma_start3A_68 = tpu.memref_slice %arg10[%dma_start3A_66, %dma_start3A_67] : memref<54x128xi32, #tpu.memory_space<vmem>> -> memref<54x128xi32, #tpu.memory_space<vmem>>
        %dma_start3A_69 = arith.constant 0 : i32
        %dma_start3A_70 = arith.constant 0 : i32
        %dma_start3A_71 = tpu.memref_slice %arg3[%arg1, %dma_start3A_69, %dma_start3A_70] : memref<16x54x128xi32, #tpu.memory_space<hbm>> -> memref<1x54x128xi32, #tpu.memory_space<hbm>>
        %dma_start3A_72 = tpu.memref_squeeze %dma_start3A_71 : memref<1x54x128xi32, #tpu.memory_space<hbm>> -> memref<54x128xi32, #tpu.memory_space<hbm>>
        tpu.enqueue_dma source(%dma_start3A_72 : memref<54x128xi32, #tpu.memory_space<hbm>>) target(%dma_start3A_68 : memref<54x128xi32, #tpu.memory_space<vmem>>) target_semaphore(%run_scoped3A : memref<!tpu.dma_semaphore, #tpu.memory_space<semaphore_mem>>)
        %dma_wait3A_73 = arith.constant 0 : i32
        %dma_wait3A_74 = arith.constant 0 : i32
        %dma_wait3A_75 = tpu.memref_slice %arg10[%dma_wait3A_73, %dma_wait3A_74] : memref<54x128xi32, #tpu.memory_space<vmem>> -> memref<54x128xi32, #tpu.memory_space<vmem>>
        %dma_wait3A_76 = arith.constant 0 : i32
        %dma_wait3A_77 = arith.constant 0 : i32
        %dma_wait3A_78 = tpu.memref_slice %arg3[%arg1, %dma_wait3A_76, %dma_wait3A_77] : memref<16x54x128xi32, #tpu.memory_space<hbm>> -> memref<1x54x128xi32, #tpu.memory_space<hbm>>
        %dma_wait3A_79 = tpu.memref_squeeze %dma_wait3A_78 : memref<1x54x128xi32, #tpu.memory_space<hbm>> -> memref<54x128xi32, #tpu.memory_space<hbm>>
        %dma_wait3A_80 = arith.constant 0 : i32
        %dma_wait3A_81 = arith.constant 0 : i32
        %dma_wait3A_82 = tpu.memref_slice %arg10[%dma_wait3A_80, %dma_wait3A_81] : memref<54x128xi32, #tpu.memory_space<vmem>> -> memref<54x128xi32, #tpu.memory_space<vmem>>
        %dma_wait3A_83 = arith.constant 0 : i32
        %dma_wait3A_84 = arith.constant 0 : i32
        %dma_wait3A_85 = tpu.memref_slice %arg3[%arg1, %dma_wait3A_83, %dma_wait3A_84] : memref<16x54x128xi32, #tpu.memory_space<hbm>> -> memref<1x54x128xi32, #tpu.memory_space<hbm>>
        %dma_wait3A_86 = tpu.memref_squeeze %dma_wait3A_85 : memref<1x54x128xi32, #tpu.memory_space<hbm>> -> memref<54x128xi32, #tpu.memory_space<hbm>>
        tpu.wait_dma2 semaphore(%run_scoped3A : memref<!tpu.dma_semaphore, #tpu.memory_space<semaphore_mem>>) src(%dma_wait3A_86 : memref<54x128xi32, #tpu.memory_space<hbm>>) dst(%dma_wait3A_82 : memref<54x128xi32, #tpu.memory_space<vmem>>)
        tpu.yield
      }) : () -> ()
      %dma_start3A = arith.constant 0 : i32
      %dma_start3A_28 = arith.constant 0 : i32
      %dma_start3A_29 = tpu.memref_slice %arg9[%dma_start3A, %dma_start3A_28] : memref<54x128xi32, #tpu.memory_space<vmem>> -> memref<1x128xi32, #tpu.memory_space<vmem>>
      %dma_start3A_30 = tpu.memref_squeeze %dma_start3A_29 : memref<1x128xi32, #tpu.memory_space<vmem>> -> memref<128xi32, #tpu.memory_space<vmem>>
      %dma_start3A_31 = arith.constant 0 : i32
      %dma_start3A_32 = arith.constant 0 : i32
      %dma_start3A_33 = tpu.memref_slice %arg6[%dma_start3A_31, %dma_start3A_32] : memref<10240x128xf32, #tpu.memory_space<hbm>> -> memref<10240x128xf32, #tpu.memory_space<hbm>>
      tpu.enqueue_indirect_dma source(%dma_start3A_33 : memref<10240x128xf32, #tpu.memory_space<hbm>>) target(%arg11 : memref<128x128xf32, #tpu.memory_space<vmem>>) offsets(%dma_start3A_30 : memref<128xi32, #tpu.memory_space<vmem>>) semaphore(%arg14 : memref<!tpu.dma_semaphore, #tpu.memory_space<semaphore_mem>>)
      %dma_start3A_34 = arith.constant 1 : i32
      %dma_start3A_35 = arith.constant 0 : i32
      %dma_start3A_36 = tpu.memref_slice %arg9[%dma_start3A_34, %dma_start3A_35] : memref<54x128xi32, #tpu.memory_space<vmem>> -> memref<1x128xi32, #tpu.memory_space<vmem>>
      %dma_start3A_37 = tpu.memref_squeeze %dma_start3A_36 : memref<1x128xi32, #tpu.memory_space<vmem>> -> memref<128xi32, #tpu.memory_space<vmem>>
      %dma_start3A_38 = arith.constant 0 : i32
      %dma_start3A_39 = arith.constant 0 : i32
      %dma_start3A_40 = tpu.memref_slice %arg6[%dma_start3A_38, %dma_start3A_39] : memref<10240x128xf32, #tpu.memory_space<hbm>> -> memref<10240x128xf32, #tpu.memory_space<hbm>>
      tpu.enqueue_indirect_dma source(%dma_start3A_40 : memref<10240x128xf32, #tpu.memory_space<hbm>>) target(%arg12 : memref<128x128xf32, #tpu.memory_space<vmem>>) offsets(%dma_start3A_37 : memref<128xi32, #tpu.memory_space<vmem>>) semaphore(%arg15 : memref<!tpu.dma_semaphore, #tpu.memory_space<semaphore_mem>>)
      %scan3A = arith.constant 0 : i32
      %scan3A_41 = arith.constant 0 : i32
      %scan3A_42 = arith.constant 27 : i32
      %scan3A_43 = arith.addi %scan3A_41, %scan3A_42 : i32
      %scan3A_44 = arith.constant 1 : i32
      scf.for %scan3A_59 = %scan3A_41 to %scan3A_43 step %scan3A_44  : i32 {
        %mul3A_60 = arith.constant 2 : i32
        %mul3A_61 = arith.muli %mul3A_60, %scan3A_59 : i32
        %add3A_62 = arith.constant 2 : i32
        %add3A_63 = arith.addi %mul3A_61, %add3A_62 : i32
        %min3A = arith.constant 52 : i32
        %min3A_64 = arith.minsi %add3A_63, %min3A : i32
        %dma_wait3A_65 = arith.constant 0 : i32
        %dma_wait3A_66 = tpu.memref_slice %arg9[%mul3A_61, %dma_wait3A_65] : memref<54x128xi32, #tpu.memory_space<vmem>> -> memref<1x128xi32, #tpu.memory_space<vmem>>
        %dma_wait3A_67 = tpu.memref_squeeze %dma_wait3A_66 : memref<1x128xi32, #tpu.memory_space<vmem>> -> memref<128xi32, #tpu.memory_space<vmem>>
        %dma_wait3A_68 = arith.constant 0 : i32
        %dma_wait3A_69 = arith.constant 0 : i32
        %dma_wait3A_70 = tpu.memref_slice %arg6[%dma_wait3A_68, %dma_wait3A_69] : memref<10240x128xf32, #tpu.memory_space<hbm>> -> memref<10240x128xf32, #tpu.memory_space<hbm>>
        tpu.wait_indirect_dma semaphore(%arg14 : memref<!tpu.dma_semaphore, #tpu.memory_space<semaphore_mem>>) src(%dma_wait3A_70 : memref<10240x128xf32, #tpu.memory_space<hbm>>) dst(%arg11 : memref<128x128xf32, #tpu.memory_space<vmem>>)
        %dma_start3A_71 = arith.constant 0 : i32
        %dma_start3A_72 = tpu.memref_slice %arg10[%mul3A_61, %dma_start3A_71] : memref<54x128xi32, #tpu.memory_space<vmem>> -> memref<1x128xi32, #tpu.memory_space<vmem>>
        %dma_start3A_73 = tpu.memref_squeeze %dma_start3A_72 : memref<1x128xi32, #tpu.memory_space<vmem>> -> memref<128xi32, #tpu.memory_space<vmem>>
        %dma_start3A_74 = arith.constant 0 : i32
        %dma_start3A_75 = arith.constant 0 : i32
        %dma_start3A_76 = tpu.memref_slice %arg13[%dma_start3A_74, %dma_start3A_75] : memref<10240x128xf32, #tpu.memory_space<vmem_shared>> -> memref<10240x128xf32, #tpu.memory_space<vmem_shared>>
        tpu.enqueue_indirect_dma source(%arg11 : memref<128x128xf32, #tpu.memory_space<vmem>>) target(%dma_start3A_76 : memref<10240x128xf32, #tpu.memory_space<vmem_shared>>) offsets(%dma_start3A_73 : memref<128xi32, #tpu.memory_space<vmem>>) semaphore(%arg16 : memref<!tpu.dma_semaphore, #tpu.memory_space<semaphore_mem>>) {add = true}
        %add3A_77 = arith.constant 1 : i32
        %add3A_78 = arith.addi %mul3A_61, %add3A_77 : i32
        %dma_wait3A_79 = arith.constant 0 : i32
        %dma_wait3A_80 = tpu.memref_slice %arg9[%add3A_78, %dma_wait3A_79] : memref<54x128xi32, #tpu.memory_space<vmem>> -> memref<1x128xi32, #tpu.memory_space<vmem>>
        %dma_wait3A_81 = tpu.memref_squeeze %dma_wait3A_80 : memref<1x128xi32, #tpu.memory_space<vmem>> -> memref<128xi32, #tpu.memory_space<vmem>>
        %dma_wait3A_82 = arith.constant 0 : i32
        %dma_wait3A_83 = arith.constant 0 : i32
        %dma_wait3A_84 = tpu.memref_slice %arg6[%dma_wait3A_82, %dma_wait3A_83] : memref<10240x128xf32, #tpu.memory_space<hbm>> -> memref<10240x128xf32, #tpu.memory_space<hbm>>
        tpu.wait_indirect_dma semaphore(%arg15 : memref<!tpu.dma_semaphore, #tpu.memory_space<semaphore_mem>>) src(%dma_wait3A_84 : memref<10240x128xf32, #tpu.memory_space<hbm>>) dst(%arg12 : memref<128x128xf32, #tpu.memory_space<vmem>>)
        %add3A_85 = arith.constant 1 : i32
        %add3A_86 = arith.addi %mul3A_61, %add3A_85 : i32
        %dma_start3A_87 = arith.constant 0 : i32
        %dma_start3A_88 = tpu.memref_slice %arg10[%add3A_86, %dma_start3A_87] : memref<54x128xi32, #tpu.memory_space<vmem>> -> memref<1x128xi32, #tpu.memory_space<vmem>>
        %dma_start3A_89 = tpu.memref_squeeze %dma_start3A_88 : memref<1x128xi32, #tpu.memory_space<vmem>> -> memref<128xi32, #tpu.memory_space<vmem>>
        %dma_start3A_90 = arith.constant 0 : i32
        %dma_start3A_91 = arith.constant 0 : i32
        %dma_start3A_92 = tpu.memref_slice %arg13[%dma_start3A_90, %dma_start3A_91] : memref<10240x128xf32, #tpu.memory_space<vmem_shared>> -> memref<10240x128xf32, #tpu.memory_space<vmem_shared>>
        tpu.enqueue_indirect_dma source(%arg12 : memref<128x128xf32, #tpu.memory_space<vmem>>) target(%dma_start3A_92 : memref<10240x128xf32, #tpu.memory_space<vmem_shared>>) offsets(%dma_start3A_89 : memref<128xi32, #tpu.memory_space<vmem>>) semaphore(%arg17 : memref<!tpu.dma_semaphore, #tpu.memory_space<semaphore_mem>>) {add = true}
        %dma_wait3A_93 = arith.constant 0 : i32
        %dma_wait3A_94 = tpu.memref_slice %arg10[%mul3A_61, %dma_wait3A_93] : memref<54x128xi32, #tpu.memory_space<vmem>> -> memref<1x128xi32, #tpu.memory_space<vmem>>
        %dma_wait3A_95 = tpu.memref_squeeze %dma_wait3A_94 : memref<1x128xi32, #tpu.memory_space<vmem>> -> memref<128xi32, #tpu.memory_space<vmem>>
        %dma_wait3A_96 = arith.constant 0 : i32
        %dma_wait3A_97 = arith.constant 0 : i32
        %dma_wait3A_98 = tpu.memref_slice %arg13[%dma_wait3A_96, %dma_wait3A_97] : memref<10240x128xf32, #tpu.memory_space<vmem_shared>> -> memref<10240x128xf32, #tpu.memory_space<vmem_shared>>
        tpu.wait_indirect_dma semaphore(%arg16 : memref<!tpu.dma_semaphore, #tpu.memory_space<semaphore_mem>>) src(%arg11 : memref<128x128xf32, #tpu.memory_space<vmem>>) dst(%dma_wait3A_98 : memref<10240x128xf32, #tpu.memory_space<vmem_shared>>)
        %dma_start3A_99 = arith.constant 0 : i32
        %dma_start3A_100 = tpu.memref_slice %arg9[%min3A_64, %dma_start3A_99] : memref<54x128xi32, #tpu.memory_space<vmem>> -> memref<1x128xi32, #tpu.memory_space<vmem>>
        %dma_start3A_101 = tpu.memref_squeeze %dma_start3A_100 : memref<1x128xi32, #tpu.memory_space<vmem>> -> memref<128xi32, #tpu.memory_space<vmem>>
        %dma_start3A_102 = arith.constant 0 : i32
        %dma_start3A_103 = arith.constant 0 : i32
        %dma_start3A_104 = tpu.memref_slice %arg6[%dma_start3A_102, %dma_start3A_103] : memref<10240x128xf32, #tpu.memory_space<hbm>> -> memref<10240x128xf32, #tpu.memory_space<hbm>>
        tpu.enqueue_indirect_dma source(%dma_start3A_104 : memref<10240x128xf32, #tpu.memory_space<hbm>>) target(%arg11 : memref<128x128xf32, #tpu.memory_space<vmem>>) offsets(%dma_start3A_101 : memref<128xi32, #tpu.memory_space<vmem>>) semaphore(%arg14 : memref<!tpu.dma_semaphore, #tpu.memory_space<semaphore_mem>>)
        %add3A_105 = arith.constant 1 : i32
        %add3A_106 = arith.addi %mul3A_61, %add3A_105 : i32
        %dma_wait3A_107 = arith.constant 0 : i32
        %dma_wait3A_108 = tpu.memref_slice %arg10[%add3A_106, %dma_wait3A_107] : memref<54x128xi32, #tpu.memory_space<vmem>> -> memref<1x128xi32, #tpu.memory_space<vmem>>
        %dma_wait3A_109 = tpu.memref_squeeze %dma_wait3A_108 : memref<1x128xi32, #tpu.memory_space<vmem>> -> memref<128xi32, #tpu.memory_space<vmem>>
        %dma_wait3A_110 = arith.constant 0 : i32
        %dma_wait3A_111 = arith.constant 0 : i32
        %dma_wait3A_112 = tpu.memref_slice %arg13[%dma_wait3A_110, %dma_wait3A_111] : memref<10240x128xf32, #tpu.memory_space<vmem_shared>> -> memref<10240x128xf32, #tpu.memory_space<vmem_shared>>
        tpu.wait_indirect_dma semaphore(%arg17 : memref<!tpu.dma_semaphore, #tpu.memory_space<semaphore_mem>>) src(%arg12 : memref<128x128xf32, #tpu.memory_space<vmem>>) dst(%dma_wait3A_112 : memref<10240x128xf32, #tpu.memory_space<vmem_shared>>)
        %add3A_113 = arith.constant 1 : i32
        %add3A_114 = arith.addi %min3A_64, %add3A_113 : i32
        %dma_start3A_115 = arith.constant 0 : i32
        %dma_start3A_116 = tpu.memref_slice %arg9[%add3A_114, %dma_start3A_115] : memref<54x128xi32, #tpu.memory_space<vmem>> -> memref<1x128xi32, #tpu.memory_space<vmem>>
        %dma_start3A_117 = tpu.memref_squeeze %dma_start3A_116 : memref<1x128xi32, #tpu.memory_space<vmem>> -> memref<128xi32, #tpu.memory_space<vmem>>
        %dma_start3A_118 = arith.constant 0 : i32
        %dma_start3A_119 = arith.constant 0 : i32
        %dma_start3A_120 = tpu.memref_slice %arg6[%dma_start3A_118, %dma_start3A_119] : memref<10240x128xf32, #tpu.memory_space<hbm>> -> memref<10240x128xf32, #tpu.memory_space<hbm>>
        tpu.enqueue_indirect_dma source(%dma_start3A_120 : memref<10240x128xf32, #tpu.memory_space<hbm>>) target(%arg12 : memref<128x128xf32, #tpu.memory_space<vmem>>) offsets(%dma_start3A_117 : memref<128xi32, #tpu.memory_space<vmem>>) semaphore(%arg15 : memref<!tpu.dma_semaphore, #tpu.memory_space<semaphore_mem>>)
      }
      %scan3A_45 = arith.constant 27 : i32
      %dma_wait3A = arith.constant 52 : i32
      %dma_wait3A_46 = arith.constant 0 : i32
      %dma_wait3A_47 = tpu.memref_slice %arg9[%dma_wait3A, %dma_wait3A_46] : memref<54x128xi32, #tpu.memory_space<vmem>> -> memref<1x128xi32, #tpu.memory_space<vmem>>
      %dma_wait3A_48 = tpu.memref_squeeze %dma_wait3A_47 : memref<1x128xi32, #tpu.memory_space<vmem>> -> memref<128xi32, #tpu.memory_space<vmem>>
      %dma_wait3A_49 = arith.constant 0 : i32
      %dma_wait3A_50 = arith.constant 0 : i32
      %dma_wait3A_51 = tpu.memref_slice %arg6[%dma_wait3A_49, %dma_wait3A_50] : memref<10240x128xf32, #tpu.memory_space<hbm>> -> memref<10240x128xf32, #tpu.memory_space<hbm>>
      tpu.wait_indirect_dma semaphore(%arg14 : memref<!tpu.dma_semaphore, #tpu.memory_space<semaphore_mem>>) src(%dma_wait3A_51 : memref<10240x128xf32, #tpu.memory_space<hbm>>) dst(%arg11 : memref<128x128xf32, #tpu.memory_space<vmem>>)
      %dma_wait3A_52 = arith.constant 53 : i32
      %dma_wait3A_53 = arith.constant 0 : i32
      %dma_wait3A_54 = tpu.memref_slice %arg9[%dma_wait3A_52, %dma_wait3A_53] : memref<54x128xi32, #tpu.memory_space<vmem>> -> memref<1x128xi32, #tpu.memory_space<vmem>>
      %dma_wait3A_55 = tpu.memref_squeeze %dma_wait3A_54 : memref<1x128xi32, #tpu.memory_space<vmem>> -> memref<128xi32, #tpu.memory_space<vmem>>
      %dma_wait3A_56 = arith.constant 0 : i32
      %dma_wait3A_57 = arith.constant 0 : i32
      %dma_wait3A_58 = tpu.memref_slice %arg6[%dma_wait3A_56, %dma_wait3A_57] : memref<10240x128xf32, #tpu.memory_space<hbm>> -> memref<10240x128xf32, #tpu.memory_space<hbm>>
      tpu.wait_indirect_dma semaphore(%arg15 : memref<!tpu.dma_semaphore, #tpu.memory_space<semaphore_mem>>) src(%dma_wait3A_58 : memref<10240x128xf32, #tpu.memory_space<hbm>>) dst(%arg12 : memref<128x128xf32, #tpu.memory_space<vmem>>)
    } else {
    }
    %eq3A_20 = arith.constant 1 : i32
    %eq3A_21 = arith.cmpi eq, %arg0, %eq3A_20 : i32
    %convert_element_type3A_22 = arith.extui %eq3A_21 : i1 to i32
    %cond3A_23 = arith.constant 0 : i32
    %cond3A_24 = arith.cmpi ne, %convert_element_type3A_22, %cond3A_23 : i32
    scf.if %cond3A_24 {
      "tpu.region"() ({
        %run_scoped3A = tpu.sem_alloc : memref<!tpu.dma_semaphore, #tpu.memory_space<semaphore_mem>>
        %dma_start3A_59 = arith.constant 0 : i32
        %dma_start3A_60 = arith.constant 0 : i32
        %dma_start3A_61 = tpu.memref_slice %arg9[%dma_start3A_59, %dma_start3A_60] : memref<54x128xi32, #tpu.memory_space<vmem>> -> memref<26x128xi32, #tpu.memory_space<vmem>>
        %dma_start3A_62 = arith.constant 0 : i32
        %dma_start3A_63 = arith.constant 0 : i32
        %dma_start3A_64 = tpu.memref_slice %arg4[%arg1, %dma_start3A_62, %dma_start3A_63] : memref<16x26x128xi32, #tpu.memory_space<hbm>> -> memref<1x26x128xi32, #tpu.memory_space<hbm>>
        %dma_start3A_65 = tpu.memref_squeeze %dma_start3A_64 : memref<1x26x128xi32, #tpu.memory_space<hbm>> -> memref<26x128xi32, #tpu.memory_space<hbm>>
        %dma_start3A_66 = arith.constant 0 : i32
        %dma_start3A_67 = arith.constant 0 : i32
        %dma_start3A_68 = tpu.memref_slice %arg9[%dma_start3A_66, %dma_start3A_67] : memref<54x128xi32, #tpu.memory_space<vmem>> -> memref<26x128xi32, #tpu.memory_space<vmem>>
        %dma_start3A_69 = arith.constant 0 : i32
        %dma_start3A_70 = arith.constant 0 : i32
        %dma_start3A_71 = tpu.memref_slice %arg4[%arg1, %dma_start3A_69, %dma_start3A_70] : memref<16x26x128xi32, #tpu.memory_space<hbm>> -> memref<1x26x128xi32, #tpu.memory_space<hbm>>
        %dma_start3A_72 = tpu.memref_squeeze %dma_start3A_71 : memref<1x26x128xi32, #tpu.memory_space<hbm>> -> memref<26x128xi32, #tpu.memory_space<hbm>>
        tpu.enqueue_dma source(%dma_start3A_72 : memref<26x128xi32, #tpu.memory_space<hbm>>) target(%dma_start3A_68 : memref<26x128xi32, #tpu.memory_space<vmem>>) target_semaphore(%run_scoped3A : memref<!tpu.dma_semaphore, #tpu.memory_space<semaphore_mem>>)
        %dma_wait3A_73 = arith.constant 0 : i32
        %dma_wait3A_74 = arith.constant 0 : i32
        %dma_wait3A_75 = tpu.memref_slice %arg9[%dma_wait3A_73, %dma_wait3A_74] : memref<54x128xi32, #tpu.memory_space<vmem>> -> memref<26x128xi32, #tpu.memory_space<vmem>>
        %dma_wait3A_76 = arith.constant 0 : i32
        %dma_wait3A_77 = arith.constant 0 : i32
        %dma_wait3A_78 = tpu.memref_slice %arg4[%arg1, %dma_wait3A_76, %dma_wait3A_77] : memref<16x26x128xi32, #tpu.memory_space<hbm>> -> memref<1x26x128xi32, #tpu.memory_space<hbm>>
        %dma_wait3A_79 = tpu.memref_squeeze %dma_wait3A_78 : memref<1x26x128xi32, #tpu.memory_space<hbm>> -> memref<26x128xi32, #tpu.memory_space<hbm>>
        %dma_wait3A_80 = arith.constant 0 : i32
        %dma_wait3A_81 = arith.constant 0 : i32
        %dma_wait3A_82 = tpu.memref_slice %arg9[%dma_wait3A_80, %dma_wait3A_81] : memref<54x128xi32, #tpu.memory_space<vmem>> -> memref<26x128xi32, #tpu.memory_space<vmem>>
        %dma_wait3A_83 = arith.constant 0 : i32
        %dma_wait3A_84 = arith.constant 0 : i32
        %dma_wait3A_85 = tpu.memref_slice %arg4[%arg1, %dma_wait3A_83, %dma_wait3A_84] : memref<16x26x128xi32, #tpu.memory_space<hbm>> -> memref<1x26x128xi32, #tpu.memory_space<hbm>>
        %dma_wait3A_86 = tpu.memref_squeeze %dma_wait3A_85 : memref<1x26x128xi32, #tpu.memory_space<hbm>> -> memref<26x128xi32, #tpu.memory_space<hbm>>
        tpu.wait_dma2 semaphore(%run_scoped3A : memref<!tpu.dma_semaphore, #tpu.memory_space<semaphore_mem>>) src(%dma_wait3A_86 : memref<26x128xi32, #tpu.memory_space<hbm>>) dst(%dma_wait3A_82 : memref<26x128xi32, #tpu.memory_space<vmem>>)
        tpu.yield
      }) : () -> ()
      "tpu.region"() ({
        %run_scoped3A = tpu.sem_alloc : memref<!tpu.dma_semaphore, #tpu.memory_space<semaphore_mem>>
        %dma_start3A_59 = arith.constant 0 : i32
        %dma_start3A_60 = arith.constant 0 : i32
        %dma_start3A_61 = tpu.memref_slice %arg10[%dma_start3A_59, %dma_start3A_60] : memref<54x128xi32, #tpu.memory_space<vmem>> -> memref<26x128xi32, #tpu.memory_space<vmem>>
        %dma_start3A_62 = arith.constant 0 : i32
        %dma_start3A_63 = arith.constant 0 : i32
        %dma_start3A_64 = tpu.memref_slice %arg5[%arg1, %dma_start3A_62, %dma_start3A_63] : memref<16x26x128xi32, #tpu.memory_space<hbm>> -> memref<1x26x128xi32, #tpu.memory_space<hbm>>
        %dma_start3A_65 = tpu.memref_squeeze %dma_start3A_64 : memref<1x26x128xi32, #tpu.memory_space<hbm>> -> memref<26x128xi32, #tpu.memory_space<hbm>>
        %dma_start3A_66 = arith.constant 0 : i32
        %dma_start3A_67 = arith.constant 0 : i32
        %dma_start3A_68 = tpu.memref_slice %arg10[%dma_start3A_66, %dma_start3A_67] : memref<54x128xi32, #tpu.memory_space<vmem>> -> memref<26x128xi32, #tpu.memory_space<vmem>>
        %dma_start3A_69 = arith.constant 0 : i32
        %dma_start3A_70 = arith.constant 0 : i32
        %dma_start3A_71 = tpu.memref_slice %arg5[%arg1, %dma_start3A_69, %dma_start3A_70] : memref<16x26x128xi32, #tpu.memory_space<hbm>> -> memref<1x26x128xi32, #tpu.memory_space<hbm>>
        %dma_start3A_72 = tpu.memref_squeeze %dma_start3A_71 : memref<1x26x128xi32, #tpu.memory_space<hbm>> -> memref<26x128xi32, #tpu.memory_space<hbm>>
        tpu.enqueue_dma source(%dma_start3A_72 : memref<26x128xi32, #tpu.memory_space<hbm>>) target(%dma_start3A_68 : memref<26x128xi32, #tpu.memory_space<vmem>>) target_semaphore(%run_scoped3A : memref<!tpu.dma_semaphore, #tpu.memory_space<semaphore_mem>>)
        %dma_wait3A_73 = arith.constant 0 : i32
        %dma_wait3A_74 = arith.constant 0 : i32
        %dma_wait3A_75 = tpu.memref_slice %arg10[%dma_wait3A_73, %dma_wait3A_74] : memref<54x128xi32, #tpu.memory_space<vmem>> -> memref<26x128xi32, #tpu.memory_space<vmem>>
        %dma_wait3A_76 = arith.constant 0 : i32
        %dma_wait3A_77 = arith.constant 0 : i32
        %dma_wait3A_78 = tpu.memref_slice %arg5[%arg1, %dma_wait3A_76, %dma_wait3A_77] : memref<16x26x128xi32, #tpu.memory_space<hbm>> -> memref<1x26x128xi32, #tpu.memory_space<hbm>>
        %dma_wait3A_79 = tpu.memref_squeeze %dma_wait3A_78 : memref<1x26x128xi32, #tpu.memory_space<hbm>> -> memref<26x128xi32, #tpu.memory_space<hbm>>
        %dma_wait3A_80 = arith.constant 0 : i32
        %dma_wait3A_81 = arith.constant 0 : i32
        %dma_wait3A_82 = tpu.memref_slice %arg10[%dma_wait3A_80, %dma_wait3A_81] : memref<54x128xi32, #tpu.memory_space<vmem>> -> memref<26x128xi32, #tpu.memory_space<vmem>>
        %dma_wait3A_83 = arith.constant 0 : i32
        %dma_wait3A_84 = arith.constant 0 : i32
        %dma_wait3A_85 = tpu.memref_slice %arg5[%arg1, %dma_wait3A_83, %dma_wait3A_84] : memref<16x26x128xi32, #tpu.memory_space<hbm>> -> memref<1x26x128xi32, #tpu.memory_space<hbm>>
        %dma_wait3A_86 = tpu.memref_squeeze %dma_wait3A_85 : memref<1x26x128xi32, #tpu.memory_space<hbm>> -> memref<26x128xi32, #tpu.memory_space<hbm>>
        tpu.wait_dma2 semaphore(%run_scoped3A : memref<!tpu.dma_semaphore, #tpu.memory_space<semaphore_mem>>) src(%dma_wait3A_86 : memref<26x128xi32, #tpu.memory_space<hbm>>) dst(%dma_wait3A_82 : memref<26x128xi32, #tpu.memory_space<vmem>>)
        tpu.yield
      }) : () -> ()
      %dma_start3A = arith.constant 0 : i32
      %dma_start3A_28 = arith.constant 0 : i32
      %dma_start3A_29 = tpu.memref_slice %arg9[%dma_start3A, %dma_start3A_28] : memref<54x128xi32, #tpu.memory_space<vmem>> -> memref<1x128xi32, #tpu.memory_space<vmem>>
      %dma_start3A_30 = tpu.memref_squeeze %dma_start3A_29 : memref<1x128xi32, #tpu.memory_space<vmem>> -> memref<128xi32, #tpu.memory_space<vmem>>
      %dma_start3A_31 = arith.constant 0 : i32
      %dma_start3A_32 = arith.constant 0 : i32
      %dma_start3A_33 = tpu.memref_slice %arg6[%dma_start3A_31, %dma_start3A_32] : memref<10240x128xf32, #tpu.memory_space<hbm>> -> memref<10240x128xf32, #tpu.memory_space<hbm>>
      tpu.enqueue_indirect_dma source(%dma_start3A_33 : memref<10240x128xf32, #tpu.memory_space<hbm>>) target(%arg11 : memref<128x128xf32, #tpu.memory_space<vmem>>) offsets(%dma_start3A_30 : memref<128xi32, #tpu.memory_space<vmem>>) semaphore(%arg14 : memref<!tpu.dma_semaphore, #tpu.memory_space<semaphore_mem>>)
      %dma_start3A_34 = arith.constant 1 : i32
      %dma_start3A_35 = arith.constant 0 : i32
      %dma_start3A_36 = tpu.memref_slice %arg9[%dma_start3A_34, %dma_start3A_35] : memref<54x128xi32, #tpu.memory_space<vmem>> -> memref<1x128xi32, #tpu.memory_space<vmem>>
      %dma_start3A_37 = tpu.memref_squeeze %dma_start3A_36 : memref<1x128xi32, #tpu.memory_space<vmem>> -> memref<128xi32, #tpu.memory_space<vmem>>
      %dma_start3A_38 = arith.constant 0 : i32
      %dma_start3A_39 = arith.constant 0 : i32
      %dma_start3A_40 = tpu.memref_slice %arg6[%dma_start3A_38, %dma_start3A_39] : memref<10240x128xf32, #tpu.memory_space<hbm>> -> memref<10240x128xf32, #tpu.memory_space<hbm>>
      tpu.enqueue_indirect_dma source(%dma_start3A_40 : memref<10240x128xf32, #tpu.memory_space<hbm>>) target(%arg12 : memref<128x128xf32, #tpu.memory_space<vmem>>) offsets(%dma_start3A_37 : memref<128xi32, #tpu.memory_space<vmem>>) semaphore(%arg15 : memref<!tpu.dma_semaphore, #tpu.memory_space<semaphore_mem>>)
      %scan3A = arith.constant 0 : i32
      %scan3A_41 = arith.constant 0 : i32
      %scan3A_42 = arith.constant 13 : i32
      %scan3A_43 = arith.addi %scan3A_41, %scan3A_42 : i32
      %scan3A_44 = arith.constant 1 : i32
      scf.for %scan3A_59 = %scan3A_41 to %scan3A_43 step %scan3A_44  : i32 {
        %mul3A_60 = arith.constant 2 : i32
        %mul3A_61 = arith.muli %mul3A_60, %scan3A_59 : i32
        %add3A_62 = arith.constant 2 : i32
        %add3A_63 = arith.addi %mul3A_61, %add3A_62 : i32
        %min3A = arith.constant 24 : i32
        %min3A_64 = arith.minsi %add3A_63, %min3A : i32
        %dma_wait3A_65 = arith.constant 0 : i32
        %dma_wait3A_66 = tpu.memref_slice %arg9[%mul3A_61, %dma_wait3A_65] : memref<54x128xi32, #tpu.memory_space<vmem>> -> memref<1x128xi32, #tpu.memory_space<vmem>>
        %dma_wait3A_67 = tpu.memref_squeeze %dma_wait3A_66 : memref<1x128xi32, #tpu.memory_space<vmem>> -> memref<128xi32, #tpu.memory_space<vmem>>
        %dma_wait3A_68 = arith.constant 0 : i32
        %dma_wait3A_69 = arith.constant 0 : i32
        %dma_wait3A_70 = tpu.memref_slice %arg6[%dma_wait3A_68, %dma_wait3A_69] : memref<10240x128xf32, #tpu.memory_space<hbm>> -> memref<10240x128xf32, #tpu.memory_space<hbm>>
        tpu.wait_indirect_dma semaphore(%arg14 : memref<!tpu.dma_semaphore, #tpu.memory_space<semaphore_mem>>) src(%dma_wait3A_70 : memref<10240x128xf32, #tpu.memory_space<hbm>>) dst(%arg11 : memref<128x128xf32, #tpu.memory_space<vmem>>)
        %dma_start3A_71 = arith.constant 0 : i32
        %dma_start3A_72 = tpu.memref_slice %arg10[%mul3A_61, %dma_start3A_71] : memref<54x128xi32, #tpu.memory_space<vmem>> -> memref<1x128xi32, #tpu.memory_space<vmem>>
        %dma_start3A_73 = tpu.memref_squeeze %dma_start3A_72 : memref<1x128xi32, #tpu.memory_space<vmem>> -> memref<128xi32, #tpu.memory_space<vmem>>
        %dma_start3A_74 = arith.constant 0 : i32
        %dma_start3A_75 = arith.constant 0 : i32
        %dma_start3A_76 = tpu.memref_slice %arg13[%dma_start3A_74, %dma_start3A_75] : memref<10240x128xf32, #tpu.memory_space<vmem_shared>> -> memref<10240x128xf32, #tpu.memory_space<vmem_shared>>
        tpu.enqueue_indirect_dma source(%arg11 : memref<128x128xf32, #tpu.memory_space<vmem>>) target(%dma_start3A_76 : memref<10240x128xf32, #tpu.memory_space<vmem_shared>>) offsets(%dma_start3A_73 : memref<128xi32, #tpu.memory_space<vmem>>) semaphore(%arg16 : memref<!tpu.dma_semaphore, #tpu.memory_space<semaphore_mem>>) {add = true}
        %add3A_77 = arith.constant 1 : i32
        %add3A_78 = arith.addi %mul3A_61, %add3A_77 : i32
        %dma_wait3A_79 = arith.constant 0 : i32
        %dma_wait3A_80 = tpu.memref_slice %arg9[%add3A_78, %dma_wait3A_79] : memref<54x128xi32, #tpu.memory_space<vmem>> -> memref<1x128xi32, #tpu.memory_space<vmem>>
        %dma_wait3A_81 = tpu.memref_squeeze %dma_wait3A_80 : memref<1x128xi32, #tpu.memory_space<vmem>> -> memref<128xi32, #tpu.memory_space<vmem>>
        %dma_wait3A_82 = arith.constant 0 : i32
        %dma_wait3A_83 = arith.constant 0 : i32
        %dma_wait3A_84 = tpu.memref_slice %arg6[%dma_wait3A_82, %dma_wait3A_83] : memref<10240x128xf32, #tpu.memory_space<hbm>> -> memref<10240x128xf32, #tpu.memory_space<hbm>>
        tpu.wait_indirect_dma semaphore(%arg15 : memref<!tpu.dma_semaphore, #tpu.memory_space<semaphore_mem>>) src(%dma_wait3A_84 : memref<10240x128xf32, #tpu.memory_space<hbm>>) dst(%arg12 : memref<128x128xf32, #tpu.memory_space<vmem>>)
        %add3A_85 = arith.constant 1 : i32
        %add3A_86 = arith.addi %mul3A_61, %add3A_85 : i32
        %dma_start3A_87 = arith.constant 0 : i32
        %dma_start3A_88 = tpu.memref_slice %arg10[%add3A_86, %dma_start3A_87] : memref<54x128xi32, #tpu.memory_space<vmem>> -> memref<1x128xi32, #tpu.memory_space<vmem>>
        %dma_start3A_89 = tpu.memref_squeeze %dma_start3A_88 : memref<1x128xi32, #tpu.memory_space<vmem>> -> memref<128xi32, #tpu.memory_space<vmem>>
        %dma_start3A_90 = arith.constant 0 : i32
        %dma_start3A_91 = arith.constant 0 : i32
        %dma_start3A_92 = tpu.memref_slice %arg13[%dma_start3A_90, %dma_start3A_91] : memref<10240x128xf32, #tpu.memory_space<vmem_shared>> -> memref<10240x128xf32, #tpu.memory_space<vmem_shared>>
        tpu.enqueue_indirect_dma source(%arg12 : memref<128x128xf32, #tpu.memory_space<vmem>>) target(%dma_start3A_92 : memref<10240x128xf32, #tpu.memory_space<vmem_shared>>) offsets(%dma_start3A_89 : memref<128xi32, #tpu.memory_space<vmem>>) semaphore(%arg17 : memref<!tpu.dma_semaphore, #tpu.memory_space<semaphore_mem>>) {add = true}
        %dma_wait3A_93 = arith.constant 0 : i32
        %dma_wait3A_94 = tpu.memref_slice %arg10[%mul3A_61, %dma_wait3A_93] : memref<54x128xi32, #tpu.memory_space<vmem>> -> memref<1x128xi32, #tpu.memory_space<vmem>>
        %dma_wait3A_95 = tpu.memref_squeeze %dma_wait3A_94 : memref<1x128xi32, #tpu.memory_space<vmem>> -> memref<128xi32, #tpu.memory_space<vmem>>
        %dma_wait3A_96 = arith.constant 0 : i32
        %dma_wait3A_97 = arith.constant 0 : i32
        %dma_wait3A_98 = tpu.memref_slice %arg13[%dma_wait3A_96, %dma_wait3A_97] : memref<10240x128xf32, #tpu.memory_space<vmem_shared>> -> memref<10240x128xf32, #tpu.memory_space<vmem_shared>>
        tpu.wait_indirect_dma semaphore(%arg16 : memref<!tpu.dma_semaphore, #tpu.memory_space<semaphore_mem>>) src(%arg11 : memref<128x128xf32, #tpu.memory_space<vmem>>) dst(%dma_wait3A_98 : memref<10240x128xf32, #tpu.memory_space<vmem_shared>>)
        %dma_start3A_99 = arith.constant 0 : i32
        %dma_start3A_100 = tpu.memref_slice %arg9[%min3A_64, %dma_start3A_99] : memref<54x128xi32, #tpu.memory_space<vmem>> -> memref<1x128xi32, #tpu.memory_space<vmem>>
        %dma_start3A_101 = tpu.memref_squeeze %dma_start3A_100 : memref<1x128xi32, #tpu.memory_space<vmem>> -> memref<128xi32, #tpu.memory_space<vmem>>
        %dma_start3A_102 = arith.constant 0 : i32
        %dma_start3A_103 = arith.constant 0 : i32
        %dma_start3A_104 = tpu.memref_slice %arg6[%dma_start3A_102, %dma_start3A_103] : memref<10240x128xf32, #tpu.memory_space<hbm>> -> memref<10240x128xf32, #tpu.memory_space<hbm>>
        tpu.enqueue_indirect_dma source(%dma_start3A_104 : memref<10240x128xf32, #tpu.memory_space<hbm>>) target(%arg11 : memref<128x128xf32, #tpu.memory_space<vmem>>) offsets(%dma_start3A_101 : memref<128xi32, #tpu.memory_space<vmem>>) semaphore(%arg14 : memref<!tpu.dma_semaphore, #tpu.memory_space<semaphore_mem>>)
        %add3A_105 = arith.constant 1 : i32
        %add3A_106 = arith.addi %mul3A_61, %add3A_105 : i32
        %dma_wait3A_107 = arith.constant 0 : i32
        %dma_wait3A_108 = tpu.memref_slice %arg10[%add3A_106, %dma_wait3A_107] : memref<54x128xi32, #tpu.memory_space<vmem>> -> memref<1x128xi32, #tpu.memory_space<vmem>>
        %dma_wait3A_109 = tpu.memref_squeeze %dma_wait3A_108 : memref<1x128xi32, #tpu.memory_space<vmem>> -> memref<128xi32, #tpu.memory_space<vmem>>
        %dma_wait3A_110 = arith.constant 0 : i32
        %dma_wait3A_111 = arith.constant 0 : i32
        %dma_wait3A_112 = tpu.memref_slice %arg13[%dma_wait3A_110, %dma_wait3A_111] : memref<10240x128xf32, #tpu.memory_space<vmem_shared>> -> memref<10240x128xf32, #tpu.memory_space<vmem_shared>>
        tpu.wait_indirect_dma semaphore(%arg17 : memref<!tpu.dma_semaphore, #tpu.memory_space<semaphore_mem>>) src(%arg12 : memref<128x128xf32, #tpu.memory_space<vmem>>) dst(%dma_wait3A_112 : memref<10240x128xf32, #tpu.memory_space<vmem_shared>>)
        %add3A_113 = arith.constant 1 : i32
        %add3A_114 = arith.addi %min3A_64, %add3A_113 : i32
        %dma_start3A_115 = arith.constant 0 : i32
        %dma_start3A_116 = tpu.memref_slice %arg9[%add3A_114, %dma_start3A_115] : memref<54x128xi32, #tpu.memory_space<vmem>> -> memref<1x128xi32, #tpu.memory_space<vmem>>
        %dma_start3A_117 = tpu.memref_squeeze %dma_start3A_116 : memref<1x128xi32, #tpu.memory_space<vmem>> -> memref<128xi32, #tpu.memory_space<vmem>>
        %dma_start3A_118 = arith.constant 0 : i32
        %dma_start3A_119 = arith.constant 0 : i32
        %dma_start3A_120 = tpu.memref_slice %arg6[%dma_start3A_118, %dma_start3A_119] : memref<10240x128xf32, #tpu.memory_space<hbm>> -> memref<10240x128xf32, #tpu.memory_space<hbm>>
        tpu.enqueue_indirect_dma source(%dma_start3A_120 : memref<10240x128xf32, #tpu.memory_space<hbm>>) target(%arg12 : memref<128x128xf32, #tpu.memory_space<vmem>>) offsets(%dma_start3A_117 : memref<128xi32, #tpu.memory_space<vmem>>) semaphore(%arg15 : memref<!tpu.dma_semaphore, #tpu.memory_space<semaphore_mem>>)
      }
      %scan3A_45 = arith.constant 13 : i32
      %dma_wait3A = arith.constant 24 : i32
      %dma_wait3A_46 = arith.constant 0 : i32
      %dma_wait3A_47 = tpu.memref_slice %arg9[%dma_wait3A, %dma_wait3A_46] : memref<54x128xi32, #tpu.memory_space<vmem>> -> memref<1x128xi32, #tpu.memory_space<vmem>>
      %dma_wait3A_48 = tpu.memref_squeeze %dma_wait3A_47 : memref<1x128xi32, #tpu.memory_space<vmem>> -> memref<128xi32, #tpu.memory_space<vmem>>
      %dma_wait3A_49 = arith.constant 0 : i32
      %dma_wait3A_50 = arith.constant 0 : i32
      %dma_wait3A_51 = tpu.memref_slice %arg6[%dma_wait3A_49, %dma_wait3A_50] : memref<10240x128xf32, #tpu.memory_space<hbm>> -> memref<10240x128xf32, #tpu.memory_space<hbm>>
      tpu.wait_indirect_dma semaphore(%arg14 : memref<!tpu.dma_semaphore, #tpu.memory_space<semaphore_mem>>) src(%dma_wait3A_51 : memref<10240x128xf32, #tpu.memory_space<hbm>>) dst(%arg11 : memref<128x128xf32, #tpu.memory_space<vmem>>)
      %dma_wait3A_52 = arith.constant 25 : i32
      %dma_wait3A_53 = arith.constant 0 : i32
      %dma_wait3A_54 = tpu.memref_slice %arg9[%dma_wait3A_52, %dma_wait3A_53] : memref<54x128xi32, #tpu.memory_space<vmem>> -> memref<1x128xi32, #tpu.memory_space<vmem>>
      %dma_wait3A_55 = tpu.memref_squeeze %dma_wait3A_54 : memref<1x128xi32, #tpu.memory_space<vmem>> -> memref<128xi32, #tpu.memory_space<vmem>>
      %dma_wait3A_56 = arith.constant 0 : i32
      %dma_wait3A_57 = arith.constant 0 : i32
      %dma_wait3A_58 = tpu.memref_slice %arg6[%dma_wait3A_56, %dma_wait3A_57] : memref<10240x128xf32, #tpu.memory_space<hbm>> -> memref<10240x128xf32, #tpu.memory_space<hbm>>
      tpu.wait_indirect_dma semaphore(%arg15 : memref<!tpu.dma_semaphore, #tpu.memory_space<semaphore_mem>>) src(%dma_wait3A_58 : memref<10240x128xf32, #tpu.memory_space<hbm>>) dst(%arg12 : memref<128x128xf32, #tpu.memory_space<vmem>>)
    } else {
    }
    %barrier3A_25 = arith.constant 0 : index
    tpu.barrier barrier_id(%barrier3A_25)
    %mul3A_26 = arith.constant 640 : i32
    %mul3A_27 = arith.muli %arg1, %mul3A_26 : i32
    "tpu.region"() ({
      %run_scoped3A = tpu.sem_alloc : memref<!tpu.dma_semaphore, #tpu.memory_space<semaphore_mem>>
      %dma_start3A = arith.constant 0 : i32
      %dma_start3A_28 = arith.constant 0 : i32
      %dma_start3A_29 = tpu.memref_slice %arg8[%arg0, %dma_start3A, %dma_start3A_28] : memref<2x10240x128xf32, #tpu.memory_space<hbm>> -> memref<1x10240x128xf32, #tpu.memory_space<hbm>>
      %dma_start3A_30 = tpu.memref_squeeze %dma_start3A_29 : memref<1x10240x128xf32, #tpu.memory_space<hbm>> -> memref<10240x128xf32, #tpu.memory_space<hbm>>
      %dma_start3A_31 = arith.constant 0 : i32
      %dma_start3A_32 = tpu.memref_slice %dma_start3A_30[%mul3A_27, %dma_start3A_31] : memref<10240x128xf32, #tpu.memory_space<hbm>> -> memref<640x128xf32, #tpu.memory_space<hbm>>
      %dma_start3A_33 = arith.constant 0 : i32
      %dma_start3A_34 = tpu.memref_slice %arg13[%mul3A_27, %dma_start3A_33] : memref<10240x128xf32, #tpu.memory_space<vmem_shared>> -> memref<640x128xf32, #tpu.memory_space<vmem_shared>>
      tpu.enqueue_dma source(%dma_start3A_34 : memref<640x128xf32, #tpu.memory_space<vmem_shared>>) target(%dma_start3A_32 : memref<640x128xf32, #tpu.memory_space<hbm>>) target_semaphore(%run_scoped3A : memref<!tpu.dma_semaphore, #tpu.memory_space<semaphore_mem>>)
      %dma_wait3A = arith.constant 0 : i32
      %dma_wait3A_35 = arith.constant 0 : i32
      %dma_wait3A_36 = tpu.memref_slice %arg8[%arg0, %dma_wait3A, %dma_wait3A_35] : memref<2x10240x128xf32, #tpu.memory_space<hbm>> -> memref<1x10240x128xf32, #tpu.memory_space<hbm>>
      %dma_wait3A_37 = tpu.memref_squeeze %dma_wait3A_36 : memref<1x10240x128xf32, #tpu.memory_space<hbm>> -> memref<10240x128xf32, #tpu.memory_space<hbm>>
      %dma_wait3A_38 = arith.constant 0 : i32
      %dma_wait3A_39 = tpu.memref_slice %dma_wait3A_37[%mul3A_27, %dma_wait3A_38] : memref<10240x128xf32, #tpu.memory_space<hbm>> -> memref<640x128xf32, #tpu.memory_space<hbm>>
      %dma_wait3A_40 = arith.constant 0 : i32
      %dma_wait3A_41 = tpu.memref_slice %arg13[%mul3A_27, %dma_wait3A_40] : memref<10240x128xf32, #tpu.memory_space<vmem_shared>> -> memref<640x128xf32, #tpu.memory_space<vmem_shared>>
      tpu.wait_dma2 semaphore(%run_scoped3A : memref<!tpu.dma_semaphore, #tpu.memory_space<semaphore_mem>>) src(%dma_wait3A_41 : memref<640x128xf32, #tpu.memory_space<vmem_shared>>) dst(%dma_wait3A_39 : memref<640x128xf32, #tpu.memory_space<hbm>>)
      tpu.yield
    }) : () -> ()
    return
  }
}

#map = affine_map<(d0, d1) -> (0, 0, 0)>
#map1 = affine_map<(d0, d1) -> (0, 0)>
module attributes {stable_mosaic.version = 14 : i64} {
  func.func @_sc_perm(%arg0: i32, %arg1: i32, %arg2: memref<32x5x64xi32, #tpu.memory_space<hbm>>, %arg3: memref<10240x128xf32, #tpu.memory_space<hbm>>, %arg4: memref<10240x128xf32, #tpu.memory_space<hbm>>, %arg5: memref<5x64xi32, #tpu.memory_space<vmem>>, %arg6: memref<64x128xf32, #tpu.memory_space<vmem>>, %arg7: memref<!tpu.dma_semaphore, #tpu.memory_space<semaphore_mem>>) attributes {dimension_semantics = [#tpu.dimension_semantics<core_parallel>, #tpu.dimension_semantics<subcore_parallel>], iteration_bounds = array<i64: 2, 16>, scalar_prefetch = 0 : i64, scratch_operands = 3 : i64, tpu.core_type = #tpu.core_type<sc_vector_subcore>, window_params = [{transform_indices = #map}, {transform_indices = #map1}, {transform_indices = #map1}]} {
    %mul3A = arith.constant 2 : i32
    %mul3A_0 = arith.muli %arg1, %mul3A : i32
    %add3A = arith.addi %mul3A_0, %arg0 : i32
    "tpu.region"() ({
      %run_scoped3A = tpu.sem_alloc : memref<!tpu.dma_semaphore, #tpu.memory_space<semaphore_mem>>
      %dma_start3A_89 = arith.constant 0 : i32
      %dma_start3A_90 = arith.constant 0 : i32
      %dma_start3A_91 = tpu.memref_slice %arg2[%add3A, %dma_start3A_89, %dma_start3A_90] : memref<32x5x64xi32, #tpu.memory_space<hbm>> -> memref<1x5x64xi32, #tpu.memory_space<hbm>>
      %dma_start3A_92 = tpu.memref_squeeze %dma_start3A_91 : memref<1x5x64xi32, #tpu.memory_space<hbm>> -> memref<5x64xi32, #tpu.memory_space<hbm>>
      %dma_start3A_93 = arith.constant 0 : i32
      %dma_start3A_94 = arith.constant 0 : i32
      %dma_start3A_95 = tpu.memref_slice %arg2[%add3A, %dma_start3A_93, %dma_start3A_94] : memref<32x5x64xi32, #tpu.memory_space<hbm>> -> memref<1x5x64xi32, #tpu.memory_space<hbm>>
      %dma_start3A_96 = tpu.memref_squeeze %dma_start3A_95 : memref<1x5x64xi32, #tpu.memory_space<hbm>> -> memref<5x64xi32, #tpu.memory_space<hbm>>
      tpu.enqueue_dma source(%dma_start3A_96 : memref<5x64xi32, #tpu.memory_space<hbm>>) target(%arg5 : memref<5x64xi32, #tpu.memory_space<vmem>>) target_semaphore(%run_scoped3A : memref<!tpu.dma_semaphore, #tpu.memory_space<semaphore_mem>>)
      %dma_wait3A_97 = arith.constant 0 : i32
      %dma_wait3A_98 = arith.constant 0 : i32
      %dma_wait3A_99 = tpu.memref_slice %arg2[%add3A, %dma_wait3A_97, %dma_wait3A_98] : memref<32x5x64xi32, #tpu.memory_space<hbm>> -> memref<1x5x64xi32, #tpu.memory_space<hbm>>
      %dma_wait3A_100 = tpu.memref_squeeze %dma_wait3A_99 : memref<1x5x64xi32, #tpu.memory_space<hbm>> -> memref<5x64xi32, #tpu.memory_space<hbm>>
      %dma_wait3A_101 = arith.constant 0 : i32
      %dma_wait3A_102 = arith.constant 0 : i32
      %dma_wait3A_103 = tpu.memref_slice %arg2[%add3A, %dma_wait3A_101, %dma_wait3A_102] : memref<32x5x64xi32, #tpu.memory_space<hbm>> -> memref<1x5x64xi32, #tpu.memory_space<hbm>>
      %dma_wait3A_104 = tpu.memref_squeeze %dma_wait3A_103 : memref<1x5x64xi32, #tpu.memory_space<hbm>> -> memref<5x64xi32, #tpu.memory_space<hbm>>
      tpu.wait_dma2 semaphore(%run_scoped3A : memref<!tpu.dma_semaphore, #tpu.memory_space<semaphore_mem>>) src(%dma_wait3A_104 : memref<5x64xi32, #tpu.memory_space<hbm>>) dst(%arg5 : memref<5x64xi32, #tpu.memory_space<vmem>>)
      tpu.yield
    }) : () -> ()
    %dma_start3A = arith.constant 0 : i32
    %dma_start3A_1 = arith.constant 0 : i32
    %dma_start3A_2 = tpu.memref_slice %arg5[%dma_start3A, %dma_start3A_1] : memref<5x64xi32, #tpu.memory_space<vmem>> -> memref<1x64xi32, #tpu.memory_space<vmem>>
    %dma_start3A_3 = tpu.memref_squeeze %dma_start3A_2 : memref<1x64xi32, #tpu.memory_space<vmem>> -> memref<64xi32, #tpu.memory_space<vmem>>
    %dma_start3A_4 = arith.constant 0 : i32
    %dma_start3A_5 = arith.constant 0 : i32
    %dma_start3A_6 = tpu.memref_slice %arg3[%dma_start3A_4, %dma_start3A_5] : memref<10240x128xf32, #tpu.memory_space<hbm>> -> memref<10240x128xf32, #tpu.memory_space<hbm>>
    tpu.enqueue_indirect_dma source(%dma_start3A_6 : memref<10240x128xf32, #tpu.memory_space<hbm>>) target(%arg6 : memref<64x128xf32, #tpu.memory_space<vmem>>) offsets(%dma_start3A_3 : memref<64xi32, #tpu.memory_space<vmem>>) semaphore(%arg7 : memref<!tpu.dma_semaphore, #tpu.memory_space<semaphore_mem>>)
    %dma_wait3A = arith.constant 0 : i32
    %dma_wait3A_7 = arith.constant 0 : i32
    %dma_wait3A_8 = tpu.memref_slice %arg5[%dma_wait3A, %dma_wait3A_7] : memref<5x64xi32, #tpu.memory_space<vmem>> -> memref<1x64xi32, #tpu.memory_space<vmem>>
    %dma_wait3A_9 = tpu.memref_squeeze %dma_wait3A_8 : memref<1x64xi32, #tpu.memory_space<vmem>> -> memref<64xi32, #tpu.memory_space<vmem>>
    %dma_wait3A_10 = arith.constant 0 : i32
    %dma_wait3A_11 = arith.constant 0 : i32
    %dma_wait3A_12 = tpu.memref_slice %arg3[%dma_wait3A_10, %dma_wait3A_11] : memref<10240x128xf32, #tpu.memory_space<hbm>> -> memref<10240x128xf32, #tpu.memory_space<hbm>>
    tpu.wait_indirect_dma semaphore(%arg7 : memref<!tpu.dma_semaphore, #tpu.memory_space<semaphore_mem>>) src(%dma_wait3A_12 : memref<10240x128xf32, #tpu.memory_space<hbm>>) dst(%arg6 : memref<64x128xf32, #tpu.memory_space<vmem>>)
    %mul3A_13 = arith.constant 320 : i32
    %mul3A_14 = arith.muli %add3A, %mul3A_13 : i32
    %add3A_15 = arith.constant 0 : i32
    %add3A_16 = arith.addi %mul3A_14, %add3A_15 : i32
    "tpu.region"() ({
      %run_scoped3A = tpu.sem_alloc : memref<!tpu.dma_semaphore, #tpu.memory_space<semaphore_mem>>
      %dma_start3A_89 = arith.constant 0 : i32
      %dma_start3A_90 = tpu.memref_slice %arg4[%add3A_16, %dma_start3A_89] : memref<10240x128xf32, #tpu.memory_space<hbm>> -> memref<64x128xf32, #tpu.memory_space<hbm>>
      %dma_start3A_91 = arith.constant 0 : i32
      %dma_start3A_92 = tpu.memref_slice %arg4[%add3A_16, %dma_start3A_91] : memref<10240x128xf32, #tpu.memory_space<hbm>> -> memref<64x128xf32, #tpu.memory_space<hbm>>
      tpu.enqueue_dma source(%arg6 : memref<64x128xf32, #tpu.memory_space<vmem>>) target(%dma_start3A_92 : memref<64x128xf32, #tpu.memory_space<hbm>>) target_semaphore(%run_scoped3A : memref<!tpu.dma_semaphore, #tpu.memory_space<semaphore_mem>>)
      %dma_wait3A_93 = arith.constant 0 : i32
      %dma_wait3A_94 = tpu.memref_slice %arg4[%add3A_16, %dma_wait3A_93] : memref<10240x128xf32, #tpu.memory_space<hbm>> -> memref<64x128xf32, #tpu.memory_space<hbm>>
      %dma_wait3A_95 = arith.constant 0 : i32
      %dma_wait3A_96 = tpu.memref_slice %arg4[%add3A_16, %dma_wait3A_95] : memref<10240x128xf32, #tpu.memory_space<hbm>> -> memref<64x128xf32, #tpu.memory_space<hbm>>
      tpu.wait_dma2 semaphore(%run_scoped3A : memref<!tpu.dma_semaphore, #tpu.memory_space<semaphore_mem>>) src(%arg6 : memref<64x128xf32, #tpu.memory_space<vmem>>) dst(%dma_wait3A_96 : memref<64x128xf32, #tpu.memory_space<hbm>>)
      tpu.yield
    }) : () -> ()
    %dma_start3A_17 = arith.constant 1 : i32
    %dma_start3A_18 = arith.constant 0 : i32
    %dma_start3A_19 = tpu.memref_slice %arg5[%dma_start3A_17, %dma_start3A_18] : memref<5x64xi32, #tpu.memory_space<vmem>> -> memref<1x64xi32, #tpu.memory_space<vmem>>
    %dma_start3A_20 = tpu.memref_squeeze %dma_start3A_19 : memref<1x64xi32, #tpu.memory_space<vmem>> -> memref<64xi32, #tpu.memory_space<vmem>>
    %dma_start3A_21 = arith.constant 0 : i32
    %dma_start3A_22 = arith.constant 0 : i32
    %dma_start3A_23 = tpu.memref_slice %arg3[%dma_start3A_21, %dma_start3A_22] : memref<10240x128xf32, #tpu.memory_space<hbm>> -> memref<10240x128xf32, #tpu.memory_space<hbm>>
    tpu.enqueue_indirect_dma source(%dma_start3A_23 : memref<10240x128xf32, #tpu.memory_space<hbm>>) target(%arg6 : memref<64x128xf32, #tpu.memory_space<vmem>>) offsets(%dma_start3A_20 : memref<64xi32, #tpu.memory_space<vmem>>) semaphore(%arg7 : memref<!tpu.dma_semaphore, #tpu.memory_space<semaphore_mem>>)
    %dma_wait3A_24 = arith.constant 1 : i32
    %dma_wait3A_25 = arith.constant 0 : i32
    %dma_wait3A_26 = tpu.memref_slice %arg5[%dma_wait3A_24, %dma_wait3A_25] : memref<5x64xi32, #tpu.memory_space<vmem>> -> memref<1x64xi32, #tpu.memory_space<vmem>>
    %dma_wait3A_27 = tpu.memref_squeeze %dma_wait3A_26 : memref<1x64xi32, #tpu.memory_space<vmem>> -> memref<64xi32, #tpu.memory_space<vmem>>
    %dma_wait3A_28 = arith.constant 0 : i32
    %dma_wait3A_29 = arith.constant 0 : i32
    %dma_wait3A_30 = tpu.memref_slice %arg3[%dma_wait3A_28, %dma_wait3A_29] : memref<10240x128xf32, #tpu.memory_space<hbm>> -> memref<10240x128xf32, #tpu.memory_space<hbm>>
    tpu.wait_indirect_dma semaphore(%arg7 : memref<!tpu.dma_semaphore, #tpu.memory_space<semaphore_mem>>) src(%dma_wait3A_30 : memref<10240x128xf32, #tpu.memory_space<hbm>>) dst(%arg6 : memref<64x128xf32, #tpu.memory_space<vmem>>)
    %mul3A_31 = arith.constant 320 : i32
    %mul3A_32 = arith.muli %add3A, %mul3A_31 : i32
    %add3A_33 = arith.constant 64 : i32
    %add3A_34 = arith.addi %mul3A_32, %add3A_33 : i32
    "tpu.region"() ({
      %run_scoped3A = tpu.sem_alloc : memref<!tpu.dma_semaphore, #tpu.memory_space<semaphore_mem>>
      %dma_start3A_89 = arith.constant 0 : i32
      %dma_start3A_90 = tpu.memref_slice %arg4[%add3A_34, %dma_start3A_89] : memref<10240x128xf32, #tpu.memory_space<hbm>> -> memref<64x128xf32, #tpu.memory_space<hbm>>
      %dma_start3A_91 = arith.constant 0 : i32
      %dma_start3A_92 = tpu.memref_slice %arg4[%add3A_34, %dma_start3A_91] : memref<10240x128xf32, #tpu.memory_space<hbm>> -> memref<64x128xf32, #tpu.memory_space<hbm>>
      tpu.enqueue_dma source(%arg6 : memref<64x128xf32, #tpu.memory_space<vmem>>) target(%dma_start3A_92 : memref<64x128xf32, #tpu.memory_space<hbm>>) target_semaphore(%run_scoped3A : memref<!tpu.dma_semaphore, #tpu.memory_space<semaphore_mem>>)
      %dma_wait3A_93 = arith.constant 0 : i32
      %dma_wait3A_94 = tpu.memref_slice %arg4[%add3A_34, %dma_wait3A_93] : memref<10240x128xf32, #tpu.memory_space<hbm>> -> memref<64x128xf32, #tpu.memory_space<hbm>>
      %dma_wait3A_95 = arith.constant 0 : i32
      %dma_wait3A_96 = tpu.memref_slice %arg4[%add3A_34, %dma_wait3A_95] : memref<10240x128xf32, #tpu.memory_space<hbm>> -> memref<64x128xf32, #tpu.memory_space<hbm>>
      tpu.wait_dma2 semaphore(%run_scoped3A : memref<!tpu.dma_semaphore, #tpu.memory_space<semaphore_mem>>) src(%arg6 : memref<64x128xf32, #tpu.memory_space<vmem>>) dst(%dma_wait3A_96 : memref<64x128xf32, #tpu.memory_space<hbm>>)
      tpu.yield
    }) : () -> ()
    %dma_start3A_35 = arith.constant 2 : i32
    %dma_start3A_36 = arith.constant 0 : i32
    %dma_start3A_37 = tpu.memref_slice %arg5[%dma_start3A_35, %dma_start3A_36] : memref<5x64xi32, #tpu.memory_space<vmem>> -> memref<1x64xi32, #tpu.memory_space<vmem>>
    %dma_start3A_38 = tpu.memref_squeeze %dma_start3A_37 : memref<1x64xi32, #tpu.memory_space<vmem>> -> memref<64xi32, #tpu.memory_space<vmem>>
    %dma_start3A_39 = arith.constant 0 : i32
    %dma_start3A_40 = arith.constant 0 : i32
    %dma_start3A_41 = tpu.memref_slice %arg3[%dma_start3A_39, %dma_start3A_40] : memref<10240x128xf32, #tpu.memory_space<hbm>> -> memref<10240x128xf32, #tpu.memory_space<hbm>>
    tpu.enqueue_indirect_dma source(%dma_start3A_41 : memref<10240x128xf32, #tpu.memory_space<hbm>>) target(%arg6 : memref<64x128xf32, #tpu.memory_space<vmem>>) offsets(%dma_start3A_38 : memref<64xi32, #tpu.memory_space<vmem>>) semaphore(%arg7 : memref<!tpu.dma_semaphore, #tpu.memory_space<semaphore_mem>>)
    %dma_wait3A_42 = arith.constant 2 : i32
    %dma_wait3A_43 = arith.constant 0 : i32
    %dma_wait3A_44 = tpu.memref_slice %arg5[%dma_wait3A_42, %dma_wait3A_43] : memref<5x64xi32, #tpu.memory_space<vmem>> -> memref<1x64xi32, #tpu.memory_space<vmem>>
    %dma_wait3A_45 = tpu.memref_squeeze %dma_wait3A_44 : memref<1x64xi32, #tpu.memory_space<vmem>> -> memref<64xi32, #tpu.memory_space<vmem>>
    %dma_wait3A_46 = arith.constant 0 : i32
    %dma_wait3A_47 = arith.constant 0 : i32
    %dma_wait3A_48 = tpu.memref_slice %arg3[%dma_wait3A_46, %dma_wait3A_47] : memref<10240x128xf32, #tpu.memory_space<hbm>> -> memref<10240x128xf32, #tpu.memory_space<hbm>>
    tpu.wait_indirect_dma semaphore(%arg7 : memref<!tpu.dma_semaphore, #tpu.memory_space<semaphore_mem>>) src(%dma_wait3A_48 : memref<10240x128xf32, #tpu.memory_space<hbm>>) dst(%arg6 : memref<64x128xf32, #tpu.memory_space<vmem>>)
    %mul3A_49 = arith.constant 320 : i32
    %mul3A_50 = arith.muli %add3A, %mul3A_49 : i32
    %add3A_51 = arith.constant 128 : i32
    %add3A_52 = arith.addi %mul3A_50, %add3A_51 : i32
    "tpu.region"() ({
      %run_scoped3A = tpu.sem_alloc : memref<!tpu.dma_semaphore, #tpu.memory_space<semaphore_mem>>
      %dma_start3A_89 = arith.constant 0 : i32
      %dma_start3A_90 = tpu.memref_slice %arg4[%add3A_52, %dma_start3A_89] : memref<10240x128xf32, #tpu.memory_space<hbm>> -> memref<64x128xf32, #tpu.memory_space<hbm>>
      %dma_start3A_91 = arith.constant 0 : i32
      %dma_start3A_92 = tpu.memref_slice %arg4[%add3A_52, %dma_start3A_91] : memref<10240x128xf32, #tpu.memory_space<hbm>> -> memref<64x128xf32, #tpu.memory_space<hbm>>
      tpu.enqueue_dma source(%arg6 : memref<64x128xf32, #tpu.memory_space<vmem>>) target(%dma_start3A_92 : memref<64x128xf32, #tpu.memory_space<hbm>>) target_semaphore(%run_scoped3A : memref<!tpu.dma_semaphore, #tpu.memory_space<semaphore_mem>>)
      %dma_wait3A_93 = arith.constant 0 : i32
      %dma_wait3A_94 = tpu.memref_slice %arg4[%add3A_52, %dma_wait3A_93] : memref<10240x128xf32, #tpu.memory_space<hbm>> -> memref<64x128xf32, #tpu.memory_space<hbm>>
      %dma_wait3A_95 = arith.constant 0 : i32
      %dma_wait3A_96 = tpu.memref_slice %arg4[%add3A_52, %dma_wait3A_95] : memref<10240x128xf32, #tpu.memory_space<hbm>> -> memref<64x128xf32, #tpu.memory_space<hbm>>
      tpu.wait_dma2 semaphore(%run_scoped3A : memref<!tpu.dma_semaphore, #tpu.memory_space<semaphore_mem>>) src(%arg6 : memref<64x128xf32, #tpu.memory_space<vmem>>) dst(%dma_wait3A_96 : memref<64x128xf32, #tpu.memory_space<hbm>>)
      tpu.yield
    }) : () -> ()
    %dma_start3A_53 = arith.constant 3 : i32
    %dma_start3A_54 = arith.constant 0 : i32
    %dma_start3A_55 = tpu.memref_slice %arg5[%dma_start3A_53, %dma_start3A_54] : memref<5x64xi32, #tpu.memory_space<vmem>> -> memref<1x64xi32, #tpu.memory_space<vmem>>
    %dma_start3A_56 = tpu.memref_squeeze %dma_start3A_55 : memref<1x64xi32, #tpu.memory_space<vmem>> -> memref<64xi32, #tpu.memory_space<vmem>>
    %dma_start3A_57 = arith.constant 0 : i32
    %dma_start3A_58 = arith.constant 0 : i32
    %dma_start3A_59 = tpu.memref_slice %arg3[%dma_start3A_57, %dma_start3A_58] : memref<10240x128xf32, #tpu.memory_space<hbm>> -> memref<10240x128xf32, #tpu.memory_space<hbm>>
    tpu.enqueue_indirect_dma source(%dma_start3A_59 : memref<10240x128xf32, #tpu.memory_space<hbm>>) target(%arg6 : memref<64x128xf32, #tpu.memory_space<vmem>>) offsets(%dma_start3A_56 : memref<64xi32, #tpu.memory_space<vmem>>) semaphore(%arg7 : memref<!tpu.dma_semaphore, #tpu.memory_space<semaphore_mem>>)
    %dma_wait3A_60 = arith.constant 3 : i32
    %dma_wait3A_61 = arith.constant 0 : i32
    %dma_wait3A_62 = tpu.memref_slice %arg5[%dma_wait3A_60, %dma_wait3A_61] : memref<5x64xi32, #tpu.memory_space<vmem>> -> memref<1x64xi32, #tpu.memory_space<vmem>>
    %dma_wait3A_63 = tpu.memref_squeeze %dma_wait3A_62 : memref<1x64xi32, #tpu.memory_space<vmem>> -> memref<64xi32, #tpu.memory_space<vmem>>
    %dma_wait3A_64 = arith.constant 0 : i32
    %dma_wait3A_65 = arith.constant 0 : i32
    %dma_wait3A_66 = tpu.memref_slice %arg3[%dma_wait3A_64, %dma_wait3A_65] : memref<10240x128xf32, #tpu.memory_space<hbm>> -> memref<10240x128xf32, #tpu.memory_space<hbm>>
    tpu.wait_indirect_dma semaphore(%arg7 : memref<!tpu.dma_semaphore, #tpu.memory_space<semaphore_mem>>) src(%dma_wait3A_66 : memref<10240x128xf32, #tpu.memory_space<hbm>>) dst(%arg6 : memref<64x128xf32, #tpu.memory_space<vmem>>)
    %mul3A_67 = arith.constant 320 : i32
    %mul3A_68 = arith.muli %add3A, %mul3A_67 : i32
    %add3A_69 = arith.constant 192 : i32
    %add3A_70 = arith.addi %mul3A_68, %add3A_69 : i32
    "tpu.region"() ({
      %run_scoped3A = tpu.sem_alloc : memref<!tpu.dma_semaphore, #tpu.memory_space<semaphore_mem>>
      %dma_start3A_89 = arith.constant 0 : i32
      %dma_start3A_90 = tpu.memref_slice %arg4[%add3A_70, %dma_start3A_89] : memref<10240x128xf32, #tpu.memory_space<hbm>> -> memref<64x128xf32, #tpu.memory_space<hbm>>
      %dma_start3A_91 = arith.constant 0 : i32
      %dma_start3A_92 = tpu.memref_slice %arg4[%add3A_70, %dma_start3A_91] : memref<10240x128xf32, #tpu.memory_space<hbm>> -> memref<64x128xf32, #tpu.memory_space<hbm>>
      tpu.enqueue_dma source(%arg6 : memref<64x128xf32, #tpu.memory_space<vmem>>) target(%dma_start3A_92 : memref<64x128xf32, #tpu.memory_space<hbm>>) target_semaphore(%run_scoped3A : memref<!tpu.dma_semaphore, #tpu.memory_space<semaphore_mem>>)
      %dma_wait3A_93 = arith.constant 0 : i32
      %dma_wait3A_94 = tpu.memref_slice %arg4[%add3A_70, %dma_wait3A_93] : memref<10240x128xf32, #tpu.memory_space<hbm>> -> memref<64x128xf32, #tpu.memory_space<hbm>>
      %dma_wait3A_95 = arith.constant 0 : i32
      %dma_wait3A_96 = tpu.memref_slice %arg4[%add3A_70, %dma_wait3A_95] : memref<10240x128xf32, #tpu.memory_space<hbm>> -> memref<64x128xf32, #tpu.memory_space<hbm>>
      tpu.wait_dma2 semaphore(%run_scoped3A : memref<!tpu.dma_semaphore, #tpu.memory_space<semaphore_mem>>) src(%arg6 : memref<64x128xf32, #tpu.memory_space<vmem>>) dst(%dma_wait3A_96 : memref<64x128xf32, #tpu.memory_space<hbm>>)
      tpu.yield
    }) : () -> ()
    %dma_start3A_71 = arith.constant 4 : i32
    %dma_start3A_72 = arith.constant 0 : i32
    %dma_start3A_73 = tpu.memref_slice %arg5[%dma_start3A_71, %dma_start3A_72] : memref<5x64xi32, #tpu.memory_space<vmem>> -> memref<1x64xi32, #tpu.memory_space<vmem>>
    %dma_start3A_74 = tpu.memref_squeeze %dma_start3A_73 : memref<1x64xi32, #tpu.memory_space<vmem>> -> memref<64xi32, #tpu.memory_space<vmem>>
    %dma_start3A_75 = arith.constant 0 : i32
    %dma_start3A_76 = arith.constant 0 : i32
    %dma_start3A_77 = tpu.memref_slice %arg3[%dma_start3A_75, %dma_start3A_76] : memref<10240x128xf32, #tpu.memory_space<hbm>> -> memref<10240x128xf32, #tpu.memory_space<hbm>>
    tpu.enqueue_indirect_dma source(%dma_start3A_77 : memref<10240x128xf32, #tpu.memory_space<hbm>>) target(%arg6 : memref<64x128xf32, #tpu.memory_space<vmem>>) offsets(%dma_start3A_74 : memref<64xi32, #tpu.memory_space<vmem>>) semaphore(%arg7 : memref<!tpu.dma_semaphore, #tpu.memory_space<semaphore_mem>>)
    %dma_wait3A_78 = arith.constant 4 : i32
    %dma_wait3A_79 = arith.constant 0 : i32
    %dma_wait3A_80 = tpu.memref_slice %arg5[%dma_wait3A_78, %dma_wait3A_79] : memref<5x64xi32, #tpu.memory_space<vmem>> -> memref<1x64xi32, #tpu.memory_space<vmem>>
    %dma_wait3A_81 = tpu.memref_squeeze %dma_wait3A_80 : memref<1x64xi32, #tpu.memory_space<vmem>> -> memref<64xi32, #tpu.memory_space<vmem>>
    %dma_wait3A_82 = arith.constant 0 : i32
    %dma_wait3A_83 = arith.constant 0 : i32
    %dma_wait3A_84 = tpu.memref_slice %arg3[%dma_wait3A_82, %dma_wait3A_83] : memref<10240x128xf32, #tpu.memory_space<hbm>> -> memref<10240x128xf32, #tpu.memory_space<hbm>>
    tpu.wait_indirect_dma semaphore(%arg7 : memref<!tpu.dma_semaphore, #tpu.memory_space<semaphore_mem>>) src(%dma_wait3A_84 : memref<10240x128xf32, #tpu.memory_space<hbm>>) dst(%arg6 : memref<64x128xf32, #tpu.memory_space<vmem>>)
    %mul3A_85 = arith.constant 320 : i32
    %mul3A_86 = arith.muli %add3A, %mul3A_85 : i32
    %add3A_87 = arith.constant 256 : i32
    %add3A_88 = arith.addi %mul3A_86, %add3A_87 : i32
    "tpu.region"() ({
      %run_scoped3A = tpu.sem_alloc : memref<!tpu.dma_semaphore, #tpu.memory_space<semaphore_mem>>
      %dma_start3A_89 = arith.constant 0 : i32
      %dma_start3A_90 = tpu.memref_slice %arg4[%add3A_88, %dma_start3A_89] : memref<10240x128xf32, #tpu.memory_space<hbm>> -> memref<64x128xf32, #tpu.memory_space<hbm>>
      %dma_start3A_91 = arith.constant 0 : i32
      %dma_start3A_92 = tpu.memref_slice %arg4[%add3A_88, %dma_start3A_91] : memref<10240x128xf32, #tpu.memory_space<hbm>> -> memref<64x128xf32, #tpu.memory_space<hbm>>
      tpu.enqueue_dma source(%arg6 : memref<64x128xf32, #tpu.memory_space<vmem>>) target(%dma_start3A_92 : memref<64x128xf32, #tpu.memory_space<hbm>>) target_semaphore(%run_scoped3A : memref<!tpu.dma_semaphore, #tpu.memory_space<semaphore_mem>>)
      %dma_wait3A_93 = arith.constant 0 : i32
      %dma_wait3A_94 = tpu.memref_slice %arg4[%add3A_88, %dma_wait3A_93] : memref<10240x128xf32, #tpu.memory_space<hbm>> -> memref<64x128xf32, #tpu.memory_space<hbm>>
      %dma_wait3A_95 = arith.constant 0 : i32
      %dma_wait3A_96 = tpu.memref_slice %arg4[%add3A_88, %dma_wait3A_95] : memref<10240x128xf32, #tpu.memory_space<hbm>> -> memref<64x128xf32, #tpu.memory_space<hbm>>
      tpu.wait_dma2 semaphore(%run_scoped3A : memref<!tpu.dma_semaphore, #tpu.memory_space<semaphore_mem>>) src(%arg6 : memref<64x128xf32, #tpu.memory_space<vmem>>) dst(%dma_wait3A_96 : memref<64x128xf32, #tpu.memory_space<hbm>>)
      tpu.yield
    }) : () -> ()
    return
  }
}

#map = affine_map<(d0, d1) -> (0, 0, 0)>
#map1 = affine_map<(d0, d1) -> (0, 0)>
module attributes {stable_mosaic.version = 14 : i64} {
  func.func @_sc_prop(%arg0: i32, %arg1: i32, %arg2: memref<16x54x128xi32, #tpu.memory_space<hbm>>, %arg3: memref<16x54x128xi32, #tpu.memory_space<hbm>>, %arg4: memref<16x26x128xi32, #tpu.memory_space<hbm>>, %arg5: memref<16x26x128xi32, #tpu.memory_space<hbm>>, %arg6: memref<10240x128xf32, #tpu.memory_space<hbm>>, %arg7: memref<128x128xf32, #tpu.memory_space<hbm>>, %arg8: memref<2x10240x128xf32, #tpu.memory_space<hbm>>, %arg9: memref<54x128xi32, #tpu.memory_space<vmem>>, %arg10: memref<54x128xi32, #tpu.memory_space<vmem>>, %arg11: memref<128x128xf32, #tpu.memory_space<vmem>>, %arg12: memref<128x128xf32, #tpu.memory_space<vmem>>, %arg13: memref<10240x128xf32, #tpu.memory_space<vmem_shared>>, %arg14: memref<!tpu.dma_semaphore, #tpu.memory_space<semaphore_mem>>, %arg15: memref<!tpu.dma_semaphore, #tpu.memory_space<semaphore_mem>>, %arg16: memref<!tpu.dma_semaphore, #tpu.memory_space<semaphore_mem>>, %arg17: memref<!tpu.dma_semaphore, #tpu.memory_space<semaphore_mem>>) attributes {dimension_semantics = [#tpu.dimension_semantics<core_parallel>, #tpu.dimension_semantics<subcore_parallel>], iteration_bounds = array<i64: 2, 16>, scalar_prefetch = 0 : i64, scratch_operands = 9 : i64, tpu.core_type = #tpu.core_type<sc_vector_subcore>, window_params = [{transform_indices = #map}, {transform_indices = #map}, {transform_indices = #map}, {transform_indices = #map}, {transform_indices = #map1}, {transform_indices = #map1}, {transform_indices = #map}]} {
    %mul3A = arith.constant 640 : i32
    %mul3A_0 = arith.muli %arg1, %mul3A : i32
    %add3A = arith.constant 0 : i32
    %add3A_1 = arith.addi %mul3A_0, %add3A : i32
    "tpu.region"() ({
      %run_scoped3A = tpu.sem_alloc : memref<!tpu.dma_semaphore, #tpu.memory_space<semaphore_mem>>
      %dma_start3A = arith.constant 0 : i32
      %dma_start3A_28 = tpu.memref_slice %arg13[%add3A_1, %dma_start3A] : memref<10240x128xf32, #tpu.memory_space<vmem_shared>> -> memref<128x128xf32, #tpu.memory_space<vmem_shared>>
      tpu.enqueue_dma source(%arg7 : memref<128x128xf32, #tpu.memory_space<hbm>>) target(%dma_start3A_28 : memref<128x128xf32, #tpu.memory_space<vmem_shared>>) target_semaphore(%run_scoped3A : memref<!tpu.dma_semaphore, #tpu.memory_space<semaphore_mem>>)
      %dma_wait3A = arith.constant 0 : i32
      %dma_wait3A_29 = tpu.memref_slice %arg13[%add3A_1, %dma_wait3A] : memref<10240x128xf32, #tpu.memory_space<vmem_shared>> -> memref<128x128xf32, #tpu.memory_space<vmem_shared>>
      tpu.wait_dma2 semaphore(%run_scoped3A : memref<!tpu.dma_semaphore, #tpu.memory_space<semaphore_mem>>) src(%arg7 : memref<128x128xf32, #tpu.memory_space<hbm>>) dst(%dma_wait3A_29 : memref<128x128xf32, #tpu.memory_space<vmem_shared>>)
      tpu.yield
    }) : () -> ()
    %mul3A_2 = arith.constant 640 : i32
    %mul3A_3 = arith.muli %arg1, %mul3A_2 : i32
    %add3A_4 = arith.constant 128 : i32
    %add3A_5 = arith.addi %mul3A_3, %add3A_4 : i32
    "tpu.region"() ({
      %run_scoped3A = tpu.sem_alloc : memref<!tpu.dma_semaphore, #tpu.memory_space<semaphore_mem>>
      %dma_start3A = arith.constant 0 : i32
      %dma_start3A_28 = tpu.memref_slice %arg13[%add3A_5, %dma_start3A] : memref<10240x128xf32, #tpu.memory_space<vmem_shared>> -> memref<128x128xf32, #tpu.memory_space<vmem_shared>>
      tpu.enqueue_dma source(%arg7 : memref<128x128xf32, #tpu.memory_space<hbm>>) target(%dma_start3A_28 : memref<128x128xf32, #tpu.memory_space<vmem_shared>>) target_semaphore(%run_scoped3A : memref<!tpu.dma_semaphore, #tpu.memory_space<semaphore_mem>>)
      %dma_wait3A = arith.constant 0 : i32
      %dma_wait3A_29 = tpu.memref_slice %arg13[%add3A_5, %dma_wait3A] : memref<10240x128xf32, #tpu.memory_space<vmem_shared>> -> memref<128x128xf32, #tpu.memory_space<vmem_shared>>
      tpu.wait_dma2 semaphore(%run_scoped3A : memref<!tpu.dma_semaphore, #tpu.memory_space<semaphore_mem>>) src(%arg7 : memref<128x128xf32, #tpu.memory_space<hbm>>) dst(%dma_wait3A_29 : memref<128x128xf32, #tpu.memory_space<vmem_shared>>)
      tpu.yield
    }) : () -> ()
    %mul3A_6 = arith.constant 640 : i32
    %mul3A_7 = arith.muli %arg1, %mul3A_6 : i32
    %add3A_8 = arith.constant 256 : i32
    %add3A_9 = arith.addi %mul3A_7, %add3A_8 : i32
    "tpu.region"() ({
      %run_scoped3A = tpu.sem_alloc : memref<!tpu.dma_semaphore, #tpu.memory_space<semaphore_mem>>
      %dma_start3A = arith.constant 0 : i32
      %dma_start3A_28 = tpu.memref_slice %arg13[%add3A_9, %dma_start3A] : memref<10240x128xf32, #tpu.memory_space<vmem_shared>> -> memref<128x128xf32, #tpu.memory_space<vmem_shared>>
      tpu.enqueue_dma source(%arg7 : memref<128x128xf32, #tpu.memory_space<hbm>>) target(%dma_start3A_28 : memref<128x128xf32, #tpu.memory_space<vmem_shared>>) target_semaphore(%run_scoped3A : memref<!tpu.dma_semaphore, #tpu.memory_space<semaphore_mem>>)
      %dma_wait3A = arith.constant 0 : i32
      %dma_wait3A_29 = tpu.memref_slice %arg13[%add3A_9, %dma_wait3A] : memref<10240x128xf32, #tpu.memory_space<vmem_shared>> -> memref<128x128xf32, #tpu.memory_space<vmem_shared>>
      tpu.wait_dma2 semaphore(%run_scoped3A : memref<!tpu.dma_semaphore, #tpu.memory_space<semaphore_mem>>) src(%arg7 : memref<128x128xf32, #tpu.memory_space<hbm>>) dst(%dma_wait3A_29 : memref<128x128xf32, #tpu.memory_space<vmem_shared>>)
      tpu.yield
    }) : () -> ()
    %mul3A_10 = arith.constant 640 : i32
    %mul3A_11 = arith.muli %arg1, %mul3A_10 : i32
    %add3A_12 = arith.constant 384 : i32
    %add3A_13 = arith.addi %mul3A_11, %add3A_12 : i32
    "tpu.region"() ({
      %run_scoped3A = tpu.sem_alloc : memref<!tpu.dma_semaphore, #tpu.memory_space<semaphore_mem>>
      %dma_start3A = arith.constant 0 : i32
      %dma_start3A_28 = tpu.memref_slice %arg13[%add3A_13, %dma_start3A] : memref<10240x128xf32, #tpu.memory_space<vmem_shared>> -> memref<128x128xf32, #tpu.memory_space<vmem_shared>>
      tpu.enqueue_dma source(%arg7 : memref<128x128xf32, #tpu.memory_space<hbm>>) target(%dma_start3A_28 : memref<128x128xf32, #tpu.memory_space<vmem_shared>>) target_semaphore(%run_scoped3A : memref<!tpu.dma_semaphore, #tpu.memory_space<semaphore_mem>>)
      %dma_wait3A = arith.constant 0 : i32
      %dma_wait3A_29 = tpu.memref_slice %arg13[%add3A_13, %dma_wait3A] : memref<10240x128xf32, #tpu.memory_space<vmem_shared>> -> memref<128x128xf32, #tpu.memory_space<vmem_shared>>
      tpu.wait_dma2 semaphore(%run_scoped3A : memref<!tpu.dma_semaphore, #tpu.memory_space<semaphore_mem>>) src(%arg7 : memref<128x128xf32, #tpu.memory_space<hbm>>) dst(%dma_wait3A_29 : memref<128x128xf32, #tpu.memory_space<vmem_shared>>)
      tpu.yield
    }) : () -> ()
    %mul3A_14 = arith.constant 640 : i32
    %mul3A_15 = arith.muli %arg1, %mul3A_14 : i32
    %add3A_16 = arith.constant 512 : i32
    %add3A_17 = arith.addi %mul3A_15, %add3A_16 : i32
    "tpu.region"() ({
      %run_scoped3A = tpu.sem_alloc : memref<!tpu.dma_semaphore, #tpu.memory_space<semaphore_mem>>
      %dma_start3A = arith.constant 0 : i32
      %dma_start3A_28 = tpu.memref_slice %arg13[%add3A_17, %dma_start3A] : memref<10240x128xf32, #tpu.memory_space<vmem_shared>> -> memref<128x128xf32, #tpu.memory_space<vmem_shared>>
      tpu.enqueue_dma source(%arg7 : memref<128x128xf32, #tpu.memory_space<hbm>>) target(%dma_start3A_28 : memref<128x128xf32, #tpu.memory_space<vmem_shared>>) target_semaphore(%run_scoped3A : memref<!tpu.dma_semaphore, #tpu.memory_space<semaphore_mem>>)
      %dma_wait3A = arith.constant 0 : i32
      %dma_wait3A_29 = tpu.memref_slice %arg13[%add3A_17, %dma_wait3A] : memref<10240x128xf32, #tpu.memory_space<vmem_shared>> -> memref<128x128xf32, #tpu.memory_space<vmem_shared>>
      tpu.wait_dma2 semaphore(%run_scoped3A : memref<!tpu.dma_semaphore, #tpu.memory_space<semaphore_mem>>) src(%arg7 : memref<128x128xf32, #tpu.memory_space<hbm>>) dst(%dma_wait3A_29 : memref<128x128xf32, #tpu.memory_space<vmem_shared>>)
      tpu.yield
    }) : () -> ()
    %barrier3A = arith.constant 0 : index
    tpu.barrier barrier_id(%barrier3A)
    %eq3A = arith.constant 0 : i32
    %eq3A_18 = arith.cmpi eq, %arg0, %eq3A : i32
    %convert_element_type3A = arith.extui %eq3A_18 : i1 to i32
    %cond3A = arith.constant 0 : i32
    %cond3A_19 = arith.cmpi ne, %convert_element_type3A, %cond3A : i32
    scf.if %cond3A_19 {
      "tpu.region"() ({
        %run_scoped3A = tpu.sem_alloc : memref<!tpu.dma_semaphore, #tpu.memory_space<semaphore_mem>>
        %dma_start3A_59 = arith.constant 0 : i32
        %dma_start3A_60 = arith.constant 0 : i32
        %dma_start3A_61 = tpu.memref_slice %arg9[%dma_start3A_59, %dma_start3A_60] : memref<54x128xi32, #tpu.memory_space<vmem>> -> memref<54x128xi32, #tpu.memory_space<vmem>>
        %dma_start3A_62 = arith.constant 0 : i32
        %dma_start3A_63 = arith.constant 0 : i32
        %dma_start3A_64 = tpu.memref_slice %arg2[%arg1, %dma_start3A_62, %dma_start3A_63] : memref<16x54x128xi32, #tpu.memory_space<hbm>> -> memref<1x54x128xi32, #tpu.memory_space<hbm>>
        %dma_start3A_65 = tpu.memref_squeeze %dma_start3A_64 : memref<1x54x128xi32, #tpu.memory_space<hbm>> -> memref<54x128xi32, #tpu.memory_space<hbm>>
        %dma_start3A_66 = arith.constant 0 : i32
        %dma_start3A_67 = arith.constant 0 : i32
        %dma_start3A_68 = tpu.memref_slice %arg9[%dma_start3A_66, %dma_start3A_67] : memref<54x128xi32, #tpu.memory_space<vmem>> -> memref<54x128xi32, #tpu.memory_space<vmem>>
        %dma_start3A_69 = arith.constant 0 : i32
        %dma_start3A_70 = arith.constant 0 : i32
        %dma_start3A_71 = tpu.memref_slice %arg2[%arg1, %dma_start3A_69, %dma_start3A_70] : memref<16x54x128xi32, #tpu.memory_space<hbm>> -> memref<1x54x128xi32, #tpu.memory_space<hbm>>
        %dma_start3A_72 = tpu.memref_squeeze %dma_start3A_71 : memref<1x54x128xi32, #tpu.memory_space<hbm>> -> memref<54x128xi32, #tpu.memory_space<hbm>>
        tpu.enqueue_dma source(%dma_start3A_72 : memref<54x128xi32, #tpu.memory_space<hbm>>) target(%dma_start3A_68 : memref<54x128xi32, #tpu.memory_space<vmem>>) target_semaphore(%run_scoped3A : memref<!tpu.dma_semaphore, #tpu.memory_space<semaphore_mem>>)
        %dma_wait3A_73 = arith.constant 0 : i32
        %dma_wait3A_74 = arith.constant 0 : i32
        %dma_wait3A_75 = tpu.memref_slice %arg9[%dma_wait3A_73, %dma_wait3A_74] : memref<54x128xi32, #tpu.memory_space<vmem>> -> memref<54x128xi32, #tpu.memory_space<vmem>>
        %dma_wait3A_76 = arith.constant 0 : i32
        %dma_wait3A_77 = arith.constant 0 : i32
        %dma_wait3A_78 = tpu.memref_slice %arg2[%arg1, %dma_wait3A_76, %dma_wait3A_77] : memref<16x54x128xi32, #tpu.memory_space<hbm>> -> memref<1x54x128xi32, #tpu.memory_space<hbm>>
        %dma_wait3A_79 = tpu.memref_squeeze %dma_wait3A_78 : memref<1x54x128xi32, #tpu.memory_space<hbm>> -> memref<54x128xi32, #tpu.memory_space<hbm>>
        %dma_wait3A_80 = arith.constant 0 : i32
        %dma_wait3A_81 = arith.constant 0 : i32
        %dma_wait3A_82 = tpu.memref_slice %arg9[%dma_wait3A_80, %dma_wait3A_81] : memref<54x128xi32, #tpu.memory_space<vmem>> -> memref<54x128xi32, #tpu.memory_space<vmem>>
        %dma_wait3A_83 = arith.constant 0 : i32
        %dma_wait3A_84 = arith.constant 0 : i32
        %dma_wait3A_85 = tpu.memref_slice %arg2[%arg1, %dma_wait3A_83, %dma_wait3A_84] : memref<16x54x128xi32, #tpu.memory_space<hbm>> -> memref<1x54x128xi32, #tpu.memory_space<hbm>>
        %dma_wait3A_86 = tpu.memref_squeeze %dma_wait3A_85 : memref<1x54x128xi32, #tpu.memory_space<hbm>> -> memref<54x128xi32, #tpu.memory_space<hbm>>
        tpu.wait_dma2 semaphore(%run_scoped3A : memref<!tpu.dma_semaphore, #tpu.memory_space<semaphore_mem>>) src(%dma_wait3A_86 : memref<54x128xi32, #tpu.memory_space<hbm>>) dst(%dma_wait3A_82 : memref<54x128xi32, #tpu.memory_space<vmem>>)
        tpu.yield
      }) : () -> ()
      "tpu.region"() ({
        %run_scoped3A = tpu.sem_alloc : memref<!tpu.dma_semaphore, #tpu.memory_space<semaphore_mem>>
        %dma_start3A_59 = arith.constant 0 : i32
        %dma_start3A_60 = arith.constant 0 : i32
        %dma_start3A_61 = tpu.memref_slice %arg10[%dma_start3A_59, %dma_start3A_60] : memref<54x128xi32, #tpu.memory_space<vmem>> -> memref<54x128xi32, #tpu.memory_space<vmem>>
        %dma_start3A_62 = arith.constant 0 : i32
        %dma_start3A_63 = arith.constant 0 : i32
        %dma_start3A_64 = tpu.memref_slice %arg3[%arg1, %dma_start3A_62, %dma_start3A_63] : memref<16x54x128xi32, #tpu.memory_space<hbm>> -> memref<1x54x128xi32, #tpu.memory_space<hbm>>
        %dma_start3A_65 = tpu.memref_squeeze %dma_start3A_64 : memref<1x54x128xi32, #tpu.memory_space<hbm>> -> memref<54x128xi32, #tpu.memory_space<hbm>>
        %dma_start3A_66 = arith.constant 0 : i32
        %dma_start3A_67 = arith.constant 0 : i32
        %dma_start3A_68 = tpu.memref_slice %arg10[%dma_start3A_66, %dma_start3A_67] : memref<54x128xi32, #tpu.memory_space<vmem>> -> memref<54x128xi32, #tpu.memory_space<vmem>>
        %dma_start3A_69 = arith.constant 0 : i32
        %dma_start3A_70 = arith.constant 0 : i32
        %dma_start3A_71 = tpu.memref_slice %arg3[%arg1, %dma_start3A_69, %dma_start3A_70] : memref<16x54x128xi32, #tpu.memory_space<hbm>> -> memref<1x54x128xi32, #tpu.memory_space<hbm>>
        %dma_start3A_72 = tpu.memref_squeeze %dma_start3A_71 : memref<1x54x128xi32, #tpu.memory_space<hbm>> -> memref<54x128xi32, #tpu.memory_space<hbm>>
        tpu.enqueue_dma source(%dma_start3A_72 : memref<54x128xi32, #tpu.memory_space<hbm>>) target(%dma_start3A_68 : memref<54x128xi32, #tpu.memory_space<vmem>>) target_semaphore(%run_scoped3A : memref<!tpu.dma_semaphore, #tpu.memory_space<semaphore_mem>>)
        %dma_wait3A_73 = arith.constant 0 : i32
        %dma_wait3A_74 = arith.constant 0 : i32
        %dma_wait3A_75 = tpu.memref_slice %arg10[%dma_wait3A_73, %dma_wait3A_74] : memref<54x128xi32, #tpu.memory_space<vmem>> -> memref<54x128xi32, #tpu.memory_space<vmem>>
        %dma_wait3A_76 = arith.constant 0 : i32
        %dma_wait3A_77 = arith.constant 0 : i32
        %dma_wait3A_78 = tpu.memref_slice %arg3[%arg1, %dma_wait3A_76, %dma_wait3A_77] : memref<16x54x128xi32, #tpu.memory_space<hbm>> -> memref<1x54x128xi32, #tpu.memory_space<hbm>>
        %dma_wait3A_79 = tpu.memref_squeeze %dma_wait3A_78 : memref<1x54x128xi32, #tpu.memory_space<hbm>> -> memref<54x128xi32, #tpu.memory_space<hbm>>
        %dma_wait3A_80 = arith.constant 0 : i32
        %dma_wait3A_81 = arith.constant 0 : i32
        %dma_wait3A_82 = tpu.memref_slice %arg10[%dma_wait3A_80, %dma_wait3A_81] : memref<54x128xi32, #tpu.memory_space<vmem>> -> memref<54x128xi32, #tpu.memory_space<vmem>>
        %dma_wait3A_83 = arith.constant 0 : i32
        %dma_wait3A_84 = arith.constant 0 : i32
        %dma_wait3A_85 = tpu.memref_slice %arg3[%arg1, %dma_wait3A_83, %dma_wait3A_84] : memref<16x54x128xi32, #tpu.memory_space<hbm>> -> memref<1x54x128xi32, #tpu.memory_space<hbm>>
        %dma_wait3A_86 = tpu.memref_squeeze %dma_wait3A_85 : memref<1x54x128xi32, #tpu.memory_space<hbm>> -> memref<54x128xi32, #tpu.memory_space<hbm>>
        tpu.wait_dma2 semaphore(%run_scoped3A : memref<!tpu.dma_semaphore, #tpu.memory_space<semaphore_mem>>) src(%dma_wait3A_86 : memref<54x128xi32, #tpu.memory_space<hbm>>) dst(%dma_wait3A_82 : memref<54x128xi32, #tpu.memory_space<vmem>>)
        tpu.yield
      }) : () -> ()
      %dma_start3A = arith.constant 0 : i32
      %dma_start3A_28 = arith.constant 0 : i32
      %dma_start3A_29 = tpu.memref_slice %arg9[%dma_start3A, %dma_start3A_28] : memref<54x128xi32, #tpu.memory_space<vmem>> -> memref<1x128xi32, #tpu.memory_space<vmem>>
      %dma_start3A_30 = tpu.memref_squeeze %dma_start3A_29 : memref<1x128xi32, #tpu.memory_space<vmem>> -> memref<128xi32, #tpu.memory_space<vmem>>
      %dma_start3A_31 = arith.constant 0 : i32
      %dma_start3A_32 = arith.constant 0 : i32
      %dma_start3A_33 = tpu.memref_slice %arg6[%dma_start3A_31, %dma_start3A_32] : memref<10240x128xf32, #tpu.memory_space<hbm>> -> memref<10240x128xf32, #tpu.memory_space<hbm>>
      tpu.enqueue_indirect_dma source(%dma_start3A_33 : memref<10240x128xf32, #tpu.memory_space<hbm>>) target(%arg11 : memref<128x128xf32, #tpu.memory_space<vmem>>) offsets(%dma_start3A_30 : memref<128xi32, #tpu.memory_space<vmem>>) semaphore(%arg14 : memref<!tpu.dma_semaphore, #tpu.memory_space<semaphore_mem>>)
      %dma_start3A_34 = arith.constant 1 : i32
      %dma_start3A_35 = arith.constant 0 : i32
      %dma_start3A_36 = tpu.memref_slice %arg9[%dma_start3A_34, %dma_start3A_35] : memref<54x128xi32, #tpu.memory_space<vmem>> -> memref<1x128xi32, #tpu.memory_space<vmem>>
      %dma_start3A_37 = tpu.memref_squeeze %dma_start3A_36 : memref<1x128xi32, #tpu.memory_space<vmem>> -> memref<128xi32, #tpu.memory_space<vmem>>
      %dma_start3A_38 = arith.constant 0 : i32
      %dma_start3A_39 = arith.constant 0 : i32
      %dma_start3A_40 = tpu.memref_slice %arg6[%dma_start3A_38, %dma_start3A_39] : memref<10240x128xf32, #tpu.memory_space<hbm>> -> memref<10240x128xf32, #tpu.memory_space<hbm>>
      tpu.enqueue_indirect_dma source(%dma_start3A_40 : memref<10240x128xf32, #tpu.memory_space<hbm>>) target(%arg12 : memref<128x128xf32, #tpu.memory_space<vmem>>) offsets(%dma_start3A_37 : memref<128xi32, #tpu.memory_space<vmem>>) semaphore(%arg15 : memref<!tpu.dma_semaphore, #tpu.memory_space<semaphore_mem>>)
      %scan3A = arith.constant 0 : i32
      %scan3A_41 = arith.constant 0 : i32
      %scan3A_42 = arith.constant 27 : i32
      %scan3A_43 = arith.addi %scan3A_41, %scan3A_42 : i32
      %scan3A_44 = arith.constant 1 : i32
      scf.for %scan3A_59 = %scan3A_41 to %scan3A_43 step %scan3A_44  : i32 {
        %mul3A_60 = arith.constant 2 : i32
        %mul3A_61 = arith.muli %mul3A_60, %scan3A_59 : i32
        %add3A_62 = arith.constant 2 : i32
        %add3A_63 = arith.addi %mul3A_61, %add3A_62 : i32
        %min3A = arith.constant 52 : i32
        %min3A_64 = arith.minsi %add3A_63, %min3A : i32
        %dma_wait3A_65 = arith.constant 0 : i32
        %dma_wait3A_66 = tpu.memref_slice %arg9[%mul3A_61, %dma_wait3A_65] : memref<54x128xi32, #tpu.memory_space<vmem>> -> memref<1x128xi32, #tpu.memory_space<vmem>>
        %dma_wait3A_67 = tpu.memref_squeeze %dma_wait3A_66 : memref<1x128xi32, #tpu.memory_space<vmem>> -> memref<128xi32, #tpu.memory_space<vmem>>
        %dma_wait3A_68 = arith.constant 0 : i32
        %dma_wait3A_69 = arith.constant 0 : i32
        %dma_wait3A_70 = tpu.memref_slice %arg6[%dma_wait3A_68, %dma_wait3A_69] : memref<10240x128xf32, #tpu.memory_space<hbm>> -> memref<10240x128xf32, #tpu.memory_space<hbm>>
        tpu.wait_indirect_dma semaphore(%arg14 : memref<!tpu.dma_semaphore, #tpu.memory_space<semaphore_mem>>) src(%dma_wait3A_70 : memref<10240x128xf32, #tpu.memory_space<hbm>>) dst(%arg11 : memref<128x128xf32, #tpu.memory_space<vmem>>)
        %dma_start3A_71 = arith.constant 0 : i32
        %dma_start3A_72 = tpu.memref_slice %arg10[%mul3A_61, %dma_start3A_71] : memref<54x128xi32, #tpu.memory_space<vmem>> -> memref<1x128xi32, #tpu.memory_space<vmem>>
        %dma_start3A_73 = tpu.memref_squeeze %dma_start3A_72 : memref<1x128xi32, #tpu.memory_space<vmem>> -> memref<128xi32, #tpu.memory_space<vmem>>
        %dma_start3A_74 = arith.constant 0 : i32
        %dma_start3A_75 = arith.constant 0 : i32
        %dma_start3A_76 = tpu.memref_slice %arg13[%dma_start3A_74, %dma_start3A_75] : memref<10240x128xf32, #tpu.memory_space<vmem_shared>> -> memref<10240x128xf32, #tpu.memory_space<vmem_shared>>
        tpu.enqueue_indirect_dma source(%arg11 : memref<128x128xf32, #tpu.memory_space<vmem>>) target(%dma_start3A_76 : memref<10240x128xf32, #tpu.memory_space<vmem_shared>>) offsets(%dma_start3A_73 : memref<128xi32, #tpu.memory_space<vmem>>) semaphore(%arg16 : memref<!tpu.dma_semaphore, #tpu.memory_space<semaphore_mem>>) {add = true}
        %add3A_77 = arith.constant 1 : i32
        %add3A_78 = arith.addi %mul3A_61, %add3A_77 : i32
        %dma_wait3A_79 = arith.constant 0 : i32
        %dma_wait3A_80 = tpu.memref_slice %arg9[%add3A_78, %dma_wait3A_79] : memref<54x128xi32, #tpu.memory_space<vmem>> -> memref<1x128xi32, #tpu.memory_space<vmem>>
        %dma_wait3A_81 = tpu.memref_squeeze %dma_wait3A_80 : memref<1x128xi32, #tpu.memory_space<vmem>> -> memref<128xi32, #tpu.memory_space<vmem>>
        %dma_wait3A_82 = arith.constant 0 : i32
        %dma_wait3A_83 = arith.constant 0 : i32
        %dma_wait3A_84 = tpu.memref_slice %arg6[%dma_wait3A_82, %dma_wait3A_83] : memref<10240x128xf32, #tpu.memory_space<hbm>> -> memref<10240x128xf32, #tpu.memory_space<hbm>>
        tpu.wait_indirect_dma semaphore(%arg15 : memref<!tpu.dma_semaphore, #tpu.memory_space<semaphore_mem>>) src(%dma_wait3A_84 : memref<10240x128xf32, #tpu.memory_space<hbm>>) dst(%arg12 : memref<128x128xf32, #tpu.memory_space<vmem>>)
        %add3A_85 = arith.constant 1 : i32
        %add3A_86 = arith.addi %mul3A_61, %add3A_85 : i32
        %dma_start3A_87 = arith.constant 0 : i32
        %dma_start3A_88 = tpu.memref_slice %arg10[%add3A_86, %dma_start3A_87] : memref<54x128xi32, #tpu.memory_space<vmem>> -> memref<1x128xi32, #tpu.memory_space<vmem>>
        %dma_start3A_89 = tpu.memref_squeeze %dma_start3A_88 : memref<1x128xi32, #tpu.memory_space<vmem>> -> memref<128xi32, #tpu.memory_space<vmem>>
        %dma_start3A_90 = arith.constant 0 : i32
        %dma_start3A_91 = arith.constant 0 : i32
        %dma_start3A_92 = tpu.memref_slice %arg13[%dma_start3A_90, %dma_start3A_91] : memref<10240x128xf32, #tpu.memory_space<vmem_shared>> -> memref<10240x128xf32, #tpu.memory_space<vmem_shared>>
        tpu.enqueue_indirect_dma source(%arg12 : memref<128x128xf32, #tpu.memory_space<vmem>>) target(%dma_start3A_92 : memref<10240x128xf32, #tpu.memory_space<vmem_shared>>) offsets(%dma_start3A_89 : memref<128xi32, #tpu.memory_space<vmem>>) semaphore(%arg17 : memref<!tpu.dma_semaphore, #tpu.memory_space<semaphore_mem>>) {add = true}
        %dma_wait3A_93 = arith.constant 0 : i32
        %dma_wait3A_94 = tpu.memref_slice %arg10[%mul3A_61, %dma_wait3A_93] : memref<54x128xi32, #tpu.memory_space<vmem>> -> memref<1x128xi32, #tpu.memory_space<vmem>>
        %dma_wait3A_95 = tpu.memref_squeeze %dma_wait3A_94 : memref<1x128xi32, #tpu.memory_space<vmem>> -> memref<128xi32, #tpu.memory_space<vmem>>
        %dma_wait3A_96 = arith.constant 0 : i32
        %dma_wait3A_97 = arith.constant 0 : i32
        %dma_wait3A_98 = tpu.memref_slice %arg13[%dma_wait3A_96, %dma_wait3A_97] : memref<10240x128xf32, #tpu.memory_space<vmem_shared>> -> memref<10240x128xf32, #tpu.memory_space<vmem_shared>>
        tpu.wait_indirect_dma semaphore(%arg16 : memref<!tpu.dma_semaphore, #tpu.memory_space<semaphore_mem>>) src(%arg11 : memref<128x128xf32, #tpu.memory_space<vmem>>) dst(%dma_wait3A_98 : memref<10240x128xf32, #tpu.memory_space<vmem_shared>>)
        %dma_start3A_99 = arith.constant 0 : i32
        %dma_start3A_100 = tpu.memref_slice %arg9[%min3A_64, %dma_start3A_99] : memref<54x128xi32, #tpu.memory_space<vmem>> -> memref<1x128xi32, #tpu.memory_space<vmem>>
        %dma_start3A_101 = tpu.memref_squeeze %dma_start3A_100 : memref<1x128xi32, #tpu.memory_space<vmem>> -> memref<128xi32, #tpu.memory_space<vmem>>
        %dma_start3A_102 = arith.constant 0 : i32
        %dma_start3A_103 = arith.constant 0 : i32
        %dma_start3A_104 = tpu.memref_slice %arg6[%dma_start3A_102, %dma_start3A_103] : memref<10240x128xf32, #tpu.memory_space<hbm>> -> memref<10240x128xf32, #tpu.memory_space<hbm>>
        tpu.enqueue_indirect_dma source(%dma_start3A_104 : memref<10240x128xf32, #tpu.memory_space<hbm>>) target(%arg11 : memref<128x128xf32, #tpu.memory_space<vmem>>) offsets(%dma_start3A_101 : memref<128xi32, #tpu.memory_space<vmem>>) semaphore(%arg14 : memref<!tpu.dma_semaphore, #tpu.memory_space<semaphore_mem>>)
        %add3A_105 = arith.constant 1 : i32
        %add3A_106 = arith.addi %mul3A_61, %add3A_105 : i32
        %dma_wait3A_107 = arith.constant 0 : i32
        %dma_wait3A_108 = tpu.memref_slice %arg10[%add3A_106, %dma_wait3A_107] : memref<54x128xi32, #tpu.memory_space<vmem>> -> memref<1x128xi32, #tpu.memory_space<vmem>>
        %dma_wait3A_109 = tpu.memref_squeeze %dma_wait3A_108 : memref<1x128xi32, #tpu.memory_space<vmem>> -> memref<128xi32, #tpu.memory_space<vmem>>
        %dma_wait3A_110 = arith.constant 0 : i32
        %dma_wait3A_111 = arith.constant 0 : i32
        %dma_wait3A_112 = tpu.memref_slice %arg13[%dma_wait3A_110, %dma_wait3A_111] : memref<10240x128xf32, #tpu.memory_space<vmem_shared>> -> memref<10240x128xf32, #tpu.memory_space<vmem_shared>>
        tpu.wait_indirect_dma semaphore(%arg17 : memref<!tpu.dma_semaphore, #tpu.memory_space<semaphore_mem>>) src(%arg12 : memref<128x128xf32, #tpu.memory_space<vmem>>) dst(%dma_wait3A_112 : memref<10240x128xf32, #tpu.memory_space<vmem_shared>>)
        %add3A_113 = arith.constant 1 : i32
        %add3A_114 = arith.addi %min3A_64, %add3A_113 : i32
        %dma_start3A_115 = arith.constant 0 : i32
        %dma_start3A_116 = tpu.memref_slice %arg9[%add3A_114, %dma_start3A_115] : memref<54x128xi32, #tpu.memory_space<vmem>> -> memref<1x128xi32, #tpu.memory_space<vmem>>
        %dma_start3A_117 = tpu.memref_squeeze %dma_start3A_116 : memref<1x128xi32, #tpu.memory_space<vmem>> -> memref<128xi32, #tpu.memory_space<vmem>>
        %dma_start3A_118 = arith.constant 0 : i32
        %dma_start3A_119 = arith.constant 0 : i32
        %dma_start3A_120 = tpu.memref_slice %arg6[%dma_start3A_118, %dma_start3A_119] : memref<10240x128xf32, #tpu.memory_space<hbm>> -> memref<10240x128xf32, #tpu.memory_space<hbm>>
        tpu.enqueue_indirect_dma source(%dma_start3A_120 : memref<10240x128xf32, #tpu.memory_space<hbm>>) target(%arg12 : memref<128x128xf32, #tpu.memory_space<vmem>>) offsets(%dma_start3A_117 : memref<128xi32, #tpu.memory_space<vmem>>) semaphore(%arg15 : memref<!tpu.dma_semaphore, #tpu.memory_space<semaphore_mem>>)
      }
      %scan3A_45 = arith.constant 27 : i32
      %dma_wait3A = arith.constant 52 : i32
      %dma_wait3A_46 = arith.constant 0 : i32
      %dma_wait3A_47 = tpu.memref_slice %arg9[%dma_wait3A, %dma_wait3A_46] : memref<54x128xi32, #tpu.memory_space<vmem>> -> memref<1x128xi32, #tpu.memory_space<vmem>>
      %dma_wait3A_48 = tpu.memref_squeeze %dma_wait3A_47 : memref<1x128xi32, #tpu.memory_space<vmem>> -> memref<128xi32, #tpu.memory_space<vmem>>
      %dma_wait3A_49 = arith.constant 0 : i32
      %dma_wait3A_50 = arith.constant 0 : i32
      %dma_wait3A_51 = tpu.memref_slice %arg6[%dma_wait3A_49, %dma_wait3A_50] : memref<10240x128xf32, #tpu.memory_space<hbm>> -> memref<10240x128xf32, #tpu.memory_space<hbm>>
      tpu.wait_indirect_dma semaphore(%arg14 : memref<!tpu.dma_semaphore, #tpu.memory_space<semaphore_mem>>) src(%dma_wait3A_51 : memref<10240x128xf32, #tpu.memory_space<hbm>>) dst(%arg11 : memref<128x128xf32, #tpu.memory_space<vmem>>)
      %dma_wait3A_52 = arith.constant 53 : i32
      %dma_wait3A_53 = arith.constant 0 : i32
      %dma_wait3A_54 = tpu.memref_slice %arg9[%dma_wait3A_52, %dma_wait3A_53] : memref<54x128xi32, #tpu.memory_space<vmem>> -> memref<1x128xi32, #tpu.memory_space<vmem>>
      %dma_wait3A_55 = tpu.memref_squeeze %dma_wait3A_54 : memref<1x128xi32, #tpu.memory_space<vmem>> -> memref<128xi32, #tpu.memory_space<vmem>>
      %dma_wait3A_56 = arith.constant 0 : i32
      %dma_wait3A_57 = arith.constant 0 : i32
      %dma_wait3A_58 = tpu.memref_slice %arg6[%dma_wait3A_56, %dma_wait3A_57] : memref<10240x128xf32, #tpu.memory_space<hbm>> -> memref<10240x128xf32, #tpu.memory_space<hbm>>
      tpu.wait_indirect_dma semaphore(%arg15 : memref<!tpu.dma_semaphore, #tpu.memory_space<semaphore_mem>>) src(%dma_wait3A_58 : memref<10240x128xf32, #tpu.memory_space<hbm>>) dst(%arg12 : memref<128x128xf32, #tpu.memory_space<vmem>>)
    } else {
    }
    %eq3A_20 = arith.constant 1 : i32
    %eq3A_21 = arith.cmpi eq, %arg0, %eq3A_20 : i32
    %convert_element_type3A_22 = arith.extui %eq3A_21 : i1 to i32
    %cond3A_23 = arith.constant 0 : i32
    %cond3A_24 = arith.cmpi ne, %convert_element_type3A_22, %cond3A_23 : i32
    scf.if %cond3A_24 {
      "tpu.region"() ({
        %run_scoped3A = tpu.sem_alloc : memref<!tpu.dma_semaphore, #tpu.memory_space<semaphore_mem>>
        %dma_start3A_59 = arith.constant 0 : i32
        %dma_start3A_60 = arith.constant 0 : i32
        %dma_start3A_61 = tpu.memref_slice %arg9[%dma_start3A_59, %dma_start3A_60] : memref<54x128xi32, #tpu.memory_space<vmem>> -> memref<26x128xi32, #tpu.memory_space<vmem>>
        %dma_start3A_62 = arith.constant 0 : i32
        %dma_start3A_63 = arith.constant 0 : i32
        %dma_start3A_64 = tpu.memref_slice %arg4[%arg1, %dma_start3A_62, %dma_start3A_63] : memref<16x26x128xi32, #tpu.memory_space<hbm>> -> memref<1x26x128xi32, #tpu.memory_space<hbm>>
        %dma_start3A_65 = tpu.memref_squeeze %dma_start3A_64 : memref<1x26x128xi32, #tpu.memory_space<hbm>> -> memref<26x128xi32, #tpu.memory_space<hbm>>
        %dma_start3A_66 = arith.constant 0 : i32
        %dma_start3A_67 = arith.constant 0 : i32
        %dma_start3A_68 = tpu.memref_slice %arg9[%dma_start3A_66, %dma_start3A_67] : memref<54x128xi32, #tpu.memory_space<vmem>> -> memref<26x128xi32, #tpu.memory_space<vmem>>
        %dma_start3A_69 = arith.constant 0 : i32
        %dma_start3A_70 = arith.constant 0 : i32
        %dma_start3A_71 = tpu.memref_slice %arg4[%arg1, %dma_start3A_69, %dma_start3A_70] : memref<16x26x128xi32, #tpu.memory_space<hbm>> -> memref<1x26x128xi32, #tpu.memory_space<hbm>>
        %dma_start3A_72 = tpu.memref_squeeze %dma_start3A_71 : memref<1x26x128xi32, #tpu.memory_space<hbm>> -> memref<26x128xi32, #tpu.memory_space<hbm>>
        tpu.enqueue_dma source(%dma_start3A_72 : memref<26x128xi32, #tpu.memory_space<hbm>>) target(%dma_start3A_68 : memref<26x128xi32, #tpu.memory_space<vmem>>) target_semaphore(%run_scoped3A : memref<!tpu.dma_semaphore, #tpu.memory_space<semaphore_mem>>)
        %dma_wait3A_73 = arith.constant 0 : i32
        %dma_wait3A_74 = arith.constant 0 : i32
        %dma_wait3A_75 = tpu.memref_slice %arg9[%dma_wait3A_73, %dma_wait3A_74] : memref<54x128xi32, #tpu.memory_space<vmem>> -> memref<26x128xi32, #tpu.memory_space<vmem>>
        %dma_wait3A_76 = arith.constant 0 : i32
        %dma_wait3A_77 = arith.constant 0 : i32
        %dma_wait3A_78 = tpu.memref_slice %arg4[%arg1, %dma_wait3A_76, %dma_wait3A_77] : memref<16x26x128xi32, #tpu.memory_space<hbm>> -> memref<1x26x128xi32, #tpu.memory_space<hbm>>
        %dma_wait3A_79 = tpu.memref_squeeze %dma_wait3A_78 : memref<1x26x128xi32, #tpu.memory_space<hbm>> -> memref<26x128xi32, #tpu.memory_space<hbm>>
        %dma_wait3A_80 = arith.constant 0 : i32
        %dma_wait3A_81 = arith.constant 0 : i32
        %dma_wait3A_82 = tpu.memref_slice %arg9[%dma_wait3A_80, %dma_wait3A_81] : memref<54x128xi32, #tpu.memory_space<vmem>> -> memref<26x128xi32, #tpu.memory_space<vmem>>
        %dma_wait3A_83 = arith.constant 0 : i32
        %dma_wait3A_84 = arith.constant 0 : i32
        %dma_wait3A_85 = tpu.memref_slice %arg4[%arg1, %dma_wait3A_83, %dma_wait3A_84] : memref<16x26x128xi32, #tpu.memory_space<hbm>> -> memref<1x26x128xi32, #tpu.memory_space<hbm>>
        %dma_wait3A_86 = tpu.memref_squeeze %dma_wait3A_85 : memref<1x26x128xi32, #tpu.memory_space<hbm>> -> memref<26x128xi32, #tpu.memory_space<hbm>>
        tpu.wait_dma2 semaphore(%run_scoped3A : memref<!tpu.dma_semaphore, #tpu.memory_space<semaphore_mem>>) src(%dma_wait3A_86 : memref<26x128xi32, #tpu.memory_space<hbm>>) dst(%dma_wait3A_82 : memref<26x128xi32, #tpu.memory_space<vmem>>)
        tpu.yield
      }) : () -> ()
      "tpu.region"() ({
        %run_scoped3A = tpu.sem_alloc : memref<!tpu.dma_semaphore, #tpu.memory_space<semaphore_mem>>
        %dma_start3A_59 = arith.constant 0 : i32
        %dma_start3A_60 = arith.constant 0 : i32
        %dma_start3A_61 = tpu.memref_slice %arg10[%dma_start3A_59, %dma_start3A_60] : memref<54x128xi32, #tpu.memory_space<vmem>> -> memref<26x128xi32, #tpu.memory_space<vmem>>
        %dma_start3A_62 = arith.constant 0 : i32
        %dma_start3A_63 = arith.constant 0 : i32
        %dma_start3A_64 = tpu.memref_slice %arg5[%arg1, %dma_start3A_62, %dma_start3A_63] : memref<16x26x128xi32, #tpu.memory_space<hbm>> -> memref<1x26x128xi32, #tpu.memory_space<hbm>>
        %dma_start3A_65 = tpu.memref_squeeze %dma_start3A_64 : memref<1x26x128xi32, #tpu.memory_space<hbm>> -> memref<26x128xi32, #tpu.memory_space<hbm>>
        %dma_start3A_66 = arith.constant 0 : i32
        %dma_start3A_67 = arith.constant 0 : i32
        %dma_start3A_68 = tpu.memref_slice %arg10[%dma_start3A_66, %dma_start3A_67] : memref<54x128xi32, #tpu.memory_space<vmem>> -> memref<26x128xi32, #tpu.memory_space<vmem>>
        %dma_start3A_69 = arith.constant 0 : i32
        %dma_start3A_70 = arith.constant 0 : i32
        %dma_start3A_71 = tpu.memref_slice %arg5[%arg1, %dma_start3A_69, %dma_start3A_70] : memref<16x26x128xi32, #tpu.memory_space<hbm>> -> memref<1x26x128xi32, #tpu.memory_space<hbm>>
        %dma_start3A_72 = tpu.memref_squeeze %dma_start3A_71 : memref<1x26x128xi32, #tpu.memory_space<hbm>> -> memref<26x128xi32, #tpu.memory_space<hbm>>
        tpu.enqueue_dma source(%dma_start3A_72 : memref<26x128xi32, #tpu.memory_space<hbm>>) target(%dma_start3A_68 : memref<26x128xi32, #tpu.memory_space<vmem>>) target_semaphore(%run_scoped3A : memref<!tpu.dma_semaphore, #tpu.memory_space<semaphore_mem>>)
        %dma_wait3A_73 = arith.constant 0 : i32
        %dma_wait3A_74 = arith.constant 0 : i32
        %dma_wait3A_75 = tpu.memref_slice %arg10[%dma_wait3A_73, %dma_wait3A_74] : memref<54x128xi32, #tpu.memory_space<vmem>> -> memref<26x128xi32, #tpu.memory_space<vmem>>
        %dma_wait3A_76 = arith.constant 0 : i32
        %dma_wait3A_77 = arith.constant 0 : i32
        %dma_wait3A_78 = tpu.memref_slice %arg5[%arg1, %dma_wait3A_76, %dma_wait3A_77] : memref<16x26x128xi32, #tpu.memory_space<hbm>> -> memref<1x26x128xi32, #tpu.memory_space<hbm>>
        %dma_wait3A_79 = tpu.memref_squeeze %dma_wait3A_78 : memref<1x26x128xi32, #tpu.memory_space<hbm>> -> memref<26x128xi32, #tpu.memory_space<hbm>>
        %dma_wait3A_80 = arith.constant 0 : i32
        %dma_wait3A_81 = arith.constant 0 : i32
        %dma_wait3A_82 = tpu.memref_slice %arg10[%dma_wait3A_80, %dma_wait3A_81] : memref<54x128xi32, #tpu.memory_space<vmem>> -> memref<26x128xi32, #tpu.memory_space<vmem>>
        %dma_wait3A_83 = arith.constant 0 : i32
        %dma_wait3A_84 = arith.constant 0 : i32
        %dma_wait3A_85 = tpu.memref_slice %arg5[%arg1, %dma_wait3A_83, %dma_wait3A_84] : memref<16x26x128xi32, #tpu.memory_space<hbm>> -> memref<1x26x128xi32, #tpu.memory_space<hbm>>
        %dma_wait3A_86 = tpu.memref_squeeze %dma_wait3A_85 : memref<1x26x128xi32, #tpu.memory_space<hbm>> -> memref<26x128xi32, #tpu.memory_space<hbm>>
        tpu.wait_dma2 semaphore(%run_scoped3A : memref<!tpu.dma_semaphore, #tpu.memory_space<semaphore_mem>>) src(%dma_wait3A_86 : memref<26x128xi32, #tpu.memory_space<hbm>>) dst(%dma_wait3A_82 : memref<26x128xi32, #tpu.memory_space<vmem>>)
        tpu.yield
      }) : () -> ()
      %dma_start3A = arith.constant 0 : i32
      %dma_start3A_28 = arith.constant 0 : i32
      %dma_start3A_29 = tpu.memref_slice %arg9[%dma_start3A, %dma_start3A_28] : memref<54x128xi32, #tpu.memory_space<vmem>> -> memref<1x128xi32, #tpu.memory_space<vmem>>
      %dma_start3A_30 = tpu.memref_squeeze %dma_start3A_29 : memref<1x128xi32, #tpu.memory_space<vmem>> -> memref<128xi32, #tpu.memory_space<vmem>>
      %dma_start3A_31 = arith.constant 0 : i32
      %dma_start3A_32 = arith.constant 0 : i32
      %dma_start3A_33 = tpu.memref_slice %arg6[%dma_start3A_31, %dma_start3A_32] : memref<10240x128xf32, #tpu.memory_space<hbm>> -> memref<10240x128xf32, #tpu.memory_space<hbm>>
      tpu.enqueue_indirect_dma source(%dma_start3A_33 : memref<10240x128xf32, #tpu.memory_space<hbm>>) target(%arg11 : memref<128x128xf32, #tpu.memory_space<vmem>>) offsets(%dma_start3A_30 : memref<128xi32, #tpu.memory_space<vmem>>) semaphore(%arg14 : memref<!tpu.dma_semaphore, #tpu.memory_space<semaphore_mem>>)
      %dma_start3A_34 = arith.constant 1 : i32
      %dma_start3A_35 = arith.constant 0 : i32
      %dma_start3A_36 = tpu.memref_slice %arg9[%dma_start3A_34, %dma_start3A_35] : memref<54x128xi32, #tpu.memory_space<vmem>> -> memref<1x128xi32, #tpu.memory_space<vmem>>
      %dma_start3A_37 = tpu.memref_squeeze %dma_start3A_36 : memref<1x128xi32, #tpu.memory_space<vmem>> -> memref<128xi32, #tpu.memory_space<vmem>>
      %dma_start3A_38 = arith.constant 0 : i32
      %dma_start3A_39 = arith.constant 0 : i32
      %dma_start3A_40 = tpu.memref_slice %arg6[%dma_start3A_38, %dma_start3A_39] : memref<10240x128xf32, #tpu.memory_space<hbm>> -> memref<10240x128xf32, #tpu.memory_space<hbm>>
      tpu.enqueue_indirect_dma source(%dma_start3A_40 : memref<10240x128xf32, #tpu.memory_space<hbm>>) target(%arg12 : memref<128x128xf32, #tpu.memory_space<vmem>>) offsets(%dma_start3A_37 : memref<128xi32, #tpu.memory_space<vmem>>) semaphore(%arg15 : memref<!tpu.dma_semaphore, #tpu.memory_space<semaphore_mem>>)
      %scan3A = arith.constant 0 : i32
      %scan3A_41 = arith.constant 0 : i32
      %scan3A_42 = arith.constant 13 : i32
      %scan3A_43 = arith.addi %scan3A_41, %scan3A_42 : i32
      %scan3A_44 = arith.constant 1 : i32
      scf.for %scan3A_59 = %scan3A_41 to %scan3A_43 step %scan3A_44  : i32 {
        %mul3A_60 = arith.constant 2 : i32
        %mul3A_61 = arith.muli %mul3A_60, %scan3A_59 : i32
        %add3A_62 = arith.constant 2 : i32
        %add3A_63 = arith.addi %mul3A_61, %add3A_62 : i32
        %min3A = arith.constant 24 : i32
        %min3A_64 = arith.minsi %add3A_63, %min3A : i32
        %dma_wait3A_65 = arith.constant 0 : i32
        %dma_wait3A_66 = tpu.memref_slice %arg9[%mul3A_61, %dma_wait3A_65] : memref<54x128xi32, #tpu.memory_space<vmem>> -> memref<1x128xi32, #tpu.memory_space<vmem>>
        %dma_wait3A_67 = tpu.memref_squeeze %dma_wait3A_66 : memref<1x128xi32, #tpu.memory_space<vmem>> -> memref<128xi32, #tpu.memory_space<vmem>>
        %dma_wait3A_68 = arith.constant 0 : i32
        %dma_wait3A_69 = arith.constant 0 : i32
        %dma_wait3A_70 = tpu.memref_slice %arg6[%dma_wait3A_68, %dma_wait3A_69] : memref<10240x128xf32, #tpu.memory_space<hbm>> -> memref<10240x128xf32, #tpu.memory_space<hbm>>
        tpu.wait_indirect_dma semaphore(%arg14 : memref<!tpu.dma_semaphore, #tpu.memory_space<semaphore_mem>>) src(%dma_wait3A_70 : memref<10240x128xf32, #tpu.memory_space<hbm>>) dst(%arg11 : memref<128x128xf32, #tpu.memory_space<vmem>>)
        %dma_start3A_71 = arith.constant 0 : i32
        %dma_start3A_72 = tpu.memref_slice %arg10[%mul3A_61, %dma_start3A_71] : memref<54x128xi32, #tpu.memory_space<vmem>> -> memref<1x128xi32, #tpu.memory_space<vmem>>
        %dma_start3A_73 = tpu.memref_squeeze %dma_start3A_72 : memref<1x128xi32, #tpu.memory_space<vmem>> -> memref<128xi32, #tpu.memory_space<vmem>>
        %dma_start3A_74 = arith.constant 0 : i32
        %dma_start3A_75 = arith.constant 0 : i32
        %dma_start3A_76 = tpu.memref_slice %arg13[%dma_start3A_74, %dma_start3A_75] : memref<10240x128xf32, #tpu.memory_space<vmem_shared>> -> memref<10240x128xf32, #tpu.memory_space<vmem_shared>>
        tpu.enqueue_indirect_dma source(%arg11 : memref<128x128xf32, #tpu.memory_space<vmem>>) target(%dma_start3A_76 : memref<10240x128xf32, #tpu.memory_space<vmem_shared>>) offsets(%dma_start3A_73 : memref<128xi32, #tpu.memory_space<vmem>>) semaphore(%arg16 : memref<!tpu.dma_semaphore, #tpu.memory_space<semaphore_mem>>) {add = true}
        %add3A_77 = arith.constant 1 : i32
        %add3A_78 = arith.addi %mul3A_61, %add3A_77 : i32
        %dma_wait3A_79 = arith.constant 0 : i32
        %dma_wait3A_80 = tpu.memref_slice %arg9[%add3A_78, %dma_wait3A_79] : memref<54x128xi32, #tpu.memory_space<vmem>> -> memref<1x128xi32, #tpu.memory_space<vmem>>
        %dma_wait3A_81 = tpu.memref_squeeze %dma_wait3A_80 : memref<1x128xi32, #tpu.memory_space<vmem>> -> memref<128xi32, #tpu.memory_space<vmem>>
        %dma_wait3A_82 = arith.constant 0 : i32
        %dma_wait3A_83 = arith.constant 0 : i32
        %dma_wait3A_84 = tpu.memref_slice %arg6[%dma_wait3A_82, %dma_wait3A_83] : memref<10240x128xf32, #tpu.memory_space<hbm>> -> memref<10240x128xf32, #tpu.memory_space<hbm>>
        tpu.wait_indirect_dma semaphore(%arg15 : memref<!tpu.dma_semaphore, #tpu.memory_space<semaphore_mem>>) src(%dma_wait3A_84 : memref<10240x128xf32, #tpu.memory_space<hbm>>) dst(%arg12 : memref<128x128xf32, #tpu.memory_space<vmem>>)
        %add3A_85 = arith.constant 1 : i32
        %add3A_86 = arith.addi %mul3A_61, %add3A_85 : i32
        %dma_start3A_87 = arith.constant 0 : i32
        %dma_start3A_88 = tpu.memref_slice %arg10[%add3A_86, %dma_start3A_87] : memref<54x128xi32, #tpu.memory_space<vmem>> -> memref<1x128xi32, #tpu.memory_space<vmem>>
        %dma_start3A_89 = tpu.memref_squeeze %dma_start3A_88 : memref<1x128xi32, #tpu.memory_space<vmem>> -> memref<128xi32, #tpu.memory_space<vmem>>
        %dma_start3A_90 = arith.constant 0 : i32
        %dma_start3A_91 = arith.constant 0 : i32
        %dma_start3A_92 = tpu.memref_slice %arg13[%dma_start3A_90, %dma_start3A_91] : memref<10240x128xf32, #tpu.memory_space<vmem_shared>> -> memref<10240x128xf32, #tpu.memory_space<vmem_shared>>
        tpu.enqueue_indirect_dma source(%arg12 : memref<128x128xf32, #tpu.memory_space<vmem>>) target(%dma_start3A_92 : memref<10240x128xf32, #tpu.memory_space<vmem_shared>>) offsets(%dma_start3A_89 : memref<128xi32, #tpu.memory_space<vmem>>) semaphore(%arg17 : memref<!tpu.dma_semaphore, #tpu.memory_space<semaphore_mem>>) {add = true}
        %dma_wait3A_93 = arith.constant 0 : i32
        %dma_wait3A_94 = tpu.memref_slice %arg10[%mul3A_61, %dma_wait3A_93] : memref<54x128xi32, #tpu.memory_space<vmem>> -> memref<1x128xi32, #tpu.memory_space<vmem>>
        %dma_wait3A_95 = tpu.memref_squeeze %dma_wait3A_94 : memref<1x128xi32, #tpu.memory_space<vmem>> -> memref<128xi32, #tpu.memory_space<vmem>>
        %dma_wait3A_96 = arith.constant 0 : i32
        %dma_wait3A_97 = arith.constant 0 : i32
        %dma_wait3A_98 = tpu.memref_slice %arg13[%dma_wait3A_96, %dma_wait3A_97] : memref<10240x128xf32, #tpu.memory_space<vmem_shared>> -> memref<10240x128xf32, #tpu.memory_space<vmem_shared>>
        tpu.wait_indirect_dma semaphore(%arg16 : memref<!tpu.dma_semaphore, #tpu.memory_space<semaphore_mem>>) src(%arg11 : memref<128x128xf32, #tpu.memory_space<vmem>>) dst(%dma_wait3A_98 : memref<10240x128xf32, #tpu.memory_space<vmem_shared>>)
        %dma_start3A_99 = arith.constant 0 : i32
        %dma_start3A_100 = tpu.memref_slice %arg9[%min3A_64, %dma_start3A_99] : memref<54x128xi32, #tpu.memory_space<vmem>> -> memref<1x128xi32, #tpu.memory_space<vmem>>
        %dma_start3A_101 = tpu.memref_squeeze %dma_start3A_100 : memref<1x128xi32, #tpu.memory_space<vmem>> -> memref<128xi32, #tpu.memory_space<vmem>>
        %dma_start3A_102 = arith.constant 0 : i32
        %dma_start3A_103 = arith.constant 0 : i32
        %dma_start3A_104 = tpu.memref_slice %arg6[%dma_start3A_102, %dma_start3A_103] : memref<10240x128xf32, #tpu.memory_space<hbm>> -> memref<10240x128xf32, #tpu.memory_space<hbm>>
        tpu.enqueue_indirect_dma source(%dma_start3A_104 : memref<10240x128xf32, #tpu.memory_space<hbm>>) target(%arg11 : memref<128x128xf32, #tpu.memory_space<vmem>>) offsets(%dma_start3A_101 : memref<128xi32, #tpu.memory_space<vmem>>) semaphore(%arg14 : memref<!tpu.dma_semaphore, #tpu.memory_space<semaphore_mem>>)
        %add3A_105 = arith.constant 1 : i32
        %add3A_106 = arith.addi %mul3A_61, %add3A_105 : i32
        %dma_wait3A_107 = arith.constant 0 : i32
        %dma_wait3A_108 = tpu.memref_slice %arg10[%add3A_106, %dma_wait3A_107] : memref<54x128xi32, #tpu.memory_space<vmem>> -> memref<1x128xi32, #tpu.memory_space<vmem>>
        %dma_wait3A_109 = tpu.memref_squeeze %dma_wait3A_108 : memref<1x128xi32, #tpu.memory_space<vmem>> -> memref<128xi32, #tpu.memory_space<vmem>>
        %dma_wait3A_110 = arith.constant 0 : i32
        %dma_wait3A_111 = arith.constant 0 : i32
        %dma_wait3A_112 = tpu.memref_slice %arg13[%dma_wait3A_110, %dma_wait3A_111] : memref<10240x128xf32, #tpu.memory_space<vmem_shared>> -> memref<10240x128xf32, #tpu.memory_space<vmem_shared>>
        tpu.wait_indirect_dma semaphore(%arg17 : memref<!tpu.dma_semaphore, #tpu.memory_space<semaphore_mem>>) src(%arg12 : memref<128x128xf32, #tpu.memory_space<vmem>>) dst(%dma_wait3A_112 : memref<10240x128xf32, #tpu.memory_space<vmem_shared>>)
        %add3A_113 = arith.constant 1 : i32
        %add3A_114 = arith.addi %min3A_64, %add3A_113 : i32
        %dma_start3A_115 = arith.constant 0 : i32
        %dma_start3A_116 = tpu.memref_slice %arg9[%add3A_114, %dma_start3A_115] : memref<54x128xi32, #tpu.memory_space<vmem>> -> memref<1x128xi32, #tpu.memory_space<vmem>>
        %dma_start3A_117 = tpu.memref_squeeze %dma_start3A_116 : memref<1x128xi32, #tpu.memory_space<vmem>> -> memref<128xi32, #tpu.memory_space<vmem>>
        %dma_start3A_118 = arith.constant 0 : i32
        %dma_start3A_119 = arith.constant 0 : i32
        %dma_start3A_120 = tpu.memref_slice %arg6[%dma_start3A_118, %dma_start3A_119] : memref<10240x128xf32, #tpu.memory_space<hbm>> -> memref<10240x128xf32, #tpu.memory_space<hbm>>
        tpu.enqueue_indirect_dma source(%dma_start3A_120 : memref<10240x128xf32, #tpu.memory_space<hbm>>) target(%arg12 : memref<128x128xf32, #tpu.memory_space<vmem>>) offsets(%dma_start3A_117 : memref<128xi32, #tpu.memory_space<vmem>>) semaphore(%arg15 : memref<!tpu.dma_semaphore, #tpu.memory_space<semaphore_mem>>)
      }
      %scan3A_45 = arith.constant 13 : i32
      %dma_wait3A = arith.constant 24 : i32
      %dma_wait3A_46 = arith.constant 0 : i32
      %dma_wait3A_47 = tpu.memref_slice %arg9[%dma_wait3A, %dma_wait3A_46] : memref<54x128xi32, #tpu.memory_space<vmem>> -> memref<1x128xi32, #tpu.memory_space<vmem>>
      %dma_wait3A_48 = tpu.memref_squeeze %dma_wait3A_47 : memref<1x128xi32, #tpu.memory_space<vmem>> -> memref<128xi32, #tpu.memory_space<vmem>>
      %dma_wait3A_49 = arith.constant 0 : i32
      %dma_wait3A_50 = arith.constant 0 : i32
      %dma_wait3A_51 = tpu.memref_slice %arg6[%dma_wait3A_49, %dma_wait3A_50] : memref<10240x128xf32, #tpu.memory_space<hbm>> -> memref<10240x128xf32, #tpu.memory_space<hbm>>
      tpu.wait_indirect_dma semaphore(%arg14 : memref<!tpu.dma_semaphore, #tpu.memory_space<semaphore_mem>>) src(%dma_wait3A_51 : memref<10240x128xf32, #tpu.memory_space<hbm>>) dst(%arg11 : memref<128x128xf32, #tpu.memory_space<vmem>>)
      %dma_wait3A_52 = arith.constant 25 : i32
      %dma_wait3A_53 = arith.constant 0 : i32
      %dma_wait3A_54 = tpu.memref_slice %arg9[%dma_wait3A_52, %dma_wait3A_53] : memref<54x128xi32, #tpu.memory_space<vmem>> -> memref<1x128xi32, #tpu.memory_space<vmem>>
      %dma_wait3A_55 = tpu.memref_squeeze %dma_wait3A_54 : memref<1x128xi32, #tpu.memory_space<vmem>> -> memref<128xi32, #tpu.memory_space<vmem>>
      %dma_wait3A_56 = arith.constant 0 : i32
      %dma_wait3A_57 = arith.constant 0 : i32
      %dma_wait3A_58 = tpu.memref_slice %arg6[%dma_wait3A_56, %dma_wait3A_57] : memref<10240x128xf32, #tpu.memory_space<hbm>> -> memref<10240x128xf32, #tpu.memory_space<hbm>>
      tpu.wait_indirect_dma semaphore(%arg15 : memref<!tpu.dma_semaphore, #tpu.memory_space<semaphore_mem>>) src(%dma_wait3A_58 : memref<10240x128xf32, #tpu.memory_space<hbm>>) dst(%arg12 : memref<128x128xf32, #tpu.memory_space<vmem>>)
    } else {
    }
    %barrier3A_25 = arith.constant 0 : index
    tpu.barrier barrier_id(%barrier3A_25)
    %mul3A_26 = arith.constant 640 : i32
    %mul3A_27 = arith.muli %arg1, %mul3A_26 : i32
    "tpu.region"() ({
      %run_scoped3A = tpu.sem_alloc : memref<!tpu.dma_semaphore, #tpu.memory_space<semaphore_mem>>
      %dma_start3A = arith.constant 0 : i32
      %dma_start3A_28 = arith.constant 0 : i32
      %dma_start3A_29 = tpu.memref_slice %arg8[%arg0, %dma_start3A, %dma_start3A_28] : memref<2x10240x128xf32, #tpu.memory_space<hbm>> -> memref<1x10240x128xf32, #tpu.memory_space<hbm>>
      %dma_start3A_30 = tpu.memref_squeeze %dma_start3A_29 : memref<1x10240x128xf32, #tpu.memory_space<hbm>> -> memref<10240x128xf32, #tpu.memory_space<hbm>>
      %dma_start3A_31 = arith.constant 0 : i32
      %dma_start3A_32 = tpu.memref_slice %dma_start3A_30[%mul3A_27, %dma_start3A_31] : memref<10240x128xf32, #tpu.memory_space<hbm>> -> memref<640x128xf32, #tpu.memory_space<hbm>>
      %dma_start3A_33 = arith.constant 0 : i32
      %dma_start3A_34 = tpu.memref_slice %arg13[%mul3A_27, %dma_start3A_33] : memref<10240x128xf32, #tpu.memory_space<vmem_shared>> -> memref<640x128xf32, #tpu.memory_space<vmem_shared>>
      tpu.enqueue_dma source(%dma_start3A_34 : memref<640x128xf32, #tpu.memory_space<vmem_shared>>) target(%dma_start3A_32 : memref<640x128xf32, #tpu.memory_space<hbm>>) target_semaphore(%run_scoped3A : memref<!tpu.dma_semaphore, #tpu.memory_space<semaphore_mem>>)
      %dma_wait3A = arith.constant 0 : i32
      %dma_wait3A_35 = arith.constant 0 : i32
      %dma_wait3A_36 = tpu.memref_slice %arg8[%arg0, %dma_wait3A, %dma_wait3A_35] : memref<2x10240x128xf32, #tpu.memory_space<hbm>> -> memref<1x10240x128xf32, #tpu.memory_space<hbm>>
      %dma_wait3A_37 = tpu.memref_squeeze %dma_wait3A_36 : memref<1x10240x128xf32, #tpu.memory_space<hbm>> -> memref<10240x128xf32, #tpu.memory_space<hbm>>
      %dma_wait3A_38 = arith.constant 0 : i32
      %dma_wait3A_39 = tpu.memref_slice %dma_wait3A_37[%mul3A_27, %dma_wait3A_38] : memref<10240x128xf32, #tpu.memory_space<hbm>> -> memref<640x128xf32, #tpu.memory_space<hbm>>
      %dma_wait3A_40 = arith.constant 0 : i32
      %dma_wait3A_41 = tpu.memref_slice %arg13[%mul3A_27, %dma_wait3A_40] : memref<10240x128xf32, #tpu.memory_space<vmem_shared>> -> memref<640x128xf32, #tpu.memory_space<vmem_shared>>
      tpu.wait_dma2 semaphore(%run_scoped3A : memref<!tpu.dma_semaphore, #tpu.memory_space<semaphore_mem>>) src(%dma_wait3A_41 : memref<640x128xf32, #tpu.memory_space<vmem_shared>>) dst(%dma_wait3A_39 : memref<640x128xf32, #tpu.memory_space<hbm>>)
      tpu.yield
    }) : () -> ()
    return
  }
}

#map = affine_map<(d0, d1) -> (0, 0)>
#map1 = affine_map<(d0, d1) -> (0, 0, 0)>
module attributes {stable_mosaic.version = 14 : i64} {
  func.func @_sc_pool(%arg0: i32, %arg1: i32, %arg2: memref<10240x128xf32, #tpu.memory_space<hbm>>, %arg3: memref<32x5x64xi32, #tpu.memory_space<hbm>>, %arg4: memref<128x128xf32, #tpu.memory_space<hbm>>, %arg5: memref<2x128x128xf32, #tpu.memory_space<hbm>>, %arg6: memref<5x64xi32, #tpu.memory_space<vmem>>, %arg7: memref<64x128xf32, #tpu.memory_space<vmem>>, %arg8: memref<128x128xf32, #tpu.memory_space<vmem_shared>>, %arg9: memref<!tpu.dma_semaphore, #tpu.memory_space<semaphore_mem>>) attributes {dimension_semantics = [#tpu.dimension_semantics<core_parallel>, #tpu.dimension_semantics<subcore_parallel>], iteration_bounds = array<i64: 2, 16>, scalar_prefetch = 0 : i64, scratch_operands = 4 : i64, tpu.core_type = #tpu.core_type<sc_vector_subcore>, window_params = [{transform_indices = #map}, {transform_indices = #map1}, {transform_indices = #map}, {transform_indices = #map1}]} {
    %mul3A = arith.constant 2 : i32
    %mul3A_0 = arith.muli %arg1, %mul3A : i32
    %add3A = arith.addi %mul3A_0, %arg0 : i32
    %mul3A_1 = arith.constant 8 : i32
    %mul3A_2 = arith.muli %mul3A_1, %arg1 : i32
    "tpu.region"() ({
      %run_scoped3A_32 = tpu.sem_alloc : memref<!tpu.dma_semaphore, #tpu.memory_space<semaphore_mem>>
      %dma_start3A = arith.constant 0 : i32
      %dma_start3A_33 = tpu.memref_slice %arg8[%mul3A_2, %dma_start3A] : memref<128x128xf32, #tpu.memory_space<vmem_shared>> -> memref<8x128xf32, #tpu.memory_space<vmem_shared>>
      %dma_start3A_34 = arith.constant 0 : i32
      %dma_start3A_35 = arith.constant 0 : i32
      %dma_start3A_36 = tpu.memref_slice %arg4[%dma_start3A_34, %dma_start3A_35] : memref<128x128xf32, #tpu.memory_space<hbm>> -> memref<8x128xf32, #tpu.memory_space<hbm>>
      tpu.enqueue_dma source(%dma_start3A_36 : memref<8x128xf32, #tpu.memory_space<hbm>>) target(%dma_start3A_33 : memref<8x128xf32, #tpu.memory_space<vmem_shared>>) target_semaphore(%run_scoped3A_32 : memref<!tpu.dma_semaphore, #tpu.memory_space<semaphore_mem>>)
      %dma_wait3A = arith.constant 0 : i32
      %dma_wait3A_37 = tpu.memref_slice %arg8[%mul3A_2, %dma_wait3A] : memref<128x128xf32, #tpu.memory_space<vmem_shared>> -> memref<8x128xf32, #tpu.memory_space<vmem_shared>>
      %dma_wait3A_38 = arith.constant 0 : i32
      %dma_wait3A_39 = arith.constant 0 : i32
      %dma_wait3A_40 = tpu.memref_slice %arg4[%dma_wait3A_38, %dma_wait3A_39] : memref<128x128xf32, #tpu.memory_space<hbm>> -> memref<8x128xf32, #tpu.memory_space<hbm>>
      tpu.wait_dma2 semaphore(%run_scoped3A_32 : memref<!tpu.dma_semaphore, #tpu.memory_space<semaphore_mem>>) src(%dma_wait3A_40 : memref<8x128xf32, #tpu.memory_space<hbm>>) dst(%dma_wait3A_37 : memref<8x128xf32, #tpu.memory_space<vmem_shared>>)
      tpu.yield
    }) : () -> ()
    "tpu.region"() ({
      %run_scoped3A_32 = tpu.sem_alloc : memref<!tpu.dma_semaphore, #tpu.memory_space<semaphore_mem>>
      %dma_start3A = arith.constant 0 : i32
      %dma_start3A_33 = arith.constant 0 : i32
      %dma_start3A_34 = tpu.memref_slice %arg3[%add3A, %dma_start3A, %dma_start3A_33] : memref<32x5x64xi32, #tpu.memory_space<hbm>> -> memref<1x5x64xi32, #tpu.memory_space<hbm>>
      %dma_start3A_35 = tpu.memref_squeeze %dma_start3A_34 : memref<1x5x64xi32, #tpu.memory_space<hbm>> -> memref<5x64xi32, #tpu.memory_space<hbm>>
      %dma_start3A_36 = arith.constant 0 : i32
      %dma_start3A_37 = arith.constant 0 : i32
      %dma_start3A_38 = tpu.memref_slice %arg3[%add3A, %dma_start3A_36, %dma_start3A_37] : memref<32x5x64xi32, #tpu.memory_space<hbm>> -> memref<1x5x64xi32, #tpu.memory_space<hbm>>
      %dma_start3A_39 = tpu.memref_squeeze %dma_start3A_38 : memref<1x5x64xi32, #tpu.memory_space<hbm>> -> memref<5x64xi32, #tpu.memory_space<hbm>>
      tpu.enqueue_dma source(%dma_start3A_39 : memref<5x64xi32, #tpu.memory_space<hbm>>) target(%arg6 : memref<5x64xi32, #tpu.memory_space<vmem>>) target_semaphore(%run_scoped3A_32 : memref<!tpu.dma_semaphore, #tpu.memory_space<semaphore_mem>>)
      %dma_wait3A = arith.constant 0 : i32
      %dma_wait3A_40 = arith.constant 0 : i32
      %dma_wait3A_41 = tpu.memref_slice %arg3[%add3A, %dma_wait3A, %dma_wait3A_40] : memref<32x5x64xi32, #tpu.memory_space<hbm>> -> memref<1x5x64xi32, #tpu.memory_space<hbm>>
      %dma_wait3A_42 = tpu.memref_squeeze %dma_wait3A_41 : memref<1x5x64xi32, #tpu.memory_space<hbm>> -> memref<5x64xi32, #tpu.memory_space<hbm>>
      %dma_wait3A_43 = arith.constant 0 : i32
      %dma_wait3A_44 = arith.constant 0 : i32
      %dma_wait3A_45 = tpu.memref_slice %arg3[%add3A, %dma_wait3A_43, %dma_wait3A_44] : memref<32x5x64xi32, #tpu.memory_space<hbm>> -> memref<1x5x64xi32, #tpu.memory_space<hbm>>
      %dma_wait3A_46 = tpu.memref_squeeze %dma_wait3A_45 : memref<1x5x64xi32, #tpu.memory_space<hbm>> -> memref<5x64xi32, #tpu.memory_space<hbm>>
      tpu.wait_dma2 semaphore(%run_scoped3A_32 : memref<!tpu.dma_semaphore, #tpu.memory_space<semaphore_mem>>) src(%dma_wait3A_46 : memref<5x64xi32, #tpu.memory_space<hbm>>) dst(%arg6 : memref<5x64xi32, #tpu.memory_space<vmem>>)
      tpu.yield
    }) : () -> ()
    %barrier3A = arith.constant 0 : index
    tpu.barrier barrier_id(%barrier3A)
    %mul3A_3 = arith.constant 320 : i32
    %mul3A_4 = arith.muli %add3A, %mul3A_3 : i32
    %add3A_5 = arith.constant 0 : i32
    %add3A_6 = arith.addi %mul3A_4, %add3A_5 : i32
    "tpu.region"() ({
      %run_scoped3A_32 = tpu.sem_alloc : memref<!tpu.dma_semaphore, #tpu.memory_space<semaphore_mem>>
      %dma_start3A = arith.constant 0 : i32
      %dma_start3A_33 = tpu.memref_slice %arg2[%add3A_6, %dma_start3A] : memref<10240x128xf32, #tpu.memory_space<hbm>> -> memref<64x128xf32, #tpu.memory_space<hbm>>
      %dma_start3A_34 = arith.constant 0 : i32
      %dma_start3A_35 = tpu.memref_slice %arg2[%add3A_6, %dma_start3A_34] : memref<10240x128xf32, #tpu.memory_space<hbm>> -> memref<64x128xf32, #tpu.memory_space<hbm>>
      tpu.enqueue_dma source(%dma_start3A_35 : memref<64x128xf32, #tpu.memory_space<hbm>>) target(%arg7 : memref<64x128xf32, #tpu.memory_space<vmem>>) target_semaphore(%run_scoped3A_32 : memref<!tpu.dma_semaphore, #tpu.memory_space<semaphore_mem>>)
      %dma_wait3A = arith.constant 0 : i32
      %dma_wait3A_36 = tpu.memref_slice %arg2[%add3A_6, %dma_wait3A] : memref<10240x128xf32, #tpu.memory_space<hbm>> -> memref<64x128xf32, #tpu.memory_space<hbm>>
      %dma_wait3A_37 = arith.constant 0 : i32
      %dma_wait3A_38 = tpu.memref_slice %arg2[%add3A_6, %dma_wait3A_37] : memref<10240x128xf32, #tpu.memory_space<hbm>> -> memref<64x128xf32, #tpu.memory_space<hbm>>
      tpu.wait_dma2 semaphore(%run_scoped3A_32 : memref<!tpu.dma_semaphore, #tpu.memory_space<semaphore_mem>>) src(%dma_wait3A_38 : memref<64x128xf32, #tpu.memory_space<hbm>>) dst(%arg7 : memref<64x128xf32, #tpu.memory_space<vmem>>)
      tpu.yield
    }) : () -> ()
    %run_scoped3A = arith.constant 0 : i32
    "tpu.region"() ({
      %run_scoped3A_32 = tpu.sem_alloc : memref<!tpu.dma_semaphore, #tpu.memory_space<semaphore_mem>>
      %dma_start3A = arith.constant 0 : i32
      %dma_start3A_33 = tpu.memref_slice %arg6[%run_scoped3A, %dma_start3A] : memref<5x64xi32, #tpu.memory_space<vmem>> -> memref<1x64xi32, #tpu.memory_space<vmem>>
      %dma_start3A_34 = tpu.memref_squeeze %dma_start3A_33 : memref<1x64xi32, #tpu.memory_space<vmem>> -> memref<64xi32, #tpu.memory_space<vmem>>
      %dma_start3A_35 = arith.constant 0 : i32
      %dma_start3A_36 = arith.constant 0 : i32
      %dma_start3A_37 = tpu.memref_slice %arg8[%dma_start3A_35, %dma_start3A_36] : memref<128x128xf32, #tpu.memory_space<vmem_shared>> -> memref<128x128xf32, #tpu.memory_space<vmem_shared>>
      tpu.enqueue_indirect_dma source(%arg7 : memref<64x128xf32, #tpu.memory_space<vmem>>) target(%dma_start3A_37 : memref<128x128xf32, #tpu.memory_space<vmem_shared>>) offsets(%dma_start3A_34 : memref<64xi32, #tpu.memory_space<vmem>>) semaphore(%run_scoped3A_32 : memref<!tpu.dma_semaphore, #tpu.memory_space<semaphore_mem>>) {add = true}
      %dma_wait3A = arith.constant 0 : i32
      %dma_wait3A_38 = tpu.memref_slice %arg6[%run_scoped3A, %dma_wait3A] : memref<5x64xi32, #tpu.memory_space<vmem>> -> memref<1x64xi32, #tpu.memory_space<vmem>>
      %dma_wait3A_39 = tpu.memref_squeeze %dma_wait3A_38 : memref<1x64xi32, #tpu.memory_space<vmem>> -> memref<64xi32, #tpu.memory_space<vmem>>
      %dma_wait3A_40 = arith.constant 0 : i32
      %dma_wait3A_41 = arith.constant 0 : i32
      %dma_wait3A_42 = tpu.memref_slice %arg8[%dma_wait3A_40, %dma_wait3A_41] : memref<128x128xf32, #tpu.memory_space<vmem_shared>> -> memref<128x128xf32, #tpu.memory_space<vmem_shared>>
      tpu.wait_indirect_dma semaphore(%run_scoped3A_32 : memref<!tpu.dma_semaphore, #tpu.memory_space<semaphore_mem>>) src(%arg7 : memref<64x128xf32, #tpu.memory_space<vmem>>) dst(%dma_wait3A_42 : memref<128x128xf32, #tpu.memory_space<vmem_shared>>)
      tpu.yield
    }) : () -> ()
    %mul3A_7 = arith.constant 320 : i32
    %mul3A_8 = arith.muli %add3A, %mul3A_7 : i32
    %add3A_9 = arith.constant 64 : i32
    %add3A_10 = arith.addi %mul3A_8, %add3A_9 : i32
    "tpu.region"() ({
      %run_scoped3A_32 = tpu.sem_alloc : memref<!tpu.dma_semaphore, #tpu.memory_space<semaphore_mem>>
      %dma_start3A = arith.constant 0 : i32
      %dma_start3A_33 = tpu.memref_slice %arg2[%add3A_10, %dma_start3A] : memref<10240x128xf32, #tpu.memory_space<hbm>> -> memref<64x128xf32, #tpu.memory_space<hbm>>
      %dma_start3A_34 = arith.constant 0 : i32
      %dma_start3A_35 = tpu.memref_slice %arg2[%add3A_10, %dma_start3A_34] : memref<10240x128xf32, #tpu.memory_space<hbm>> -> memref<64x128xf32, #tpu.memory_space<hbm>>
      tpu.enqueue_dma source(%dma_start3A_35 : memref<64x128xf32, #tpu.memory_space<hbm>>) target(%arg7 : memref<64x128xf32, #tpu.memory_space<vmem>>) target_semaphore(%run_scoped3A_32 : memref<!tpu.dma_semaphore, #tpu.memory_space<semaphore_mem>>)
      %dma_wait3A = arith.constant 0 : i32
      %dma_wait3A_36 = tpu.memref_slice %arg2[%add3A_10, %dma_wait3A] : memref<10240x128xf32, #tpu.memory_space<hbm>> -> memref<64x128xf32, #tpu.memory_space<hbm>>
      %dma_wait3A_37 = arith.constant 0 : i32
      %dma_wait3A_38 = tpu.memref_slice %arg2[%add3A_10, %dma_wait3A_37] : memref<10240x128xf32, #tpu.memory_space<hbm>> -> memref<64x128xf32, #tpu.memory_space<hbm>>
      tpu.wait_dma2 semaphore(%run_scoped3A_32 : memref<!tpu.dma_semaphore, #tpu.memory_space<semaphore_mem>>) src(%dma_wait3A_38 : memref<64x128xf32, #tpu.memory_space<hbm>>) dst(%arg7 : memref<64x128xf32, #tpu.memory_space<vmem>>)
      tpu.yield
    }) : () -> ()
    %run_scoped3A_11 = arith.constant 1 : i32
    "tpu.region"() ({
      %run_scoped3A_32 = tpu.sem_alloc : memref<!tpu.dma_semaphore, #tpu.memory_space<semaphore_mem>>
      %dma_start3A = arith.constant 0 : i32
      %dma_start3A_33 = tpu.memref_slice %arg6[%run_scoped3A_11, %dma_start3A] : memref<5x64xi32, #tpu.memory_space<vmem>> -> memref<1x64xi32, #tpu.memory_space<vmem>>
      %dma_start3A_34 = tpu.memref_squeeze %dma_start3A_33 : memref<1x64xi32, #tpu.memory_space<vmem>> -> memref<64xi32, #tpu.memory_space<vmem>>
      %dma_start3A_35 = arith.constant 0 : i32
      %dma_start3A_36 = arith.constant 0 : i32
      %dma_start3A_37 = tpu.memref_slice %arg8[%dma_start3A_35, %dma_start3A_36] : memref<128x128xf32, #tpu.memory_space<vmem_shared>> -> memref<128x128xf32, #tpu.memory_space<vmem_shared>>
      tpu.enqueue_indirect_dma source(%arg7 : memref<64x128xf32, #tpu.memory_space<vmem>>) target(%dma_start3A_37 : memref<128x128xf32, #tpu.memory_space<vmem_shared>>) offsets(%dma_start3A_34 : memref<64xi32, #tpu.memory_space<vmem>>) semaphore(%run_scoped3A_32 : memref<!tpu.dma_semaphore, #tpu.memory_space<semaphore_mem>>) {add = true}
      %dma_wait3A = arith.constant 0 : i32
      %dma_wait3A_38 = tpu.memref_slice %arg6[%run_scoped3A_11, %dma_wait3A] : memref<5x64xi32, #tpu.memory_space<vmem>> -> memref<1x64xi32, #tpu.memory_space<vmem>>
      %dma_wait3A_39 = tpu.memref_squeeze %dma_wait3A_38 : memref<1x64xi32, #tpu.memory_space<vmem>> -> memref<64xi32, #tpu.memory_space<vmem>>
      %dma_wait3A_40 = arith.constant 0 : i32
      %dma_wait3A_41 = arith.constant 0 : i32
      %dma_wait3A_42 = tpu.memref_slice %arg8[%dma_wait3A_40, %dma_wait3A_41] : memref<128x128xf32, #tpu.memory_space<vmem_shared>> -> memref<128x128xf32, #tpu.memory_space<vmem_shared>>
      tpu.wait_indirect_dma semaphore(%run_scoped3A_32 : memref<!tpu.dma_semaphore, #tpu.memory_space<semaphore_mem>>) src(%arg7 : memref<64x128xf32, #tpu.memory_space<vmem>>) dst(%dma_wait3A_42 : memref<128x128xf32, #tpu.memory_space<vmem_shared>>)
      tpu.yield
    }) : () -> ()
    %mul3A_12 = arith.constant 320 : i32
    %mul3A_13 = arith.muli %add3A, %mul3A_12 : i32
    %add3A_14 = arith.constant 128 : i32
    %add3A_15 = arith.addi %mul3A_13, %add3A_14 : i32
    "tpu.region"() ({
      %run_scoped3A_32 = tpu.sem_alloc : memref<!tpu.dma_semaphore, #tpu.memory_space<semaphore_mem>>
      %dma_start3A = arith.constant 0 : i32
      %dma_start3A_33 = tpu.memref_slice %arg2[%add3A_15, %dma_start3A] : memref<10240x128xf32, #tpu.memory_space<hbm>> -> memref<64x128xf32, #tpu.memory_space<hbm>>
      %dma_start3A_34 = arith.constant 0 : i32
      %dma_start3A_35 = tpu.memref_slice %arg2[%add3A_15, %dma_start3A_34] : memref<10240x128xf32, #tpu.memory_space<hbm>> -> memref<64x128xf32, #tpu.memory_space<hbm>>
      tpu.enqueue_dma source(%dma_start3A_35 : memref<64x128xf32, #tpu.memory_space<hbm>>) target(%arg7 : memref<64x128xf32, #tpu.memory_space<vmem>>) target_semaphore(%run_scoped3A_32 : memref<!tpu.dma_semaphore, #tpu.memory_space<semaphore_mem>>)
      %dma_wait3A = arith.constant 0 : i32
      %dma_wait3A_36 = tpu.memref_slice %arg2[%add3A_15, %dma_wait3A] : memref<10240x128xf32, #tpu.memory_space<hbm>> -> memref<64x128xf32, #tpu.memory_space<hbm>>
      %dma_wait3A_37 = arith.constant 0 : i32
      %dma_wait3A_38 = tpu.memref_slice %arg2[%add3A_15, %dma_wait3A_37] : memref<10240x128xf32, #tpu.memory_space<hbm>> -> memref<64x128xf32, #tpu.memory_space<hbm>>
      tpu.wait_dma2 semaphore(%run_scoped3A_32 : memref<!tpu.dma_semaphore, #tpu.memory_space<semaphore_mem>>) src(%dma_wait3A_38 : memref<64x128xf32, #tpu.memory_space<hbm>>) dst(%arg7 : memref<64x128xf32, #tpu.memory_space<vmem>>)
      tpu.yield
    }) : () -> ()
    %run_scoped3A_16 = arith.constant 2 : i32
    "tpu.region"() ({
      %run_scoped3A_32 = tpu.sem_alloc : memref<!tpu.dma_semaphore, #tpu.memory_space<semaphore_mem>>
      %dma_start3A = arith.constant 0 : i32
      %dma_start3A_33 = tpu.memref_slice %arg6[%run_scoped3A_16, %dma_start3A] : memref<5x64xi32, #tpu.memory_space<vmem>> -> memref<1x64xi32, #tpu.memory_space<vmem>>
      %dma_start3A_34 = tpu.memref_squeeze %dma_start3A_33 : memref<1x64xi32, #tpu.memory_space<vmem>> -> memref<64xi32, #tpu.memory_space<vmem>>
      %dma_start3A_35 = arith.constant 0 : i32
      %dma_start3A_36 = arith.constant 0 : i32
      %dma_start3A_37 = tpu.memref_slice %arg8[%dma_start3A_35, %dma_start3A_36] : memref<128x128xf32, #tpu.memory_space<vmem_shared>> -> memref<128x128xf32, #tpu.memory_space<vmem_shared>>
      tpu.enqueue_indirect_dma source(%arg7 : memref<64x128xf32, #tpu.memory_space<vmem>>) target(%dma_start3A_37 : memref<128x128xf32, #tpu.memory_space<vmem_shared>>) offsets(%dma_start3A_34 : memref<64xi32, #tpu.memory_space<vmem>>) semaphore(%run_scoped3A_32 : memref<!tpu.dma_semaphore, #tpu.memory_space<semaphore_mem>>) {add = true}
      %dma_wait3A = arith.constant 0 : i32
      %dma_wait3A_38 = tpu.memref_slice %arg6[%run_scoped3A_16, %dma_wait3A] : memref<5x64xi32, #tpu.memory_space<vmem>> -> memref<1x64xi32, #tpu.memory_space<vmem>>
      %dma_wait3A_39 = tpu.memref_squeeze %dma_wait3A_38 : memref<1x64xi32, #tpu.memory_space<vmem>> -> memref<64xi32, #tpu.memory_space<vmem>>
      %dma_wait3A_40 = arith.constant 0 : i32
      %dma_wait3A_41 = arith.constant 0 : i32
      %dma_wait3A_42 = tpu.memref_slice %arg8[%dma_wait3A_40, %dma_wait3A_41] : memref<128x128xf32, #tpu.memory_space<vmem_shared>> -> memref<128x128xf32, #tpu.memory_space<vmem_shared>>
      tpu.wait_indirect_dma semaphore(%run_scoped3A_32 : memref<!tpu.dma_semaphore, #tpu.memory_space<semaphore_mem>>) src(%arg7 : memref<64x128xf32, #tpu.memory_space<vmem>>) dst(%dma_wait3A_42 : memref<128x128xf32, #tpu.memory_space<vmem_shared>>)
      tpu.yield
    }) : () -> ()
    %mul3A_17 = arith.constant 320 : i32
    %mul3A_18 = arith.muli %add3A, %mul3A_17 : i32
    %add3A_19 = arith.constant 192 : i32
    %add3A_20 = arith.addi %mul3A_18, %add3A_19 : i32
    "tpu.region"() ({
      %run_scoped3A_32 = tpu.sem_alloc : memref<!tpu.dma_semaphore, #tpu.memory_space<semaphore_mem>>
      %dma_start3A = arith.constant 0 : i32
      %dma_start3A_33 = tpu.memref_slice %arg2[%add3A_20, %dma_start3A] : memref<10240x128xf32, #tpu.memory_space<hbm>> -> memref<64x128xf32, #tpu.memory_space<hbm>>
      %dma_start3A_34 = arith.constant 0 : i32
      %dma_start3A_35 = tpu.memref_slice %arg2[%add3A_20, %dma_start3A_34] : memref<10240x128xf32, #tpu.memory_space<hbm>> -> memref<64x128xf32, #tpu.memory_space<hbm>>
      tpu.enqueue_dma source(%dma_start3A_35 : memref<64x128xf32, #tpu.memory_space<hbm>>) target(%arg7 : memref<64x128xf32, #tpu.memory_space<vmem>>) target_semaphore(%run_scoped3A_32 : memref<!tpu.dma_semaphore, #tpu.memory_space<semaphore_mem>>)
      %dma_wait3A = arith.constant 0 : i32
      %dma_wait3A_36 = tpu.memref_slice %arg2[%add3A_20, %dma_wait3A] : memref<10240x128xf32, #tpu.memory_space<hbm>> -> memref<64x128xf32, #tpu.memory_space<hbm>>
      %dma_wait3A_37 = arith.constant 0 : i32
      %dma_wait3A_38 = tpu.memref_slice %arg2[%add3A_20, %dma_wait3A_37] : memref<10240x128xf32, #tpu.memory_space<hbm>> -> memref<64x128xf32, #tpu.memory_space<hbm>>
      tpu.wait_dma2 semaphore(%run_scoped3A_32 : memref<!tpu.dma_semaphore, #tpu.memory_space<semaphore_mem>>) src(%dma_wait3A_38 : memref<64x128xf32, #tpu.memory_space<hbm>>) dst(%arg7 : memref<64x128xf32, #tpu.memory_space<vmem>>)
      tpu.yield
    }) : () -> ()
    %run_scoped3A_21 = arith.constant 3 : i32
    "tpu.region"() ({
      %run_scoped3A_32 = tpu.sem_alloc : memref<!tpu.dma_semaphore, #tpu.memory_space<semaphore_mem>>
      %dma_start3A = arith.constant 0 : i32
      %dma_start3A_33 = tpu.memref_slice %arg6[%run_scoped3A_21, %dma_start3A] : memref<5x64xi32, #tpu.memory_space<vmem>> -> memref<1x64xi32, #tpu.memory_space<vmem>>
      %dma_start3A_34 = tpu.memref_squeeze %dma_start3A_33 : memref<1x64xi32, #tpu.memory_space<vmem>> -> memref<64xi32, #tpu.memory_space<vmem>>
      %dma_start3A_35 = arith.constant 0 : i32
      %dma_start3A_36 = arith.constant 0 : i32
      %dma_start3A_37 = tpu.memref_slice %arg8[%dma_start3A_35, %dma_start3A_36] : memref<128x128xf32, #tpu.memory_space<vmem_shared>> -> memref<128x128xf32, #tpu.memory_space<vmem_shared>>
      tpu.enqueue_indirect_dma source(%arg7 : memref<64x128xf32, #tpu.memory_space<vmem>>) target(%dma_start3A_37 : memref<128x128xf32, #tpu.memory_space<vmem_shared>>) offsets(%dma_start3A_34 : memref<64xi32, #tpu.memory_space<vmem>>) semaphore(%run_scoped3A_32 : memref<!tpu.dma_semaphore, #tpu.memory_space<semaphore_mem>>) {add = true}
      %dma_wait3A = arith.constant 0 : i32
      %dma_wait3A_38 = tpu.memref_slice %arg6[%run_scoped3A_21, %dma_wait3A] : memref<5x64xi32, #tpu.memory_space<vmem>> -> memref<1x64xi32, #tpu.memory_space<vmem>>
      %dma_wait3A_39 = tpu.memref_squeeze %dma_wait3A_38 : memref<1x64xi32, #tpu.memory_space<vmem>> -> memref<64xi32, #tpu.memory_space<vmem>>
      %dma_wait3A_40 = arith.constant 0 : i32
      %dma_wait3A_41 = arith.constant 0 : i32
      %dma_wait3A_42 = tpu.memref_slice %arg8[%dma_wait3A_40, %dma_wait3A_41] : memref<128x128xf32, #tpu.memory_space<vmem_shared>> -> memref<128x128xf32, #tpu.memory_space<vmem_shared>>
      tpu.wait_indirect_dma semaphore(%run_scoped3A_32 : memref<!tpu.dma_semaphore, #tpu.memory_space<semaphore_mem>>) src(%arg7 : memref<64x128xf32, #tpu.memory_space<vmem>>) dst(%dma_wait3A_42 : memref<128x128xf32, #tpu.memory_space<vmem_shared>>)
      tpu.yield
    }) : () -> ()
    %mul3A_22 = arith.constant 320 : i32
    %mul3A_23 = arith.muli %add3A, %mul3A_22 : i32
    %add3A_24 = arith.constant 256 : i32
    %add3A_25 = arith.addi %mul3A_23, %add3A_24 : i32
    "tpu.region"() ({
      %run_scoped3A_32 = tpu.sem_alloc : memref<!tpu.dma_semaphore, #tpu.memory_space<semaphore_mem>>
      %dma_start3A = arith.constant 0 : i32
      %dma_start3A_33 = tpu.memref_slice %arg2[%add3A_25, %dma_start3A] : memref<10240x128xf32, #tpu.memory_space<hbm>> -> memref<64x128xf32, #tpu.memory_space<hbm>>
      %dma_start3A_34 = arith.constant 0 : i32
      %dma_start3A_35 = tpu.memref_slice %arg2[%add3A_25, %dma_start3A_34] : memref<10240x128xf32, #tpu.memory_space<hbm>> -> memref<64x128xf32, #tpu.memory_space<hbm>>
      tpu.enqueue_dma source(%dma_start3A_35 : memref<64x128xf32, #tpu.memory_space<hbm>>) target(%arg7 : memref<64x128xf32, #tpu.memory_space<vmem>>) target_semaphore(%run_scoped3A_32 : memref<!tpu.dma_semaphore, #tpu.memory_space<semaphore_mem>>)
      %dma_wait3A = arith.constant 0 : i32
      %dma_wait3A_36 = tpu.memref_slice %arg2[%add3A_25, %dma_wait3A] : memref<10240x128xf32, #tpu.memory_space<hbm>> -> memref<64x128xf32, #tpu.memory_space<hbm>>
      %dma_wait3A_37 = arith.constant 0 : i32
      %dma_wait3A_38 = tpu.memref_slice %arg2[%add3A_25, %dma_wait3A_37] : memref<10240x128xf32, #tpu.memory_space<hbm>> -> memref<64x128xf32, #tpu.memory_space<hbm>>
      tpu.wait_dma2 semaphore(%run_scoped3A_32 : memref<!tpu.dma_semaphore, #tpu.memory_space<semaphore_mem>>) src(%dma_wait3A_38 : memref<64x128xf32, #tpu.memory_space<hbm>>) dst(%arg7 : memref<64x128xf32, #tpu.memory_space<vmem>>)
      tpu.yield
    }) : () -> ()
    %run_scoped3A_26 = arith.constant 4 : i32
    "tpu.region"() ({
      %run_scoped3A_32 = tpu.sem_alloc : memref<!tpu.dma_semaphore, #tpu.memory_space<semaphore_mem>>
      %dma_start3A = arith.constant 0 : i32
      %dma_start3A_33 = tpu.memref_slice %arg6[%run_scoped3A_26, %dma_start3A] : memref<5x64xi32, #tpu.memory_space<vmem>> -> memref<1x64xi32, #tpu.memory_space<vmem>>
      %dma_start3A_34 = tpu.memref_squeeze %dma_start3A_33 : memref<1x64xi32, #tpu.memory_space<vmem>> -> memref<64xi32, #tpu.memory_space<vmem>>
      %dma_start3A_35 = arith.constant 0 : i32
      %dma_start3A_36 = arith.constant 0 : i32
      %dma_start3A_37 = tpu.memref_slice %arg8[%dma_start3A_35, %dma_start3A_36] : memref<128x128xf32, #tpu.memory_space<vmem_shared>> -> memref<128x128xf32, #tpu.memory_space<vmem_shared>>
      tpu.enqueue_indirect_dma source(%arg7 : memref<64x128xf32, #tpu.memory_space<vmem>>) target(%dma_start3A_37 : memref<128x128xf32, #tpu.memory_space<vmem_shared>>) offsets(%dma_start3A_34 : memref<64xi32, #tpu.memory_space<vmem>>) semaphore(%run_scoped3A_32 : memref<!tpu.dma_semaphore, #tpu.memory_space<semaphore_mem>>) {add = true}
      %dma_wait3A = arith.constant 0 : i32
      %dma_wait3A_38 = tpu.memref_slice %arg6[%run_scoped3A_26, %dma_wait3A] : memref<5x64xi32, #tpu.memory_space<vmem>> -> memref<1x64xi32, #tpu.memory_space<vmem>>
      %dma_wait3A_39 = tpu.memref_squeeze %dma_wait3A_38 : memref<1x64xi32, #tpu.memory_space<vmem>> -> memref<64xi32, #tpu.memory_space<vmem>>
      %dma_wait3A_40 = arith.constant 0 : i32
      %dma_wait3A_41 = arith.constant 0 : i32
      %dma_wait3A_42 = tpu.memref_slice %arg8[%dma_wait3A_40, %dma_wait3A_41] : memref<128x128xf32, #tpu.memory_space<vmem_shared>> -> memref<128x128xf32, #tpu.memory_space<vmem_shared>>
      tpu.wait_indirect_dma semaphore(%run_scoped3A_32 : memref<!tpu.dma_semaphore, #tpu.memory_space<semaphore_mem>>) src(%arg7 : memref<64x128xf32, #tpu.memory_space<vmem>>) dst(%dma_wait3A_42 : memref<128x128xf32, #tpu.memory_space<vmem_shared>>)
      tpu.yield
    }) : () -> ()
    %barrier3A_27 = arith.constant 0 : index
    tpu.barrier barrier_id(%barrier3A_27)
    %mul3A_28 = arith.constant 8 : i32
    %mul3A_29 = arith.muli %mul3A_28, %arg1 : i32
    %mul3A_30 = arith.constant 8 : i32
    %mul3A_31 = arith.muli %mul3A_30, %arg1 : i32
    "tpu.region"() ({
      %run_scoped3A_32 = tpu.sem_alloc : memref<!tpu.dma_semaphore, #tpu.memory_space<semaphore_mem>>
      %dma_start3A = arith.constant 0 : i32
      %dma_start3A_33 = arith.constant 0 : i32
      %dma_start3A_34 = tpu.memref_slice %arg5[%arg0, %dma_start3A, %dma_start3A_33] : memref<2x128x128xf32, #tpu.memory_space<hbm>> -> memref<1x128x128xf32, #tpu.memory_space<hbm>>
      %dma_start3A_35 = tpu.memref_squeeze %dma_start3A_34 : memref<1x128x128xf32, #tpu.memory_space<hbm>> -> memref<128x128xf32, #tpu.memory_space<hbm>>
      %dma_start3A_36 = arith.constant 0 : i32
      %dma_start3A_37 = tpu.memref_slice %dma_start3A_35[%mul3A_31, %dma_start3A_36] : memref<128x128xf32, #tpu.memory_space<hbm>> -> memref<8x128xf32, #tpu.memory_space<hbm>>
      %dma_start3A_38 = arith.constant 0 : i32
      %dma_start3A_39 = tpu.memref_slice %arg8[%mul3A_29, %dma_start3A_38] : memref<128x128xf32, #tpu.memory_space<vmem_shared>> -> memref<8x128xf32, #tpu.memory_space<vmem_shared>>
      tpu.enqueue_dma source(%dma_start3A_39 : memref<8x128xf32, #tpu.memory_space<vmem_shared>>) target(%dma_start3A_37 : memref<8x128xf32, #tpu.memory_space<hbm>>) target_semaphore(%run_scoped3A_32 : memref<!tpu.dma_semaphore, #tpu.memory_space<semaphore_mem>>)
      %dma_wait3A = arith.constant 0 : i32
      %dma_wait3A_40 = arith.constant 0 : i32
      %dma_wait3A_41 = tpu.memref_slice %arg5[%arg0, %dma_wait3A, %dma_wait3A_40] : memref<2x128x128xf32, #tpu.memory_space<hbm>> -> memref<1x128x128xf32, #tpu.memory_space<hbm>>
      %dma_wait3A_42 = tpu.memref_squeeze %dma_wait3A_41 : memref<1x128x128xf32, #tpu.memory_space<hbm>> -> memref<128x128xf32, #tpu.memory_space<hbm>>
      %dma_wait3A_43 = arith.constant 0 : i32
      %dma_wait3A_44 = tpu.memref_slice %dma_wait3A_42[%mul3A_31, %dma_wait3A_43] : memref<128x128xf32, #tpu.memory_space<hbm>> -> memref<8x128xf32, #tpu.memory_space<hbm>>
      %dma_wait3A_45 = arith.constant 0 : i32
      %dma_wait3A_46 = tpu.memref_slice %arg8[%mul3A_29, %dma_wait3A_45] : memref<128x128xf32, #tpu.memory_space<vmem_shared>> -> memref<8x128xf32, #tpu.memory_space<vmem_shared>>
      tpu.wait_dma2 semaphore(%run_scoped3A_32 : memref<!tpu.dma_semaphore, #tpu.memory_space<semaphore_mem>>) src(%dma_wait3A_46 : memref<8x128xf32, #tpu.memory_space<vmem_shared>>) dst(%dma_wait3A_44 : memref<8x128xf32, #tpu.memory_space<hbm>>)
      tpu.yield
    }) : () -> ()
    return
  }
}

module attributes {stable_mosaic.version = 14 : i64} {
  func.func @_tc_mm(%arg0: i32, %arg1: memref<1024x256xf32, #tpu.memory_space<vmem>>, %arg2: memref<256x128xf32, #tpu.memory_space<vmem>>, %arg3: memref<1024x128xf32, #tpu.memory_space<vmem>>) attributes {dimension_semantics = [#tpu.dimension_semantics<arbitrary>], iteration_bounds = array<i64: 10>, scalar_prefetch = 0 : i64, scratch_operands = 0 : i64, tpu.core_type = #tpu.core_type<tc>, window_params = [{transform_indices = @transform_0, window_bounds = array<i64: 1024, 256>}, {pipeline_mode = #tpu.pipeline_mode<synchronous>, transform_indices = @transform_1, window_bounds = array<i64: 256, 128>}, {transform_indices = @transform_2, window_bounds = array<i64: 1024, 128>}]} {
    %get3A = arith.constant 0 : index
    %get3A_0 = arith.constant 0 : index
    %get3A_1 = vector.load %arg1[%get3A, %get3A_0] : memref<1024x256xf32, #tpu.memory_space<vmem>>, vector<1024x256xf32>
    %get3A_2 = arith.constant 0 : index
    %get3A_3 = arith.constant 0 : index
    %get3A_4 = vector.load %arg2[%get3A_2, %get3A_3] : memref<256x128xf32, #tpu.memory_space<vmem>>, vector<256x128xf32>
    %dot_general3A = arith.constant dense<0.000000e+00> : vector<1024x128xf32>
    %dot_general3A_5 = tpu.matmul %get3A_1, %get3A_4, %dot_general3A {dimension_numbers = #tpu.dot_dimension_numbers<[1], [0], [0], [1], [0, 0, 1, 1], [], []>, transpose_lhs_hint = false} : vector<1024x256xf32>, vector<256x128xf32>, vector<1024x128xf32> -> vector<1024x128xf32>
    %swap3A = arith.constant 0 : index
    %swap3A_6 = arith.constant 0 : index
    %swap3A_7 = vector.load %arg3[%swap3A, %swap3A_6] : memref<1024x128xf32, #tpu.memory_space<vmem>>, vector<1024x128xf32>
    tpu.vector_store %arg3[%swap3A, %swap3A_6], %dot_general3A_5 {strides = array<i32>} : memref<1024x128xf32, #tpu.memory_space<vmem>>, vector<1024x128xf32>,
    return
  }
  func.func @transform_0(%arg0: i32) -> (i32, i32) {
    %c0_i32 = arith.constant 0 : i32
    %c0_i32_0 = arith.constant 0 : i32
    return %arg0, %c0_i32 : i32, i32
  }
  func.func @transform_1(%arg0: i32) -> (i32, i32) {
    %c0_i32 = arith.constant 0 : i32
    %c0_i32_0 = arith.constant 0 : i32
    %c0_i32_1 = arith.constant 0 : i32
    return %c0_i32, %c0_i32_0 : i32, i32
  }
  func.func @transform_2(%arg0: i32) -> (i32, i32) {
    %c0_i32 = arith.constant 0 : i32
    %c0_i32_0 = arith.constant 0 : i32
    return %arg0, %c0_i32 : i32, i32
  }
}

module attributes {stable_mosaic.version = 14 : i64} {
  func.func @_tc_deghist(%arg0: i32, %arg1: memref<1x1x4096xi32, #tpu.memory_space<vmem>>, %arg2: memref<128x128xf32, #tpu.memory_space<vmem>>) attributes {dimension_semantics = [#tpu.dimension_semantics<arbitrary>], iteration_bounds = array<i64: 40>, scalar_prefetch = 0 : i64, scratch_operands = 0 : i64, tpu.core_type = #tpu.core_type<tc>, window_params = [{transform_indices = @transform_0, window_bounds = array<i64: 1, 1, 4096>}, {pipeline_mode = #tpu.pipeline_mode<synchronous>, transform_indices = @transform_1, window_bounds = array<i64: 128, 128>}]} {
    %eq3A = arith.constant 0 : i32
    %eq3A_0 = arith.cmpi eq, %arg0, %eq3A : i32
    %convert_element_type3A = arith.extui %eq3A_0 : i1 to i32
    %cond3A = arith.constant 0 : i32
    %cond3A_1 = arith.cmpi ne, %convert_element_type3A, %cond3A : i32
    scf.if %cond3A_1 {
      %broadcast_in_dim3A_26 = arith.constant 0.000000e+00 : f32
      %broadcast_in_dim3A_27 = vector.broadcast %broadcast_in_dim3A_26 : f32 to vector<128x128xf32>
      %swap3A_28 = arith.constant 0 : index
      %swap3A_29 = arith.constant 0 : index
      %swap3A_30 = vector.load %arg2[%swap3A_28, %swap3A_29] : memref<128x128xf32, #tpu.memory_space<vmem>>, vector<128x128xf32>
      tpu.vector_store %arg2[%swap3A_28, %swap3A_29], %broadcast_in_dim3A_27 {strides = array<i32>} : memref<128x128xf32, #tpu.memory_space<vmem>>, vector<128x128xf32>,
    } else {
    }
    %get3A = arith.constant 0 : index
    %get3A_2 = arith.constant 0 : index
    %get3A_3 = arith.constant 0 : index
    %get3A_4 = vector.load %arg1[%get3A, %get3A_2, %get3A_3] : memref<1x1x4096xi32, #tpu.memory_space<vmem>>, vector<1x1x4096xi32>
    %get3A_5 = vector.shape_cast %get3A_4 : vector<1x1x4096xi32> to vector<4096xi32>
    %iota3A = tpu.iota {dimensions = array<i32: 1>} : vector<4096x128xi32>
    %and3A = arith.constant 127 : i32
    %and3A_6 = vector.broadcast %and3A : i32 to vector<4096xi32>
    %and3A_7 = arith.andi %get3A_5, %and3A_6 : vector<4096xi32>
    %broadcast_in_dim3A = vector.shape_cast %and3A_7 : vector<4096xi32> to vector<4096x1xi32>
    %eq3A_8 = vector.broadcast %broadcast_in_dim3A : vector<4096x1xi32> to vector<4096x128xi32>
    %eq3A_9 = arith.cmpi eq, %eq3A_8, %iota3A : vector<4096x128xi32>
    %convert_element_type3A_10 = arith.extui %eq3A_9 : vector<4096x128xi1> to vector<4096x128xi32>
    %convert_element_type3A_11 = arith.sitofp %convert_element_type3A_10 : vector<4096x128xi32> to vector<4096x128xf32>
    %shift_right_arithmetic3A = arith.constant 7 : i32
    %shift_right_arithmetic3A_12 = vector.broadcast %shift_right_arithmetic3A : i32 to vector<4096xi32>
    %shift_right_arithmetic3A_13 = arith.shrsi %get3A_5, %shift_right_arithmetic3A_12 : vector<4096xi32>
    %broadcast_in_dim3A_14 = vector.shape_cast %shift_right_arithmetic3A_13 : vector<4096xi32> to vector<1x4096xi32>
    %iota3A_15 = tpu.iota {dimensions = array<i32: 0>} : vector<128x4096xi32>
    %eq3A_16 = vector.broadcast %broadcast_in_dim3A_14 : vector<1x4096xi32> to vector<128x4096xi32>
    %eq3A_17 = arith.cmpi eq, %eq3A_16, %iota3A_15 : vector<128x4096xi32>
    %convert_element_type3A_18 = arith.extui %eq3A_17 : vector<128x4096xi1> to vector<128x4096xi32>
    %convert_element_type3A_19 = arith.sitofp %convert_element_type3A_18 : vector<128x4096xi32> to vector<128x4096xf32>
    %get3A_20 = arith.constant 0 : index
    %get3A_21 = arith.constant 0 : index
    %get3A_22 = vector.load %arg2[%get3A_20, %get3A_21] : memref<128x128xf32, #tpu.memory_space<vmem>>, vector<128x128xf32>
    %dot_general3A = arith.constant dense<0.000000e+00> : vector<128x128xf32>
    %dot_general3A_23 = tpu.matmul %convert_element_type3A_19, %convert_element_type3A_11, %dot_general3A {dimension_numbers = #tpu.dot_dimension_numbers<[1], [0], [0], [1], [0, 0, 1, 1], [], []>, transpose_lhs_hint = false} : vector<128x4096xf32>, vector<4096x128xf32>, vector<128x128xf32> -> vector<128x128xf32>
    %add3A = arith.addf %get3A_22, %dot_general3A_23 : vector<128x128xf32>
    %swap3A = arith.constant 0 : index
    %swap3A_24 = arith.constant 0 : index
    %swap3A_25 = vector.load %arg2[%swap3A, %swap3A_24] : memref<128x128xf32, #tpu.memory_space<vmem>>, vector<128x128xf32>
    tpu.vector_store %arg2[%swap3A, %swap3A_24], %add3A {strides = array<i32>} : memref<128x128xf32, #tpu.memory_space<vmem>>, vector<128x128xf32>,
    return
  }
  func.func @transform_0(%arg0: i32) -> (i32, i32, i32) {
    %c0_i32 = arith.constant 0 : i32
    %c0_i32_0 = arith.constant 0 : i32
    %c0_i32_1 = arith.constant 0 : i32
    return %arg0, %c0_i32, %c0_i32_0 : i32, i32, i32
  }
  func.func @transform_1(%arg0: i32) -> (i32, i32) {
    %c0_i32 = arith.constant 0 : i32
    %c0_i32_0 = arith.constant 0 : i32
    %c0_i32_1 = arith.constant 0 : i32
    return %c0_i32, %c0_i32_0 : i32, i32
  }
}

module attributes {stable_mosaic.version = 14 : i64} {
  func.func @_tc_degexpand(%arg0: i32, %arg1: memref<8x128xf32, #tpu.memory_space<vmem>>, %arg2: memref<1024x128xf32, #tpu.memory_space<vmem>>, %arg3: memref<1024x128xf32, #tpu.memory_space<vmem>>) attributes {dimension_semantics = [#tpu.dimension_semantics<arbitrary>], iteration_bounds = array<i64: 10>, scalar_prefetch = 0 : i64, scratch_operands = 0 : i64, tpu.core_type = #tpu.core_type<tc>, window_params = [{transform_indices = @transform_0, window_bounds = array<i64: 8, 128>}, {transform_indices = @transform_1, window_bounds = array<i64: 1024, 128>}, {transform_indices = @transform_2, window_bounds = array<i64: 1024, 128>}]} {
    %iota3A = tpu.iota {dimensions = array<i32: 0>} : vector<1024x8xi32>
    %shift_right_arithmetic3A = arith.constant 7 : i32
    %shift_right_arithmetic3A_0 = vector.broadcast %shift_right_arithmetic3A : i32 to vector<1024x8xi32>
    %shift_right_arithmetic3A_1 = arith.shrsi %iota3A, %shift_right_arithmetic3A_0 : vector<1024x8xi32>
    %iota3A_2 = tpu.iota {dimensions = array<i32: 1>} : vector<1024x8xi32>
    %eq3A = arith.cmpi eq, %shift_right_arithmetic3A_1, %iota3A_2 : vector<1024x8xi32>
    %convert_element_type3A = arith.extui %eq3A : vector<1024x8xi1> to vector<1024x8xi32>
    %convert_element_type3A_3 = arith.sitofp %convert_element_type3A : vector<1024x8xi32> to vector<1024x8xf32>
    %get3A = arith.constant 0 : index
    %get3A_4 = arith.constant 0 : index
    %get3A_5 = vector.load %arg1[%get3A, %get3A_4] : memref<8x128xf32, #tpu.memory_space<vmem>>, vector<8x128xf32>
    %dot_general3A = arith.constant dense<0.000000e+00> : vector<1024x128xf32>
    %dot_general3A_6 = tpu.matmul %convert_element_type3A_3, %get3A_5, %dot_general3A {dimension_numbers = #tpu.dot_dimension_numbers<[1], [0], [0], [1], [0, 0, 1, 1], [], []>, transpose_lhs_hint = false} : vector<1024x8xf32>, vector<8x128xf32>, vector<1024x128xf32> -> vector<1024x128xf32>
    %iota3A_7 = tpu.iota {dimensions = array<i32: 1>} : vector<1024x128xi32>
    %iota3A_8 = tpu.iota {dimensions = array<i32: 0>} : vector<1024x128xi32>
    %and3A = arith.constant 127 : i32
    %and3A_9 = vector.broadcast %and3A : i32 to vector<1024x128xi32>
    %and3A_10 = arith.andi %iota3A_8, %and3A_9 : vector<1024x128xi32>
    %eq3A_11 = arith.cmpi eq, %iota3A_7, %and3A_10 : vector<1024x128xi32>
    %jit3A = arith.constant 0.000000e+00 : f32
    %broadcast_in_dim3A = vector.broadcast %jit3A : f32 to vector<1024x128xf32>
    %select_n3A = arith.select %eq3A_11, %dot_general3A_6, %broadcast_in_dim3A : vector<1024x128xi1>, vector<1024x128xf32>
    %reduce_sum3A = arith.constant dense<0.000000e+00> : vector<1024xf32>
    %reduce_sum3A_12 = vector.multi_reduction <add>, %select_n3A, %reduce_sum3A [1] : vector<1024x128xf32> to vector<1024xf32>
    %add3A = arith.constant 1.000000e+00 : f32
    %add3A_13 = vector.broadcast %add3A : f32 to vector<1024xf32>
    %add3A_14 = arith.addf %reduce_sum3A_12, %add3A_13 : vector<1024xf32>
    %rsqrt3A = math.rsqrt %add3A_14 : vector<1024xf32>
    %broadcast_in_dim3A_15 = vector.shape_cast %rsqrt3A : vector<1024xf32> to vector<1024x1xf32>
    %broadcast_in_dim3A_16 = vector.shape_cast %broadcast_in_dim3A_15 : vector<1024x1xf32> to vector<1024x1xf32>
    %broadcast_in_dim3A_17 = vector.broadcast %broadcast_in_dim3A_16 : vector<1024x1xf32> to vector<1024x128xf32>
    %swap3A = arith.constant 0 : index
    %swap3A_18 = arith.constant 0 : index
    %swap3A_19 = vector.load %arg2[%swap3A, %swap3A_18] : memref<1024x128xf32, #tpu.memory_space<vmem>>, vector<1024x128xf32>
    tpu.vector_store %arg2[%swap3A, %swap3A_18], %broadcast_in_dim3A_17 {strides = array<i32>} : memref<1024x128xf32, #tpu.memory_space<vmem>>, vector<1024x128xf32>,
    %add3A_20 = arith.constant 2.000000e+00 : f32
    %add3A_21 = vector.broadcast %add3A_20 : f32 to vector<1024xf32>
    %add3A_22 = arith.addf %reduce_sum3A_12, %add3A_21 : vector<1024xf32>
    %rsqrt3A_23 = math.rsqrt %add3A_22 : vector<1024xf32>
    %broadcast_in_dim3A_24 = vector.shape_cast %rsqrt3A_23 : vector<1024xf32> to vector<1024x1xf32>
    %broadcast_in_dim3A_25 = vector.shape_cast %broadcast_in_dim3A_24 : vector<1024x1xf32> to vector<1024x1xf32>
    %broadcast_in_dim3A_26 = vector.broadcast %broadcast_in_dim3A_25 : vector<1024x1xf32> to vector<1024x128xf32>
    %swap3A_27 = arith.constant 0 : index
    %swap3A_28 = arith.constant 0 : index
    %swap3A_29 = vector.load %arg3[%swap3A_27, %swap3A_28] : memref<1024x128xf32, #tpu.memory_space<vmem>>, vector<1024x128xf32>
    tpu.vector_store %arg3[%swap3A_27, %swap3A_28], %broadcast_in_dim3A_26 {strides = array<i32>} : memref<1024x128xf32, #tpu.memory_space<vmem>>, vector<1024x128xf32>,
    return
  }
  func.func @transform_0(%arg0: i32) -> (i32, i32) {
    %c0_i32 = arith.constant 0 : i32
    %c0_i32_0 = arith.constant 0 : i32
    return %arg0, %c0_i32 : i32, i32
  }
  func.func @transform_1(%arg0: i32) -> (i32, i32) {
    %c0_i32 = arith.constant 0 : i32
    %c0_i32_0 = arith.constant 0 : i32
    return %arg0, %c0_i32 : i32, i32
  }
  func.func @transform_2(%arg0: i32) -> (i32, i32) {
    %c0_i32 = arith.constant 0 : i32
    %c0_i32_0 = arith.constant 0 : i32
    return %arg0, %c0_i32 : i32, i32
  }
}

module attributes {stable_mosaic.version = 14 : i64} {
  func.func @_tc_u0(%arg0: i32, %arg1: memref<1024x128xf32, #tpu.memory_space<vmem>>, %arg2: memref<1024x128xf32, #tpu.memory_space<vmem>>, %arg3: memref<1024x128xf32, #tpu.memory_space<vmem>>, %arg4: memref<1024x128xf32, #tpu.memory_space<vmem>>) attributes {dimension_semantics = [#tpu.dimension_semantics<arbitrary>], iteration_bounds = array<i64: 10>, scalar_prefetch = 0 : i64, scratch_operands = 0 : i64, tpu.core_type = #tpu.core_type<tc>, window_params = [{transform_indices = @transform_0, window_bounds = array<i64: 1024, 128>}, {transform_indices = @transform_1, window_bounds = array<i64: 1024, 128>}, {transform_indices = @transform_2, window_bounds = array<i64: 1024, 128>}, {transform_indices = @transform_3, window_bounds = array<i64: 1024, 128>}]} {
    %iota3A = tpu.iota {dimensions = array<i32: 1>} : vector<1024x128xi32>
    %lt3A = arith.constant 64 : i32
    %lt3A_0 = vector.broadcast %lt3A : i32 to vector<1024x128xi32>
    %lt3A_1 = arith.cmpi slt, %iota3A, %lt3A_0 : vector<1024x128xi32>
    %get3A = arith.constant 0 : index
    %get3A_2 = arith.constant 0 : index
    %get3A_3 = vector.load %arg2[%get3A, %get3A_2] : memref<1024x128xf32, #tpu.memory_space<vmem>>, vector<1024x128xf32>
    %get3A_4 = arith.constant 0 : index
    %get3A_5 = arith.constant 0 : index
    %get3A_6 = vector.load %arg3[%get3A_4, %get3A_5] : memref<1024x128xf32, #tpu.memory_space<vmem>>, vector<1024x128xf32>
    %select_n3A = arith.select %lt3A_1, %get3A_3, %get3A_6 : vector<1024x128xi1>, vector<1024x128xf32>
    %get3A_7 = arith.constant 0 : index
    %get3A_8 = arith.constant 0 : index
    %get3A_9 = vector.load %arg1[%get3A_7, %get3A_8] : memref<1024x128xf32, #tpu.memory_space<vmem>>, vector<1024x128xf32>
    %mul3A = arith.mulf %select_n3A, %get3A_9 : vector<1024x128xf32>
    %swap3A = arith.constant 0 : index
    %swap3A_10 = arith.constant 0 : index
    %swap3A_11 = vector.load %arg4[%swap3A, %swap3A_10] : memref<1024x128xf32, #tpu.memory_space<vmem>>, vector<1024x128xf32>
    tpu.vector_store %arg4[%swap3A, %swap3A_10], %mul3A {strides = array<i32>} : memref<1024x128xf32, #tpu.memory_space<vmem>>, vector<1024x128xf32>,
    return
  }
  func.func @transform_0(%arg0: i32) -> (i32, i32) {
    %c0_i32 = arith.constant 0 : i32
    %c0_i32_0 = arith.constant 0 : i32
    return %arg0, %c0_i32 : i32, i32
  }
  func.func @transform_1(%arg0: i32) -> (i32, i32) {
    %c0_i32 = arith.constant 0 : i32
    %c0_i32_0 = arith.constant 0 : i32
    return %arg0, %c0_i32 : i32, i32
  }
  func.func @transform_2(%arg0: i32) -> (i32, i32) {
    %c0_i32 = arith.constant 0 : i32
    %c0_i32_0 = arith.constant 0 : i32
    return %arg0, %c0_i32 : i32, i32
  }
  func.func @transform_3(%arg0: i32) -> (i32, i32) {
    %c0_i32 = arith.constant 0 : i32
    %c0_i32_0 = arith.constant 0 : i32
    return %arg0, %c0_i32 : i32, i32
  }
}

module attributes {stable_mosaic.version = 14 : i64} {
  func.func @_tc_u1(%arg0: i32, %arg1: memref<1024x128xf32, #tpu.memory_space<vmem>>, %arg2: memref<2x1024x128xf32, #tpu.memory_space<vmem>>, %arg3: memref<1024x128xf32, #tpu.memory_space<vmem>>, %arg4: memref<1024x128xf32, #tpu.memory_space<vmem>>) attributes {dimension_semantics = [#tpu.dimension_semantics<arbitrary>], iteration_bounds = array<i64: 10>, scalar_prefetch = 0 : i64, scratch_operands = 0 : i64, tpu.core_type = #tpu.core_type<tc>, window_params = [{transform_indices = @transform_0, window_bounds = array<i64: 1024, 128>}, {transform_indices = @transform_1, window_bounds = array<i64: 2, 1024, 128>}, {transform_indices = @transform_2, window_bounds = array<i64: 1024, 128>}, {transform_indices = @transform_3, window_bounds = array<i64: 1024, 128>}]} {
    %get3A = arith.constant 0 : index
    %get3A_0 = arith.constant 0 : index
    %get3A_1 = vector.load %arg1[%get3A, %get3A_0] : memref<1024x128xf32, #tpu.memory_space<vmem>>, vector<1024x128xf32>
    %get3A_2 = arith.constant 0 : index
    %get3A_3 = arith.constant 0 : index
    %get3A_4 = arith.constant 0 : index
    %get3A_5 = vector.load %arg2[%get3A_2, %get3A_3, %get3A_4] : memref<2x1024x128xf32, #tpu.memory_space<vmem>>, vector<2x1024x128xf32>
    %slice3A = vector.extract_strided_slice %get3A_5 {offsets = [0, 0, 0], sizes = [1, 1024, 128], strides = [1, 1, 1]} : vector<2x1024x128xf32> to vector<1x1024x128xf32>
    %squeeze3A = vector.shape_cast %slice3A : vector<1x1024x128xf32> to vector<1024x128xf32>
    %slice3A_6 = vector.extract_strided_slice %get3A_5 {offsets = [1, 0, 0], sizes = [1, 1024, 128], strides = [1, 1, 1]} : vector<2x1024x128xf32> to vector<1x1024x128xf32>
    %squeeze3A_7 = vector.shape_cast %slice3A_6 : vector<1x1024x128xf32> to vector<1024x128xf32>
    %add3A = arith.addf %squeeze3A, %squeeze3A_7 : vector<1024x128xf32>
    %get3A_8 = arith.constant 0 : index
    %get3A_9 = arith.constant 0 : index
    %get3A_10 = vector.load %arg3[%get3A_8, %get3A_9] : memref<1024x128xf32, #tpu.memory_space<vmem>>, vector<1024x128xf32>
    %add3A_11 = arith.addf %add3A, %get3A_10 : vector<1024x128xf32>
    %mul3A = arith.mulf %get3A_1, %get3A_1 : vector<1024x128xf32>
    %mul3A_12 = arith.mulf %add3A_11, %mul3A : vector<1024x128xf32>
    %swap3A = arith.constant 0 : index
    %swap3A_13 = arith.constant 0 : index
    %swap3A_14 = vector.load %arg4[%swap3A, %swap3A_13] : memref<1024x128xf32, #tpu.memory_space<vmem>>, vector<1024x128xf32>
    tpu.vector_store %arg4[%swap3A, %swap3A_13], %mul3A_12 {strides = array<i32>} : memref<1024x128xf32, #tpu.memory_space<vmem>>, vector<1024x128xf32>,
    return
  }
  func.func @transform_0(%arg0: i32) -> (i32, i32) {
    %c0_i32 = arith.constant 0 : i32
    %c0_i32_0 = arith.constant 0 : i32
    return %arg0, %c0_i32 : i32, i32
  }
  func.func @transform_1(%arg0: i32) -> (i32, i32, i32) {
    %c0_i32 = arith.constant 0 : i32
    %c0_i32_0 = arith.constant 0 : i32
    %c0_i32_1 = arith.constant 0 : i32
    return %c0_i32, %arg0, %c0_i32_0 : i32, i32, i32
  }
  func.func @transform_2(%arg0: i32) -> (i32, i32) {
    %c0_i32 = arith.constant 0 : i32
    %c0_i32_0 = arith.constant 0 : i32
    return %arg0, %c0_i32 : i32, i32
  }
  func.func @transform_3(%arg0: i32) -> (i32, i32) {
    %c0_i32 = arith.constant 0 : i32
    %c0_i32_0 = arith.constant 0 : i32
    return %arg0, %c0_i32 : i32, i32
  }
}

module attributes {stable_mosaic.version = 14 : i64} {
  func.func @_tc_u2(%arg0: i32, %arg1: memref<1024x128xf32, #tpu.memory_space<vmem>>, %arg2: memref<1024x128xf32, #tpu.memory_space<vmem>>, %arg3: memref<2x1024x128xf32, #tpu.memory_space<vmem>>, %arg4: memref<1024x128xf32, #tpu.memory_space<vmem>>, %arg5: memref<1x128xf32, #tpu.memory_space<vmem>>, %arg6: memref<128x128xf32, #tpu.memory_space<vmem>>, %arg7: memref<1024x128xf32, #tpu.memory_space<vmem>>) attributes {dimension_semantics = [#tpu.dimension_semantics<arbitrary>], iteration_bounds = array<i64: 10>, scalar_prefetch = 0 : i64, scratch_operands = 0 : i64, tpu.core_type = #tpu.core_type<tc>, window_params = [{transform_indices = @transform_0, window_bounds = array<i64: 1024, 128>}, {transform_indices = @transform_1, window_bounds = array<i64: 1024, 128>}, {transform_indices = @transform_2, window_bounds = array<i64: 2, 1024, 128>}, {transform_indices = @transform_3, window_bounds = array<i64: 1024, 128>}, {pipeline_mode = #tpu.pipeline_mode<synchronous>, transform_indices = @transform_4, window_bounds = array<i64: 1, 128>}, {pipeline_mode = #tpu.pipeline_mode<synchronous>, transform_indices = @transform_5, window_bounds = array<i64: 128, 128>}, {transform_indices = @transform_6, window_bounds = array<i64: 1024, 128>}]} {
    %get3A = arith.constant 0 : index
    %get3A_0 = arith.constant 0 : index
    %get3A_1 = arith.constant 0 : index
    %get3A_2 = vector.load %arg3[%get3A, %get3A_0, %get3A_1] : memref<2x1024x128xf32, #tpu.memory_space<vmem>>, vector<2x1024x128xf32>
    %slice3A = vector.extract_strided_slice %get3A_2 {offsets = [0, 0, 0], sizes = [1, 1024, 128], strides = [1, 1, 1]} : vector<2x1024x128xf32> to vector<1x1024x128xf32>
    %squeeze3A = vector.shape_cast %slice3A : vector<1x1024x128xf32> to vector<1024x128xf32>
    %slice3A_3 = vector.extract_strided_slice %get3A_2 {offsets = [1, 0, 0], sizes = [1, 1024, 128], strides = [1, 1, 1]} : vector<2x1024x128xf32> to vector<1x1024x128xf32>
    %squeeze3A_4 = vector.shape_cast %slice3A_3 : vector<1x1024x128xf32> to vector<1024x128xf32>
    %add3A = arith.addf %squeeze3A, %squeeze3A_4 : vector<1024x128xf32>
    %get3A_5 = arith.constant 0 : index
    %get3A_6 = arith.constant 0 : index
    %get3A_7 = vector.load %arg4[%get3A_5, %get3A_6] : memref<1024x128xf32, #tpu.memory_space<vmem>>, vector<1024x128xf32>
    %add3A_8 = arith.addf %add3A, %get3A_7 : vector<1024x128xf32>
    %get3A_9 = arith.constant 0 : index
    %get3A_10 = arith.constant 0 : index
    %get3A_11 = vector.load %arg1[%get3A_9, %get3A_10] : memref<1024x128xf32, #tpu.memory_space<vmem>>, vector<1024x128xf32>
    %mul3A = arith.mulf %add3A_8, %get3A_11 : vector<1024x128xf32>
    %get3A_12 = arith.constant 0 : index
    %get3A_13 = arith.constant 0 : index
    %get3A_14 = vector.load %arg5[%get3A_12, %get3A_13] : memref<1x128xf32, #tpu.memory_space<vmem>>, vector<1x128xf32>
    %add3A_15 = vector.broadcast %get3A_14 : vector<1x128xf32> to vector<1024x128xf32>
    %add3A_16 = arith.addf %mul3A, %add3A_15 : vector<1024x128xf32>
    %get3A_17 = arith.constant 0 : index
    %get3A_18 = arith.constant 0 : index
    %get3A_19 = vector.load %arg6[%get3A_17, %get3A_18] : memref<128x128xf32, #tpu.memory_space<vmem>>, vector<128x128xf32>
    %dot_general3A = arith.constant dense<0.000000e+00> : vector<1024x128xf32>
    %dot_general3A_20 = tpu.matmul %add3A_16, %get3A_19, %dot_general3A {dimension_numbers = #tpu.dot_dimension_numbers<[1], [0], [0], [1], [0, 0, 1, 1], [], []>, transpose_lhs_hint = false} : vector<1024x128xf32>, vector<128x128xf32>, vector<1024x128xf32> -> vector<1024x128xf32>
    %get3A_21 = arith.constant 0 : index
    %get3A_22 = arith.constant 0 : index
    %get3A_23 = vector.load %arg2[%get3A_21, %get3A_22] : memref<1024x128xf32, #tpu.memory_space<vmem>>, vector<1024x128xf32>
    %mul3A_24 = arith.mulf %dot_general3A_20, %get3A_23 : vector<1024x128xf32>
    %swap3A = arith.constant 0 : index
    %swap3A_25 = arith.constant 0 : index
    %swap3A_26 = vector.load %arg7[%swap3A, %swap3A_25] : memref<1024x128xf32, #tpu.memory_space<vmem>>, vector<1024x128xf32>
    tpu.vector_store %arg7[%swap3A, %swap3A_25], %mul3A_24 {strides = array<i32>} : memref<1024x128xf32, #tpu.memory_space<vmem>>, vector<1024x128xf32>,
    return
  }
  func.func @transform_0(%arg0: i32) -> (i32, i32) {
    %c0_i32 = arith.constant 0 : i32
    %c0_i32_0 = arith.constant 0 : i32
    return %arg0, %c0_i32 : i32, i32
  }
  func.func @transform_1(%arg0: i32) -> (i32, i32) {
    %c0_i32 = arith.constant 0 : i32
    %c0_i32_0 = arith.constant 0 : i32
    return %arg0, %c0_i32 : i32, i32
  }
  func.func @transform_2(%arg0: i32) -> (i32, i32, i32) {
    %c0_i32 = arith.constant 0 : i32
    %c0_i32_0 = arith.constant 0 : i32
    %c0_i32_1 = arith.constant 0 : i32
    return %c0_i32, %arg0, %c0_i32_0 : i32, i32, i32
  }
  func.func @transform_3(%arg0: i32) -> (i32, i32) {
    %c0_i32 = arith.constant 0 : i32
    %c0_i32_0 = arith.constant 0 : i32
    return %arg0, %c0_i32 : i32, i32
  }
  func.func @transform_4(%arg0: i32) -> (i32, i32) {
    %c0_i32 = arith.constant 0 : i32
    %c0_i32_0 = arith.constant 0 : i32
    %c0_i32_1 = arith.constant 0 : i32
    return %c0_i32, %c0_i32_0 : i32, i32
  }
  func.func @transform_5(%arg0: i32) -> (i32, i32) {
    %c0_i32 = arith.constant 0 : i32
    %c0_i32_0 = arith.constant 0 : i32
    %c0_i32_1 = arith.constant 0 : i32
    return %c0_i32, %c0_i32_0 : i32, i32
  }
  func.func @transform_6(%arg0: i32) -> (i32, i32) {
    %c0_i32 = arith.constant 0 : i32
    %c0_i32_0 = arith.constant 0 : i32
    return %arg0, %c0_i32 : i32, i32
  }
}

module attributes {stable_mosaic.version = 14 : i64} {
  func.func @_tc_h4(%arg0: i32, %arg1: memref<1024x128xf32, #tpu.memory_space<vmem>>, %arg2: memref<2x1024x128xf32, #tpu.memory_space<vmem>>, %arg3: memref<1024x128xf32, #tpu.memory_space<vmem>>, %arg4: memref<1x128xf32, #tpu.memory_space<vmem>>, %arg5: memref<128x128xf32, #tpu.memory_space<vmem>>, %arg6: memref<1024x128xf32, #tpu.memory_space<vmem>>, %arg7: memref<1024x128xf32, #tpu.memory_space<vmem>>, %arg8: memref<1024x128xf32, #tpu.memory_space<vmem>>) attributes {dimension_semantics = [#tpu.dimension_semantics<arbitrary>], iteration_bounds = array<i64: 10>, scalar_prefetch = 0 : i64, scratch_operands = 0 : i64, tpu.core_type = #tpu.core_type<tc>, window_params = [{transform_indices = @transform_0, window_bounds = array<i64: 1024, 128>}, {transform_indices = @transform_1, window_bounds = array<i64: 2, 1024, 128>}, {transform_indices = @transform_2, window_bounds = array<i64: 1024, 128>}, {pipeline_mode = #tpu.pipeline_mode<synchronous>, transform_indices = @transform_3, window_bounds = array<i64: 1, 128>}, {pipeline_mode = #tpu.pipeline_mode<synchronous>, transform_indices = @transform_4, window_bounds = array<i64: 128, 128>}, {transform_indices = @transform_5, window_bounds = array<i64: 1024, 128>}, {transform_indices = @transform_6, window_bounds = array<i64: 1024, 128>}, {transform_indices = @transform_7, window_bounds = array<i64: 1024, 128>}]} {
    %get3A = arith.constant 0 : index
    %get3A_0 = arith.constant 0 : index
    %get3A_1 = arith.constant 0 : index
    %get3A_2 = vector.load %arg2[%get3A, %get3A_0, %get3A_1] : memref<2x1024x128xf32, #tpu.memory_space<vmem>>, vector<2x1024x128xf32>
    %slice3A = vector.extract_strided_slice %get3A_2 {offsets = [0, 0, 0], sizes = [1, 1024, 128], strides = [1, 1, 1]} : vector<2x1024x128xf32> to vector<1x1024x128xf32>
    %squeeze3A = vector.shape_cast %slice3A : vector<1x1024x128xf32> to vector<1024x128xf32>
    %slice3A_3 = vector.extract_strided_slice %get3A_2 {offsets = [1, 0, 0], sizes = [1, 1024, 128], strides = [1, 1, 1]} : vector<2x1024x128xf32> to vector<1x1024x128xf32>
    %squeeze3A_4 = vector.shape_cast %slice3A_3 : vector<1x1024x128xf32> to vector<1024x128xf32>
    %add3A = arith.addf %squeeze3A, %squeeze3A_4 : vector<1024x128xf32>
    %get3A_5 = arith.constant 0 : index
    %get3A_6 = arith.constant 0 : index
    %get3A_7 = vector.load %arg3[%get3A_5, %get3A_6] : memref<1024x128xf32, #tpu.memory_space<vmem>>, vector<1024x128xf32>
    %mul3A = arith.constant 2.000000e+00 : f32
    %mul3A_8 = vector.broadcast %mul3A : f32 to vector<1024x128xf32>
    %mul3A_9 = arith.mulf %mul3A_8, %get3A_7 : vector<1024x128xf32>
    %add3A_10 = arith.addf %add3A, %mul3A_9 : vector<1024x128xf32>
    %get3A_11 = arith.constant 0 : index
    %get3A_12 = arith.constant 0 : index
    %get3A_13 = vector.load %arg1[%get3A_11, %get3A_12] : memref<1024x128xf32, #tpu.memory_space<vmem>>, vector<1024x128xf32>
    %mul3A_14 = arith.mulf %add3A_10, %get3A_13 : vector<1024x128xf32>
    %get3A_15 = arith.constant 0 : index
    %get3A_16 = arith.constant 0 : index
    %get3A_17 = vector.load %arg4[%get3A_15, %get3A_16] : memref<1x128xf32, #tpu.memory_space<vmem>>, vector<1x128xf32>
    %add3A_18 = vector.broadcast %get3A_17 : vector<1x128xf32> to vector<1024x128xf32>
    %add3A_19 = arith.addf %mul3A_14, %add3A_18 : vector<1024x128xf32>
    %swap3A = arith.constant 0 : index
    %swap3A_20 = arith.constant 0 : index
    %swap3A_21 = vector.load %arg6[%swap3A, %swap3A_20] : memref<1024x128xf32, #tpu.memory_space<vmem>>, vector<1024x128xf32>
    tpu.vector_store %arg6[%swap3A, %swap3A_20], %add3A_19 {strides = array<i32>} : memref<1024x128xf32, #tpu.memory_space<vmem>>, vector<1024x128xf32>,
    %iota3A = tpu.iota {dimensions = array<i32: 1>} : vector<1024x128xi32>
    %lt3A = arith.constant 64 : i32
    %lt3A_22 = vector.broadcast %lt3A : i32 to vector<1024x128xi32>
    %lt3A_23 = arith.cmpi slt, %iota3A, %lt3A_22 : vector<1024x128xi32>
    %max3A = arith.constant 0.000000e+00 : f32
    %max3A_24 = vector.broadcast %max3A : f32 to vector<1024x128xf32>
    %max3A_25 = arith.maximumf %add3A_19, %max3A_24 : vector<1024x128xf32>
    %eq3A = arith.constant 64 : i32
    %eq3A_26 = vector.broadcast %eq3A : i32 to vector<1024x128xi32>
    %eq3A_27 = arith.cmpi eq, %iota3A, %eq3A_26 : vector<1024x128xi32>
    %jit3A = arith.constant 1.000000e+00 : f32
    %jit3A_28 = arith.constant 0.000000e+00 : f32
    %broadcast_in_dim3A = vector.broadcast %jit3A : f32 to vector<1024x128xf32>
    %broadcast_in_dim3A_29 = vector.broadcast %jit3A_28 : f32 to vector<1024x128xf32>
    %select_n3A = arith.select %eq3A_27, %broadcast_in_dim3A, %broadcast_in_dim3A_29 : vector<1024x128xi1>, vector<1024x128xf32>
    %select_n3A_30 = arith.select %lt3A_23, %max3A_25, %select_n3A : vector<1024x128xi1>, vector<1024x128xf32>
    %swap3A_31 = arith.constant 0 : index
    %swap3A_32 = arith.constant 0 : index
    %swap3A_33 = vector.load %arg7[%swap3A_31, %swap3A_32] : memref<1024x128xf32, #tpu.memory_space<vmem>>, vector<1024x128xf32>
    tpu.vector_store %arg7[%swap3A_31, %swap3A_32], %select_n3A_30 {strides = array<i32>} : memref<1024x128xf32, #tpu.memory_space<vmem>>, vector<1024x128xf32>,
    %get3A_34 = arith.constant 0 : index
    %get3A_35 = arith.constant 0 : index
    %get3A_36 = vector.load %arg5[%get3A_34, %get3A_35] : memref<128x128xf32, #tpu.memory_space<vmem>>, vector<128x128xf32>
    %dot_general3A = arith.constant dense<0.000000e+00> : vector<1024x128xf32>
    %dot_general3A_37 = tpu.matmul %add3A_19, %get3A_36, %dot_general3A {dimension_numbers = #tpu.dot_dimension_numbers<[1], [0], [0], [1], [0, 0, 1, 1], [], []>, transpose_lhs_hint = false} : vector<1024x128xf32>, vector<128x128xf32>, vector<1024x128xf32> -> vector<1024x128xf32>
    %swap3A_38 = arith.constant 0 : index
    %swap3A_39 = arith.constant 0 : index
    %swap3A_40 = vector.load %arg8[%swap3A_38, %swap3A_39] : memref<1024x128xf32, #tpu.memory_space<vmem>>, vector<1024x128xf32>
    tpu.vector_store %arg8[%swap3A_38, %swap3A_39], %dot_general3A_37 {strides = array<i32>} : memref<1024x128xf32, #tpu.memory_space<vmem>>, vector<1024x128xf32>,
    return
  }
  func.func @transform_0(%arg0: i32) -> (i32, i32) {
    %c0_i32 = arith.constant 0 : i32
    %c0_i32_0 = arith.constant 0 : i32
    return %arg0, %c0_i32 : i32, i32
  }
  func.func @transform_1(%arg0: i32) -> (i32, i32, i32) {
    %c0_i32 = arith.constant 0 : i32
    %c0_i32_0 = arith.constant 0 : i32
    %c0_i32_1 = arith.constant 0 : i32
    return %c0_i32, %arg0, %c0_i32_0 : i32, i32, i32
  }
  func.func @transform_2(%arg0: i32) -> (i32, i32) {
    %c0_i32 = arith.constant 0 : i32
    %c0_i32_0 = arith.constant 0 : i32
    return %arg0, %c0_i32 : i32, i32
  }
  func.func @transform_3(%arg0: i32) -> (i32, i32) {
    %c0_i32 = arith.constant 0 : i32
    %c0_i32_0 = arith.constant 0 : i32
    %c0_i32_1 = arith.constant 0 : i32
    return %c0_i32, %c0_i32_0 : i32, i32
  }
  func.func @transform_4(%arg0: i32) -> (i32, i32) {
    %c0_i32 = arith.constant 0 : i32
    %c0_i32_0 = arith.constant 0 : i32
    %c0_i32_1 = arith.constant 0 : i32
    return %c0_i32, %c0_i32_0 : i32, i32
  }
  func.func @transform_5(%arg0: i32) -> (i32, i32) {
    %c0_i32 = arith.constant 0 : i32
    %c0_i32_0 = arith.constant 0 : i32
    return %arg0, %c0_i32 : i32, i32
  }
  func.func @transform_6(%arg0: i32) -> (i32, i32) {
    %c0_i32 = arith.constant 0 : i32
    %c0_i32_0 = arith.constant 0 : i32
    return %arg0, %c0_i32 : i32, i32
  }
  func.func @transform_7(%arg0: i32) -> (i32, i32) {
    %c0_i32 = arith.constant 0 : i32
    %c0_i32_0 = arith.constant 0 : i32
    return %arg0, %c0_i32 : i32, i32
  }
}

module attributes {stable_mosaic.version = 14 : i64} {
  func.func @_tc_readout(%arg0: i32, %arg1: memref<2x128x128xf32, #tpu.memory_space<vmem>>, %arg2: memref<1x64xf32, #tpu.memory_space<vmem>>, %arg3: memref<1x1xf32, #tpu.memory_space<vmem>>, %arg4: memref<1024x128xf32, #tpu.memory_space<vmem>>, %arg5: memref<1024x8xf32, #tpu.memory_space<vmem>>, %arg6: memref<1024x8xf32, #tpu.memory_space<vmem>>) attributes {dimension_semantics = [#tpu.dimension_semantics<arbitrary>], iteration_bounds = array<i64: 10>, scalar_prefetch = 0 : i64, scratch_operands = 0 : i64, tpu.core_type = #tpu.core_type<tc>, window_params = [{pipeline_mode = #tpu.pipeline_mode<synchronous>, transform_indices = @transform_0, window_bounds = array<i64: 2, 128, 128>}, {pipeline_mode = #tpu.pipeline_mode<synchronous>, transform_indices = @transform_1, window_bounds = array<i64: 1, 64>}, {pipeline_mode = #tpu.pipeline_mode<synchronous>, transform_indices = @transform_2, window_bounds = array<i64: 1, 1>}, {transform_indices = @transform_3, window_bounds = array<i64: 1024, 128>}, {transform_indices = @transform_4, window_bounds = array<i64: 1024, 8>}, {transform_indices = @transform_5, window_bounds = array<i64: 1024, 8>}]} {
    %get3A = arith.constant 0 : index
    %get3A_0 = arith.constant 0 : index
    %get3A_1 = arith.constant 0 : index
    %get3A_2 = vector.load %arg1[%get3A, %get3A_0, %get3A_1] : memref<2x128x128xf32, #tpu.memory_space<vmem>>, vector<2x128x128xf32>
    %slice3A = vector.extract_strided_slice %get3A_2 {offsets = [0, 0, 0], sizes = [1, 128, 128], strides = [1, 1, 1]} : vector<2x128x128xf32> to vector<1x128x128xf32>
    %squeeze3A = vector.shape_cast %slice3A : vector<1x128x128xf32> to vector<128x128xf32>
    %slice3A_3 = vector.extract_strided_slice %get3A_2 {offsets = [1, 0, 0], sizes = [1, 128, 128], strides = [1, 1, 1]} : vector<2x128x128xf32> to vector<1x128x128xf32>
    %squeeze3A_4 = vector.shape_cast %slice3A_3 : vector<1x128x128xf32> to vector<128x128xf32>
    %add3A = arith.addf %squeeze3A, %squeeze3A_4 : vector<128x128xf32>
    %iota3A = tpu.iota {dimensions = array<i32: 1>} : vector<128x128xi32>
    %eq3A = arith.constant 64 : i32
    %eq3A_5 = vector.broadcast %eq3A : i32 to vector<128x128xi32>
    %eq3A_6 = arith.cmpi eq, %iota3A, %eq3A_5 : vector<128x128xi32>
    %jit3A = arith.constant 0.000000e+00 : f32
    %broadcast_in_dim3A = vector.broadcast %jit3A : f32 to vector<128x128xf32>
    %select_n3A = arith.select %eq3A_6, %add3A, %broadcast_in_dim3A : vector<128x128xi1>, vector<128x128xf32>
    %reduce_sum3A = arith.constant dense<0.000000e+00> : vector<128xf32>
    %reduce_sum3A_7 = vector.multi_reduction <add>, %select_n3A, %reduce_sum3A [1] : vector<128x128xf32> to vector<128xf32>
    %max3A = arith.constant 1.000000e+00 : f32
    %max3A_8 = vector.broadcast %max3A : f32 to vector<128xf32>
    %max3A_9 = arith.maximumf %reduce_sum3A_7, %max3A_8 : vector<128xf32>
    %broadcast_in_dim3A_10 = vector.shape_cast %max3A_9 : vector<128xf32> to vector<128x1xf32>
    %div3A = vector.broadcast %broadcast_in_dim3A_10 : vector<128x1xf32> to vector<128x128xf32>
    %div3A_11 = arith.divf %add3A, %div3A : vector<128x128xf32>
    %iota3A_12 = tpu.iota {dimensions = array<i32: 0>} : vector<128x128xi32>
    %lt3A = arith.constant 64 : i32
    %lt3A_13 = vector.broadcast %lt3A : i32 to vector<128x128xi32>
    %lt3A_14 = arith.cmpi slt, %iota3A_12, %lt3A_13 : vector<128x128xi32>
    %jit3A_15 = arith.constant 0.000000e+00 : f32
    %broadcast_in_dim3A_16 = vector.broadcast %jit3A_15 : f32 to vector<128x128xf32>
    %select_n3A_17 = arith.select %lt3A_14, %div3A_11, %broadcast_in_dim3A_16 : vector<128x128xi1>, vector<128x128xf32>
    %reduce_sum3A_18 = arith.constant dense<0.000000e+00> : vector<128xf32>
    %reduce_sum3A_19 = vector.multi_reduction <add>, %select_n3A_17, %reduce_sum3A_18 [0] : vector<128x128xf32> to vector<128xf32>
    %div3A_20 = arith.constant 6.400000e+01 : f32
    %div3A_21 = vector.broadcast %div3A_20 : f32 to vector<128xf32>
    %div3A_22 = arith.divf %reduce_sum3A_19, %div3A_21 : vector<128xf32>
    %slice3A_23 = vector.extract_strided_slice %div3A_22 {offsets = [0], sizes = [64], strides = [1]} : vector<128xf32> to vector<64xf32>
    %get3A_24 = arith.constant 0 : index
    %get3A_25 = arith.constant 0 : index
    %get3A_26 = vector.load %arg2[%get3A_24, %get3A_25] : memref<1x64xf32, #tpu.memory_space<vmem>>, vector<1x64xf32>
    %squeeze3A_27 = vector.shape_cast %get3A_26 : vector<1x64xf32> to vector<64xf32>
    %mul3A = arith.mulf %slice3A_23, %squeeze3A_27 : vector<64xf32>
    %get3A_28 = arith.constant 0 : index
    %get3A_29 = arith.constant 0 : index
    %get3A_30 = vector.load %arg3[%get3A_28, %get3A_29] : memref<1x1xf32, #tpu.memory_space<vmem>>, vector<1x1xf32>
    %get3A_31 = vector.extract %get3A_30[0, 0] : f32 from vector<1x1xf32>
    %get3A_32 = arith.constant 0 : index
    %get3A_33 = arith.constant 0 : index
    %get3A_34 = vector.load %arg4[%get3A_32, %get3A_33] : memref<1024x128xf32, #tpu.memory_space<vmem>>, vector<1024x128xf32>
    %slice3A_35 = vector.extract_strided_slice %get3A_34 {offsets = [0, 0], sizes = [1024, 64], strides = [1, 1]} : vector<1024x128xf32> to vector<1024x64xf32>
    %max3A_36 = arith.constant 0.000000e+00 : f32
    %max3A_37 = vector.broadcast %max3A_36 : f32 to vector<1024x64xf32>
    %max3A_38 = arith.maximumf %slice3A_35, %max3A_37 : vector<1024x64xf32>
    %broadcast_in_dim3A_39 = vector.shape_cast %mul3A : vector<64xf32> to vector<1x64xf32>
    %mul3A_40 = vector.broadcast %broadcast_in_dim3A_39 : vector<1x64xf32> to vector<1024x64xf32>
    %mul3A_41 = arith.mulf %max3A_38, %mul3A_40 : vector<1024x64xf32>
    %reduce_sum3A_42 = arith.constant dense<0.000000e+00> : vector<1024xf32>
    %reduce_sum3A_43 = vector.multi_reduction <add>, %mul3A_41, %reduce_sum3A_42 [1] : vector<1024x64xf32> to vector<1024xf32>
    %add3A_44 = vector.broadcast %get3A_31 : f32 to vector<1024xf32>
    %add3A_45 = arith.addf %reduce_sum3A_43, %add3A_44 : vector<1024xf32>
    %slice3A_46 = vector.extract_strided_slice %get3A_34 {offsets = [0, 64], sizes = [1024, 64], strides = [1, 1]} : vector<1024x128xf32> to vector<1024x64xf32>
    %broadcast_in_dim3A_47 = vector.shape_cast %mul3A : vector<64xf32> to vector<1x64xf32>
    %mul3A_48 = vector.broadcast %broadcast_in_dim3A_47 : vector<1x64xf32> to vector<1024x64xf32>
    %mul3A_49 = arith.mulf %slice3A_46, %mul3A_48 : vector<1024x64xf32>
    %reduce_sum3A_50 = arith.constant dense<0.000000e+00> : vector<1024xf32>
    %reduce_sum3A_51 = vector.multi_reduction <add>, %mul3A_49, %reduce_sum3A_50 [1] : vector<1024x64xf32> to vector<1024xf32>
    %add3A_52 = vector.broadcast %get3A_31 : f32 to vector<1024xf32>
    %add3A_53 = arith.addf %reduce_sum3A_51, %add3A_52 : vector<1024xf32>
    %logistic3A = arith.negf %add3A_45 : vector<1024xf32>
    %logistic3A_54 = math.exp %logistic3A : vector<1024xf32>
    %logistic3A_55 = arith.constant 1.000000e+00 : f32
    %logistic3A_56 = vector.broadcast %logistic3A_55 : f32 to vector<1024xf32>
    %logistic3A_57 = arith.addf %logistic3A_56, %logistic3A_54 : vector<1024xf32>
    %logistic3A_58 = arith.divf %logistic3A_56, %logistic3A_57 : vector<1024xf32>
    %broadcast_in_dim3A_59 = vector.shape_cast %logistic3A_58 : vector<1024xf32> to vector<1024x1xf32>
    %broadcast_in_dim3A_60 = vector.shape_cast %broadcast_in_dim3A_59 : vector<1024x1xf32> to vector<1024x1xf32>
    %broadcast_in_dim3A_61 = vector.broadcast %broadcast_in_dim3A_60 : vector<1024x1xf32> to vector<1024x8xf32>
    %swap3A = arith.constant 0 : index
    %swap3A_62 = arith.constant 0 : index
    %swap3A_63 = vector.load %arg5[%swap3A, %swap3A_62] : memref<1024x8xf32, #tpu.memory_space<vmem>>, vector<1024x8xf32>
    tpu.vector_store %arg5[%swap3A, %swap3A_62], %broadcast_in_dim3A_61 {strides = array<i32>} : memref<1024x8xf32, #tpu.memory_space<vmem>>, vector<1024x8xf32>,
    %logistic3A_64 = arith.negf %add3A_53 : vector<1024xf32>
    %logistic3A_65 = math.exp %logistic3A_64 : vector<1024xf32>
    %logistic3A_66 = arith.constant 1.000000e+00 : f32
    %logistic3A_67 = vector.broadcast %logistic3A_66 : f32 to vector<1024xf32>
    %logistic3A_68 = arith.addf %logistic3A_67, %logistic3A_65 : vector<1024xf32>
    %logistic3A_69 = arith.divf %logistic3A_67, %logistic3A_68 : vector<1024xf32>
    %broadcast_in_dim3A_70 = vector.shape_cast %logistic3A_69 : vector<1024xf32> to vector<1024x1xf32>
    %broadcast_in_dim3A_71 = vector.shape_cast %broadcast_in_dim3A_70 : vector<1024x1xf32> to vector<1024x1xf32>
    %broadcast_in_dim3A_72 = vector.broadcast %broadcast_in_dim3A_71 : vector<1024x1xf32> to vector<1024x8xf32>
    %swap3A_73 = arith.constant 0 : index
    %swap3A_74 = arith.constant 0 : index
    %swap3A_75 = vector.load %arg6[%swap3A_73, %swap3A_74] : memref<1024x8xf32, #tpu.memory_space<vmem>>, vector<1024x8xf32>
    tpu.vector_store %arg6[%swap3A_73, %swap3A_74], %broadcast_in_dim3A_72 {strides = array<i32>} : memref<1024x8xf32, #tpu.memory_space<vmem>>, vector<1024x8xf32>,
    return
  }
  func.func @transform_0(%arg0: i32) -> (i32, i32, i32) {
    %c0_i32 = arith.constant 0 : i32
    %c0_i32_0 = arith.constant 0 : i32
    %c0_i32_1 = arith.constant 0 : i32
    %c0_i32_2 = arith.constant 0 : i32
    return %c0_i32, %c0_i32_0, %c0_i32_1 : i32, i32, i32
  }
  func.func @transform_1(%arg0: i32) -> (i32, i32) {
    %c0_i32 = arith.constant 0 : i32
    %c0_i32_0 = arith.constant 0 : i32
    %c0_i32_1 = arith.constant 0 : i32
    return %c0_i32, %c0_i32_0 : i32, i32
  }
  func.func @transform_2(%arg0: i32) -> (i32, i32) {
    %c0_i32 = arith.constant 0 : i32
    %c0_i32_0 = arith.constant 0 : i32
    %c0_i32_1 = arith.constant 0 : i32
    return %c0_i32, %c0_i32_0 : i32, i32
  }
  func.func @transform_3(%arg0: i32) -> (i32, i32) {
    %c0_i32 = arith.constant 0 : i32
    %c0_i32_0 = arith.constant 0 : i32
    return %arg0, %c0_i32 : i32, i32
  }
  func.func @transform_4(%arg0: i32) -> (i32, i32) {
    %c0_i32 = arith.constant 0 : i32
    %c0_i32_0 = arith.constant 0 : i32
    return %arg0, %c0_i32 : i32, i32
  }
  func.func @transform_5(%arg0: i32) -> (i32, i32) {
    %c0_i32 = arith.constant 0 : i32
    %c0_i32_0 = arith.constant 0 : i32
    return %arg0, %c0_i32 : i32, i32
  }
}

</mosaic_0001>

<sc_bundles>
// kernel: kernel.15.cloned.1.call-start
scs
__scs_entry_jumppad:
0x0: {  	(pc) =	sbr.rel $0x88, $3  }
0x1: {  	(tag) =	ssettag $0x0;
	lr =	simm.s32 $0x1  }
0x2: {  	[smem:$0x3F97] =	sst lr;
	_ =	strace $0xD0000000  }
0x3: {  	_ = 	snop  }
0x4: {  	_ = 	snop  }
0x5: {  	_ = 	snop  }
0x6: {  	_ = 	snop  }
0x7: {  	_ = 	snop  }
__scs_overlays_trampoline_lowered:
0x8: {  	[smem:$0x3FA6] =	sst s0  }
0x9: {  	[smem:$0x3FA7] =	sst s1  }
0xa: {  	[smem:$0x3FA8] =	sst s2  }
0xb: {  	[smem:$0x3FA9] =	sst s3  }
0xc: {  	[smem:$0x3FAA] =	sst s4  }
0xd: {  	[smem:$0x3FAB] =	sst s5  }
0xe: {  	[smem:$0x3FAC] =	sst s6  }
0xf: {  	[smem:$0x3FAD] =	sst s7  }
0x10: {  	[smem:$0x3FAE] =	sst s8  }
0x11: {  	[smem:$0x3FAF] =	sst s9;
	s0 =	simm.s32 @!p0 $0x0  }
0x12: {  	s1 =	sld [smem:$0x3F95];
	s0 =	simm.s32 @p0 $0x1  }
0x13: {  	[smem:$0x3FB0] =	sst s0;
	s0 =	simm.s32 @!p1 $0x0  }
0x14: {  	s2 =	sld [smem:$0x3F94];
	s0 =	simm.s32 @p1 $0x1  }
0x15: {  	[smem:$0x3FB1] =	sst s0;
	s0 =	simm.s32 @!p2 $0x0  }
0x16: {  	s3 =	sld [smem:$0x3FDB];
	s0 =	simm.s32 @p2 $0x1  }
0x17: {  	s4 =	simm.s32 $0x1BF5;
	[smem:$0x3FB3] =	sst s0  }
0x18: {  	s0 =	sld [smem:$0x3F96];
	_ =	swait.ge [sflag:s4], $0x0  }
0x19: {  	s7 =	sld [smem:$0x3F97]  }
0x1a: {  	s8 =	sadd.s32 $0xFFFFE003, lr  }
0x1b: {  	s9 =	sadd.s32 $0xFFFFFEF7, lr;
	s5 =	simm.s32 $0xFFFFFFFF;
	p2 =	slt.u32 s8, $0xFFFFF086  }
0x1c: {  	p1 =	slt.u32 s9, $0xF7A;
	s5 =	simm.s32 @!p2 $0x0  }
0x1d: {  	s5 =	simm.s32 @p1 $0x1;
	p0 =	seq.s32 s7, s2  }
0x1e: {  	s7 =	smul.u32 @!p0 $0xF7A, s2;
	p2 =	seq.s32 @!p0 s5, $0x0  }
0x1f: {  	s9 =	smul.u32 $0xF7A, s1;
	s8 =	simm.s32 @!p0 $0x1BF5;
	p2 =	por !p2, p0  }
0x20: {  	[sflag:s8] =	ssyncset.s32 @!p0 $0xFFFFF086;
	s6 =	sadd.s32 @!p0 s3, s7;
	s7 =	simm.s32 @!p0 $0x108  }
0x21: {  	s3 =	sadd.s32 s3, s9;
	s6 =	sadd.s32 @!p0 $0x88, s6;
	s7 =	simm.s32 @p2 $0x1082  }
0x22: {  	[simem:s7], [sflag:s8] =	dma.local @!p0 [hbm:s6], $0xF7A  }
0x23: {  	s9 =	sor.u32 $0xD0000000, s2;
	s6 =	simm.s32 $0x108;
	_ =	swait.ge @!p0 [sflag:s8], $0x0  }
0x24: {  	s3 =	sadd.s32 $0x88, s3;
	s6 =	simm.s32 @!p1 $0x1082;
	[sflag:s4] =	ssyncset.s32 $0xFFFFF086  }
0x25: {  	[simem:s6], [sflag:s4] =	dma.local [hbm:s3], $0xF7A  }
0x26: {  	[smem:$0x3F97] =	sst s1;
	(tag) =	ssettag s2;
	_ =	strace s9  }
0x27: {  	s1 =	sld [smem:$0x3FA7]  }
0x28: {  	s2 =	sld [smem:$0x3FA8]  }
0x29: {  	s4 =	sld [smem:$0x3FAA]  }
0x2a: {  	p0 =	seq.s32 s5, $0x0;
	s5 =	sld [smem:$0x3FAB]  }
0x2b: {  	s6 =	sld [smem:$0x3FAC]  }
0x2c: {  	s7 =	sld [smem:$0x3FAD]  }
0x2d: {  	s3 =	simm.s32 $0x108;
	s8 =	sld [smem:$0x3FAE]  }
0x2e: {  	s3 =	simm.s32 @!p0 $0x1082;
	s9 =	sld [smem:$0x3FAF]  }
0x2f: {  	lr =	sadd.s32 s0, s3;
	s0 =	sld [smem:$0x3FA6]  }
0x30: {  	s3 =	sld [smem:$0x3FA9]  }
0x31: {  	[smem:$0x3FB2] =	sst s10  }
0x32: {  	s10 =	sld [smem:$0x3FB0];
	_ =	sdelay $0x3  }
0x33: {  	p0 =	seq.s32 s10, $0x1;
	s10 =	sld [smem:$0x3FB2];
	_ =	sdelay $0x3  }
0x34: {  	[smem:$0x3FB2] =	sst s10  }
0x35: {  	s10 =	sld [smem:$0x3FB1];
	_ =	sdelay $0x3  }
0x36: {  	p1 =	seq.s32 s10, $0x1;
	s10 =	sld [smem:$0x3FB2];
	_ =	sdelay $0x3  }
0x37: {  	[smem:$0x3FB2] =	sst s10  }
0x38: {  	s10 =	sld [smem:$0x3FB3]  }
0x39: {  	_ = 	snop;
	(pc) =	sbr.ind lr, $3  }
0x3a: {  	_ = 	snop  }
0x3b: {  	_ = 	snop  }
0x3c: {  	p2 =	seq.s32 s10, $0x1;
	s10 =	sld [smem:$0x3FB2]  }
0x3d: {  	_ =	shalt  }
0x3e: {  	_ =	shalt  }
0x3f: {  	_ =	shalt  }
0x40: {  	_ =	shalt  }
0x41: {  	_ =	shalt  }
0x42: {  	_ =	shalt  }
0x43: {  	_ =	shalt  }
0x44: {  	_ =	shalt  }
0x45: {  	_ =	shalt  }
0x46: {  	_ =	shalt  }
0x47: {  	_ =	shalt  }
0x48: {  	_ =	shalt  }
0x49: {  	_ =	shalt  }
0x4a: {  	_ =	shalt  }
0x4b: {  	_ =	shalt  }
0x4c: {  	_ =	shalt  }
0x4d: {  	_ =	shalt  }
0x4e: {  	_ =	shalt  }
0x4f: {  	_ =	shalt  }
0x50: {  	_ =	shalt  }
0x51: {  	_ =	shalt  }
0x52: {  	_ =	shalt  }
0x53: {  	_ =	shalt  }
0x54: {  	_ =	shalt  }
0x55: {  	_ =	shalt  }
0x56: {  	_ =	shalt  }
0x57: {  	_ =	shalt  }
0x58: {  	_ =	shalt  }
0x59: {  	_ =	shalt  }
0x5a: {  	_ =	shalt  }
0x5b: {  	_ =	shalt  }
0x5c: {  	_ =	shalt  }
0x5d: {  	_ =	shalt  }
0x5e: {  	_ =	shalt  }
0x5f: {  	_ =	shalt  }
0x60: {  	_ =	shalt  }
0x61: {  	_ =	shalt  }
0x62: {  	_ =	shalt  }
0x63: {  	_ =	shalt  }
0x64: {  	_ =	shalt  }
0x65: {  	_ =	shalt  }
0x66: {  	_ =	shalt  }
0x67: {  	_ =	shalt  }
0x68: {  	_ =	shalt  }
0x69: {  	_ =	shalt  }
0x6a: {  	_ =	shalt  }
0x6b: {  	_ =	shalt  }
0x6c: {  	_ =	shalt  }
0x6d: {  	_ =	shalt  }
0x6e: {  	_ =	shalt  }
0x6f: {  	_ =	shalt  }
0x70: {  	_ =	shalt  }
0x71: {  	_ =	shalt  }
0x72: {  	_ =	shalt  }
0x73: {  	_ =	shalt  }
0x74: {  	_ =	shalt  }
0x75: {  	_ =	shalt  }
0x76: {  	_ =	shalt  }
0x77: {  	_ =	shalt  }
0x78: {  	_ =	shalt  }
0x79: {  	_ =	shalt  }
0x7a: {  	_ =	shalt  }
0x7b: {  	_ =	shalt  }
0x7c: {  	_ =	shalt  }
0x7d: {  	_ =	shalt  }
0x7e: {  	_ =	shalt  }
0x7f: {  	_ =	shalt  }
0x80: {  	_ =	shalt  }
0x81: {  	_ =	shalt  }
0x82: {  	_ =	shalt  }
0x83: {  	_ =	shalt  }
0x84: {  	_ =	shalt  }
0x85: {  	_ =	shalt  }
0x86: {  	_ =	shalt  }
0x87: {  	_ =	shalt  }
.Lfunc_end0:
.L_simem_size_0:
called_computation_lowered:
.L_overlay_start_0:
0x88: {  	s2 =	sld [smem:$0x3FD9]  }
0x89: {  	s3 =	sld [smem:$0x3FFE];
	_ =	sdelay $0x1  }
0x8a: {  	s1 =	srdreg.scid  }
0x8b: {  	s0 =	sand.u32 $0x1, s1  }
0x8c: {  	s16 =	sshll.u32 s0, $0xA;
	s2 =	sadd.s32 s3, s2  }
0x8d: {  	s2 =	sadd.s32 s2, s16  }
0x8e: {  	[smem:$0x3FBE] =	sst s2  }
0x8f: {  	_ = 	snop  }
0x90: {  	(tm) =	ssettm $0x1  }
0x91: {  	s17 =	sld [smem:$0x3FFB];
	_ =	sdelay $0x3  }
0x92: {  	_ =	strace s17  }
0x93: {  	s2 =	sld [smem:$0x3FFC];
	_ =	sdelay $0x3  }
0x94: {  	_ =	strace s2  }
0x95: {  	s2 =	sld [smem:$0x3FFD];
	_ =	sdelay $0x3  }
0x96: {  	_ =	strace s2  }
0x97: {  	_ =	strace $0x8FFFFFFF  }
0x98: {  	s18 =	sld [smem:$0x3FDB];
	_ =	sdelay $0x1  }
0x99: {  	s19 =	simm.s32 $_scs_section_size  }
0x9a: {  	s4 =	simm.s32 $_size__tile_overlayer_lowered;
	s5 =	simm.s32 $_tile_overlayer_lowered  }
0x9b: {  	s22 =	simm.s32 $0x1BFF;
	s21 =	sshll.u32 s5, $0x1;
	s2 =	sadd.s32 s19, s18  }
0x9c: {  	s6 =	simm.s32 $0x0;
	s20 =	sshll.u32 s4, $0x1;
	s4 =	sadd.s32 s21, s2  }
0x9d: {  	[timem:s6], [sflag:s22] =	dma.local [hbm:s4], s20  }
0x9e: {  	_ =	swait.ge [sflag:s22], s20  }
0x9f: {  	s3 =	ssub.s32 $0x0, s20;
	[sflag:s22] =	ssyncset.done $0x0  }
0xa0: {  	[sflag:s22] =	ssyncadd.s32 s3;
	_ =	sdelay $0x1  }
0xa1: {  	s23 =	simm.s32 $0x1B8B  }
0xa2: {  	_ =	swait.ge [sflag:s23], $0x1  }
0xa3: {  	[sflag:s23] =	ssyncset.done $0x0  }
0xa4: {  	s25 =	simm.s32 $0x1B8E;
	s24 =	sld [smem:$0x3FFE];
	[sflag:s23] =	ssyncadd.s32 $0xFFFFFFFF  }
0xa5: {  	s26 =	simm.s32 $execute0_lowered;
	[smem:$0x3FD2] =	sst s25  }
0xa6: {  	s4 =	sshll.u32 s26, $0x1;
	_ =	strace $0x80000046;
	[dreg:$0x1] =	wrdreg $0xFFFFFFFF  }
0xa7: {  	s28 =	simm.s32 $_size_execute0_lowered;
	s2 =	sadd.s32 s2, s4;
	[dreg:$0x0] =	wrdreg $0x0  }
0xa8: {  	s4 =	sshll.u32 s28, $0x1;
	[dreg:$0x2] =	wrdreg s2  }
0xa9: {  	[dreg:$0x3] =	wrdreg s4  }
0xaa: {  	[dreg:$0x4] =	wrdreg $0xC0  }
0xab: {  	_ =	task [dreg:s6], $0x5FFFF  }
0xac: {  	[dreg:$0x1] =	wrdreg $0xFFFFFFFF  }
0xad: {  	[dreg:$0x0] =	wrdreg $0x60  }
0xae: {  	[dreg:$0x2] =	wrdreg s24  }
0xaf: {  	[dreg:$0x3] =	wrdreg $0x9  }
0xb0: {  	_ =	task.clear_ibuf [dreg:s6], $0x4FFFF;
	_ =	strace $0x90000046  }
0xb1: {  	s29 =	simm.s32 $0x9;
	_ =	strace $0x80000048  }
0xb2: {  	_ =	swait.ge [sflag:s29], $0x1  }
0xb3: {  	[sflag:s29] =	ssyncadd.s32 $0xFFFFFFFF  }
0xb4: {  	_ =	strace $0x90000048  }
0xb5: {  	_ =	sfence  }
0xb6: {  	s30 =	sld [smem:$0x0];
	_ =	sdelay $0x2  }
0xb7: {  	s31 =	sshll.u32 s1, $0xD;
	s1 =	sshrl.u32 s1, $0x2  }
0xb8: {  	s3 =	sand.u32 $0x4000, s31;
	s1 =	sadd.s32 s1, s30  }
0xb9: {  	s0 =	sor.u32 s3, s0;
	s1 =	sshll.u32 s1, $0x11  }
0xba: {  	s0 =	sor.u32 s1, s0  }
0xbb: {  	s0 =	sadd.s32 $0x8F2B, s0  }
0xbc: {  	[sflag:s0] =	ssyncadd.remote.s32 $0x1  }
0xbd: {  	_ =	sfence.sel $0xFFFF  }
0xbe: {  	[dreg:$0x0] =	wrdreg $0xFFFFFFFF;
	(pc) =	sbr.abs _section_cstart, $3  }
0xbf: {  	[dreg:$0x1] =	wrdreg $0xFFFFFFFF  }
0xc0: {  	_ =	task.clear_ibuf [dreg:s6], $0x2FFFF;
	_ =	strace $0x9FFFFFFF  }
0xc1: {  	(tm) =	ssettm $0x7FFFFFFF  }
tec
execute0_lowered:
.L_overlay_start_1:
0x0: {  	(tag) =	ssettag $0x1  }
0x1: {  	s1 =	srdreg.scid;
	s0 =	stileid.u32  }
0x2: {  	s16 =	sand.u32 $0x1, s1;
	s30 =	sshll.u32 s0, $0x1  }
0x3: {  	s9 =	rddreg [dreg:$0x0];
	s10 =	sor.u32 s16, s30  }
0x4: {  	s2 =	simm.s32 $0x0;
	s1 =	rddreg [dreg:$0x1];
	s3 =	sshll.u32 s10, $0x7  }
0x5: {  	[smem:$0x7FF] =	sst s2;
	s3 =	sadd.s32 s3, s9  }
0x6: {  	_ =	strace $0x80000047;
	s4 =	sadd.s32 $0x2200, s3;
	s3 =	simm.s32 $0x2  }
0x7: {  	[tilespmem:s2], [sflag:$0x2] =	stream.linear.gather [hbm4b:s4+s2], $0x280, $0x38;
	[tilespmem:$0x2400] =	vst v63  }
0x8: {  	_ =	swait.ge [sflag:s3], $0x280  }
0x9: {  	s6 =	simm.s32 $0x40;
	s7 =	simm.s32 $0x400;
	[sflag:s3] =	ssyncset.done $0x0  }
0xa: {  	s8 =	simm.s32 $0x1;
	s5 =	sadd.s32 $0x3200, s9;
	[sflag:s3] =	ssyncadd.s32 $0xFFFFFD80  }
0xb: {  	[tilespmem:s7], [sflag:$0x1] =	stream.indirect.gather [hbm4b:s5+s6], $0x80, s2, s6, $0xb8;
	[tilespmem:$0x2400] =	vst v63  }
0xc: {  	s11 =	smul.u32 $0x1400, s10;
	_ =	swait.ge [sflag:s8], $0x2000  }
0xd: {  	s12 =	sadd.s32 $0x2B200, s9;
	[sflag:s8] =	ssyncset.done $0x0  }
0xe: {  	s9 =	sadd.s32 s12, s11;
	[sflag:s8] =	ssyncadd.s32 $0xFFFFE000  }
0xf: {  	[hbm4b:s9+s2] =	stream.linear.scatter [tilespmem:s7], [sflag:$0x2], $0x2000, $0x38;
	[tilespmem:$0x2400] =	vst v63  }
0x10: {  	_ =	swait.ge [sflag:s3], $0x2000  }
0x11: {  	[sflag:s3] =	ssyncset.done $0x0  }
0x12: {  	s31 =	smul.u32 $0xA000, s10;
	s10 =	simm.s32 $0x80;
	[sflag:s3] =	ssyncadd.s32 $0xFFFFE000  }
0x13: {  	[tilespmem:s7], [sflag:$0x1] =	stream.indirect.gather [hbm4b:s5+s6], $0x80, s10, s6, $0xb8;
	[tilespmem:$0x2400] =	vst v63  }
0x14: {  	s11 =	sshrl.u32 s31, $0x3;
	_ =	swait.ge [sflag:s8], $0x2000  }
0x15: {  	s17 =	sadd.s32 s12, s11;
	[sflag:s8] =	ssyncset.done $0x0  }
0x16: {  	s11 =	sadd.s32 $0x400, s17;
	[sflag:s8] =	ssyncadd.s32 $0xFFFFE000  }
0x17: {  	[hbm4b:s11+s2] =	stream.linear.scatter [tilespmem:s7], [sflag:$0x2], $0x2000, $0x38;
	[tilespmem:$0x2400] =	vst v63  }
0x18: {  	_ =	swait.ge [sflag:s3], $0x2000  }
0x19: {  	[sflag:s3] =	ssyncset.done $0x0  }
0x1a: {  	s12 =	simm.s32 $0x100;
	[sflag:s3] =	ssyncadd.s32 $0xFFFFE000  }
0x1b: {  	[tilespmem:s7], [sflag:$0x1] =	stream.indirect.gather [hbm4b:s5+s6], $0x80, s12, s6, $0xb8;
	[tilespmem:$0x2400] =	vst v63  }
0x1c: {  	_ =	swait.ge [sflag:s8], $0x2000  }
0x1d: {  	[sflag:s8] =	ssyncset.done $0x0  }
0x1e: {  	s13 =	sadd.s32 $0x800, s17;
	[sflag:s8] =	ssyncadd.s32 $0xFFFFE000  }
0x1f: {  	[hbm4b:s13+s2] =	stream.linear.scatter [tilespmem:s7], [sflag:$0x2], $0x2000, $0x38;
	[tilespmem:$0x2400] =	vst v63  }
0x20: {  	_ =	swait.ge [sflag:s3], $0x2000  }
0x21: {  	[sflag:s3] =	ssyncset.done $0x0  }
0x22: {  	s14 =	simm.s32 $0x180;
	[sflag:s3] =	ssyncadd.s32 $0xFFFFE000  }
0x23: {  	[tilespmem:s7], [sflag:$0x1] =	stream.indirect.gather [hbm4b:s5+s6], $0x80, s14, s6, $0xb8;
	[tilespmem:$0x2400] =	vst v63  }
0x24: {  	_ =	swait.ge [sflag:s8], $0x2000  }
0x25: {  	[sflag:s8] =	ssyncset.done $0x0  }
0x26: {  	s18 =	ssub.s32 $0x2, s16;
	s15 =	sadd.s32 $0xC00, s17;
	[sflag:s8] =	ssyncadd.s32 $0xFFFFE000  }
0x27: {  	[hbm4b:s15+s2] =	stream.linear.scatter [tilespmem:s7], [sflag:$0x2], $0x2000, $0x38;
	[tilespmem:$0x2400] =	vst v63  }
0x28: {  	s19 =	sshrl.u32 s18, $0x1;
	_ =	swait.ge [sflag:s3], $0x2000  }
0x29: {  	s18 =	ssub.s32 s18, s19;
	[sflag:s3] =	ssyncset.done $0x0  }
0x2a: {  	s16 =	simm.s32 $0x200;
	s18 =	smax.u32 s18, $0x1;
	[sflag:s3] =	ssyncadd.s32 $0xFFFFE000  }
0x2b: {  	[tilespmem:s7], [sflag:$0x1] =	stream.indirect.gather [hbm4b:s5+s6], $0x80, s16, s6, $0xb8;
	[tilespmem:$0x2400] =	vst v63  }
0x2c: {  	p0 =	sne.s32 s18, $0x1;
	_ =	swait.ge [sflag:s8], $0x2000  }
.Ltmp0:
0x2d: {  	[sflag:s8] =	ssyncset.done $0x0;
	(pc) =	sbr.rel @!p0 .LBB2_2-.Ltmp0, $4  }
0x2e: {  	s17 =	sadd.s32 $0x1000, s17;
	[sflag:s8] =	ssyncadd.s32 $0xFFFFE000  }
0x2f: {  	[hbm4b:s17+s2] =	stream.linear.scatter [tilespmem:s7], [sflag:$0x2], $0x2000, $0x38;
	[tilespmem:$0x2400] =	vst v63  }
0x30: {  	_ =	swait.ge [sflag:s3], $0x2000  }
0x31: {  	s18 =	sadd.s32 $0xFFFFFFFF, s18;
	[sflag:s3] =	ssyncset.done $0x0  }
.LBB2_1:
0x32: {  	p0 =	sne.s32 s18, $0x1;
	s18 =	sadd.s32 $0xFFFFFFFF, s18;
	[sflag:s3] =	ssyncadd.s32 $0xFFFFE000  }
0x33: {  	[tilespmem:s2], [sflag:$0x2] =	stream.linear.gather [hbm4b:s4+s2], $0x280, $0x38;
	[tilespmem:$0x2400] =	vst v63  }
0x34: {  	_ =	swait.ge [sflag:s3], $0x280  }
0x35: {  	[sflag:s3] =	ssyncset.done $0x0  }
0x36: {  	[sflag:s3] =	ssyncadd.s32 $0xFFFFFD80  }
0x37: {  	[tilespmem:s7], [sflag:$0x1] =	stream.indirect.gather [hbm4b:s5+s6], $0x80, s2, s6, $0xb8;
	[tilespmem:$0x2400] =	vst v63  }
0x38: {  	_ =	swait.ge [sflag:s8], $0x2000  }
0x39: {  	[sflag:s8] =	ssyncset.done $0x0  }
0x3a: {  	[sflag:s8] =	ssyncadd.s32 $0xFFFFE000  }
0x3b: {  	[hbm4b:s9+s2] =	stream.linear.scatter [tilespmem:s7], [sflag:$0x2], $0x2000, $0x38;
	[tilespmem:$0x2400] =	vst v63  }
0x3c: {  	_ =	swait.ge [sflag:s3], $0x2000  }
0x3d: {  	[sflag:s3] =	ssyncset.done $0x0  }
0x3e: {  	[sflag:s3] =	ssyncadd.s32 $0xFFFFE000  }
0x3f: {  	[tilespmem:s7], [sflag:$0x1] =	stream.indirect.gather [hbm4b:s5+s6], $0x80, s10, s6, $0xb8;
	[tilespmem:$0x2400] =	vst v63  }
0x40: {  	_ =	swait.ge [sflag:s8], $0x2000  }
0x41: {  	[sflag:s8] =	ssyncset.done $0x0  }
0x42: {  	[sflag:s8] =	ssyncadd.s32 $0xFFFFE000  }
0x43: {  	[hbm4b:s11+s2] =	stream.linear.scatter [tilespmem:s7], [sflag:$0x2], $0x2000, $0x38;
	[tilespmem:$0x2400] =	vst v63  }
0x44: {  	_ =	swait.ge [sflag:s3], $0x2000  }
0x45: {  	[sflag:s3] =	ssyncset.done $0x0  }
0x46: {  	[sflag:s3] =	ssyncadd.s32 $0xFFFFE000  }
0x47: {  	[tilespmem:s7], [sflag:$0x1] =	stream.indirect.gather [hbm4b:s5+s6], $0x80, s12, s6, $0xb8;
	[tilespmem:$0x2400] =	vst v63  }
0x48: {  	_ =	swait.ge [sflag:s8], $0x2000  }
0x49: {  	[sflag:s8] =	ssyncset.done $0x0  }
0x4a: {  	[sflag:s8] =	ssyncadd.s32 $0xFFFFE000  }
0x4b: {  	[hbm4b:s13+s2] =	stream.linear.scatter [tilespmem:s7], [sflag:$0x2], $0x2000, $0x38;
	[tilespmem:$0x2400] =	vst v63  }
0x4c: {  	_ =	swait.ge [sflag:s3], $0x2000  }
0x4d: {  	[sflag:s3] =	ssyncset.done $0x0  }
0x4e: {  	[sflag:s3] =	ssyncadd.s32 $0xFFFFE000  }
0x4f: {  	[tilespmem:s7], [sflag:$0x1] =	stream.indirect.gather [hbm4b:s5+s6], $0x80, s14, s6, $0xb8;
	[tilespmem:$0x2400] =	vst v63  }
0x50: {  	_ =	swait.ge [sflag:s8], $0x2000  }
0x51: {  	[sflag:s8] =	ssyncset.done $0x0  }
0x52: {  	[sflag:s8] =	ssyncadd.s32 $0xFFFFE000  }
0x53: {  	[hbm4b:s15+s2] =	stream.linear.scatter [tilespmem:s7], [sflag:$0x2], $0x2000, $0x38;
	[tilespmem:$0x2400] =	vst v63  }
0x54: {  	_ =	swait.ge [sflag:s3], $0x2000  }
0x55: {  	[sflag:s3] =	ssyncset.done $0x0  }
0x56: {  	[sflag:s3] =	ssyncadd.s32 $0xFFFFE000  }
0x57: {  	[tilespmem:s7], [sflag:$0x1] =	stream.indirect.gather [hbm4b:s5+s6], $0x80, s16, s6, $0xb8;
	[tilespmem:$0x2400] =	vst v63  }
0x58: {  	_ =	swait.ge [sflag:s8], $0x2000  }
.Ltmp1:
0x59: {  	[sflag:s8] =	ssyncset.done $0x0;
	(pc) =	sbr.rel @p0 .LBB2_1-.Ltmp1, $4  }
0x5a: {  	[sflag:s8] =	ssyncadd.s32 $0xFFFFE000  }
0x5b: {  	[hbm4b:s17+s2] =	stream.linear.scatter [tilespmem:s7], [sflag:$0x2], $0x2000, $0x38;
	[tilespmem:$0x2400] =	vst v63  }
0x5c: {  	_ =	swait.ge [sflag:s3], $0x2000  }
0x5d: {  	[sflag:s3] =	ssyncset.done $0x0  }
.LBB2_2:
0x5e: {  	[sflag:s3] =	ssyncadd.s32 $0xFFFFE000  }
0x5f: {  	_ =	sfence.sel $0x180000  }
0x60: {  	[bflag:$0x0] =	sbarrier.arrive $0xFFFF  }
0x61: {  	p0 =	sne.s32 s0, $0x0;
	_ =	strace $0x90000047  }
0x62: {  	s0 =	sadd.s32 @!p0 $0x100000, s1;
	[bflag:$0x2] =	sbarrier.arrive $0xFFFF  }
0x63: {  	[sflag:s0] =	ssyncadd.tile.s32 @!p0 $0x1;
	_ =	shalt  }
.Lfunc_end2:
_tile_overlayer_lowered:
.L_overlay_start_2:
0x64: {  	(tag) =	ssettag $0x2  }
0x65: {  	s0 =	rddreg [dreg:$0x0];
	s2 =	stileid.u32  }
0x66: {  	s1 =	rddreg [dreg:$0x1];
	p0 =	sne.s32 s2, $0x0  }
0x67: {  	s3 =	rddreg [dreg:$0x2];
	[bflag:$0x3] =	sbarrier.arrive $0xFFFF;
	s2 =	simm.s32 @!p0 $0x1C02  }
0x68: {  	[timem:s3], [sflag:s2] =	dma.local @!p0 [hbm:s0], s1  }
0x69: {  	s0 =	simm.s32 @!p0 $0x2  }
0x6a: {  	_ =	swait.ge @!p0 [sflag:s0], s1  }
0x6b: {  	s1 =	ssub.s32 @!p0 $0x0, s1;
	[sflag:s0] =	ssyncset.done @!p0 $0x0  }
0x6c: {  	[sflag:s0] =	ssyncadd.s32 @!p0 s1  }
0x6d: {  	[bflag:$0x3] =	sbarrier.arrive $0xFFFF  }
0x6e: {  	_ =	shalt  }

// kernel: kernel.18.cloned.1.call-start
scs
__scs_entry_jumppad:
0x0: {  	(pc) =	sbr.rel $0x88, $3  }
0x1: {  	(tag) =	ssettag $0x0;
	lr =	simm.s32 $0x1  }
0x2: {  	[smem:$0x3F97] =	sst lr;
	_ =	strace $0xD0000000  }
0x3: {  	_ = 	snop  }
0x4: {  	_ = 	snop  }
0x5: {  	_ = 	snop  }
0x6: {  	_ = 	snop  }
0x7: {  	_ = 	snop  }
__scs_overlays_trampoline_lowered:
0x8: {  	[smem:$0x3FA6] =	sst s0  }
0x9: {  	[smem:$0x3FA7] =	sst s1  }
0xa: {  	[smem:$0x3FA8] =	sst s2  }
0xb: {  	[smem:$0x3FA9] =	sst s3  }
0xc: {  	[smem:$0x3FAA] =	sst s4  }
0xd: {  	[smem:$0x3FAB] =	sst s5  }
0xe: {  	[smem:$0x3FAC] =	sst s6  }
0xf: {  	[smem:$0x3FAD] =	sst s7  }
0x10: {  	[smem:$0x3FAE] =	sst s8  }
0x11: {  	[smem:$0x3FAF] =	sst s9;
	s0 =	simm.s32 @!p0 $0x0  }
0x12: {  	s1 =	sld [smem:$0x3F95];
	s0 =	simm.s32 @p0 $0x1  }
0x13: {  	[smem:$0x3FB0] =	sst s0;
	s0 =	simm.s32 @!p1 $0x0  }
0x14: {  	s2 =	sld [smem:$0x3F94];
	s0 =	simm.s32 @p1 $0x1  }
0x15: {  	[smem:$0x3FB1] =	sst s0;
	s0 =	simm.s32 @!p2 $0x0  }
0x16: {  	s3 =	sld [smem:$0x3FDB];
	s0 =	simm.s32 @p2 $0x1  }
0x17: {  	s4 =	simm.s32 $0x1BF5;
	[smem:$0x3FB3] =	sst s0  }
0x18: {  	s0 =	sld [smem:$0x3F96];
	_ =	swait.ge [sflag:s4], $0x0  }
0x19: {  	s7 =	sld [smem:$0x3F97]  }
0x1a: {  	s8 =	sadd.s32 $0xFFFFE003, lr  }
0x1b: {  	s9 =	sadd.s32 $0xFFFFFEF7, lr;
	s5 =	simm.s32 $0xFFFFFFFF;
	p2 =	slt.u32 s8, $0xFFFFF086  }
0x1c: {  	p1 =	slt.u32 s9, $0xF7A;
	s5 =	simm.s32 @!p2 $0x0  }
0x1d: {  	s5 =	simm.s32 @p1 $0x1;
	p0 =	seq.s32 s7, s2  }
0x1e: {  	s7 =	smul.u32 @!p0 $0xF7A, s2;
	p2 =	seq.s32 @!p0 s5, $0x0  }
0x1f: {  	s9 =	smul.u32 $0xF7A, s1;
	s8 =	simm.s32 @!p0 $0x1BF5;
	p2 =	por !p2, p0  }
0x20: {  	[sflag:s8] =	ssyncset.s32 @!p0 $0xFFFFF086;
	s6 =	sadd.s32 @!p0 s3, s7;
	s7 =	simm.s32 @!p0 $0x108  }
0x21: {  	s3 =	sadd.s32 s3, s9;
	s6 =	sadd.s32 @!p0 $0x88, s6;
	s7 =	simm.s32 @p2 $0x1082  }
0x22: {  	[simem:s7], [sflag:s8] =	dma.local @!p0 [hbm:s6], $0xF7A  }
0x23: {  	s9 =	sor.u32 $0xD0000000, s2;
	s6 =	simm.s32 $0x108;
	_ =	swait.ge @!p0 [sflag:s8], $0x0  }
0x24: {  	s3 =	sadd.s32 $0x88, s3;
	s6 =	simm.s32 @!p1 $0x1082;
	[sflag:s4] =	ssyncset.s32 $0xFFFFF086  }
0x25: {  	[simem:s6], [sflag:s4] =	dma.local [hbm:s3], $0xF7A  }
0x26: {  	[smem:$0x3F97] =	sst s1;
	(tag) =	ssettag s2;
	_ =	strace s9  }
0x27: {  	s1 =	sld [smem:$0x3FA7]  }
0x28: {  	s2 =	sld [smem:$0x3FA8]  }
0x29: {  	s4 =	sld [smem:$0x3FAA]  }
0x2a: {  	p0 =	seq.s32 s5, $0x0;
	s5 =	sld [smem:$0x3FAB]  }
0x2b: {  	s6 =	sld [smem:$0x3FAC]  }
0x2c: {  	s7 =	sld [smem:$0x3FAD]  }
0x2d: {  	s3 =	simm.s32 $0x108;
	s8 =	sld [smem:$0x3FAE]  }
0x2e: {  	s3 =	simm.s32 @!p0 $0x1082;
	s9 =	sld [smem:$0x3FAF]  }
0x2f: {  	lr =	sadd.s32 s0, s3;
	s0 =	sld [smem:$0x3FA6]  }
0x30: {  	s3 =	sld [smem:$0x3FA9]  }
0x31: {  	[smem:$0x3FB2] =	sst s10  }
0x32: {  	s10 =	sld [smem:$0x3FB0];
	_ =	sdelay $0x3  }
0x33: {  	p0 =	seq.s32 s10, $0x1;
	s10 =	sld [smem:$0x3FB2];
	_ =	sdelay $0x3  }
0x34: {  	[smem:$0x3FB2] =	sst s10  }
0x35: {  	s10 =	sld [smem:$0x3FB1];
	_ =	sdelay $0x3  }
0x36: {  	p1 =	seq.s32 s10, $0x1;
	s10 =	sld [smem:$0x3FB2];
	_ =	sdelay $0x3  }
0x37: {  	[smem:$0x3FB2] =	sst s10  }
0x38: {  	s10 =	sld [smem:$0x3FB3]  }
0x39: {  	_ = 	snop;
	(pc) =	sbr.ind lr, $3  }
0x3a: {  	_ = 	snop  }
0x3b: {  	_ = 	snop  }
0x3c: {  	p2 =	seq.s32 s10, $0x1;
	s10 =	sld [smem:$0x3FB2]  }
0x3d: {  	_ =	shalt  }
0x3e: {  	_ =	shalt  }
0x3f: {  	_ =	shalt  }
0x40: {  	_ =	shalt  }
0x41: {  	_ =	shalt  }
0x42: {  	_ =	shalt  }
0x43: {  	_ =	shalt  }
0x44: {  	_ =	shalt  }
0x45: {  	_ =	shalt  }
0x46: {  	_ =	shalt  }
0x47: {  	_ =	shalt  }
0x48: {  	_ =	shalt  }
0x49: {  	_ =	shalt  }
0x4a: {  	_ =	shalt  }
0x4b: {  	_ =	shalt  }
0x4c: {  	_ =	shalt  }
0x4d: {  	_ =	shalt  }
0x4e: {  	_ =	shalt  }
0x4f: {  	_ =	shalt  }
0x50: {  	_ =	shalt  }
0x51: {  	_ =	shalt  }
0x52: {  	_ =	shalt  }
0x53: {  	_ =	shalt  }
0x54: {  	_ =	shalt  }
0x55: {  	_ =	shalt  }
0x56: {  	_ =	shalt  }
0x57: {  	_ =	shalt  }
0x58: {  	_ =	shalt  }
0x59: {  	_ =	shalt  }
0x5a: {  	_ =	shalt  }
0x5b: {  	_ =	shalt  }
0x5c: {  	_ =	shalt  }
0x5d: {  	_ =	shalt  }
0x5e: {  	_ =	shalt  }
0x5f: {  	_ =	shalt  }
0x60: {  	_ =	shalt  }
0x61: {  	_ =	shalt  }
0x62: {  	_ =	shalt  }
0x63: {  	_ =	shalt  }
0x64: {  	_ =	shalt  }
0x65: {  	_ =	shalt  }
0x66: {  	_ =	shalt  }
0x67: {  	_ =	shalt  }
0x68: {  	_ =	shalt  }
0x69: {  	_ =	shalt  }
0x6a: {  	_ =	shalt  }
0x6b: {  	_ =	shalt  }
0x6c: {  	_ =	shalt  }
0x6d: {  	_ =	shalt  }
0x6e: {  	_ =	shalt  }
0x6f: {  	_ =	shalt  }
0x70: {  	_ =	shalt  }
0x71: {  	_ =	shalt  }
0x72: {  	_ =	shalt  }
0x73: {  	_ =	shalt  }
0x74: {  	_ =	shalt  }
0x75: {  	_ =	shalt  }
0x76: {  	_ =	shalt  }
0x77: {  	_ =	shalt  }
0x78: {  	_ =	shalt  }
0x79: {  	_ =	shalt  }
0x7a: {  	_ =	shalt  }
0x7b: {  	_ =	shalt  }
0x7c: {  	_ =	shalt  }
0x7d: {  	_ =	shalt  }
0x7e: {  	_ =	shalt  }
0x7f: {  	_ =	shalt  }
0x80: {  	_ =	shalt  }
0x81: {  	_ =	shalt  }
0x82: {  	_ =	shalt  }
0x83: {  	_ =	shalt  }
0x84: {  	_ =	shalt  }
0x85: {  	_ =	shalt  }
0x86: {  	_ =	shalt  }
0x87: {  	_ =	shalt  }
.Lfunc_end0:
.L_simem_size_0:
called_computation.1_lowered:
.L_overlay_start_0:
0x88: {  	s2 =	sld [smem:$0x3FD9]  }
0x89: {  	s3 =	sld [smem:$0x3FFE];
	_ =	sdelay $0x1  }
0x8a: {  	s1 =	srdreg.scid  }
0x8b: {  	s0 =	sand.u32 $0x1, s1  }
0x8c: {  	s14 =	sshll.u32 s0, $0xA;
	s2 =	sadd.s32 s3, s2  }
0x8d: {  	s2 =	sadd.s32 s2, s14  }
0x8e: {  	[smem:$0x3FBE] =	sst s2  }
0x8f: {  	_ = 	snop  }
0x90: {  	s2 =	sld [smem:$0x3FD0];
	_ =	sdelay $0x2  }
0x91: {  	s15 =	simm.s32 $0xA;
	s4 =	simm.s32 $0x10  }
0x92: {  	[smem:s4], [sflag:s15] =	dma.local [hbm:s2], $0x1  }
0x93: {  	_ =	swait.eq [sflag:s15], $0x1  }
0x94: {  	[sflag:s15] =	ssyncset.done $0x0  }
0x95: {  	[sflag:s15] =	ssyncadd.s32 $0xFFFFFFFF  }
0x96: {  	s16 =	sld [smem:$0x10];
	(tm) =	ssettm $0x1  }
0x97: {  	s17 =	sld [smem:$0x3FFB];
	_ =	sdelay $0x3  }
0x98: {  	_ =	strace s17  }
0x99: {  	s3 =	sld [smem:$0x3FFC];
	_ =	sdelay $0x3  }
0x9a: {  	_ =	strace s3  }
0x9b: {  	s3 =	sld [smem:$0x3FFD];
	_ =	sdelay $0x3  }
0x9c: {  	_ =	strace s3  }
0x9d: {  	_ =	strace $0x8FFFFFFF  }
0x9e: {  	s18 =	sld [smem:$0x3FDB];
	_ =	sdelay $0x1  }
0x9f: {  	s19 =	simm.s32 $_scs_section_size  }
0xa0: {  	s5 =	simm.s32 $_size__tile_overlayer_lowered;
	s6 =	simm.s32 $_tile_overlayer_lowered  }
0xa1: {  	s22 =	simm.s32 $0x1BFF;
	s21 =	sshll.u32 s6, $0x1;
	s3 =	sadd.s32 s19, s18  }
0xa2: {  	s7 =	simm.s32 $0x0;
	s20 =	sshll.u32 s5, $0x1;
	s5 =	sadd.s32 s21, s3  }
0xa3: {  	[timem:s7], [sflag:s22] =	dma.local [hbm:s5], s20  }
0xa4: {  	_ =	swait.ge [sflag:s22], s20  }
0xa5: {  	s4 =	ssub.s32 $0x0, s20;
	[sflag:s22] =	ssyncset.done $0x0  }
0xa6: {  	[sflag:s22] =	ssyncadd.s32 s4;
	_ =	sdelay $0x1  }
0xa7: {  	s23 =	simm.s32 $0x1B8B  }
0xa8: {  	_ =	swait.ge [sflag:s23], $0x1  }
0xa9: {  	[sflag:s23] =	ssyncset.done $0x0  }
0xaa: {  	s25 =	simm.s32 $0x1B8E;
	s24 =	sld [smem:$0x3FFE];
	[sflag:s23] =	ssyncadd.s32 $0xFFFFFFFF  }
0xab: {  	s26 =	simm.s32 $execute0_lowered;
	[smem:$0x3FD2] =	sst s25  }
0xac: {  	s5 =	sshll.u32 s26, $0x1;
	_ =	strace $0x80000049;
	[dreg:$0x1] =	wrdreg $0xFFFFFFFF  }
0xad: {  	s28 =	simm.s32 $_size_execute0_lowered;
	s3 =	sadd.s32 s3, s5;
	[dreg:$0x0] =	wrdreg $0x0  }
0xae: {  	s5 =	sshll.u32 s28, $0x1;
	[dreg:$0x2] =	wrdreg s3  }
0xaf: {  	[dreg:$0x3] =	wrdreg s5  }
0xb0: {  	[dreg:$0x4] =	wrdreg $0xC0  }
0xb1: {  	_ =	task [dreg:s7], $0x5FFFF  }
0xb2: {  	[dreg:$0x1] =	wrdreg $0xFFFFFFFF  }
0xb3: {  	[dreg:$0x0] =	wrdreg $0x60  }
0xb4: {  	[dreg:$0x2] =	wrdreg s16  }
0xb5: {  	[dreg:$0x3] =	wrdreg s24  }
0xb6: {  	[dreg:$0x4] =	wrdreg $0xB8000  }
0xb7: {  	[dreg:$0x5] =	wrdreg $0x9  }
0xb8: {  	_ =	task.clear_ibuf [dreg:s7], $0x6FFFF;
	_ =	strace $0x90000049  }
0xb9: {  	s29 =	simm.s32 $0x9;
	_ =	strace $0x8000004B  }
0xba: {  	_ =	swait.ge [sflag:s29], $0x1  }
0xbb: {  	[sflag:s29] =	ssyncadd.s32 $0xFFFFFFFF  }
0xbc: {  	_ =	strace $0x9000004B  }
0xbd: {  	_ =	sfence  }
0xbe: {  	s30 =	sld [smem:$0x0];
	_ =	sdelay $0x2  }
0xbf: {  	s31 =	sshll.u32 s1, $0xD;
	s1 =	sshrl.u32 s1, $0x2  }
0xc0: {  	s3 =	sand.u32 $0x4000, s31;
	s1 =	sadd.s32 s1, s30  }
0xc1: {  	s0 =	sor.u32 s3, s0;
	s1 =	sshll.u32 s1, $0x11  }
0xc2: {  	s0 =	sor.u32 s1, s0  }
0xc3: {  	s0 =	sadd.s32 $0x8F2B, s0  }
0xc4: {  	[sflag:s0] =	ssyncadd.remote.s32 $0x1  }
0xc5: {  	_ =	sfence.sel $0xFFFF  }
0xc6: {  	[dreg:$0x0] =	wrdreg $0xFFFFFFFF;
	(pc) =	sbr.abs _section_cstart, $3  }
0xc7: {  	[dreg:$0x1] =	wrdreg $0xFFFFFFFF  }
0xc8: {  	_ =	task.clear_ibuf [dreg:s7], $0x2FFFF;
	_ =	strace $0x9FFFFFFF  }
0xc9: {  	(tm) =	ssettm $0x7FFFFFFF  }
tec
execute0_lowered:
.L_overlay_start_1:
0x0: {  	(tag) =	ssettag $0x1  }
0x1: {  	s7 =	rddreg [dreg:$0x0]  }
0x2: {  	s6 =	rddreg [dreg:$0x1]  }
0x3: {  	s2 =	rddreg [dreg:$0x2]  }
0x4: {  	s0 =	rddreg [dreg:$0x3];
	s3 =	simm.s32 $0x0;
	s1 =	stileid.u32  }
0x5: {  	s4 =	srdreg.scid;
	s19 =	simm.s32 $0x80;
	s20 =	simm.s32 $0x3800  }
0x6: {  	s21 =	simm.s32 $0x7800;
	s22 =	simm.s32 $0x1;
	s23 =	simm.s32 $0x2  }
0x7: {  	s26 =	simm.s32 $0x4;
	[smem:$0x7FF] =	sst s3;
	s8 =	smul.u32 $0x380, s1  }
0x8: {  	s9 =	sand.u32 $0x1, s4;
	s29 =	sshll.u32 s1, $0x9;
	s13 =	smul.u32 $0x50000, s1  }
0x9: {  	s4 =	sadd.s32 $0x2200, s6;
	s5 =	sadd.s32 $0x2A200, s6;
	s25 =	smul.u32 $0x2800, s1  }
0xa: {  	s15 =	sshll.u32 s1, $0x6;
	_ =	strace $0x8000004A;
	s11 =	smul.u32 $0x28000, s9  }
0xb: {  	s12 =	sadd.s32 s29, s6;
	s30 =	ssub.s32 $0x2, s9;
	p0 =	seq.s32 s9, $0x1  }
0xc: {  	s10 =	sadd.s32 s8, s6;
	s14 =	sshrl.u32 s30, $0x1;
	s13 =	sshrl.u32 s13, $0x2  }
0xd: {  	s7 =	sadd.s32 s7, s8;
	s9 =	sadd.s32 $0x7B200, s12;
	s11 =	sadd.s32 s11, s6  }
0xe: {  	s14 =	ssub.s32 s30, s14;
	s13 =	sadd.s32 s13, s2;
	s6 =	sor.u32 $0x1C05, s15  }
0xf: {  	s8 =	sadd.s32 $0x7F200, s10;
	s10 =	sadd.s32 $0x7D200, s12;
	s31 =	sadd.s32 $0x4000, s13  }
.Ltmp0:
0x10: {  	s16 =	sadd.s32 $0x8000, s13;
	s17 =	sadd.s32 $0xC000, s13;
	(pc) =	sbr.rel .LBB2_1-.Ltmp0, $4  }
0x11: {  	s18 =	sadd.s32 $0x10000, s13;
	s24 =	sadd.s32 $0x82A00, s11;
	s11 =	smax.u32 s14, $0x1  }
0x12: {  	s12 =	sshrl.u32 s13, $0x3;
	s13 =	simm.s32 $0x5;
	s14 =	sshrl.u32 s31, $0x3  }
0x13: {  	s15 =	sshrl.u32 s16, $0x3;
	s16 =	sshrl.u32 s17, $0x3;
	s17 =	sshrl.u32 s18, $0x3  }
0x14: {  	s18 =	simm.s32 $0x1C00;
	s24 =	sadd.s32 s25, s24;
	s25 =	simm.s32 $0x3  }
.LBB2_7:
0x15: {  	[tilespmem:s21], [sflag:$0x2] =	stream.indirect.gather [hbm4b:s4+s19], $0x80, s30, s19, $0xb8;
	[tilespmem:$0x1F800] =	vst v63  }
.LBB2_8:
0x16: {  	_ =	swait.ge [sflag:s22], $0x4000  }
0x17: {  	[sflag:s22] =	ssyncset.done $0x0  }
0x18: {  	[sflag:s22] =	ssyncadd.s32 $0xFFFFC000  }
0x19: {  	_ =	swait.ge [sflag:s23], $0x4000  }
0x1a: {  	s3 =	sadd.s32 $0x1, s3;
	[sflag:s23] =	ssyncset.done $0x0  }
0x1b: {  	p1 =	sne.s32 s3, s11;
	[sflag:s23] =	ssyncadd.s32 $0xFFFFC000  }
.Ltmp1:
0x1c: {  	[bflag:$0x0] =	sbarrier.arrive $0xFFFF;
	(pc) =	sbr.rel @!p1 .LBB2_9-.Ltmp1, $4  }
0x1d: {  	[hbm:s24], [sflag:s6] =	dma.local [spmem:s12], $0x2800  }
0x1e: {  	_ =	swait.ge [sflag:s13], $0x2800  }
0x1f: {  	[sflag:s13] =	ssyncset.done $0x0  }
0x20: {  	[sflag:s13] =	ssyncadd.s32 $0xFFFFD800  }
.LBB2_1:
0x21: {  	[spmem:s12], [sflag:s6] =	dma.local [hbm:s5], $0x800  }
0x22: {  	_ =	swait.ge [sflag:s13], $0x800  }
0x23: {  	[sflag:s13] =	ssyncset.done $0x0  }
0x24: {  	[sflag:s13] =	ssyncadd.s32 $0xFFFFF800  }
0x25: {  	[spmem:s14], [sflag:s6] =	dma.local [hbm:s5], $0x800  }
0x26: {  	_ =	swait.ge [sflag:s13], $0x800  }
0x27: {  	[sflag:s13] =	ssyncset.done $0x0  }
0x28: {  	[sflag:s13] =	ssyncadd.s32 $0xFFFFF800  }
0x29: {  	[spmem:s15], [sflag:s6] =	dma.local [hbm:s5], $0x800  }
0x2a: {  	_ =	swait.ge [sflag:s13], $0x800  }
0x2b: {  	[sflag:s13] =	ssyncset.done $0x0  }
0x2c: {  	[sflag:s13] =	ssyncadd.s32 $0xFFFFF800  }
0x2d: {  	[spmem:s16], [sflag:s6] =	dma.local [hbm:s5], $0x800  }
0x2e: {  	_ =	swait.ge [sflag:s13], $0x800  }
0x2f: {  	[sflag:s13] =	ssyncset.done $0x0  }
0x30: {  	[sflag:s13] =	ssyncadd.s32 $0xFFFFF800  }
0x31: {  	[spmem:s17], [sflag:s6] =	dma.local [hbm:s5], $0x800  }
.Ltmp2:
0x32: {  	_ =	swait.ge [sflag:s13], $0x800;
	(pc) =	sbr.rel @!p0 .LBB2_2-.Ltmp2, $4  }
0x33: {  	[sflag:s13] =	ssyncset.done $0x0  }
0x34: {  	[sflag:s13] =	ssyncadd.s32 $0xFFFFF800  }
0x35: {  	[bflag:$0x0] =	sbarrier.arrive $0xFFFF  }
0x36: {  	s28 =	simm.s32 $0x0  }
0x37: {  	[tilespmem:s28], [sflag:$0x5] =	stream.linear.gather [hbm4b:s9+s28], $0xD00, $0x38;
	[tilespmem:$0x1F800] =	vst v63  }
0x38: {  	_ =	swait.ge [sflag:s13], $0xD00  }
0x39: {  	[sflag:s13] =	ssyncset.done $0x0  }
0x3a: {  	[sflag:s13] =	ssyncadd.s32 $0xFFFFF300  }
0x3b: {  	[tilespmem:s18], [sflag:$0x5] =	stream.linear.gather [hbm4b:s10+s28], $0xD00, $0x38;
	[tilespmem:$0x1F800] =	vst v63  }
0x3c: {  	_ =	swait.ge [sflag:s13], $0xD00  }
0x3d: {  	[sflag:s13] =	ssyncset.done $0x0  }
0x3e: {  	[sflag:s13] =	ssyncadd.s32 $0xFFFFF300  }
0x3f: {  	[tilespmem:s20], [sflag:$0x1] =	stream.indirect.gather [hbm4b:s4+s19], $0x80, s28, s19, $0xb8;
	[tilespmem:$0x1F800] =	vst v63  }
0x40: {  	_ = 	snop  }
0x41: {  	[tilespmem:s21], [sflag:$0x2] =	stream.indirect.gather [hbm4b:s4+s19], $0x80, s19, s19, $0xb8;
	[tilespmem:$0x1F800] =	vst v63  }
0x42: {  	_ =	swait.ge [sflag:s22], $0x4000  }
0x43: {  	[sflag:s22] =	ssyncset.done $0x0  }
0x44: {  	s29 =	simm.s32 $0x1C00;
	[sflag:s22] =	ssyncadd.s32 $0xFFFFC000  }
0x45: {  	[spmem:s2] =	stream.indirect.scatter.add.f32 [tilespmem:s20], [sflag:$0x3], $0x80, s29, s19, $0xb8;
	[tilespmem:$0x1F800] =	vst v63  }
0x46: {  	_ =	swait.ge [sflag:s23], $0x4000  }
0x47: {  	[sflag:s23] =	ssyncset.done $0x0  }
0x48: {  	s29 =	simm.s32 $0x1C80;
	[sflag:s23] =	ssyncadd.s32 $0xFFFFC000  }
0x49: {  	[spmem:s2] =	stream.indirect.scatter.add.f32 [tilespmem:s21], [sflag:$0x4], $0x80, s29, s19, $0xb8;
	[tilespmem:$0x1F800] =	vst v63  }
0x4a: {  	s28 =	smin.u32 s28, $0x16;
	_ =	swait.ge [sflag:s25], $0x4000  }
0x4b: {  	s29 =	sshll.u32 s28, $0x7;
	[sflag:s25] =	ssyncset.done $0x0  }
0x4c: {  	s28 =	sadd.s32 $0x100, s29;
	[sflag:s25] =	ssyncadd.s32 $0xFFFFC000  }
0x4d: {  	[tilespmem:s20], [sflag:$0x1] =	stream.indirect.gather [hbm4b:s4+s19], $0x80, s28, s19, $0xb8;
	[tilespmem:$0x1F800] =	vst v63  }
0x4e: {  	_ =	swait.ge [sflag:s26], $0x4000  }
0x4f: {  	s30 =	sadd.s32 $0x180, s29;
	[sflag:s26] =	ssyncset.done $0x0  }
0x50: {  	s29 =	simm.s32 $0x1D80;
	s28 =	simm.s32 $0x2;
	[sflag:s26] =	ssyncadd.s32 $0xFFFFC000  }
.LBB2_6:
0x51: {  	[tilespmem:s21], [sflag:$0x2] =	stream.indirect.gather [hbm4b:s4+s19], $0x80, s30, s19, $0xb8;
	[tilespmem:$0x1F800] =	vst v63  }
0x52: {  	s30 =	smov.u32 s28  }
0x53: {  	p1 =	sne.s32 s28, $0x18;
	s28 =	sadd.s32 $0x2, s28;
	_ =	swait.ge [sflag:s22], $0x4000  }
0x54: {  	[sflag:s22] =	ssyncset.done $0x0  }
0x55: {  	s31 =	sadd.s32 $0xFFFFFF80, s29;
	[sflag:s22] =	ssyncadd.s32 $0xFFFFC000  }
0x56: {  	[spmem:s2] =	stream.indirect.scatter.add.f32 [tilespmem:s20], [sflag:$0x3], $0x80, s31, s19, $0xb8;
	[tilespmem:$0x1F800] =	vst v63  }
0x57: {  	_ =	swait.ge [sflag:s23], $0x4000  }
0x58: {  	[sflag:s23] =	ssyncset.done $0x0  }
0x59: {  	[sflag:s23] =	ssyncadd.s32 $0xFFFFC000  }
0x5a: {  	[spmem:s2] =	stream.indirect.scatter.add.f32 [tilespmem:s21], [sflag:$0x4], $0x80, s29, s19, $0xb8;
	[tilespmem:$0x1F800] =	vst v63  }
0x5b: {  	s30 =	smin.u32 s30, $0x16;
	_ =	swait.ge [sflag:s25], $0x4000  }
0x5c: {  	s30 =	sshll.u32 s30, $0x7;
	[sflag:s25] =	ssyncset.done $0x0  }
.Ltmp3:
0x5d: {  	s31 =	sadd.s32 $0x100, s30;
	[sflag:s25] =	ssyncadd.s32 $0xFFFFC000;
	(pc) =	sbr.rel @p1 .LBB2_6-.Ltmp3, $4  }
0x5e: {  	[tilespmem:s20], [sflag:$0x1] =	stream.indirect.gather [hbm4b:s4+s19], $0x80, s31, s19, $0xb8;
	[tilespmem:$0x1F800] =	vst v63  }
0x5f: {  	_ =	swait.ge [sflag:s26], $0x4000  }
0x60: {  	[sflag:s26] =	ssyncset.done $0x0  }
0x61: {  	s30 =	sadd.s32 $0x180, s30;
	s29 =	sadd.s32 $0x100, s29;
	[sflag:s26] =	ssyncadd.s32 $0xFFFFC000  }
.Ltmp4:
0x62: {  	_ = 	snop;
	(pc) =	sbr.rel .LBB2_7-.Ltmp4, $1  }
0x63: {  	_ =	sdelay $0x3  }
.LBB2_2:
0x64: {  	[tilespmem:s28], [sflag:$0x5] =	stream.linear.gather [hbm4b:s7+s28], $0x1B00, $0x38;
	[tilespmem:$0x1F800] =	vst v63  }
0x65: {  	_ =	swait.ge [sflag:s13], $0x1B00  }
0x66: {  	[sflag:s13] =	ssyncset.done $0x0  }
0x67: {  	[sflag:s13] =	ssyncadd.s32 $0xFFFFE500  }
0x68: {  	[tilespmem:s18], [sflag:$0x5] =	stream.linear.gather [hbm4b:s8+s28], $0x1B00, $0x38;
	[tilespmem:$0x1F800] =	vst v63  }
0x69: {  	_ =	swait.ge [sflag:s13], $0x1B00  }
0x6a: {  	[sflag:s13] =	ssyncset.done $0x0  }
0x6b: {  	[sflag:s13] =	ssyncadd.s32 $0xFFFFE500  }
0x6c: {  	[tilespmem:s20], [sflag:$0x1] =	stream.indirect.gather [hbm4b:s4+s19], $0x80, s28, s19, $0xb8;
	[tilespmem:$0x1F800] =	vst v63  }
0x6d: {  	_ = 	snop  }
0x6e: {  	[tilespmem:s21], [sflag:$0x2] =	stream.indirect.gather [hbm4b:s4+s19], $0x80, s19, s19, $0xb8;
	[tilespmem:$0x1F800] =	vst v63  }
0x6f: {  	_ =	swait.ge [sflag:s22], $0x4000  }
0x70: {  	[sflag:s22] =	ssyncset.done $0x0  }
0x71: {  	s29 =	simm.s32 $0x1C00;
	[sflag:s22] =	ssyncadd.s32 $0xFFFFC000  }
0x72: {  	[spmem:s2] =	stream.indirect.scatter.add.f32 [tilespmem:s20], [sflag:$0x3], $0x80, s29, s19, $0xb8;
	[tilespmem:$0x1F800] =	vst v63  }
0x73: {  	_ =	swait.ge [sflag:s23], $0x4000  }
0x74: {  	[sflag:s23] =	ssyncset.done $0x0  }
0x75: {  	s29 =	simm.s32 $0x1C80;
	[sflag:s23] =	ssyncadd.s32 $0xFFFFC000  }
0x76: {  	[spmem:s2] =	stream.indirect.scatter.add.f32 [tilespmem:s21], [sflag:$0x4], $0x80, s29, s19, $0xb8;
	[tilespmem:$0x1F800] =	vst v63  }
0x77: {  	s28 =	smin.u32 s28, $0x32;
	_ =	swait.ge [sflag:s25], $0x4000  }
0x78: {  	s29 =	sshll.u32 s28, $0x7;
	[sflag:s25] =	ssyncset.done $0x0  }
0x79: {  	s28 =	sadd.s32 $0x100, s29;
	[sflag:s25] =	ssyncadd.s32 $0xFFFFC000  }
0x7a: {  	[tilespmem:s20], [sflag:$0x1] =	stream.indirect.gather [hbm4b:s4+s19], $0x80, s28, s19, $0xb8;
	[tilespmem:$0x1F800] =	vst v63  }
0x7b: {  	_ =	swait.ge [sflag:s26], $0x4000  }
0x7c: {  	s30 =	sadd.s32 $0x180, s29;
	[sflag:s26] =	ssyncset.done $0x0  }
0x7d: {  	s29 =	simm.s32 $0x1D80;
	s28 =	simm.s32 $0x2;
	[sflag:s26] =	ssyncadd.s32 $0xFFFFC000  }
.LBB2_3:
0x7e: {  	[tilespmem:s21], [sflag:$0x2] =	stream.indirect.gather [hbm4b:s4+s19], $0x80, s30, s19, $0xb8;
	[tilespmem:$0x1F800] =	vst v63  }
0x7f: {  	s30 =	smov.u32 s28  }
0x80: {  	p1 =	seq.s32 s28, $0x34;
	s28 =	sadd.s32 $0x2, s28;
	_ =	swait.ge [sflag:s22], $0x4000  }
0x81: {  	[sflag:s22] =	ssyncset.done $0x0  }
0x82: {  	s31 =	sadd.s32 $0xFFFFFF80, s29;
	[sflag:s22] =	ssyncadd.s32 $0xFFFFC000  }
0x83: {  	[spmem:s2] =	stream.indirect.scatter.add.f32 [tilespmem:s20], [sflag:$0x3], $0x80, s31, s19, $0xb8;
	[tilespmem:$0x1F800] =	vst v63  }
0x84: {  	_ =	swait.ge [sflag:s23], $0x4000  }
0x85: {  	[sflag:s23] =	ssyncset.done $0x0  }
0x86: {  	[sflag:s23] =	ssyncadd.s32 $0xFFFFC000  }
0x87: {  	[spmem:s2] =	stream.indirect.scatter.add.f32 [tilespmem:s21], [sflag:$0x4], $0x80, s29, s19, $0xb8;
	[tilespmem:$0x1F800] =	vst v63  }
0x88: {  	s30 =	smin.u32 s30, $0x32;
	_ =	swait.ge [sflag:s25], $0x4000  }
0x89: {  	s30 =	sshll.u32 s30, $0x7;
	[sflag:s25] =	ssyncset.done $0x0  }
.Ltmp5:
0x8a: {  	s31 =	sadd.s32 $0x100, s30;
	[sflag:s25] =	ssyncadd.s32 $0xFFFFC000;
	(pc) =	sbr.rel @!p1 .LBB2_3-.Ltmp5, $4  }
0x8b: {  	[tilespmem:s20], [sflag:$0x1] =	stream.indirect.gather [hbm4b:s4+s19], $0x80, s31, s19, $0xb8;
	[tilespmem:$0x1F800] =	vst v63  }
0x8c: {  	_ =	swait.ge [sflag:s26], $0x4000  }
0x8d: {  	[sflag:s26] =	ssyncset.done $0x0  }
0x8e: {  	s30 =	sadd.s32 $0x180, s30;
	s29 =	sadd.s32 $0x100, s29;
	[sflag:s26] =	ssyncadd.s32 $0xFFFFC000  }
.Ltmp6:
0x8f: {  	(pc) =	sbr.rel .LBB2_8-.Ltmp6, $2  }
0x90: {  	_ =	sdelay $0x2  }
0x91: {  	[tilespmem:s21], [sflag:$0x2] =	stream.indirect.gather [hbm4b:s4+s19], $0x80, s30, s19, $0xb8;
	[tilespmem:$0x1F800] =	vst v63  }
.LBB2_9:
0x92: {  	_ =	sfence.sel $0x180000  }
0x93: {  	[bflag:$0x0] =	sbarrier.arrive $0xFFFF  }
0x94: {  	p0 =	sne.s32 s1, $0x0;
	_ =	strace $0x9000004A  }
0x95: {  	s0 =	sadd.s32 @!p0 $0x100000, s0;
	[bflag:$0x2] =	sbarrier.arrive $0xFFFF  }
0x96: {  	[sflag:s0] =	ssyncadd.tile.s32 @!p0 $0x1;
	_ =	shalt  }
.Lfunc_end2:
_tile_overlayer_lowered:
.L_overlay_start_2:
0x97: {  	(tag) =	ssettag $0x2  }
0x98: {  	s0 =	rddreg [dreg:$0x0];
	s2 =	stileid.u32  }
0x99: {  	s1 =	rddreg [dreg:$0x1];
	p0 =	sne.s32 s2, $0x0  }
0x9a: {  	s3 =	rddreg [dreg:$0x2];
	[bflag:$0x3] =	sbarrier.arrive $0xFFFF;
	s2 =	simm.s32 @!p0 $0x1C05  }
0x9b: {  	[timem:s3], [sflag:s2] =	dma.local @!p0 [hbm:s0], s1  }
0x9c: {  	s0 =	simm.s32 @!p0 $0x5  }
0x9d: {  	_ =	swait.ge @!p0 [sflag:s0], s1  }
0x9e: {  	s1 =	ssub.s32 @!p0 $0x0, s1;
	[sflag:s0] =	ssyncset.done @!p0 $0x0  }
0x9f: {  	[sflag:s0] =	ssyncadd.s32 @!p0 s1  }
0xa0: {  	[bflag:$0x3] =	sbarrier.arrive $0xFFFF  }
0xa1: {  	_ =	shalt  }

// kernel: kernel.21.cloned.1.call-start
scs
__scs_entry_jumppad:
0x0: {  	(pc) =	sbr.rel $0x88, $3  }
0x1: {  	(tag) =	ssettag $0x0;
	lr =	simm.s32 $0x1  }
0x2: {  	[smem:$0x3F97] =	sst lr;
	_ =	strace $0xD0000000  }
0x3: {  	_ = 	snop  }
0x4: {  	_ = 	snop  }
0x5: {  	_ = 	snop  }
0x6: {  	_ = 	snop  }
0x7: {  	_ = 	snop  }
__scs_overlays_trampoline_lowered:
0x8: {  	[smem:$0x3FA6] =	sst s0  }
0x9: {  	[smem:$0x3FA7] =	sst s1  }
0xa: {  	[smem:$0x3FA8] =	sst s2  }
0xb: {  	[smem:$0x3FA9] =	sst s3  }
0xc: {  	[smem:$0x3FAA] =	sst s4  }
0xd: {  	[smem:$0x3FAB] =	sst s5  }
0xe: {  	[smem:$0x3FAC] =	sst s6  }
0xf: {  	[smem:$0x3FAD] =	sst s7  }
0x10: {  	[smem:$0x3FAE] =	sst s8  }
0x11: {  	[smem:$0x3FAF] =	sst s9;
	s0 =	simm.s32 @!p0 $0x0  }
0x12: {  	s1 =	sld [smem:$0x3F95];
	s0 =	simm.s32 @p0 $0x1  }
0x13: {  	[smem:$0x3FB0] =	sst s0;
	s0 =	simm.s32 @!p1 $0x0  }
0x14: {  	s2 =	sld [smem:$0x3F94];
	s0 =	simm.s32 @p1 $0x1  }
0x15: {  	[smem:$0x3FB1] =	sst s0;
	s0 =	simm.s32 @!p2 $0x0  }
0x16: {  	s3 =	sld [smem:$0x3FDB];
	s0 =	simm.s32 @p2 $0x1  }
0x17: {  	s4 =	simm.s32 $0x1BF5;
	[smem:$0x3FB3] =	sst s0  }
0x18: {  	s0 =	sld [smem:$0x3F96];
	_ =	swait.ge [sflag:s4], $0x0  }
0x19: {  	s7 =	sld [smem:$0x3F97]  }
0x1a: {  	s8 =	sadd.s32 $0xFFFFE003, lr  }
0x1b: {  	s9 =	sadd.s32 $0xFFFFFEF7, lr;
	s5 =	simm.s32 $0xFFFFFFFF;
	p2 =	slt.u32 s8, $0xFFFFF086  }
0x1c: {  	p1 =	slt.u32 s9, $0xF7A;
	s5 =	simm.s32 @!p2 $0x0  }
0x1d: {  	s5 =	simm.s32 @p1 $0x1;
	p0 =	seq.s32 s7, s2  }
0x1e: {  	s7 =	smul.u32 @!p0 $0xF7A, s2;
	p2 =	seq.s32 @!p0 s5, $0x0  }
0x1f: {  	s9 =	smul.u32 $0xF7A, s1;
	s8 =	simm.s32 @!p0 $0x1BF5;
	p2 =	por !p2, p0  }
0x20: {  	[sflag:s8] =	ssyncset.s32 @!p0 $0xFFFFF086;
	s6 =	sadd.s32 @!p0 s3, s7;
	s7 =	simm.s32 @!p0 $0x108  }
0x21: {  	s3 =	sadd.s32 s3, s9;
	s6 =	sadd.s32 @!p0 $0x88, s6;
	s7 =	simm.s32 @p2 $0x1082  }
0x22: {  	[simem:s7], [sflag:s8] =	dma.local @!p0 [hbm:s6], $0xF7A  }
0x23: {  	s9 =	sor.u32 $0xD0000000, s2;
	s6 =	simm.s32 $0x108;
	_ =	swait.ge @!p0 [sflag:s8], $0x0  }
0x24: {  	s3 =	sadd.s32 $0x88, s3;
	s6 =	simm.s32 @!p1 $0x1082;
	[sflag:s4] =	ssyncset.s32 $0xFFFFF086  }
0x25: {  	[simem:s6], [sflag:s4] =	dma.local [hbm:s3], $0xF7A  }
0x26: {  	[smem:$0x3F97] =	sst s1;
	(tag) =	ssettag s2;
	_ =	strace s9  }
0x27: {  	s1 =	sld [smem:$0x3FA7]  }
0x28: {  	s2 =	sld [smem:$0x3FA8]  }
0x29: {  	s4 =	sld [smem:$0x3FAA]  }
0x2a: {  	p0 =	seq.s32 s5, $0x0;
	s5 =	sld [smem:$0x3FAB]  }
0x2b: {  	s6 =	sld [smem:$0x3FAC]  }
0x2c: {  	s7 =	sld [smem:$0x3FAD]  }
0x2d: {  	s3 =	simm.s32 $0x108;
	s8 =	sld [smem:$0x3FAE]  }
0x2e: {  	s3 =	simm.s32 @!p0 $0x1082;
	s9 =	sld [smem:$0x3FAF]  }
0x2f: {  	lr =	sadd.s32 s0, s3;
	s0 =	sld [smem:$0x3FA6]  }
0x30: {  	s3 =	sld [smem:$0x3FA9]  }
0x31: {  	[smem:$0x3FB2] =	sst s10  }
0x32: {  	s10 =	sld [smem:$0x3FB0];
	_ =	sdelay $0x3  }
0x33: {  	p0 =	seq.s32 s10, $0x1;
	s10 =	sld [smem:$0x3FB2];
	_ =	sdelay $0x3  }
0x34: {  	[smem:$0x3FB2] =	sst s10  }
0x35: {  	s10 =	sld [smem:$0x3FB1];
	_ =	sdelay $0x3  }
0x36: {  	p1 =	seq.s32 s10, $0x1;
	s10 =	sld [smem:$0x3FB2];
	_ =	sdelay $0x3  }
0x37: {  	[smem:$0x3FB2] =	sst s10  }
0x38: {  	s10 =	sld [smem:$0x3FB3]  }
0x39: {  	_ = 	snop;
	(pc) =	sbr.ind lr, $3  }
0x3a: {  	_ = 	snop  }
0x3b: {  	_ = 	snop  }
0x3c: {  	p2 =	seq.s32 s10, $0x1;
	s10 =	sld [smem:$0x3FB2]  }
0x3d: {  	_ =	shalt  }
0x3e: {  	_ =	shalt  }
0x3f: {  	_ =	shalt  }
0x40: {  	_ =	shalt  }
0x41: {  	_ =	shalt  }
0x42: {  	_ =	shalt  }
0x43: {  	_ =	shalt  }
0x44: {  	_ =	shalt  }
0x45: {  	_ =	shalt  }
0x46: {  	_ =	shalt  }
0x47: {  	_ =	shalt  }
0x48: {  	_ =	shalt  }
0x49: {  	_ =	shalt  }
0x4a: {  	_ =	shalt  }
0x4b: {  	_ =	shalt  }
0x4c: {  	_ =	shalt  }
0x4d: {  	_ =	shalt  }
0x4e: {  	_ =	shalt  }
0x4f: {  	_ =	shalt  }
0x50: {  	_ =	shalt  }
0x51: {  	_ =	shalt  }
0x52: {  	_ =	shalt  }
0x53: {  	_ =	shalt  }
0x54: {  	_ =	shalt  }
0x55: {  	_ =	shalt  }
0x56: {  	_ =	shalt  }
0x57: {  	_ =	shalt  }
0x58: {  	_ =	shalt  }
0x59: {  	_ =	shalt  }
0x5a: {  	_ =	shalt  }
0x5b: {  	_ =	shalt  }
0x5c: {  	_ =	shalt  }
0x5d: {  	_ =	shalt  }
0x5e: {  	_ =	shalt  }
0x5f: {  	_ =	shalt  }
0x60: {  	_ =	shalt  }
0x61: {  	_ =	shalt  }
0x62: {  	_ =	shalt  }
0x63: {  	_ =	shalt  }
0x64: {  	_ =	shalt  }
0x65: {  	_ =	shalt  }
0x66: {  	_ =	shalt  }
0x67: {  	_ =	shalt  }
0x68: {  	_ =	shalt  }
0x69: {  	_ =	shalt  }
0x6a: {  	_ =	shalt  }
0x6b: {  	_ =	shalt  }
0x6c: {  	_ =	shalt  }
0x6d: {  	_ =	shalt  }
0x6e: {  	_ =	shalt  }
0x6f: {  	_ =	shalt  }
0x70: {  	_ =	shalt  }
0x71: {  	_ =	shalt  }
0x72: {  	_ =	shalt  }
0x73: {  	_ =	shalt  }
0x74: {  	_ =	shalt  }
0x75: {  	_ =	shalt  }
0x76: {  	_ =	shalt  }
0x77: {  	_ =	shalt  }
0x78: {  	_ =	shalt  }
0x79: {  	_ =	shalt  }
0x7a: {  	_ =	shalt  }
0x7b: {  	_ =	shalt  }
0x7c: {  	_ =	shalt  }
0x7d: {  	_ =	shalt  }
0x7e: {  	_ =	shalt  }
0x7f: {  	_ =	shalt  }
0x80: {  	_ =	shalt  }
0x81: {  	_ =	shalt  }
0x82: {  	_ =	shalt  }
0x83: {  	_ =	shalt  }
0x84: {  	_ =	shalt  }
0x85: {  	_ =	shalt  }
0x86: {  	_ =	shalt  }
0x87: {  	_ =	shalt  }
.Lfunc_end0:
.L_simem_size_0:
called_computation.2_lowered:
.L_overlay_start_0:
0x88: {  	s2 =	sld [smem:$0x3FD9]  }
0x89: {  	s3 =	sld [smem:$0x3FFE];
	_ =	sdelay $0x1  }
0x8a: {  	s1 =	srdreg.scid  }
0x8b: {  	s0 =	sand.u32 $0x1, s1  }
0x8c: {  	s14 =	sshll.u32 s0, $0xA;
	s2 =	sadd.s32 s3, s2  }
0x8d: {  	s2 =	sadd.s32 s2, s14  }
0x8e: {  	[smem:$0x3FBE] =	sst s2  }
0x8f: {  	_ = 	snop  }
0x90: {  	s2 =	sld [smem:$0x3FD0];
	_ =	sdelay $0x2  }
0x91: {  	s15 =	simm.s32 $0xA;
	s4 =	simm.s32 $0x10  }
0x92: {  	[smem:s4], [sflag:s15] =	dma.local [hbm:s2], $0x1  }
0x93: {  	_ =	swait.eq [sflag:s15], $0x1  }
0x94: {  	[sflag:s15] =	ssyncset.done $0x0  }
0x95: {  	[sflag:s15] =	ssyncadd.s32 $0xFFFFFFFF  }
0x96: {  	s16 =	sld [smem:$0x10];
	(tm) =	ssettm $0x1  }
0x97: {  	s17 =	sld [smem:$0x3FFB];
	_ =	sdelay $0x3  }
0x98: {  	_ =	strace s17  }
0x99: {  	s3 =	sld [smem:$0x3FFC];
	_ =	sdelay $0x3  }
0x9a: {  	_ =	strace s3  }
0x9b: {  	s3 =	sld [smem:$0x3FFD];
	_ =	sdelay $0x3  }
0x9c: {  	_ =	strace s3  }
0x9d: {  	_ =	strace $0x8FFFFFFF  }
0x9e: {  	s18 =	sld [smem:$0x3FDB];
	_ =	sdelay $0x1  }
0x9f: {  	s19 =	simm.s32 $_scs_section_size  }
0xa0: {  	s5 =	simm.s32 $_size__tile_overlayer_lowered;
	s6 =	simm.s32 $_tile_overlayer_lowered  }
0xa1: {  	s22 =	simm.s32 $0x1BFF;
	s21 =	sshll.u32 s6, $0x1;
	s3 =	sadd.s32 s19, s18  }
0xa2: {  	s7 =	simm.s32 $0x0;
	s20 =	sshll.u32 s5, $0x1;
	s5 =	sadd.s32 s21, s3  }
0xa3: {  	[timem:s7], [sflag:s22] =	dma.local [hbm:s5], s20  }
0xa4: {  	_ =	swait.ge [sflag:s22], s20  }
0xa5: {  	s4 =	ssub.s32 $0x0, s20;
	[sflag:s22] =	ssyncset.done $0x0  }
0xa6: {  	[sflag:s22] =	ssyncadd.s32 s4;
	_ =	sdelay $0x1  }
0xa7: {  	s23 =	simm.s32 $0x1B8B  }
0xa8: {  	_ =	swait.ge [sflag:s23], $0x1  }
0xa9: {  	[sflag:s23] =	ssyncset.done $0x0  }
0xaa: {  	s25 =	simm.s32 $0x1B8E;
	s24 =	sld [smem:$0x3FFE];
	[sflag:s23] =	ssyncadd.s32 $0xFFFFFFFF  }
0xab: {  	s26 =	simm.s32 $execute0_lowered;
	[smem:$0x3FD2] =	sst s25  }
0xac: {  	s5 =	sshll.u32 s26, $0x1;
	_ =	strace $0x8000004C;
	[dreg:$0x1] =	wrdreg $0xFFFFFFFF  }
0xad: {  	s28 =	simm.s32 $_size_execute0_lowered;
	s3 =	sadd.s32 s3, s5;
	[dreg:$0x0] =	wrdreg $0x0  }
0xae: {  	s5 =	sshll.u32 s28, $0x1;
	[dreg:$0x2] =	wrdreg s3  }
0xaf: {  	[dreg:$0x3] =	wrdreg s5  }
0xb0: {  	[dreg:$0x4] =	wrdreg $0xC0  }
0xb1: {  	_ =	task [dreg:s7], $0x5FFFF  }
0xb2: {  	[dreg:$0x1] =	wrdreg $0xFFFFFFFF  }
0xb3: {  	[dreg:$0x0] =	wrdreg $0x60  }
0xb4: {  	[dreg:$0x2] =	wrdreg s16  }
0xb5: {  	[dreg:$0x3] =	wrdreg s24  }
0xb6: {  	[dreg:$0x4] =	wrdreg $0xB8000  }
0xb7: {  	[dreg:$0x5] =	wrdreg $0x9  }
0xb8: {  	_ =	task.clear_ibuf [dreg:s7], $0x6FFFF;
	_ =	strace $0x9000004C  }
0xb9: {  	s29 =	simm.s32 $0x9;
	_ =	strace $0x8000004E  }
0xba: {  	_ =	swait.ge [sflag:s29], $0x1  }
0xbb: {  	[sflag:s29] =	ssyncadd.s32 $0xFFFFFFFF  }
0xbc: {  	_ =	strace $0x9000004E  }
0xbd: {  	_ =	sfence  }
0xbe: {  	s30 =	sld [smem:$0x0];
	_ =	sdelay $0x2  }
0xbf: {  	s31 =	sshll.u32 s1, $0xD;
	s1 =	sshrl.u32 s1, $0x2  }
0xc0: {  	s3 =	sand.u32 $0x4000, s31;
	s1 =	sadd.s32 s1, s30  }
0xc1: {  	s0 =	sor.u32 s3, s0;
	s1 =	sshll.u32 s1, $0x11  }
0xc2: {  	s0 =	sor.u32 s1, s0  }
0xc3: {  	s0 =	sadd.s32 $0x8F2B, s0  }
0xc4: {  	[sflag:s0] =	ssyncadd.remote.s32 $0x1  }
0xc5: {  	_ =	sfence.sel $0xFFFF  }
0xc6: {  	[dreg:$0x0] =	wrdreg $0xFFFFFFFF;
	(pc) =	sbr.abs _section_cstart, $3  }
0xc7: {  	[dreg:$0x1] =	wrdreg $0xFFFFFFFF  }
0xc8: {  	_ =	task.clear_ibuf [dreg:s7], $0x2FFFF;
	_ =	strace $0x9FFFFFFF  }
0xc9: {  	(tm) =	ssettm $0x7FFFFFFF  }
tec
execute0_lowered:
.L_overlay_start_1:
0x0: {  	(tag) =	ssettag $0x1  }
0x1: {  	s7 =	rddreg [dreg:$0x0]  }
0x2: {  	s6 =	rddreg [dreg:$0x1]  }
0x3: {  	s2 =	rddreg [dreg:$0x2]  }
0x4: {  	s0 =	rddreg [dreg:$0x3];
	s3 =	simm.s32 $0x0;
	s1 =	stileid.u32  }
0x5: {  	s4 =	srdreg.scid;
	s19 =	simm.s32 $0x80;
	s20 =	simm.s32 $0x3800  }
0x6: {  	s21 =	simm.s32 $0x7800;
	s22 =	simm.s32 $0x1;
	s23 =	simm.s32 $0x2  }
0x7: {  	s26 =	simm.s32 $0x4;
	[smem:$0x7FF] =	sst s3;
	s8 =	smul.u32 $0x380, s1  }
0x8: {  	s9 =	sand.u32 $0x1, s4;
	s29 =	sshll.u32 s1, $0x9;
	s13 =	smul.u32 $0x50000, s1  }
0x9: {  	s4 =	sadd.s32 $0x2200, s6;
	s5 =	sadd.s32 $0x2A200, s6;
	s25 =	smul.u32 $0x2800, s1  }
0xa: {  	s15 =	sshll.u32 s1, $0x6;
	_ =	strace $0x8000004D;
	s11 =	smul.u32 $0x28000, s9  }
0xb: {  	s12 =	sadd.s32 s29, s6;
	s30 =	ssub.s32 $0x2, s9;
	p0 =	seq.s32 s9, $0x1  }
0xc: {  	s10 =	sadd.s32 s8, s6;
	s14 =	sshrl.u32 s30, $0x1;
	s13 =	sshrl.u32 s13, $0x2  }
0xd: {  	s7 =	sadd.s32 s7, s8;
	s9 =	sadd.s32 $0x7B200, s12;
	s11 =	sadd.s32 s11, s6  }
0xe: {  	s14 =	ssub.s32 s30, s14;
	s13 =	sadd.s32 s13, s2;
	s6 =	sor.u32 $0x1C05, s15  }
0xf: {  	s8 =	sadd.s32 $0x7F200, s10;
	s10 =	sadd.s32 $0x7D200, s12;
	s31 =	sadd.s32 $0x4000, s13  }
.Ltmp0:
0x10: {  	s16 =	sadd.s32 $0x8000, s13;
	s17 =	sadd.s32 $0xC000, s13;
	(pc) =	sbr.rel .LBB2_1-.Ltmp0, $4  }
0x11: {  	s18 =	sadd.s32 $0x10000, s13;
	s24 =	sadd.s32 $0x82A00, s11;
	s11 =	smax.u32 s14, $0x1  }
0x12: {  	s12 =	sshrl.u32 s13, $0x3;
	s13 =	simm.s32 $0x5;
	s14 =	sshrl.u32 s31, $0x3  }
0x13: {  	s15 =	sshrl.u32 s16, $0x3;
	s16 =	sshrl.u32 s17, $0x3;
	s17 =	sshrl.u32 s18, $0x3  }
0x14: {  	s18 =	simm.s32 $0x1C00;
	s24 =	sadd.s32 s25, s24;
	s25 =	simm.s32 $0x3  }
.LBB2_7:
0x15: {  	[tilespmem:s21], [sflag:$0x2] =	stream.indirect.gather [hbm4b:s4+s19], $0x80, s30, s19, $0xb8;
	[tilespmem:$0x1F800] =	vst v63  }
.LBB2_8:
0x16: {  	_ =	swait.ge [sflag:s22], $0x4000  }
0x17: {  	[sflag:s22] =	ssyncset.done $0x0  }
0x18: {  	[sflag:s22] =	ssyncadd.s32 $0xFFFFC000  }
0x19: {  	_ =	swait.ge [sflag:s23], $0x4000  }
0x1a: {  	s3 =	sadd.s32 $0x1, s3;
	[sflag:s23] =	ssyncset.done $0x0  }
0x1b: {  	p1 =	sne.s32 s3, s11;
	[sflag:s23] =	ssyncadd.s32 $0xFFFFC000  }
.Ltmp1:
0x1c: {  	[bflag:$0x0] =	sbarrier.arrive $0xFFFF;
	(pc) =	sbr.rel @!p1 .LBB2_9-.Ltmp1, $4  }
0x1d: {  	[hbm:s24], [sflag:s6] =	dma.local [spmem:s12], $0x2800  }
0x1e: {  	_ =	swait.ge [sflag:s13], $0x2800  }
0x1f: {  	[sflag:s13] =	ssyncset.done $0x0  }
0x20: {  	[sflag:s13] =	ssyncadd.s32 $0xFFFFD800  }
.LBB2_1:
0x21: {  	[spmem:s12], [sflag:s6] =	dma.local [hbm:s5], $0x800  }
0x22: {  	_ =	swait.ge [sflag:s13], $0x800  }
0x23: {  	[sflag:s13] =	ssyncset.done $0x0  }
0x24: {  	[sflag:s13] =	ssyncadd.s32 $0xFFFFF800  }
0x25: {  	[spmem:s14], [sflag:s6] =	dma.local [hbm:s5], $0x800  }
0x26: {  	_ =	swait.ge [sflag:s13], $0x800  }
0x27: {  	[sflag:s13] =	ssyncset.done $0x0  }
0x28: {  	[sflag:s13] =	ssyncadd.s32 $0xFFFFF800  }
0x29: {  	[spmem:s15], [sflag:s6] =	dma.local [hbm:s5], $0x800  }
0x2a: {  	_ =	swait.ge [sflag:s13], $0x800  }
0x2b: {  	[sflag:s13] =	ssyncset.done $0x0  }
0x2c: {  	[sflag:s13] =	ssyncadd.s32 $0xFFFFF800  }
0x2d: {  	[spmem:s16], [sflag:s6] =	dma.local [hbm:s5], $0x800  }
0x2e: {  	_ =	swait.ge [sflag:s13], $0x800  }
0x2f: {  	[sflag:s13] =	ssyncset.done $0x0  }
0x30: {  	[sflag:s13] =	ssyncadd.s32 $0xFFFFF800  }
0x31: {  	[spmem:s17], [sflag:s6] =	dma.local [hbm:s5], $0x800  }
.Ltmp2:
0x32: {  	_ =	swait.ge [sflag:s13], $0x800;
	(pc) =	sbr.rel @!p0 .LBB2_2-.Ltmp2, $4  }
0x33: {  	[sflag:s13] =	ssyncset.done $0x0  }
0x34: {  	[sflag:s13] =	ssyncadd.s32 $0xFFFFF800  }
0x35: {  	[bflag:$0x0] =	sbarrier.arrive $0xFFFF  }
0x36: {  	s28 =	simm.s32 $0x0  }
0x37: {  	[tilespmem:s28], [sflag:$0x5] =	stream.linear.gather [hbm4b:s9+s28], $0xD00, $0x38;
	[tilespmem:$0x1F800] =	vst v63  }
0x38: {  	_ =	swait.ge [sflag:s13], $0xD00  }
0x39: {  	[sflag:s13] =	ssyncset.done $0x0  }
0x3a: {  	[sflag:s13] =	ssyncadd.s32 $0xFFFFF300  }
0x3b: {  	[tilespmem:s18], [sflag:$0x5] =	stream.linear.gather [hbm4b:s10+s28], $0xD00, $0x38;
	[tilespmem:$0x1F800] =	vst v63  }
0x3c: {  	_ =	swait.ge [sflag:s13], $0xD00  }
0x3d: {  	[sflag:s13] =	ssyncset.done $0x0  }
0x3e: {  	[sflag:s13] =	ssyncadd.s32 $0xFFFFF300  }
0x3f: {  	[tilespmem:s20], [sflag:$0x1] =	stream.indirect.gather [hbm4b:s4+s19], $0x80, s28, s19, $0xb8;
	[tilespmem:$0x1F800] =	vst v63  }
0x40: {  	_ = 	snop  }
0x41: {  	[tilespmem:s21], [sflag:$0x2] =	stream.indirect.gather [hbm4b:s4+s19], $0x80, s19, s19, $0xb8;
	[tilespmem:$0x1F800] =	vst v63  }
0x42: {  	_ =	swait.ge [sflag:s22], $0x4000  }
0x43: {  	[sflag:s22] =	ssyncset.done $0x0  }
0x44: {  	s29 =	simm.s32 $0x1C00;
	[sflag:s22] =	ssyncadd.s32 $0xFFFFC000  }
0x45: {  	[spmem:s2] =	stream.indirect.scatter.add.f32 [tilespmem:s20], [sflag:$0x3], $0x80, s29, s19, $0xb8;
	[tilespmem:$0x1F800] =	vst v63  }
0x46: {  	_ =	swait.ge [sflag:s23], $0x4000  }
0x47: {  	[sflag:s23] =	ssyncset.done $0x0  }
0x48: {  	s29 =	simm.s32 $0x1C80;
	[sflag:s23] =	ssyncadd.s32 $0xFFFFC000  }
0x49: {  	[spmem:s2] =	stream.indirect.scatter.add.f32 [tilespmem:s21], [sflag:$0x4], $0x80, s29, s19, $0xb8;
	[tilespmem:$0x1F800] =	vst v63  }
0x4a: {  	s28 =	smin.u32 s28, $0x16;
	_ =	swait.ge [sflag:s25], $0x4000  }
0x4b: {  	s29 =	sshll.u32 s28, $0x7;
	[sflag:s25] =	ssyncset.done $0x0  }
0x4c: {  	s28 =	sadd.s32 $0x100, s29;
	[sflag:s25] =	ssyncadd.s32 $0xFFFFC000  }
0x4d: {  	[tilespmem:s20], [sflag:$0x1] =	stream.indirect.gather [hbm4b:s4+s19], $0x80, s28, s19, $0xb8;
	[tilespmem:$0x1F800] =	vst v63  }
0x4e: {  	_ =	swait.ge [sflag:s26], $0x4000  }
0x4f: {  	s30 =	sadd.s32 $0x180, s29;
	[sflag:s26] =	ssyncset.done $0x0  }
0x50: {  	s29 =	simm.s32 $0x1D80;
	s28 =	simm.s32 $0x2;
	[sflag:s26] =	ssyncadd.s32 $0xFFFFC000  }
.LBB2_6:
0x51: {  	[tilespmem:s21], [sflag:$0x2] =	stream.indirect.gather [hbm4b:s4+s19], $0x80, s30, s19, $0xb8;
	[tilespmem:$0x1F800] =	vst v63  }
0x52: {  	s30 =	smov.u32 s28  }
0x53: {  	p1 =	sne.s32 s28, $0x18;
	s28 =	sadd.s32 $0x2, s28;
	_ =	swait.ge [sflag:s22], $0x4000  }
0x54: {  	[sflag:s22] =	ssyncset.done $0x0  }
0x55: {  	s31 =	sadd.s32 $0xFFFFFF80, s29;
	[sflag:s22] =	ssyncadd.s32 $0xFFFFC000  }
0x56: {  	[spmem:s2] =	stream.indirect.scatter.add.f32 [tilespmem:s20], [sflag:$0x3], $0x80, s31, s19, $0xb8;
	[tilespmem:$0x1F800] =	vst v63  }
0x57: {  	_ =	swait.ge [sflag:s23], $0x4000  }
0x58: {  	[sflag:s23] =	ssyncset.done $0x0  }
0x59: {  	[sflag:s23] =	ssyncadd.s32 $0xFFFFC000  }
0x5a: {  	[spmem:s2] =	stream.indirect.scatter.add.f32 [tilespmem:s21], [sflag:$0x4], $0x80, s29, s19, $0xb8;
	[tilespmem:$0x1F800] =	vst v63  }
0x5b: {  	s30 =	smin.u32 s30, $0x16;
	_ =	swait.ge [sflag:s25], $0x4000  }
0x5c: {  	s30 =	sshll.u32 s30, $0x7;
	[sflag:s25] =	ssyncset.done $0x0  }
.Ltmp3:
0x5d: {  	s31 =	sadd.s32 $0x100, s30;
	[sflag:s25] =	ssyncadd.s32 $0xFFFFC000;
	(pc) =	sbr.rel @p1 .LBB2_6-.Ltmp3, $4  }
0x5e: {  	[tilespmem:s20], [sflag:$0x1] =	stream.indirect.gather [hbm4b:s4+s19], $0x80, s31, s19, $0xb8;
	[tilespmem:$0x1F800] =	vst v63  }
0x5f: {  	_ =	swait.ge [sflag:s26], $0x4000  }
0x60: {  	[sflag:s26] =	ssyncset.done $0x0  }
0x61: {  	s30 =	sadd.s32 $0x180, s30;
	s29 =	sadd.s32 $0x100, s29;
	[sflag:s26] =	ssyncadd.s32 $0xFFFFC000  }
.Ltmp4:
0x62: {  	_ = 	snop;
	(pc) =	sbr.rel .LBB2_7-.Ltmp4, $1  }
0x63: {  	_ =	sdelay $0x3  }
.LBB2_2:
0x64: {  	[tilespmem:s28], [sflag:$0x5] =	stream.linear.gather [hbm4b:s7+s28], $0x1B00, $0x38;
	[tilespmem:$0x1F800] =	vst v63  }
0x65: {  	_ =	swait.ge [sflag:s13], $0x1B00  }
0x66: {  	[sflag:s13] =	ssyncset.done $0x0  }
0x67: {  	[sflag:s13] =	ssyncadd.s32 $0xFFFFE500  }
0x68: {  	[tilespmem:s18], [sflag:$0x5] =	stream.linear.gather [hbm4b:s8+s28], $0x1B00, $0x38;
	[tilespmem:$0x1F800] =	vst v63  }
0x69: {  	_ =	swait.ge [sflag:s13], $0x1B00  }
0x6a: {  	[sflag:s13] =	ssyncset.done $0x0  }
0x6b: {  	[sflag:s13] =	ssyncadd.s32 $0xFFFFE500  }
0x6c: {  	[tilespmem:s20], [sflag:$0x1] =	stream.indirect.gather [hbm4b:s4+s19], $0x80, s28, s19, $0xb8;
	[tilespmem:$0x1F800] =	vst v63  }
0x6d: {  	_ = 	snop  }
0x6e: {  	[tilespmem:s21], [sflag:$0x2] =	stream.indirect.gather [hbm4b:s4+s19], $0x80, s19, s19, $0xb8;
	[tilespmem:$0x1F800] =	vst v63  }
0x6f: {  	_ =	swait.ge [sflag:s22], $0x4000  }
0x70: {  	[sflag:s22] =	ssyncset.done $0x0  }
0x71: {  	s29 =	simm.s32 $0x1C00;
	[sflag:s22] =	ssyncadd.s32 $0xFFFFC000  }
0x72: {  	[spmem:s2] =	stream.indirect.scatter.add.f32 [tilespmem:s20], [sflag:$0x3], $0x80, s29, s19, $0xb8;
	[tilespmem:$0x1F800] =	vst v63  }
0x73: {  	_ =	swait.ge [sflag:s23], $0x4000  }
0x74: {  	[sflag:s23] =	ssyncset.done $0x0  }
0x75: {  	s29 =	simm.s32 $0x1C80;
	[sflag:s23] =	ssyncadd.s32 $0xFFFFC000  }
0x76: {  	[spmem:s2] =	stream.indirect.scatter.add.f32 [tilespmem:s21], [sflag:$0x4], $0x80, s29, s19, $0xb8;
	[tilespmem:$0x1F800] =	vst v63  }
0x77: {  	s28 =	smin.u32 s28, $0x32;
	_ =	swait.ge [sflag:s25], $0x4000  }
0x78: {  	s29 =	sshll.u32 s28, $0x7;
	[sflag:s25] =	ssyncset.done $0x0  }
0x79: {  	s28 =	sadd.s32 $0x100, s29;
	[sflag:s25] =	ssyncadd.s32 $0xFFFFC000  }
0x7a: {  	[tilespmem:s20], [sflag:$0x1] =	stream.indirect.gather [hbm4b:s4+s19], $0x80, s28, s19, $0xb8;
	[tilespmem:$0x1F800] =	vst v63  }
0x7b: {  	_ =	swait.ge [sflag:s26], $0x4000  }
0x7c: {  	s30 =	sadd.s32 $0x180, s29;
	[sflag:s26] =	ssyncset.done $0x0  }
0x7d: {  	s29 =	simm.s32 $0x1D80;
	s28 =	simm.s32 $0x2;
	[sflag:s26] =	ssyncadd.s32 $0xFFFFC000  }
.LBB2_3:
0x7e: {  	[tilespmem:s21], [sflag:$0x2] =	stream.indirect.gather [hbm4b:s4+s19], $0x80, s30, s19, $0xb8;
	[tilespmem:$0x1F800] =	vst v63  }
0x7f: {  	s30 =	smov.u32 s28  }
0x80: {  	p1 =	seq.s32 s28, $0x34;
	s28 =	sadd.s32 $0x2, s28;
	_ =	swait.ge [sflag:s22], $0x4000  }
0x81: {  	[sflag:s22] =	ssyncset.done $0x0  }
0x82: {  	s31 =	sadd.s32 $0xFFFFFF80, s29;
	[sflag:s22] =	ssyncadd.s32 $0xFFFFC000  }
0x83: {  	[spmem:s2] =	stream.indirect.scatter.add.f32 [tilespmem:s20], [sflag:$0x3], $0x80, s31, s19, $0xb8;
	[tilespmem:$0x1F800] =	vst v63  }
0x84: {  	_ =	swait.ge [sflag:s23], $0x4000  }
0x85: {  	[sflag:s23] =	ssyncset.done $0x0  }
0x86: {  	[sflag:s23] =	ssyncadd.s32 $0xFFFFC000  }
0x87: {  	[spmem:s2] =	stream.indirect.scatter.add.f32 [tilespmem:s21], [sflag:$0x4], $0x80, s29, s19, $0xb8;
	[tilespmem:$0x1F800] =	vst v63  }
0x88: {  	s30 =	smin.u32 s30, $0x32;
	_ =	swait.ge [sflag:s25], $0x4000  }
0x89: {  	s30 =	sshll.u32 s30, $0x7;
	[sflag:s25] =	ssyncset.done $0x0  }
.Ltmp5:
0x8a: {  	s31 =	sadd.s32 $0x100, s30;
	[sflag:s25] =	ssyncadd.s32 $0xFFFFC000;
	(pc) =	sbr.rel @!p1 .LBB2_3-.Ltmp5, $4  }
0x8b: {  	[tilespmem:s20], [sflag:$0x1] =	stream.indirect.gather [hbm4b:s4+s19], $0x80, s31, s19, $0xb8;
	[tilespmem:$0x1F800] =	vst v63  }
0x8c: {  	_ =	swait.ge [sflag:s26], $0x4000  }
0x8d: {  	[sflag:s26] =	ssyncset.done $0x0  }
0x8e: {  	s30 =	sadd.s32 $0x180, s30;
	s29 =	sadd.s32 $0x100, s29;
	[sflag:s26] =	ssyncadd.s32 $0xFFFFC000  }
.Ltmp6:
0x8f: {  	(pc) =	sbr.rel .LBB2_8-.Ltmp6, $2  }
0x90: {  	_ =	sdelay $0x2  }
0x91: {  	[tilespmem:s21], [sflag:$0x2] =	stream.indirect.gather [hbm4b:s4+s19], $0x80, s30, s19, $0xb8;
	[tilespmem:$0x1F800] =	vst v63  }
.LBB2_9:
0x92: {  	_ =	sfence.sel $0x180000  }
0x93: {  	[bflag:$0x0] =	sbarrier.arrive $0xFFFF  }
0x94: {  	p0 =	sne.s32 s1, $0x0;
	_ =	strace $0x9000004D  }
0x95: {  	s0 =	sadd.s32 @!p0 $0x100000, s0;
	[bflag:$0x2] =	sbarrier.arrive $0xFFFF  }
0x96: {  	[sflag:s0] =	ssyncadd.tile.s32 @!p0 $0x1;
	_ =	shalt  }
.Lfunc_end2:
_tile_overlayer_lowered:
.L_overlay_start_2:
0x97: {  	(tag) =	ssettag $0x2  }
0x98: {  	s0 =	rddreg [dreg:$0x0];
	s2 =	stileid.u32  }
0x99: {  	s1 =	rddreg [dreg:$0x1];
	p0 =	sne.s32 s2, $0x0  }
0x9a: {  	s3 =	rddreg [dreg:$0x2];
	[bflag:$0x3] =	sbarrier.arrive $0xFFFF;
	s2 =	simm.s32 @!p0 $0x1C05  }
0x9b: {  	[timem:s3], [sflag:s2] =	dma.local @!p0 [hbm:s0], s1  }
0x9c: {  	s0 =	simm.s32 @!p0 $0x5  }
0x9d: {  	_ =	swait.ge @!p0 [sflag:s0], s1  }
0x9e: {  	s1 =	ssub.s32 @!p0 $0x0, s1;
	[sflag:s0] =	ssyncset.done @!p0 $0x0  }
0x9f: {  	[sflag:s0] =	ssyncadd.s32 @!p0 s1  }
0xa0: {  	[bflag:$0x3] =	sbarrier.arrive $0xFFFF  }
0xa1: {  	_ =	shalt  }

// kernel: kernel.24.cloned.1.call-start
scs
__scs_entry_jumppad:
0x0: {  	(pc) =	sbr.rel $0x88, $3  }
0x1: {  	(tag) =	ssettag $0x0;
	lr =	simm.s32 $0x1  }
0x2: {  	[smem:$0x3F97] =	sst lr;
	_ =	strace $0xD0000000  }
0x3: {  	_ = 	snop  }
0x4: {  	_ = 	snop  }
0x5: {  	_ = 	snop  }
0x6: {  	_ = 	snop  }
0x7: {  	_ = 	snop  }
__scs_overlays_trampoline_lowered:
0x8: {  	[smem:$0x3FA6] =	sst s0  }
0x9: {  	[smem:$0x3FA7] =	sst s1  }
0xa: {  	[smem:$0x3FA8] =	sst s2  }
0xb: {  	[smem:$0x3FA9] =	sst s3  }
0xc: {  	[smem:$0x3FAA] =	sst s4  }
0xd: {  	[smem:$0x3FAB] =	sst s5  }
0xe: {  	[smem:$0x3FAC] =	sst s6  }
0xf: {  	[smem:$0x3FAD] =	sst s7  }
0x10: {  	[smem:$0x3FAE] =	sst s8  }
0x11: {  	[smem:$0x3FAF] =	sst s9;
	s0 =	simm.s32 @!p0 $0x0  }
0x12: {  	s1 =	sld [smem:$0x3F95];
	s0 =	simm.s32 @p0 $0x1  }
0x13: {  	[smem:$0x3FB0] =	sst s0;
	s0 =	simm.s32 @!p1 $0x0  }
0x14: {  	s2 =	sld [smem:$0x3F94];
	s0 =	simm.s32 @p1 $0x1  }
0x15: {  	[smem:$0x3FB1] =	sst s0;
	s0 =	simm.s32 @!p2 $0x0  }
0x16: {  	s3 =	sld [smem:$0x3FDB];
	s0 =	simm.s32 @p2 $0x1  }
0x17: {  	s4 =	simm.s32 $0x1BF5;
	[smem:$0x3FB3] =	sst s0  }
0x18: {  	s0 =	sld [smem:$0x3F96];
	_ =	swait.ge [sflag:s4], $0x0  }
0x19: {  	s7 =	sld [smem:$0x3F97]  }
0x1a: {  	s8 =	sadd.s32 $0xFFFFE003, lr  }
0x1b: {  	s9 =	sadd.s32 $0xFFFFFEF7, lr;
	s5 =	simm.s32 $0xFFFFFFFF;
	p2 =	slt.u32 s8, $0xFFFFF086  }
0x1c: {  	p1 =	slt.u32 s9, $0xF7A;
	s5 =	simm.s32 @!p2 $0x0  }
0x1d: {  	s5 =	simm.s32 @p1 $0x1;
	p0 =	seq.s32 s7, s2  }
0x1e: {  	s7 =	smul.u32 @!p0 $0xF7A, s2;
	p2 =	seq.s32 @!p0 s5, $0x0  }
0x1f: {  	s9 =	smul.u32 $0xF7A, s1;
	s8 =	simm.s32 @!p0 $0x1BF5;
	p2 =	por !p2, p0  }
0x20: {  	[sflag:s8] =	ssyncset.s32 @!p0 $0xFFFFF086;
	s6 =	sadd.s32 @!p0 s3, s7;
	s7 =	simm.s32 @!p0 $0x108  }
0x21: {  	s3 =	sadd.s32 s3, s9;
	s6 =	sadd.s32 @!p0 $0x88, s6;
	s7 =	simm.s32 @p2 $0x1082  }
0x22: {  	[simem:s7], [sflag:s8] =	dma.local @!p0 [hbm:s6], $0xF7A  }
0x23: {  	s9 =	sor.u32 $0xD0000000, s2;
	s6 =	simm.s32 $0x108;
	_ =	swait.ge @!p0 [sflag:s8], $0x0  }
0x24: {  	s3 =	sadd.s32 $0x88, s3;
	s6 =	simm.s32 @!p1 $0x1082;
	[sflag:s4] =	ssyncset.s32 $0xFFFFF086  }
0x25: {  	[simem:s6], [sflag:s4] =	dma.local [hbm:s3], $0xF7A  }
0x26: {  	[smem:$0x3F97] =	sst s1;
	(tag) =	ssettag s2;
	_ =	strace s9  }
0x27: {  	s1 =	sld [smem:$0x3FA7]  }
0x28: {  	s2 =	sld [smem:$0x3FA8]  }
0x29: {  	s4 =	sld [smem:$0x3FAA]  }
0x2a: {  	p0 =	seq.s32 s5, $0x0;
	s5 =	sld [smem:$0x3FAB]  }
0x2b: {  	s6 =	sld [smem:$0x3FAC]  }
0x2c: {  	s7 =	sld [smem:$0x3FAD]  }
0x2d: {  	s3 =	simm.s32 $0x108;
	s8 =	sld [smem:$0x3FAE]  }
0x2e: {  	s3 =	simm.s32 @!p0 $0x1082;
	s9 =	sld [smem:$0x3FAF]  }
0x2f: {  	lr =	sadd.s32 s0, s3;
	s0 =	sld [smem:$0x3FA6]  }
0x30: {  	s3 =	sld [smem:$0x3FA9]  }
0x31: {  	[smem:$0x3FB2] =	sst s10  }
0x32: {  	s10 =	sld [smem:$0x3FB0];
	_ =	sdelay $0x3  }
0x33: {  	p0 =	seq.s32 s10, $0x1;
	s10 =	sld [smem:$0x3FB2];
	_ =	sdelay $0x3  }
0x34: {  	[smem:$0x3FB2] =	sst s10  }
0x35: {  	s10 =	sld [smem:$0x3FB1];
	_ =	sdelay $0x3  }
0x36: {  	p1 =	seq.s32 s10, $0x1;
	s10 =	sld [smem:$0x3FB2];
	_ =	sdelay $0x3  }
0x37: {  	[smem:$0x3FB2] =	sst s10  }
0x38: {  	s10 =	sld [smem:$0x3FB3]  }
0x39: {  	_ = 	snop;
	(pc) =	sbr.ind lr, $3  }
0x3a: {  	_ = 	snop  }
0x3b: {  	_ = 	snop  }
0x3c: {  	p2 =	seq.s32 s10, $0x1;
	s10 =	sld [smem:$0x3FB2]  }
0x3d: {  	_ =	shalt  }
0x3e: {  	_ =	shalt  }
0x3f: {  	_ =	shalt  }
0x40: {  	_ =	shalt  }
0x41: {  	_ =	shalt  }
0x42: {  	_ =	shalt  }
0x43: {  	_ =	shalt  }
0x44: {  	_ =	shalt  }
0x45: {  	_ =	shalt  }
0x46: {  	_ =	shalt  }
0x47: {  	_ =	shalt  }
0x48: {  	_ =	shalt  }
0x49: {  	_ =	shalt  }
0x4a: {  	_ =	shalt  }
0x4b: {  	_ =	shalt  }
0x4c: {  	_ =	shalt  }
0x4d: {  	_ =	shalt  }
0x4e: {  	_ =	shalt  }
0x4f: {  	_ =	shalt  }
0x50: {  	_ =	shalt  }
0x51: {  	_ =	shalt  }
0x52: {  	_ =	shalt  }
0x53: {  	_ =	shalt  }
0x54: {  	_ =	shalt  }
0x55: {  	_ =	shalt  }
0x56: {  	_ =	shalt  }
0x57: {  	_ =	shalt  }
0x58: {  	_ =	shalt  }
0x59: {  	_ =	shalt  }
0x5a: {  	_ =	shalt  }
0x5b: {  	_ =	shalt  }
0x5c: {  	_ =	shalt  }
0x5d: {  	_ =	shalt  }
0x5e: {  	_ =	shalt  }
0x5f: {  	_ =	shalt  }
0x60: {  	_ =	shalt  }
0x61: {  	_ =	shalt  }
0x62: {  	_ =	shalt  }
0x63: {  	_ =	shalt  }
0x64: {  	_ =	shalt  }
0x65: {  	_ =	shalt  }
0x66: {  	_ =	shalt  }
0x67: {  	_ =	shalt  }
0x68: {  	_ =	shalt  }
0x69: {  	_ =	shalt  }
0x6a: {  	_ =	shalt  }
0x6b: {  	_ =	shalt  }
0x6c: {  	_ =	shalt  }
0x6d: {  	_ =	shalt  }
0x6e: {  	_ =	shalt  }
0x6f: {  	_ =	shalt  }
0x70: {  	_ =	shalt  }
0x71: {  	_ =	shalt  }
0x72: {  	_ =	shalt  }
0x73: {  	_ =	shalt  }
0x74: {  	_ =	shalt  }
0x75: {  	_ =	shalt  }
0x76: {  	_ =	shalt  }
0x77: {  	_ =	shalt  }
0x78: {  	_ =	shalt  }
0x79: {  	_ =	shalt  }
0x7a: {  	_ =	shalt  }
0x7b: {  	_ =	shalt  }
0x7c: {  	_ =	shalt  }
0x7d: {  	_ =	shalt  }
0x7e: {  	_ =	shalt  }
0x7f: {  	_ =	shalt  }
0x80: {  	_ =	shalt  }
0x81: {  	_ =	shalt  }
0x82: {  	_ =	shalt  }
0x83: {  	_ =	shalt  }
0x84: {  	_ =	shalt  }
0x85: {  	_ =	shalt  }
0x86: {  	_ =	shalt  }
0x87: {  	_ =	shalt  }
.Lfunc_end0:
.L_simem_size_0:
called_computation.3_lowered:
.L_overlay_start_0:
0x88: {  	s2 =	sld [smem:$0x3FD9]  }
0x89: {  	s3 =	sld [smem:$0x3FFE];
	_ =	sdelay $0x1  }
0x8a: {  	s1 =	srdreg.scid  }
0x8b: {  	s0 =	sand.u32 $0x1, s1  }
0x8c: {  	s14 =	sshll.u32 s0, $0xA;
	s2 =	sadd.s32 s3, s2  }
0x8d: {  	s2 =	sadd.s32 s2, s14  }
0x8e: {  	[smem:$0x3FBE] =	sst s2  }
0x8f: {  	_ = 	snop  }
0x90: {  	s2 =	sld [smem:$0x3FD0];
	_ =	sdelay $0x2  }
0x91: {  	s15 =	simm.s32 $0xA;
	s4 =	simm.s32 $0x10  }
0x92: {  	[smem:s4], [sflag:s15] =	dma.local [hbm:s2], $0x1  }
0x93: {  	_ =	swait.eq [sflag:s15], $0x1  }
0x94: {  	[sflag:s15] =	ssyncset.done $0x0  }
0x95: {  	[sflag:s15] =	ssyncadd.s32 $0xFFFFFFFF  }
0x96: {  	s16 =	sld [smem:$0x10];
	(tm) =	ssettm $0x1  }
0x97: {  	s17 =	sld [smem:$0x3FFB];
	_ =	sdelay $0x3  }
0x98: {  	_ =	strace s17  }
0x99: {  	s3 =	sld [smem:$0x3FFC];
	_ =	sdelay $0x3  }
0x9a: {  	_ =	strace s3  }
0x9b: {  	s3 =	sld [smem:$0x3FFD];
	_ =	sdelay $0x3  }
0x9c: {  	_ =	strace s3  }
0x9d: {  	_ =	strace $0x8FFFFFFF  }
0x9e: {  	s18 =	sld [smem:$0x3FDB];
	_ =	sdelay $0x1  }
0x9f: {  	s19 =	simm.s32 $_scs_section_size  }
0xa0: {  	s5 =	simm.s32 $_size__tile_overlayer_lowered;
	s6 =	simm.s32 $_tile_overlayer_lowered  }
0xa1: {  	s22 =	simm.s32 $0x1BFF;
	s21 =	sshll.u32 s6, $0x1;
	s3 =	sadd.s32 s19, s18  }
0xa2: {  	s7 =	simm.s32 $0x0;
	s20 =	sshll.u32 s5, $0x1;
	s5 =	sadd.s32 s21, s3  }
0xa3: {  	[timem:s7], [sflag:s22] =	dma.local [hbm:s5], s20  }
0xa4: {  	_ =	swait.ge [sflag:s22], s20  }
0xa5: {  	s4 =	ssub.s32 $0x0, s20;
	[sflag:s22] =	ssyncset.done $0x0  }
0xa6: {  	[sflag:s22] =	ssyncadd.s32 s4;
	_ =	sdelay $0x1  }
0xa7: {  	s23 =	simm.s32 $0x1B8B  }
0xa8: {  	_ =	swait.ge [sflag:s23], $0x1  }
0xa9: {  	[sflag:s23] =	ssyncset.done $0x0  }
0xaa: {  	s25 =	simm.s32 $0x1B8E;
	s24 =	sld [smem:$0x3FFE];
	[sflag:s23] =	ssyncadd.s32 $0xFFFFFFFF  }
0xab: {  	s26 =	simm.s32 $execute0_lowered;
	[smem:$0x3FD2] =	sst s25  }
0xac: {  	s5 =	sshll.u32 s26, $0x1;
	_ =	strace $0x8000004F;
	[dreg:$0x1] =	wrdreg $0xFFFFFFFF  }
0xad: {  	s28 =	simm.s32 $_size_execute0_lowered;
	s3 =	sadd.s32 s3, s5;
	[dreg:$0x0] =	wrdreg $0x0  }
0xae: {  	s5 =	sshll.u32 s28, $0x1;
	[dreg:$0x2] =	wrdreg s3  }
0xaf: {  	[dreg:$0x3] =	wrdreg s5  }
0xb0: {  	[dreg:$0x4] =	wrdreg $0xC0  }
0xb1: {  	_ =	task [dreg:s7], $0x5FFFF  }
0xb2: {  	[dreg:$0x1] =	wrdreg $0xFFFFFFFF  }
0xb3: {  	[dreg:$0x0] =	wrdreg $0x60  }
0xb4: {  	[dreg:$0x2] =	wrdreg s16  }
0xb5: {  	[dreg:$0x3] =	wrdreg s24  }
0xb6: {  	[dreg:$0x4] =	wrdreg $0xB8000  }
0xb7: {  	[dreg:$0x5] =	wrdreg $0x9  }
0xb8: {  	_ =	task.clear_ibuf [dreg:s7], $0x6FFFF;
	_ =	strace $0x9000004F  }
0xb9: {  	s29 =	simm.s32 $0x9;
	_ =	strace $0x80000051  }
0xba: {  	_ =	swait.ge [sflag:s29], $0x1  }
0xbb: {  	[sflag:s29] =	ssyncadd.s32 $0xFFFFFFFF  }
0xbc: {  	_ =	strace $0x90000051  }
0xbd: {  	_ =	sfence  }
0xbe: {  	s30 =	sld [smem:$0x0];
	_ =	sdelay $0x2  }
0xbf: {  	s31 =	sshll.u32 s1, $0xD;
	s1 =	sshrl.u32 s1, $0x2  }
0xc0: {  	s3 =	sand.u32 $0x4000, s31;
	s1 =	sadd.s32 s1, s30  }
0xc1: {  	s0 =	sor.u32 s3, s0;
	s1 =	sshll.u32 s1, $0x11  }
0xc2: {  	s0 =	sor.u32 s1, s0  }
0xc3: {  	s0 =	sadd.s32 $0x8F2B, s0  }
0xc4: {  	[sflag:s0] =	ssyncadd.remote.s32 $0x1  }
0xc5: {  	_ =	sfence.sel $0xFFFF  }
0xc6: {  	[dreg:$0x0] =	wrdreg $0xFFFFFFFF;
	(pc) =	sbr.abs _section_cstart, $3  }
0xc7: {  	[dreg:$0x1] =	wrdreg $0xFFFFFFFF  }
0xc8: {  	_ =	task.clear_ibuf [dreg:s7], $0x2FFFF;
	_ =	strace $0x9FFFFFFF  }
0xc9: {  	(tm) =	ssettm $0x7FFFFFFF  }
tec
execute0_lowered:
.L_overlay_start_1:
0x0: {  	(tag) =	ssettag $0x1  }
0x1: {  	s7 =	rddreg [dreg:$0x0]  }
0x2: {  	s6 =	rddreg [dreg:$0x1]  }
0x3: {  	s2 =	rddreg [dreg:$0x2]  }
0x4: {  	s0 =	rddreg [dreg:$0x3];
	s3 =	simm.s32 $0x0;
	s1 =	stileid.u32  }
0x5: {  	s4 =	srdreg.scid;
	s19 =	simm.s32 $0x80;
	s20 =	simm.s32 $0x3800  }
0x6: {  	s21 =	simm.s32 $0x7800;
	s22 =	simm.s32 $0x1;
	s23 =	simm.s32 $0x2  }
0x7: {  	s26 =	simm.s32 $0x4;
	[smem:$0x7FF] =	sst s3;
	s8 =	smul.u32 $0x380, s1  }
0x8: {  	s9 =	sand.u32 $0x1, s4;
	s29 =	sshll.u32 s1, $0x9;
	s13 =	smul.u32 $0x50000, s1  }
0x9: {  	s4 =	sadd.s32 $0x2200, s6;
	s5 =	sadd.s32 $0x2A200, s6;
	s25 =	smul.u32 $0x2800, s1  }
0xa: {  	s15 =	sshll.u32 s1, $0x6;
	_ =	strace $0x80000050;
	s11 =	smul.u32 $0x28000, s9  }
0xb: {  	s12 =	sadd.s32 s29, s6;
	s30 =	ssub.s32 $0x2, s9;
	p0 =	seq.s32 s9, $0x1  }
0xc: {  	s10 =	sadd.s32 s8, s6;
	s14 =	sshrl.u32 s30, $0x1;
	s13 =	sshrl.u32 s13, $0x2  }
0xd: {  	s7 =	sadd.s32 s7, s8;
	s9 =	sadd.s32 $0x7B200, s12;
	s11 =	sadd.s32 s11, s6  }
0xe: {  	s14 =	ssub.s32 s30, s14;
	s13 =	sadd.s32 s13, s2;
	s6 =	sor.u32 $0x1C05, s15  }
0xf: {  	s8 =	sadd.s32 $0x7F200, s10;
	s10 =	sadd.s32 $0x7D200, s12;
	s31 =	sadd.s32 $0x4000, s13  }
.Ltmp0:
0x10: {  	s16 =	sadd.s32 $0x8000, s13;
	s17 =	sadd.s32 $0xC000, s13;
	(pc) =	sbr.rel .LBB2_1-.Ltmp0, $4  }
0x11: {  	s18 =	sadd.s32 $0x10000, s13;
	s24 =	sadd.s32 $0x82A00, s11;
	s11 =	smax.u32 s14, $0x1  }
0x12: {  	s12 =	sshrl.u32 s13, $0x3;
	s13 =	simm.s32 $0x5;
	s14 =	sshrl.u32 s31, $0x3  }
0x13: {  	s15 =	sshrl.u32 s16, $0x3;
	s16 =	sshrl.u32 s17, $0x3;
	s17 =	sshrl.u32 s18, $0x3  }
0x14: {  	s18 =	simm.s32 $0x1C00;
	s24 =	sadd.s32 s25, s24;
	s25 =	simm.s32 $0x3  }
.LBB2_7:
0x15: {  	[tilespmem:s21], [sflag:$0x2] =	stream.indirect.gather [hbm4b:s4+s19], $0x80, s30, s19, $0xb8;
	[tilespmem:$0x1F800] =	vst v63  }
.LBB2_8:
0x16: {  	_ =	swait.ge [sflag:s22], $0x4000  }
0x17: {  	[sflag:s22] =	ssyncset.done $0x0  }
0x18: {  	[sflag:s22] =	ssyncadd.s32 $0xFFFFC000  }
0x19: {  	_ =	swait.ge [sflag:s23], $0x4000  }
0x1a: {  	s3 =	sadd.s32 $0x1, s3;
	[sflag:s23] =	ssyncset.done $0x0  }
0x1b: {  	p1 =	sne.s32 s3, s11;
	[sflag:s23] =	ssyncadd.s32 $0xFFFFC000  }
.Ltmp1:
0x1c: {  	[bflag:$0x0] =	sbarrier.arrive $0xFFFF;
	(pc) =	sbr.rel @!p1 .LBB2_9-.Ltmp1, $4  }
0x1d: {  	[hbm:s24], [sflag:s6] =	dma.local [spmem:s12], $0x2800  }
0x1e: {  	_ =	swait.ge [sflag:s13], $0x2800  }
0x1f: {  	[sflag:s13] =	ssyncset.done $0x0  }
0x20: {  	[sflag:s13] =	ssyncadd.s32 $0xFFFFD800  }
.LBB2_1:
0x21: {  	[spmem:s12], [sflag:s6] =	dma.local [hbm:s5], $0x800  }
0x22: {  	_ =	swait.ge [sflag:s13], $0x800  }
0x23: {  	[sflag:s13] =	ssyncset.done $0x0  }
0x24: {  	[sflag:s13] =	ssyncadd.s32 $0xFFFFF800  }
0x25: {  	[spmem:s14], [sflag:s6] =	dma.local [hbm:s5], $0x800  }
0x26: {  	_ =	swait.ge [sflag:s13], $0x800  }
0x27: {  	[sflag:s13] =	ssyncset.done $0x0  }
0x28: {  	[sflag:s13] =	ssyncadd.s32 $0xFFFFF800  }
0x29: {  	[spmem:s15], [sflag:s6] =	dma.local [hbm:s5], $0x800  }
0x2a: {  	_ =	swait.ge [sflag:s13], $0x800  }
0x2b: {  	[sflag:s13] =	ssyncset.done $0x0  }
0x2c: {  	[sflag:s13] =	ssyncadd.s32 $0xFFFFF800  }
0x2d: {  	[spmem:s16], [sflag:s6] =	dma.local [hbm:s5], $0x800  }
0x2e: {  	_ =	swait.ge [sflag:s13], $0x800  }
0x2f: {  	[sflag:s13] =	ssyncset.done $0x0  }
0x30: {  	[sflag:s13] =	ssyncadd.s32 $0xFFFFF800  }
0x31: {  	[spmem:s17], [sflag:s6] =	dma.local [hbm:s5], $0x800  }
.Ltmp2:
0x32: {  	_ =	swait.ge [sflag:s13], $0x800;
	(pc) =	sbr.rel @!p0 .LBB2_2-.Ltmp2, $4  }
0x33: {  	[sflag:s13] =	ssyncset.done $0x0  }
0x34: {  	[sflag:s13] =	ssyncadd.s32 $0xFFFFF800  }
0x35: {  	[bflag:$0x0] =	sbarrier.arrive $0xFFFF  }
0x36: {  	s28 =	simm.s32 $0x0  }
0x37: {  	[tilespmem:s28], [sflag:$0x5] =	stream.linear.gather [hbm4b:s9+s28], $0xD00, $0x38;
	[tilespmem:$0x1F800] =	vst v63  }
0x38: {  	_ =	swait.ge [sflag:s13], $0xD00  }
0x39: {  	[sflag:s13] =	ssyncset.done $0x0  }
0x3a: {  	[sflag:s13] =	ssyncadd.s32 $0xFFFFF300  }
0x3b: {  	[tilespmem:s18], [sflag:$0x5] =	stream.linear.gather [hbm4b:s10+s28], $0xD00, $0x38;
	[tilespmem:$0x1F800] =	vst v63  }
0x3c: {  	_ =	swait.ge [sflag:s13], $0xD00  }
0x3d: {  	[sflag:s13] =	ssyncset.done $0x0  }
0x3e: {  	[sflag:s13] =	ssyncadd.s32 $0xFFFFF300  }
0x3f: {  	[tilespmem:s20], [sflag:$0x1] =	stream.indirect.gather [hbm4b:s4+s19], $0x80, s28, s19, $0xb8;
	[tilespmem:$0x1F800] =	vst v63  }
0x40: {  	_ = 	snop  }
0x41: {  	[tilespmem:s21], [sflag:$0x2] =	stream.indirect.gather [hbm4b:s4+s19], $0x80, s19, s19, $0xb8;
	[tilespmem:$0x1F800] =	vst v63  }
0x42: {  	_ =	swait.ge [sflag:s22], $0x4000  }
0x43: {  	[sflag:s22] =	ssyncset.done $0x0  }
0x44: {  	s29 =	simm.s32 $0x1C00;
	[sflag:s22] =	ssyncadd.s32 $0xFFFFC000  }
0x45: {  	[spmem:s2] =	stream.indirect.scatter.add.f32 [tilespmem:s20], [sflag:$0x3], $0x80, s29, s19, $0xb8;
	[tilespmem:$0x1F800] =	vst v63  }
0x46: {  	_ =	swait.ge [sflag:s23], $0x4000  }
0x47: {  	[sflag:s23] =	ssyncset.done $0x0  }
0x48: {  	s29 =	simm.s32 $0x1C80;
	[sflag:s23] =	ssyncadd.s32 $0xFFFFC000  }
0x49: {  	[spmem:s2] =	stream.indirect.scatter.add.f32 [tilespmem:s21], [sflag:$0x4], $0x80, s29, s19, $0xb8;
	[tilespmem:$0x1F800] =	vst v63  }
0x4a: {  	s28 =	smin.u32 s28, $0x16;
	_ =	swait.ge [sflag:s25], $0x4000  }
0x4b: {  	s29 =	sshll.u32 s28, $0x7;
	[sflag:s25] =	ssyncset.done $0x0  }
0x4c: {  	s28 =	sadd.s32 $0x100, s29;
	[sflag:s25] =	ssyncadd.s32 $0xFFFFC000  }
0x4d: {  	[tilespmem:s20], [sflag:$0x1] =	stream.indirect.gather [hbm4b:s4+s19], $0x80, s28, s19, $0xb8;
	[tilespmem:$0x1F800] =	vst v63  }
0x4e: {  	_ =	swait.ge [sflag:s26], $0x4000  }
0x4f: {  	s30 =	sadd.s32 $0x180, s29;
	[sflag:s26] =	ssyncset.done $0x0  }
0x50: {  	s29 =	simm.s32 $0x1D80;
	s28 =	simm.s32 $0x2;
	[sflag:s26] =	ssyncadd.s32 $0xFFFFC000  }
.LBB2_6:
0x51: {  	[tilespmem:s21], [sflag:$0x2] =	stream.indirect.gather [hbm4b:s4+s19], $0x80, s30, s19, $0xb8;
	[tilespmem:$0x1F800] =	vst v63  }
0x52: {  	s30 =	smov.u32 s28  }
0x53: {  	p1 =	sne.s32 s28, $0x18;
	s28 =	sadd.s32 $0x2, s28;
	_ =	swait.ge [sflag:s22], $0x4000  }
0x54: {  	[sflag:s22] =	ssyncset.done $0x0  }
0x55: {  	s31 =	sadd.s32 $0xFFFFFF80, s29;
	[sflag:s22] =	ssyncadd.s32 $0xFFFFC000  }
0x56: {  	[spmem:s2] =	stream.indirect.scatter.add.f32 [tilespmem:s20], [sflag:$0x3], $0x80, s31, s19, $0xb8;
	[tilespmem:$0x1F800] =	vst v63  }
0x57: {  	_ =	swait.ge [sflag:s23], $0x4000  }
0x58: {  	[sflag:s23] =	ssyncset.done $0x0  }
0x59: {  	[sflag:s23] =	ssyncadd.s32 $0xFFFFC000  }
0x5a: {  	[spmem:s2] =	stream.indirect.scatter.add.f32 [tilespmem:s21], [sflag:$0x4], $0x80, s29, s19, $0xb8;
	[tilespmem:$0x1F800] =	vst v63  }
0x5b: {  	s30 =	smin.u32 s30, $0x16;
	_ =	swait.ge [sflag:s25], $0x4000  }
0x5c: {  	s30 =	sshll.u32 s30, $0x7;
	[sflag:s25] =	ssyncset.done $0x0  }
.Ltmp3:
0x5d: {  	s31 =	sadd.s32 $0x100, s30;
	[sflag:s25] =	ssyncadd.s32 $0xFFFFC000;
	(pc) =	sbr.rel @p1 .LBB2_6-.Ltmp3, $4  }
0x5e: {  	[tilespmem:s20], [sflag:$0x1] =	stream.indirect.gather [hbm4b:s4+s19], $0x80, s31, s19, $0xb8;
	[tilespmem:$0x1F800] =	vst v63  }
0x5f: {  	_ =	swait.ge [sflag:s26], $0x4000  }
0x60: {  	[sflag:s26] =	ssyncset.done $0x0  }
0x61: {  	s30 =	sadd.s32 $0x180, s30;
	s29 =	sadd.s32 $0x100, s29;
	[sflag:s26] =	ssyncadd.s32 $0xFFFFC000  }
.Ltmp4:
0x62: {  	_ = 	snop;
	(pc) =	sbr.rel .LBB2_7-.Ltmp4, $1  }
0x63: {  	_ =	sdelay $0x3  }
.LBB2_2:
0x64: {  	[tilespmem:s28], [sflag:$0x5] =	stream.linear.gather [hbm4b:s7+s28], $0x1B00, $0x38;
	[tilespmem:$0x1F800] =	vst v63  }
0x65: {  	_ =	swait.ge [sflag:s13], $0x1B00  }
0x66: {  	[sflag:s13] =	ssyncset.done $0x0  }
0x67: {  	[sflag:s13] =	ssyncadd.s32 $0xFFFFE500  }
0x68: {  	[tilespmem:s18], [sflag:$0x5] =	stream.linear.gather [hbm4b:s8+s28], $0x1B00, $0x38;
	[tilespmem:$0x1F800] =	vst v63  }
0x69: {  	_ =	swait.ge [sflag:s13], $0x1B00  }
0x6a: {  	[sflag:s13] =	ssyncset.done $0x0  }
0x6b: {  	[sflag:s13] =	ssyncadd.s32 $0xFFFFE500  }
0x6c: {  	[tilespmem:s20], [sflag:$0x1] =	stream.indirect.gather [hbm4b:s4+s19], $0x80, s28, s19, $0xb8;
	[tilespmem:$0x1F800] =	vst v63  }
0x6d: {  	_ = 	snop  }
0x6e: {  	[tilespmem:s21], [sflag:$0x2] =	stream.indirect.gather [hbm4b:s4+s19], $0x80, s19, s19, $0xb8;
	[tilespmem:$0x1F800] =	vst v63  }
0x6f: {  	_ =	swait.ge [sflag:s22], $0x4000  }
0x70: {  	[sflag:s22] =	ssyncset.done $0x0  }
0x71: {  	s29 =	simm.s32 $0x1C00;
	[sflag:s22] =	ssyncadd.s32 $0xFFFFC000  }
0x72: {  	[spmem:s2] =	stream.indirect.scatter.add.f32 [tilespmem:s20], [sflag:$0x3], $0x80, s29, s19, $0xb8;
	[tilespmem:$0x1F800] =	vst v63  }
0x73: {  	_ =	swait.ge [sflag:s23], $0x4000  }
0x74: {  	[sflag:s23] =	ssyncset.done $0x0  }
0x75: {  	s29 =	simm.s32 $0x1C80;
	[sflag:s23] =	ssyncadd.s32 $0xFFFFC000  }
0x76: {  	[spmem:s2] =	stream.indirect.scatter.add.f32 [tilespmem:s21], [sflag:$0x4], $0x80, s29, s19, $0xb8;
	[tilespmem:$0x1F800] =	vst v63  }
0x77: {  	s28 =	smin.u32 s28, $0x32;
	_ =	swait.ge [sflag:s25], $0x4000  }
0x78: {  	s29 =	sshll.u32 s28, $0x7;
	[sflag:s25] =	ssyncset.done $0x0  }
0x79: {  	s28 =	sadd.s32 $0x100, s29;
	[sflag:s25] =	ssyncadd.s32 $0xFFFFC000  }
0x7a: {  	[tilespmem:s20], [sflag:$0x1] =	stream.indirect.gather [hbm4b:s4+s19], $0x80, s28, s19, $0xb8;
	[tilespmem:$0x1F800] =	vst v63  }
0x7b: {  	_ =	swait.ge [sflag:s26], $0x4000  }
0x7c: {  	s30 =	sadd.s32 $0x180, s29;
	[sflag:s26] =	ssyncset.done $0x0  }
0x7d: {  	s29 =	simm.s32 $0x1D80;
	s28 =	simm.s32 $0x2;
	[sflag:s26] =	ssyncadd.s32 $0xFFFFC000  }
.LBB2_3:
0x7e: {  	[tilespmem:s21], [sflag:$0x2] =	stream.indirect.gather [hbm4b:s4+s19], $0x80, s30, s19, $0xb8;
	[tilespmem:$0x1F800] =	vst v63  }
0x7f: {  	s30 =	smov.u32 s28  }
0x80: {  	p1 =	seq.s32 s28, $0x34;
	s28 =	sadd.s32 $0x2, s28;
	_ =	swait.ge [sflag:s22], $0x4000  }
0x81: {  	[sflag:s22] =	ssyncset.done $0x0  }
0x82: {  	s31 =	sadd.s32 $0xFFFFFF80, s29;
	[sflag:s22] =	ssyncadd.s32 $0xFFFFC000  }
0x83: {  	[spmem:s2] =	stream.indirect.scatter.add.f32 [tilespmem:s20], [sflag:$0x3], $0x80, s31, s19, $0xb8;
	[tilespmem:$0x1F800] =	vst v63  }
0x84: {  	_ =	swait.ge [sflag:s23], $0x4000  }
0x85: {  	[sflag:s23] =	ssyncset.done $0x0  }
0x86: {  	[sflag:s23] =	ssyncadd.s32 $0xFFFFC000  }
0x87: {  	[spmem:s2] =	stream.indirect.scatter.add.f32 [tilespmem:s21], [sflag:$0x4], $0x80, s29, s19, $0xb8;
	[tilespmem:$0x1F800] =	vst v63  }
0x88: {  	s30 =	smin.u32 s30, $0x32;
	_ =	swait.ge [sflag:s25], $0x4000  }
0x89: {  	s30 =	sshll.u32 s30, $0x7;
	[sflag:s25] =	ssyncset.done $0x0  }
.Ltmp5:
0x8a: {  	s31 =	sadd.s32 $0x100, s30;
	[sflag:s25] =	ssyncadd.s32 $0xFFFFC000;
	(pc) =	sbr.rel @!p1 .LBB2_3-.Ltmp5, $4  }
0x8b: {  	[tilespmem:s20], [sflag:$0x1] =	stream.indirect.gather [hbm4b:s4+s19], $0x80, s31, s19, $0xb8;
	[tilespmem:$0x1F800] =	vst v63  }
0x8c: {  	_ =	swait.ge [sflag:s26], $0x4000  }
0x8d: {  	[sflag:s26] =	ssyncset.done $0x0  }
0x8e: {  	s30 =	sadd.s32 $0x180, s30;
	s29 =	sadd.s32 $0x100, s29;
	[sflag:s26] =	ssyncadd.s32 $0xFFFFC000  }
.Ltmp6:
0x8f: {  	(pc) =	sbr.rel .LBB2_8-.Ltmp6, $2  }
0x90: {  	_ =	sdelay $0x2  }
0x91: {  	[tilespmem:s21], [sflag:$0x2] =	stream.indirect.gather [hbm4b:s4+s19], $0x80, s30, s19, $0xb8;
	[tilespmem:$0x1F800] =	vst v63  }
.LBB2_9:
0x92: {  	_ =	sfence.sel $0x180000  }
0x93: {  	[bflag:$0x0] =	sbarrier.arrive $0xFFFF  }
0x94: {  	p0 =	sne.s32 s1, $0x0;
	_ =	strace $0x90000050  }
0x95: {  	s0 =	sadd.s32 @!p0 $0x100000, s0;
	[bflag:$0x2] =	sbarrier.arrive $0xFFFF  }
0x96: {  	[sflag:s0] =	ssyncadd.tile.s32 @!p0 $0x1;
	_ =	shalt  }
.Lfunc_end2:
_tile_overlayer_lowered:
.L_overlay_start_2:
0x97: {  	(tag) =	ssettag $0x2  }
0x98: {  	s0 =	rddreg [dreg:$0x0];
	s2 =	stileid.u32  }
0x99: {  	s1 =	rddreg [dreg:$0x1];
	p0 =	sne.s32 s2, $0x0  }
0x9a: {  	s3 =	rddreg [dreg:$0x2];
	[bflag:$0x3] =	sbarrier.arrive $0xFFFF;
	s2 =	simm.s32 @!p0 $0x1C05  }
0x9b: {  	[timem:s3], [sflag:s2] =	dma.local @!p0 [hbm:s0], s1  }
0x9c: {  	s0 =	simm.s32 @!p0 $0x5  }
0x9d: {  	_ =	swait.ge @!p0 [sflag:s0], s1  }
0x9e: {  	s1 =	ssub.s32 @!p0 $0x0, s1;
	[sflag:s0] =	ssyncset.done @!p0 $0x0  }
0x9f: {  	[sflag:s0] =	ssyncadd.s32 @!p0 s1  }
0xa0: {  	[bflag:$0x3] =	sbarrier.arrive $0xFFFF  }
0xa1: {  	_ =	shalt  }

// kernel: kernel.27.cloned.1.call-start
scs
__scs_entry_jumppad:
0x0: {  	(pc) =	sbr.rel $0x88, $3  }
0x1: {  	(tag) =	ssettag $0x0;
	lr =	simm.s32 $0x1  }
0x2: {  	[smem:$0x3F97] =	sst lr;
	_ =	strace $0xD0000000  }
0x3: {  	_ = 	snop  }
0x4: {  	_ = 	snop  }
0x5: {  	_ = 	snop  }
0x6: {  	_ = 	snop  }
0x7: {  	_ = 	snop  }
__scs_overlays_trampoline_lowered:
0x8: {  	[smem:$0x3FA6] =	sst s0  }
0x9: {  	[smem:$0x3FA7] =	sst s1  }
0xa: {  	[smem:$0x3FA8] =	sst s2  }
0xb: {  	[smem:$0x3FA9] =	sst s3  }
0xc: {  	[smem:$0x3FAA] =	sst s4  }
0xd: {  	[smem:$0x3FAB] =	sst s5  }
0xe: {  	[smem:$0x3FAC] =	sst s6  }
0xf: {  	[smem:$0x3FAD] =	sst s7  }
0x10: {  	[smem:$0x3FAE] =	sst s8  }
0x11: {  	[smem:$0x3FAF] =	sst s9;
	s0 =	simm.s32 @!p0 $0x0  }
0x12: {  	s1 =	sld [smem:$0x3F95];
	s0 =	simm.s32 @p0 $0x1  }
0x13: {  	[smem:$0x3FB0] =	sst s0;
	s0 =	simm.s32 @!p1 $0x0  }
0x14: {  	s2 =	sld [smem:$0x3F94];
	s0 =	simm.s32 @p1 $0x1  }
0x15: {  	[smem:$0x3FB1] =	sst s0;
	s0 =	simm.s32 @!p2 $0x0  }
0x16: {  	s3 =	sld [smem:$0x3FDB];
	s0 =	simm.s32 @p2 $0x1  }
0x17: {  	s4 =	simm.s32 $0x1BF5;
	[smem:$0x3FB3] =	sst s0  }
0x18: {  	s0 =	sld [smem:$0x3F96];
	_ =	swait.ge [sflag:s4], $0x0  }
0x19: {  	s7 =	sld [smem:$0x3F97]  }
0x1a: {  	s8 =	sadd.s32 $0xFFFFE003, lr  }
0x1b: {  	s9 =	sadd.s32 $0xFFFFFEF7, lr;
	s5 =	simm.s32 $0xFFFFFFFF;
	p2 =	slt.u32 s8, $0xFFFFF086  }
0x1c: {  	p1 =	slt.u32 s9, $0xF7A;
	s5 =	simm.s32 @!p2 $0x0  }
0x1d: {  	s5 =	simm.s32 @p1 $0x1;
	p0 =	seq.s32 s7, s2  }
0x1e: {  	s7 =	smul.u32 @!p0 $0xF7A, s2;
	p2 =	seq.s32 @!p0 s5, $0x0  }
0x1f: {  	s9 =	smul.u32 $0xF7A, s1;
	s8 =	simm.s32 @!p0 $0x1BF5;
	p2 =	por !p2, p0  }
0x20: {  	[sflag:s8] =	ssyncset.s32 @!p0 $0xFFFFF086;
	s6 =	sadd.s32 @!p0 s3, s7;
	s7 =	simm.s32 @!p0 $0x108  }
0x21: {  	s3 =	sadd.s32 s3, s9;
	s6 =	sadd.s32 @!p0 $0x88, s6;
	s7 =	simm.s32 @p2 $0x1082  }
0x22: {  	[simem:s7], [sflag:s8] =	dma.local @!p0 [hbm:s6], $0xF7A  }
0x23: {  	s9 =	sor.u32 $0xD0000000, s2;
	s6 =	simm.s32 $0x108;
	_ =	swait.ge @!p0 [sflag:s8], $0x0  }
0x24: {  	s3 =	sadd.s32 $0x88, s3;
	s6 =	simm.s32 @!p1 $0x1082;
	[sflag:s4] =	ssyncset.s32 $0xFFFFF086  }
0x25: {  	[simem:s6], [sflag:s4] =	dma.local [hbm:s3], $0xF7A  }
0x26: {  	[smem:$0x3F97] =	sst s1;
	(tag) =	ssettag s2;
	_ =	strace s9  }
0x27: {  	s1 =	sld [smem:$0x3FA7]  }
0x28: {  	s2 =	sld [smem:$0x3FA8]  }
0x29: {  	s4 =	sld [smem:$0x3FAA]  }
0x2a: {  	p0 =	seq.s32 s5, $0x0;
	s5 =	sld [smem:$0x3FAB]  }
0x2b: {  	s6 =	sld [smem:$0x3FAC]  }
0x2c: {  	s7 =	sld [smem:$0x3FAD]  }
0x2d: {  	s3 =	simm.s32 $0x108;
	s8 =	sld [smem:$0x3FAE]  }
0x2e: {  	s3 =	simm.s32 @!p0 $0x1082;
	s9 =	sld [smem:$0x3FAF]  }
0x2f: {  	lr =	sadd.s32 s0, s3;
	s0 =	sld [smem:$0x3FA6]  }
0x30: {  	s3 =	sld [smem:$0x3FA9]  }
0x31: {  	[smem:$0x3FB2] =	sst s10  }
0x32: {  	s10 =	sld [smem:$0x3FB0];
	_ =	sdelay $0x3  }
0x33: {  	p0 =	seq.s32 s10, $0x1;
	s10 =	sld [smem:$0x3FB2];
	_ =	sdelay $0x3  }
0x34: {  	[smem:$0x3FB2] =	sst s10  }
0x35: {  	s10 =	sld [smem:$0x3FB1];
	_ =	sdelay $0x3  }
0x36: {  	p1 =	seq.s32 s10, $0x1;
	s10 =	sld [smem:$0x3FB2];
	_ =	sdelay $0x3  }
0x37: {  	[smem:$0x3FB2] =	sst s10  }
0x38: {  	s10 =	sld [smem:$0x3FB3]  }
0x39: {  	_ = 	snop;
	(pc) =	sbr.ind lr, $3  }
0x3a: {  	_ = 	snop  }
0x3b: {  	_ = 	snop  }
0x3c: {  	p2 =	seq.s32 s10, $0x1;
	s10 =	sld [smem:$0x3FB2]  }
0x3d: {  	_ =	shalt  }
0x3e: {  	_ =	shalt  }
0x3f: {  	_ =	shalt  }
0x40: {  	_ =	shalt  }
0x41: {  	_ =	shalt  }
0x42: {  	_ =	shalt  }
0x43: {  	_ =	shalt  }
0x44: {  	_ =	shalt  }
0x45: {  	_ =	shalt  }
0x46: {  	_ =	shalt  }
0x47: {  	_ =	shalt  }
0x48: {  	_ =	shalt  }
0x49: {  	_ =	shalt  }
0x4a: {  	_ =	shalt  }
0x4b: {  	_ =	shalt  }
0x4c: {  	_ =	shalt  }
0x4d: {  	_ =	shalt  }
0x4e: {  	_ =	shalt  }
0x4f: {  	_ =	shalt  }
0x50: {  	_ =	shalt  }
0x51: {  	_ =	shalt  }
0x52: {  	_ =	shalt  }
0x53: {  	_ =	shalt  }
0x54: {  	_ =	shalt  }
0x55: {  	_ =	shalt  }
0x56: {  	_ =	shalt  }
0x57: {  	_ =	shalt  }
0x58: {  	_ =	shalt  }
0x59: {  	_ =	shalt  }
0x5a: {  	_ =	shalt  }
0x5b: {  	_ =	shalt  }
0x5c: {  	_ =	shalt  }
0x5d: {  	_ =	shalt  }
0x5e: {  	_ =	shalt  }
0x5f: {  	_ =	shalt  }
0x60: {  	_ =	shalt  }
0x61: {  	_ =	shalt  }
0x62: {  	_ =	shalt  }
0x63: {  	_ =	shalt  }
0x64: {  	_ =	shalt  }
0x65: {  	_ =	shalt  }
0x66: {  	_ =	shalt  }
0x67: {  	_ =	shalt  }
0x68: {  	_ =	shalt  }
0x69: {  	_ =	shalt  }
0x6a: {  	_ =	shalt  }
0x6b: {  	_ =	shalt  }
0x6c: {  	_ =	shalt  }
0x6d: {  	_ =	shalt  }
0x6e: {  	_ =	shalt  }
0x6f: {  	_ =	shalt  }
0x70: {  	_ =	shalt  }
0x71: {  	_ =	shalt  }
0x72: {  	_ =	shalt  }
0x73: {  	_ =	shalt  }
0x74: {  	_ =	shalt  }
0x75: {  	_ =	shalt  }
0x76: {  	_ =	shalt  }
0x77: {  	_ =	shalt  }
0x78: {  	_ =	shalt  }
0x79: {  	_ =	shalt  }
0x7a: {  	_ =	shalt  }
0x7b: {  	_ =	shalt  }
0x7c: {  	_ =	shalt  }
0x7d: {  	_ =	shalt  }
0x7e: {  	_ =	shalt  }
0x7f: {  	_ =	shalt  }
0x80: {  	_ =	shalt  }
0x81: {  	_ =	shalt  }
0x82: {  	_ =	shalt  }
0x83: {  	_ =	shalt  }
0x84: {  	_ =	shalt  }
0x85: {  	_ =	shalt  }
0x86: {  	_ =	shalt  }
0x87: {  	_ =	shalt  }
.Lfunc_end0:
.L_simem_size_0:
called_computation.4_lowered:
.L_overlay_start_0:
0x88: {  	s2 =	sld [smem:$0x3FD9]  }
0x89: {  	s3 =	sld [smem:$0x3FFE];
	_ =	sdelay $0x1  }
0x8a: {  	s1 =	srdreg.scid  }
0x8b: {  	s0 =	sand.u32 $0x1, s1  }
0x8c: {  	s16 =	sshll.u32 s0, $0xA;
	s2 =	sadd.s32 s3, s2  }
0x8d: {  	s2 =	sadd.s32 s2, s16  }
0x8e: {  	[smem:$0x3FBE] =	sst s2  }
0x8f: {  	_ = 	snop  }
0x90: {  	(tm) =	ssettm $0x1  }
0x91: {  	s17 =	sld [smem:$0x3FFB];
	_ =	sdelay $0x3  }
0x92: {  	_ =	strace s17  }
0x93: {  	s2 =	sld [smem:$0x3FFC];
	_ =	sdelay $0x3  }
0x94: {  	_ =	strace s2  }
0x95: {  	s2 =	sld [smem:$0x3FFD];
	_ =	sdelay $0x3  }
0x96: {  	_ =	strace s2  }
0x97: {  	_ =	strace $0x8FFFFFFF  }
0x98: {  	s18 =	sld [smem:$0x3FDB];
	_ =	sdelay $0x1  }
0x99: {  	s19 =	simm.s32 $_scs_section_size  }
0x9a: {  	s4 =	simm.s32 $_size__tile_overlayer_lowered;
	s5 =	simm.s32 $_tile_overlayer_lowered  }
0x9b: {  	s22 =	simm.s32 $0x1BFF;
	s21 =	sshll.u32 s5, $0x1;
	s2 =	sadd.s32 s19, s18  }
0x9c: {  	s6 =	simm.s32 $0x0;
	s20 =	sshll.u32 s4, $0x1;
	s4 =	sadd.s32 s21, s2  }
0x9d: {  	[timem:s6], [sflag:s22] =	dma.local [hbm:s4], s20  }
0x9e: {  	_ =	swait.ge [sflag:s22], s20  }
0x9f: {  	s3 =	ssub.s32 $0x0, s20;
	[sflag:s22] =	ssyncset.done $0x0  }
0xa0: {  	[sflag:s22] =	ssyncadd.s32 s3;
	_ =	sdelay $0x1  }
0xa1: {  	s23 =	simm.s32 $0x1B8B  }
0xa2: {  	_ =	swait.ge [sflag:s23], $0x1  }
0xa3: {  	[sflag:s23] =	ssyncset.done $0x0  }
0xa4: {  	s25 =	simm.s32 $0x1B8E;
	s24 =	sld [smem:$0x3FFE];
	[sflag:s23] =	ssyncadd.s32 $0xFFFFFFFF  }
0xa5: {  	s26 =	simm.s32 $execute0_lowered;
	[smem:$0x3FD2] =	sst s25  }
0xa6: {  	s4 =	sshll.u32 s26, $0x1;
	_ =	strace $0x80000052;
	[dreg:$0x1] =	wrdreg $0xFFFFFFFF  }
0xa7: {  	s28 =	simm.s32 $_size_execute0_lowered;
	s2 =	sadd.s32 s2, s4;
	[dreg:$0x0] =	wrdreg $0x0  }
0xa8: {  	s4 =	sshll.u32 s28, $0x1;
	[dreg:$0x2] =	wrdreg s2  }
0xa9: {  	[dreg:$0x3] =	wrdreg s4  }
0xaa: {  	[dreg:$0x4] =	wrdreg $0xC0  }
0xab: {  	_ =	task [dreg:s6], $0x5FFFF  }
0xac: {  	[dreg:$0x1] =	wrdreg $0xFFFFFFFF  }
0xad: {  	[dreg:$0x0] =	wrdreg $0x60  }
0xae: {  	[dreg:$0x2] =	wrdreg s24  }
0xaf: {  	[dreg:$0x3] =	wrdreg $0x24000  }
0xb0: {  	[dreg:$0x4] =	wrdreg $0x9  }
0xb1: {  	_ =	task.clear_ibuf [dreg:s6], $0x5FFFF;
	_ =	strace $0x90000052  }
0xb2: {  	s29 =	simm.s32 $0x9;
	_ =	strace $0x80000054  }
0xb3: {  	_ =	swait.ge [sflag:s29], $0x1  }
0xb4: {  	[sflag:s29] =	ssyncadd.s32 $0xFFFFFFFF  }
0xb5: {  	_ =	strace $0x90000054  }
0xb6: {  	_ =	sfence  }
0xb7: {  	s30 =	sld [smem:$0x0];
	_ =	sdelay $0x2  }
0xb8: {  	s31 =	sshll.u32 s1, $0xD;
	s1 =	sshrl.u32 s1, $0x2  }
0xb9: {  	s3 =	sand.u32 $0x4000, s31;
	s1 =	sadd.s32 s1, s30  }
0xba: {  	s0 =	sor.u32 s3, s0;
	s1 =	sshll.u32 s1, $0x11  }
0xbb: {  	s0 =	sor.u32 s1, s0  }
0xbc: {  	s0 =	sadd.s32 $0x8F2B, s0  }
0xbd: {  	[sflag:s0] =	ssyncadd.remote.s32 $0x1  }
0xbe: {  	_ =	sfence.sel $0xFFFF  }
0xbf: {  	[dreg:$0x0] =	wrdreg $0xFFFFFFFF;
	(pc) =	sbr.abs _section_cstart, $3  }
0xc0: {  	[dreg:$0x1] =	wrdreg $0xFFFFFFFF  }
0xc1: {  	_ =	task.clear_ibuf [dreg:s6], $0x2FFFF;
	_ =	strace $0x9FFFFFFF  }
0xc2: {  	(tm) =	ssettm $0x7FFFFFFF  }
0xc3: {  	_ =	shalt  }
tec
execute0_lowered:
.L_overlay_start_1:
0x0: {  	(tag) =	ssettag $0x1  }
0x1: {  	s20 =	rddreg [dreg:$0x0]  }
0x2: {  	s2 =	rddreg [dreg:$0x1]  }
0x3: {  	s0 =	rddreg [dreg:$0x2]  }
0x4: {  	s3 =	simm.s32 $0x0;
	s4 =	srdreg.scid;
	s1 =	stileid.u32  }
0x5: {  	[smem:$0x7FF] =	sst s3;
	s21 =	sand.u32 $0x1, s4;
	s28 =	sshll.u32 s1, $0x1  }
0x6: {  	s5 =	sshll.u32 s1, $0xA;
	s4 =	sadd.s32 $0x2A200, s20;
	s29 =	sshll.u32 s1, $0x6  }
0x7: {  	_ =	strace $0x80000053;
	s11 =	sor.u32 s21, s28;
	s6 =	sadd.s32 s5, s2  }
0x8: {  	s5 =	sor.u32 $0x1C01, s29;
	s7 =	sshrl.u32 s6, $0x3;
	s6 =	simm.s32 $0x1  }
0x9: {  	[spmem:s7], [sflag:s5] =	dma.local [hbm:s4], $0x80  }
0xa: {  	s8 =	sshll.u32 s11, $0x7;
	_ =	swait.ge [sflag:s6], $0x80  }
0xb: {  	s8 =	sadd.s32 s8, s20;
	[sflag:s6] =	ssyncset.done $0x0  }
0xc: {  	s8 =	sadd.s32 $0x2AA00, s8;
	[sflag:s6] =	ssyncadd.s32 $0xFFFFFF80  }
0xd: {  	[tilespmem:s3], [sflag:$0x1] =	stream.linear.gather [hbm4b:s8+s3], $0x280, $0x38;
	[tilespmem:$0x2800] =	vst v63  }
0xe: {  	_ =	swait.ge [sflag:s6], $0x280  }
0xf: {  	s9 =	smul.u32 $0x1400, s11;
	[sflag:s6] =	ssyncset.done $0x0  }
0x10: {  	s12 =	sadd.s32 $0x2200, s20;
	[sflag:s6] =	ssyncadd.s32 $0xFFFFFD80  }
0x11: {  	s10 =	simm.s32 $0x400;
	s9 =	sadd.s32 s12, s9;
	[bflag:$0x0] =	sbarrier.arrive $0xFFFF  }
0x12: {  	[tilespmem:s10], [sflag:$0x1] =	stream.linear.gather [hbm4b:s9+s3], $0x2000, $0x38;
	[tilespmem:$0x2800] =	vst v63  }
0x13: {  	_ =	swait.ge [sflag:s6], $0x2000  }
0x14: {  	[sflag:s6] =	ssyncset.done $0x0  }
0x15: {  	s13 =	smul.u32 $0xA000, s11;
	s11 =	simm.s32 $0x40;
	[sflag:s6] =	ssyncadd.s32 $0xFFFFE000  }
0x16: {  	[spmem:s2] =	stream.indirect.scatter.add.f32 [tilespmem:s10], [sflag:$0x1], $0x80, s3, s11, $0xb8;
	[tilespmem:$0x2800] =	vst v63  }
0x17: {  	s13 =	sshrl.u32 s13, $0x3;
	_ =	swait.ge [sflag:s6], $0x2000  }
0x18: {  	s18 =	sadd.s32 s12, s13;
	[sflag:s6] =	ssyncset.done $0x0  }
0x19: {  	s12 =	sadd.s32 $0x400, s18;
	[sflag:s6] =	ssyncadd.s32 $0xFFFFE000  }
0x1a: {  	[tilespmem:s10], [sflag:$0x1] =	stream.linear.gather [hbm4b:s12+s3], $0x2000, $0x38;
	[tilespmem:$0x2800] =	vst v63  }
0x1b: {  	_ =	swait.ge [sflag:s6], $0x2000  }
0x1c: {  	[sflag:s6] =	ssyncset.done $0x0  }
0x1d: {  	s13 =	simm.s32 $0x80;
	[sflag:s6] =	ssyncadd.s32 $0xFFFFE000  }
0x1e: {  	[spmem:s2] =	stream.indirect.scatter.add.f32 [tilespmem:s10], [sflag:$0x1], $0x80, s13, s11, $0xb8;
	[tilespmem:$0x2800] =	vst v63  }
0x1f: {  	_ =	swait.ge [sflag:s6], $0x2000  }
0x20: {  	[sflag:s6] =	ssyncset.done $0x0  }
0x21: {  	s14 =	sadd.s32 $0x800, s18;
	[sflag:s6] =	ssyncadd.s32 $0xFFFFE000  }
0x22: {  	[tilespmem:s10], [sflag:$0x1] =	stream.linear.gather [hbm4b:s14+s3], $0x2000, $0x38;
	[tilespmem:$0x2800] =	vst v63  }
0x23: {  	_ =	swait.ge [sflag:s6], $0x2000  }
0x24: {  	[sflag:s6] =	ssyncset.done $0x0  }
0x25: {  	s15 =	simm.s32 $0x100;
	[sflag:s6] =	ssyncadd.s32 $0xFFFFE000  }
0x26: {  	[spmem:s2] =	stream.indirect.scatter.add.f32 [tilespmem:s10], [sflag:$0x1], $0x80, s15, s11, $0xb8;
	[tilespmem:$0x2800] =	vst v63  }
0x27: {  	_ =	swait.ge [sflag:s6], $0x2000  }
0x28: {  	[sflag:s6] =	ssyncset.done $0x0  }
0x29: {  	s16 =	sadd.s32 $0xC00, s18;
	[sflag:s6] =	ssyncadd.s32 $0xFFFFE000  }
0x2a: {  	[tilespmem:s10], [sflag:$0x1] =	stream.linear.gather [hbm4b:s16+s3], $0x2000, $0x38;
	[tilespmem:$0x2800] =	vst v63  }
0x2b: {  	_ =	swait.ge [sflag:s6], $0x2000  }
0x2c: {  	[sflag:s6] =	ssyncset.done $0x0  }
0x2d: {  	s17 =	simm.s32 $0x180;
	[sflag:s6] =	ssyncadd.s32 $0xFFFFE000  }
0x2e: {  	[spmem:s2] =	stream.indirect.scatter.add.f32 [tilespmem:s10], [sflag:$0x1], $0x80, s17, s11, $0xb8;
	[tilespmem:$0x2800] =	vst v63  }
0x2f: {  	_ =	swait.ge [sflag:s6], $0x2000  }
0x30: {  	[sflag:s6] =	ssyncset.done $0x0  }
0x31: {  	s18 =	sadd.s32 $0x1000, s18;
	[sflag:s6] =	ssyncadd.s32 $0xFFFFE000  }
0x32: {  	[tilespmem:s10], [sflag:$0x1] =	stream.linear.gather [hbm4b:s18+s3], $0x2000, $0x38;
	[tilespmem:$0x2800] =	vst v63  }
0x33: {  	s22 =	ssub.s32 $0x2, s21;
	_ =	swait.ge [sflag:s6], $0x2000  }
0x34: {  	s19 =	simm.s32 $0x200;
	s23 =	sshrl.u32 s22, $0x1;
	[sflag:s6] =	ssyncset.done $0x0  }
0x35: {  	s21 =	sshll.u32 s21, $0xB;
	s30 =	ssub.s32 s22, s23;
	[sflag:s6] =	ssyncadd.s32 $0xFFFFE000  }
0x36: {  	[spmem:s2] =	stream.indirect.scatter.add.f32 [tilespmem:s10], [sflag:$0x1], $0x80, s19, s11, $0xb8;
	[tilespmem:$0x2800] =	vst v63  }
0x37: {  	s20 =	sadd.s32 s21, s20;
	s21 =	smax.u32 s30, $0x1;
	_ =	swait.ge [sflag:s6], $0x2000  }
0x38: {  	s31 =	sshll.u32 s1, $0x7;
	p0 =	sne.s32 s21, $0x1;
	[sflag:s6] =	ssyncset.done $0x0  }
.Ltmp0:
0x39: {  	s20 =	sadd.s32 $0x2BA00, s20;
	[sflag:s6] =	ssyncadd.s32 $0xFFFFE000;
	(pc) =	sbr.rel @!p0 .LBB2_2-.Ltmp0, $4  }
0x3a: {  	s20 =	sadd.s32 s31, s20;
	[bflag:$0x0] =	sbarrier.arrive $0xFFFF  }
0x3b: {  	[hbm:s20], [sflag:s5] =	dma.local [spmem:s7], $0x80  }
0x3c: {  	_ =	swait.ge [sflag:s6], $0x80  }
0x3d: {  	s21 =	sadd.s32 $0xFFFFFFFF, s21;
	[sflag:s6] =	ssyncset.done $0x0  }
.LBB2_1:
0x3e: {  	p0 =	sne.s32 s21, $0x1;
	s21 =	sadd.s32 $0xFFFFFFFF, s21;
	[sflag:s6] =	ssyncadd.s32 $0xFFFFFF80  }
0x3f: {  	[spmem:s7], [sflag:s5] =	dma.local [hbm:s4], $0x80  }
0x40: {  	_ =	swait.ge [sflag:s6], $0x80  }
0x41: {  	[sflag:s6] =	ssyncset.done $0x0  }
0x42: {  	[sflag:s6] =	ssyncadd.s32 $0xFFFFFF80  }
0x43: {  	[tilespmem:s3], [sflag:$0x1] =	stream.linear.gather [hbm4b:s8+s3], $0x280, $0x38;
	[tilespmem:$0x2800] =	vst v63  }
0x44: {  	_ =	swait.ge [sflag:s6], $0x280  }
0x45: {  	[sflag:s6] =	ssyncset.done $0x0  }
0x46: {  	[sflag:s6] =	ssyncadd.s32 $0xFFFFFD80  }
0x47: {  	[bflag:$0x0] =	sbarrier.arrive $0xFFFF  }
0x48: {  	[tilespmem:s10], [sflag:$0x1] =	stream.linear.gather [hbm4b:s9+s3], $0x2000, $0x38;
	[tilespmem:$0x2800] =	vst v63  }
0x49: {  	_ =	swait.ge [sflag:s6], $0x2000  }
0x4a: {  	[sflag:s6] =	ssyncset.done $0x0  }
0x4b: {  	[sflag:s6] =	ssyncadd.s32 $0xFFFFE000  }
0x4c: {  	[spmem:s2] =	stream.indirect.scatter.add.f32 [tilespmem:s10], [sflag:$0x1], $0x80, s3, s11, $0xb8;
	[tilespmem:$0x2800] =	vst v63  }
0x4d: {  	_ =	swait.ge [sflag:s6], $0x2000  }
0x4e: {  	[sflag:s6] =	ssyncset.done $0x0  }
0x4f: {  	[sflag:s6] =	ssyncadd.s32 $0xFFFFE000  }
0x50: {  	[tilespmem:s10], [sflag:$0x1] =	stream.linear.gather [hbm4b:s12+s3], $0x2000, $0x38;
	[tilespmem:$0x2800] =	vst v63  }
0x51: {  	_ =	swait.ge [sflag:s6], $0x2000  }
0x52: {  	[sflag:s6] =	ssyncset.done $0x0  }
0x53: {  	[sflag:s6] =	ssyncadd.s32 $0xFFFFE000  }
0x54: {  	[spmem:s2] =	stream.indirect.scatter.add.f32 [tilespmem:s10], [sflag:$0x1], $0x80, s13, s11, $0xb8;
	[tilespmem:$0x2800] =	vst v63  }
0x55: {  	_ =	swait.ge [sflag:s6], $0x2000  }
0x56: {  	[sflag:s6] =	ssyncset.done $0x0  }
0x57: {  	[sflag:s6] =	ssyncadd.s32 $0xFFFFE000  }
0x58: {  	[tilespmem:s10], [sflag:$0x1] =	stream.linear.gather [hbm4b:s14+s3], $0x2000, $0x38;
	[tilespmem:$0x2800] =	vst v63  }
0x59: {  	_ =	swait.ge [sflag:s6], $0x2000  }
0x5a: {  	[sflag:s6] =	ssyncset.done $0x0  }
0x5b: {  	[sflag:s6] =	ssyncadd.s32 $0xFFFFE000  }
0x5c: {  	[spmem:s2] =	stream.indirect.scatter.add.f32 [tilespmem:s10], [sflag:$0x1], $0x80, s15, s11, $0xb8;
	[tilespmem:$0x2800] =	vst v63  }
0x5d: {  	_ =	swait.ge [sflag:s6], $0x2000  }
0x5e: {  	[sflag:s6] =	ssyncset.done $0x0  }
0x5f: {  	[sflag:s6] =	ssyncadd.s32 $0xFFFFE000  }
0x60: {  	[tilespmem:s10], [sflag:$0x1] =	stream.linear.gather [hbm4b:s16+s3], $0x2000, $0x38;
	[tilespmem:$0x2800] =	vst v63  }
0x61: {  	_ =	swait.ge [sflag:s6], $0x2000  }
0x62: {  	[sflag:s6] =	ssyncset.done $0x0  }
0x63: {  	[sflag:s6] =	ssyncadd.s32 $0xFFFFE000  }
0x64: {  	[spmem:s2] =	stream.indirect.scatter.add.f32 [tilespmem:s10], [sflag:$0x1], $0x80, s17, s11, $0xb8;
	[tilespmem:$0x2800] =	vst v63  }
0x65: {  	_ =	swait.ge [sflag:s6], $0x2000  }
0x66: {  	[sflag:s6] =	ssyncset.done $0x0  }
0x67: {  	[sflag:s6] =	ssyncadd.s32 $0xFFFFE000  }
0x68: {  	[tilespmem:s10], [sflag:$0x1] =	stream.linear.gather [hbm4b:s18+s3], $0x2000, $0x38;
	[tilespmem:$0x2800] =	vst v63  }
0x69: {  	_ =	swait.ge [sflag:s6], $0x2000  }
0x6a: {  	[sflag:s6] =	ssyncset.done $0x0  }
0x6b: {  	[sflag:s6] =	ssyncadd.s32 $0xFFFFE000  }
0x6c: {  	[spmem:s2] =	stream.indirect.scatter.add.f32 [tilespmem:s10], [sflag:$0x1], $0x80, s19, s11, $0xb8;
	[tilespmem:$0x2800] =	vst v63  }
0x6d: {  	_ =	swait.ge [sflag:s6], $0x2000  }
0x6e: {  	[sflag:s6] =	ssyncset.done $0x0  }
.Ltmp1:
0x6f: {  	[sflag:s6] =	ssyncadd.s32 $0xFFFFE000;
	(pc) =	sbr.rel @p0 .LBB2_1-.Ltmp1, $4  }
0x70: {  	[bflag:$0x0] =	sbarrier.arrive $0xFFFF  }
0x71: {  	[hbm:s20], [sflag:s5] =	dma.local [spmem:s7], $0x80  }
0x72: {  	_ =	swait.ge [sflag:s6], $0x80  }
0x73: {  	[sflag:s6] =	ssyncset.done $0x0  }
.LBB2_2:
0x74: {  	[sflag:s6] =	ssyncadd.s32 $0xFFFFFF80  }
0x75: {  	_ =	sfence.sel $0x180000  }
0x76: {  	[bflag:$0x0] =	sbarrier.arrive $0xFFFF  }
0x77: {  	p0 =	sne.s32 s1, $0x0;
	_ =	strace $0x90000053  }
0x78: {  	s0 =	sadd.s32 @!p0 $0x100000, s0;
	[bflag:$0x2] =	sbarrier.arrive $0xFFFF  }
0x79: {  	[sflag:s0] =	ssyncadd.tile.s32 @!p0 $0x1;
	_ =	shalt  }
.Lfunc_end2:
_tile_overlayer_lowered:
.L_overlay_start_2:
0x7a: {  	(tag) =	ssettag $0x2  }
0x7b: {  	s0 =	rddreg [dreg:$0x0];
	s2 =	stileid.u32  }
0x7c: {  	s1 =	rddreg [dreg:$0x1];
	p0 =	sne.s32 s2, $0x0  }
0x7d: {  	s3 =	rddreg [dreg:$0x2];
	[bflag:$0x3] =	sbarrier.arrive $0xFFFF;
	s2 =	simm.s32 @!p0 $0x1C01  }
0x7e: {  	[timem:s3], [sflag:s2] =	dma.local @!p0 [hbm:s0], s1  }
0x7f: {  	s0 =	simm.s32 @!p0 $0x1  }
0x80: {  	_ =	swait.ge @!p0 [sflag:s0], s1  }
0x81: {  	s1 =	ssub.s32 @!p0 $0x0, s1;
	[sflag:s0] =	ssyncset.done @!p0 $0x0  }
0x82: {  	[sflag:s0] =	ssyncadd.s32 @!p0 s1  }
0x83: {  	[bflag:$0x3] =	sbarrier.arrive $0xFFFF  }
0x84: {  	_ =	shalt  }

</sc_bundles>
